<compile_context>
chip_gen: v7x
topology: tpu7x:2x2x1
jax: 0.10.2.dev20260603
libtpu: 0.0.44.dev20260713+nightly
codegen_flags: <defaults>
</compile_context>

<pallas_src>
import functools

import jax
import jax.numpy as jnp
from jax import lax
from jax.experimental import pallas as pl
from jax.experimental.pallas import tpu as pltpu
from jax.experimental.pallas import tpu_sc as plsc

_B = 16384
_D = 16
_V1 = 1000001
_NC = 2
_NS = 16
_NW = _NC * _NS
_CHUNK = 128
_ROWS_PER_W = _B // _NW
_NCH = _ROWS_PER_W // _CHUNK

_TSUB = 32
_TL = 1024 * _TSUB
_TGRID = (_V1 + _TL - 1) // _TL
_NG = _TGRID * _TSUB * 128


def _transpose_one(x, y_ref, a_of, m_of, d, base):
    for t in range(_TSUB):
        x2 = x[:, t * 1024:(t + 1) * 1024].reshape(128, 128)
        glane = base + t * 1024 + (a_of % 8) * 128 + m_of
        x2 = jnp.where(glane < _V1, x2, 0.0)
        y_ref[t * 128:(t + 1) * 128, :] = lax.dot_general(
            x2, d, (((0,), (0,)), ((), ())),
            preferred_element_type=jnp.float32)


def _transpose_body(xw_ref, xh_ref, xh1_ref, yw_ref, yh_ref, yh1_ref):
    a_of = lax.broadcasted_iota(jnp.int32, (128, 128), 0)
    m_of = lax.broadcasted_iota(jnp.int32, (128, 128), 1)
    d = (m_of == 16 * (a_of % 8) + a_of // 8).astype(jnp.float32)
    base = pl.program_id(0) * _TL
    _transpose_one(xw_ref[...], yw_ref, a_of, m_of, d, base)
    _transpose_one(xh_ref[...], yh_ref, a_of, m_of, d, base)
    _transpose_one(xh1_ref[...], yh1_ref, a_of, m_of, d, base)


@functools.lru_cache(maxsize=None)
def _transpose_call():
    return pl.pallas_call(
        _transpose_body,
        grid=(_TGRID,),
        in_specs=[pl.BlockSpec((16, _TL), lambda i: (0, i))] * 3,
        out_specs=[pl.BlockSpec((_TSUB * 128, 128), lambda i: (i, 0))] * 3,
        out_shape=[jax.ShapeDtypeStruct((_NG, 128), jnp.float32)] * 3,
    )


def _sc_gather_body(uidx_hbm, iidx_hbm, gw_hbm, gh_hbm, gh1_hbm,
                    u_out, v_out, v1_out,
                    uidx_v, iidx_v, bufs0, bufs1, sem):
    wid = lax.axis_index("s") * _NC + lax.axis_index("c")
    base = wid * _ROWS_PER_W
    pltpu.sync_copy(uidx_hbm.at[wid], uidx_v)
    pltpu.sync_copy(iidx_hbm.at[wid], iidx_v)
    bufs = (bufs0, bufs1)
    outs = (u_out, v_out, v1_out)

    def fire(j):
        u_b, v_b, v1_b = bufs[j % 2]
        return [
            pltpu.async_copy(gw_hbm.at[uidx_v.at[j]], u_b, sem),
            pltpu.async_copy(gh_hbm.at[iidx_v.at[j]], v_b, sem),
            pltpu.async_copy(gh1_hbm.at[iidx_v.at[j]], v1_b, sem),
        ]

    def drain(j, copies):
        for c in copies:
            c.wait()
        sl = pl.ds(base + j * _CHUNK, _CHUNK)
        for buf, out in zip(bufs[j % 2], outs):
            pltpu.sync_copy(buf, out.at[sl])

    inflight = fire(0)
    for j in range(1, _NCH):
        nxt = fire(j)
        drain(j - 1, inflight)
        inflight = nxt
    drain(_NCH - 1, inflight)


@functools.lru_cache(maxsize=None)
def _sc_gather():
    row_buf = lambda: [pltpu.VMEM((_CHUNK, 128), jnp.float32) for _ in range(3)]
    return functools.partial(
        pl.kernel,
        out_type=[jax.ShapeDtypeStruct((_B, 128), jnp.float32)] * 3,
        mesh=plsc.VectorSubcoreMesh(core_axis_name="c", subcore_axis_name="s"),
        scratch_types=[
            pltpu.VMEM((_NCH, _CHUNK), jnp.int32),
            pltpu.VMEM((_NCH, _CHUNK), jnp.int32),
            row_buf(),
            row_buf(),
            pltpu.SemaphoreType.DMA,
        ],
    )(_sc_gather_body)


def _select16(raw, sub, fold):
    lane_grp = lax.broadcasted_iota(jnp.int32, raw.shape, 1) // _D
    mask = (lane_grp == sub).astype(jnp.float32)
    return jnp.dot(raw * mask, fold, preferred_element_type=jnp.float32)


def _wide_body(drug_ref, ww1_ref, wb1_ref, ww2_ref, wb2_ref, out_ref):
    wh = jnp.maximum(
        jnp.dot(drug_ref[...], ww1_ref[...], preferred_element_type=jnp.float32)
        + wb1_ref[...], 0.0)
    out_ref[...] = (jnp.dot(wh, ww2_ref[...], preferred_element_type=jnp.float32)
                    + wb2_ref[...])


def _wide_call(blk):
    grid = _B // blk
    full = lambda shape: pl.BlockSpec(shape, lambda i: tuple(0 for _ in shape))
    return pl.pallas_call(
        _wide_body,
        grid=(grid,),
        in_specs=[
            pl.BlockSpec((blk, 256), lambda i: (i, 0)),
            full((256, 64)),
            full((1, 64)),
            full((64, _D)),
            full((1, _D)),
        ],
        out_specs=pl.BlockSpec((blk, _D), lambda i: (i, 0)),
        out_shape=jax.ShapeDtypeStruct((_B, _D), jnp.float32),
    )


def _mlp_body(wp_ref, u_ref, v_ref, v1_ref, su_ref, si_ref,
              dw1_ref, db1_ref, dw2_ref, g_ref, out_ref):
    fold = (lax.broadcasted_iota(jnp.int32, (128, _D), 0) % _D ==
            lax.broadcasted_iota(jnp.int32, (128, _D), 1)).astype(jnp.float32)
    u = _select16(u_ref[...], su_ref[...], fold)
    v = _select16(v_ref[...], si_ref[...], fold)
    v1 = _select16(v1_ref[...], si_ref[...], fold)
    wide = wp_ref[...] * v1
    wide_t = jnp.sum(wide, axis=1, keepdims=True)
    z = jnp.concatenate([u, v], axis=1)
    h = jax.nn.sigmoid(
        jnp.dot(z, dw1_ref[...], preferred_element_type=jnp.float32)
        + db1_ref[...])
    dnn = jnp.dot(h, dw2_ref[...], preferred_element_type=jnp.float32)
    gw = g_ref[0, 0]
    gb = g_ref[0, 1]
    out_ref[...] = jax.nn.sigmoid(wide_t * gw + gb + dnn)[:, 0]


def _mlp_call(blk):
    grid = _B // blk
    full = lambda shape: pl.BlockSpec(shape, lambda i: tuple(0 for _ in shape))
    return pl.pallas_call(
        _mlp_body,
        grid=(grid,),
        in_specs=[
            pl.BlockSpec((blk, _D), lambda i: (i, 0)),
            pl.BlockSpec((blk, 128), lambda i: (i, 0)),
            pl.BlockSpec((blk, 128), lambda i: (i, 0)),
            pl.BlockSpec((blk, 128), lambda i: (i, 0)),
            pl.BlockSpec((blk, 1), lambda i: (i, 0)),
            pl.BlockSpec((blk, 1), lambda i: (i, 0)),
            full((2 * _D, _D)),
            full((1, _D)),
            full((_D, 1)),
            full((1, 2)),
        ],
        out_specs=pl.BlockSpec((blk,), lambda i: (i,)),
        out_shape=jax.ShapeDtypeStruct((_B,), jnp.float32),
    )


def kernel(x, drug_features_x, W, H, H1, wide_w1, wide_b1, wide_w2, wide_b2,
           deep_w1, deep_b1, deep_w2, g_w, g_b):
    xi = x.astype(jnp.int32)
    gw, gh, gh1 = _transpose_call()(W.T, H.T, H1.T)
    uidx = xi[:, 0]
    iidx = xi[:, 1]
    ugrp = ((uidx // 1024) * 128 + uidx % 128).reshape(_NW, _NCH, _CHUNK)
    igrp = ((iidx // 1024) * 128 + iidx % 128).reshape(_NW, _NCH, _CHUNK)
    usub = ((uidx // 128) % 8).reshape(_B, 1)
    isub = ((iidx // 128) % 8).reshape(_B, 1)
    u_raw, v_raw, v1_raw = _sc_gather()(ugrp, igrp, gw, gh, gh1)
    wide_pre = _wide_call(4096)(
        drug_features_x, wide_w1, wide_b1.reshape(1, 64),
        wide_w2, wide_b2.reshape(1, _D))
    g = jnp.concatenate([g_w.reshape(1, 1), g_b.reshape(1, 1)], axis=1)
    out = _mlp_call(2048)(
        wide_pre, u_raw, v_raw, v1_raw, usub, isub,
        deep_w1, deep_b1.reshape(1, _D), deep_w2, g)
    return out

# --- scband reference (transcript-rebuilt; emitter-appended) ---
"""Pipeline reference for scband-drug-ncfwoshare-12421045420615 (READ-ONLY COPY).

The authoritative reference and input builder live on the scoring server;
editing this copy changes nothing except your own understanding.
"""

import jax, jax.numpy as jnp
import numpy as np

B = 16384
V = 1000000
D = 16
F = 256
HW = 64

def setup_inputs(seed: int = 0) -> dict:
    key = jax.random.key(seed)
    ks = jax.random.split(key, 12)
    x = jax.random.randint(ks[0], (B, 2), 0, V)
    drug_features_x = jax.random.uniform(ks[1], (B, F), dtype=jnp.float32)
    W = jax.random.normal(ks[2], (V + 1, D), dtype=jnp.float32) * 0.05
    H = jax.random.normal(ks[3], (V + 1, D), dtype=jnp.float32) * 0.05
    H1 = jax.random.normal(ks[4], (V + 1, D), dtype=jnp.float32) * 0.05
    wide_w1 = jax.random.normal(ks[5], (F, HW), dtype=jnp.float32) * 0.05
    wide_b1 = jnp.zeros((HW,), dtype=jnp.float32)
    wide_w2 = jax.random.normal(ks[6], (HW, D), dtype=jnp.float32) * 0.05
    wide_b2 = jnp.zeros((D,), dtype=jnp.float32)
    deep_w1 = jax.random.normal(ks[7], (2 * D, D), dtype=jnp.float32) * 0.05
    deep_b1 = jnp.zeros((D,), dtype=jnp.float32)
    deep_w2 = jax.random.normal(ks[8], (D, 1), dtype=jnp.float32) * 0.05
    g_w = jax.random.normal(ks[9], (1, 1), dtype=jnp.float32)
    g_b = jnp.zeros((1,), dtype=jnp.float32)
    return {"x": x, "drug_features_x": drug_features_x, "W": W, "H": H, "H1": H1,
            "wide_w1": wide_w1, "wide_b1": wide_b1, "wide_w2": wide_w2, "wide_b2": wide_b2,
            "deep_w1": deep_w1, "deep_b1": deep_b1, "deep_w2": deep_w2, "g_w": g_w, "g_b": g_b}

def reference(x, drug_features_x, W, H, H1, wide_w1, wide_b1, wide_w2, wide_b2,
              deep_w1, deep_b1, deep_w2, g_w, g_b):
    user_idx = x[:, 0]
    item_idx = x[:, 1]
    U_emb = jnp.take(W, user_idx, axis=0)
    V_emb = jnp.take(H, item_idx, axis=0)
    V1_emb = jnp.take(H1, item_idx, axis=0)
    z_emb = jnp.concatenate([U_emb, V_emb], axis=1)
    h = jax.nn.sigmoid(z_emb @ deep_w1 + deep_b1)
    dnn = h @ deep_w2
    wh = jax.nn.relu(drug_features_x @ wide_w1 + wide_b1)
    wide_part = wh @ wide_w2 + wide_b2
    wide_part = wide_part * V1_emb
    wide_part_t = jnp.sum(wide_part, axis=1).reshape(-1, 1)
    wide_part_t = wide_part_t @ g_w + g_b
    out = wide_part_t + dnn
    out = jax.nn.sigmoid(out.reshape(-1))
    return out

if __name__ == "__main__":
    import jax
    _d = setup_inputs()
    print(jax.jit(kernel)(*tuple(_d.values())))

</pallas_src>

<mosaic_0001>
#map = affine_map<(d0, d1) -> (0, 0, 0)>
#map1 = affine_map<(d0, d1) -> (0, 0)>
module attributes {stable_mosaic.version = 14 : i64} {
  func.func @_sc_gather_body(%arg0: i32, %arg1: i32, %arg2: memref<32x4x128xi32, #tpu.memory_space<hbm>>, %arg3: memref<32x4x128xi32, #tpu.memory_space<hbm>>, %arg4: memref<126976x128xf32, #tpu.memory_space<hbm>>, %arg5: memref<126976x128xf32, #tpu.memory_space<hbm>>, %arg6: memref<126976x128xf32, #tpu.memory_space<hbm>>, %arg7: memref<16384x128xf32, #tpu.memory_space<hbm>>, %arg8: memref<16384x128xf32, #tpu.memory_space<hbm>>, %arg9: memref<16384x128xf32, #tpu.memory_space<hbm>>, %arg10: memref<4x128xi32, #tpu.memory_space<vmem>>, %arg11: memref<4x128xi32, #tpu.memory_space<vmem>>, %arg12: memref<128x128xf32, #tpu.memory_space<vmem>>, %arg13: memref<128x128xf32, #tpu.memory_space<vmem>>, %arg14: memref<128x128xf32, #tpu.memory_space<vmem>>, %arg15: memref<128x128xf32, #tpu.memory_space<vmem>>, %arg16: memref<128x128xf32, #tpu.memory_space<vmem>>, %arg17: memref<128x128xf32, #tpu.memory_space<vmem>>, %arg18: memref<!tpu.dma_semaphore, #tpu.memory_space<semaphore_mem>>) attributes {dimension_semantics = [#tpu.dimension_semantics<core_parallel>, #tpu.dimension_semantics<subcore_parallel>], iteration_bounds = array<i64: 2, 16>, scalar_prefetch = 0 : i64, scratch_operands = 9 : i64, tpu.core_type = #tpu.core_type<sc_vector_subcore>, window_params = [{transform_indices = #map}, {transform_indices = #map}, {transform_indices = #map1}, {transform_indices = #map1}, {transform_indices = #map1}, {transform_indices = #map1}, {transform_indices = #map1}, {transform_indices = #map1}]} {
    %mul3A = arith.constant 2 : i32
    %mul3A_0 = arith.muli %arg1, %mul3A : i32
    %add3A = arith.addi %mul3A_0, %arg0 : i32
    %mul3A_1 = arith.constant 512 : i32
    %mul3A_2 = arith.muli %add3A, %mul3A_1 : i32
    "tpu.region"() ({
      %run_scoped3A = tpu.sem_alloc : memref<!tpu.dma_semaphore, #tpu.memory_space<semaphore_mem>>
      %dma_start3A_177 = arith.constant 0 : i32
      %dma_start3A_178 = arith.constant 0 : i32
      %dma_start3A_179 = tpu.memref_slice %arg2[%add3A, %dma_start3A_177, %dma_start3A_178] : memref<32x4x128xi32, #tpu.memory_space<hbm>> -> memref<1x4x128xi32, #tpu.memory_space<hbm>>
      %dma_start3A_180 = tpu.memref_squeeze %dma_start3A_179 : memref<1x4x128xi32, #tpu.memory_space<hbm>> -> memref<4x128xi32, #tpu.memory_space<hbm>>
      %dma_start3A_181 = arith.constant 0 : i32
      %dma_start3A_182 = arith.constant 0 : i32
      %dma_start3A_183 = tpu.memref_slice %arg2[%add3A, %dma_start3A_181, %dma_start3A_182] : memref<32x4x128xi32, #tpu.memory_space<hbm>> -> memref<1x4x128xi32, #tpu.memory_space<hbm>>
      %dma_start3A_184 = tpu.memref_squeeze %dma_start3A_183 : memref<1x4x128xi32, #tpu.memory_space<hbm>> -> memref<4x128xi32, #tpu.memory_space<hbm>>
      tpu.enqueue_dma source(%dma_start3A_184 : memref<4x128xi32, #tpu.memory_space<hbm>>) target(%arg10 : memref<4x128xi32, #tpu.memory_space<vmem>>) target_semaphore(%run_scoped3A : memref<!tpu.dma_semaphore, #tpu.memory_space<semaphore_mem>>)
      %dma_wait3A_185 = arith.constant 0 : i32
      %dma_wait3A_186 = arith.constant 0 : i32
      %dma_wait3A_187 = tpu.memref_slice %arg2[%add3A, %dma_wait3A_185, %dma_wait3A_186] : memref<32x4x128xi32, #tpu.memory_space<hbm>> -> memref<1x4x128xi32, #tpu.memory_space<hbm>>
      %dma_wait3A_188 = tpu.memref_squeeze %dma_wait3A_187 : memref<1x4x128xi32, #tpu.memory_space<hbm>> -> memref<4x128xi32, #tpu.memory_space<hbm>>
      %dma_wait3A_189 = arith.constant 0 : i32
      %dma_wait3A_190 = arith.constant 0 : i32
      %dma_wait3A_191 = tpu.memref_slice %arg2[%add3A, %dma_wait3A_189, %dma_wait3A_190] : memref<32x4x128xi32, #tpu.memory_space<hbm>> -> memref<1x4x128xi32, #tpu.memory_space<hbm>>
      %dma_wait3A_192 = tpu.memref_squeeze %dma_wait3A_191 : memref<1x4x128xi32, #tpu.memory_space<hbm>> -> memref<4x128xi32, #tpu.memory_space<hbm>>
      tpu.wait_dma2 semaphore(%run_scoped3A : memref<!tpu.dma_semaphore, #tpu.memory_space<semaphore_mem>>) src(%dma_wait3A_192 : memref<4x128xi32, #tpu.memory_space<hbm>>) dst(%arg10 : memref<4x128xi32, #tpu.memory_space<vmem>>)
      tpu.yield
    }) : () -> ()
    "tpu.region"() ({
      %run_scoped3A = tpu.sem_alloc : memref<!tpu.dma_semaphore, #tpu.memory_space<semaphore_mem>>
      %dma_start3A_177 = arith.constant 0 : i32
      %dma_start3A_178 = arith.constant 0 : i32
      %dma_start3A_179 = tpu.memref_slice %arg3[%add3A, %dma_start3A_177, %dma_start3A_178] : memref<32x4x128xi32, #tpu.memory_space<hbm>> -> memref<1x4x128xi32, #tpu.memory_space<hbm>>
      %dma_start3A_180 = tpu.memref_squeeze %dma_start3A_179 : memref<1x4x128xi32, #tpu.memory_space<hbm>> -> memref<4x128xi32, #tpu.memory_space<hbm>>
      %dma_start3A_181 = arith.constant 0 : i32
      %dma_start3A_182 = arith.constant 0 : i32
      %dma_start3A_183 = tpu.memref_slice %arg3[%add3A, %dma_start3A_181, %dma_start3A_182] : memref<32x4x128xi32, #tpu.memory_space<hbm>> -> memref<1x4x128xi32, #tpu.memory_space<hbm>>
      %dma_start3A_184 = tpu.memref_squeeze %dma_start3A_183 : memref<1x4x128xi32, #tpu.memory_space<hbm>> -> memref<4x128xi32, #tpu.memory_space<hbm>>
      tpu.enqueue_dma source(%dma_start3A_184 : memref<4x128xi32, #tpu.memory_space<hbm>>) target(%arg11 : memref<4x128xi32, #tpu.memory_space<vmem>>) target_semaphore(%run_scoped3A : memref<!tpu.dma_semaphore, #tpu.memory_space<semaphore_mem>>)
      %dma_wait3A_185 = arith.constant 0 : i32
      %dma_wait3A_186 = arith.constant 0 : i32
      %dma_wait3A_187 = tpu.memref_slice %arg3[%add3A, %dma_wait3A_185, %dma_wait3A_186] : memref<32x4x128xi32, #tpu.memory_space<hbm>> -> memref<1x4x128xi32, #tpu.memory_space<hbm>>
      %dma_wait3A_188 = tpu.memref_squeeze %dma_wait3A_187 : memref<1x4x128xi32, #tpu.memory_space<hbm>> -> memref<4x128xi32, #tpu.memory_space<hbm>>
      %dma_wait3A_189 = arith.constant 0 : i32
      %dma_wait3A_190 = arith.constant 0 : i32
      %dma_wait3A_191 = tpu.memref_slice %arg3[%add3A, %dma_wait3A_189, %dma_wait3A_190] : memref<32x4x128xi32, #tpu.memory_space<hbm>> -> memref<1x4x128xi32, #tpu.memory_space<hbm>>
      %dma_wait3A_192 = tpu.memref_squeeze %dma_wait3A_191 : memref<1x4x128xi32, #tpu.memory_space<hbm>> -> memref<4x128xi32, #tpu.memory_space<hbm>>
      tpu.wait_dma2 semaphore(%run_scoped3A : memref<!tpu.dma_semaphore, #tpu.memory_space<semaphore_mem>>) src(%dma_wait3A_192 : memref<4x128xi32, #tpu.memory_space<hbm>>) dst(%arg11 : memref<4x128xi32, #tpu.memory_space<vmem>>)
      tpu.yield
    }) : () -> ()
    %dma_start3A = arith.constant 0 : i32
    %dma_start3A_3 = arith.constant 0 : i32
    %dma_start3A_4 = tpu.memref_slice %arg10[%dma_start3A, %dma_start3A_3] : memref<4x128xi32, #tpu.memory_space<vmem>> -> memref<1x128xi32, #tpu.memory_space<vmem>>
    %dma_start3A_5 = tpu.memref_squeeze %dma_start3A_4 : memref<1x128xi32, #tpu.memory_space<vmem>> -> memref<128xi32, #tpu.memory_space<vmem>>
    %dma_start3A_6 = arith.constant 0 : i32
    %dma_start3A_7 = arith.constant 0 : i32
    %dma_start3A_8 = tpu.memref_slice %arg4[%dma_start3A_6, %dma_start3A_7] : memref<126976x128xf32, #tpu.memory_space<hbm>> -> memref<126976x128xf32, #tpu.memory_space<hbm>>
    tpu.enqueue_indirect_dma source(%dma_start3A_8 : memref<126976x128xf32, #tpu.memory_space<hbm>>) target(%arg12 : memref<128x128xf32, #tpu.memory_space<vmem>>) offsets(%dma_start3A_5 : memref<128xi32, #tpu.memory_space<vmem>>) semaphore(%arg18 : memref<!tpu.dma_semaphore, #tpu.memory_space<semaphore_mem>>)
    %dma_start3A_9 = arith.constant 0 : i32
    %dma_start3A_10 = arith.constant 0 : i32
    %dma_start3A_11 = tpu.memref_slice %arg11[%dma_start3A_9, %dma_start3A_10] : memref<4x128xi32, #tpu.memory_space<vmem>> -> memref<1x128xi32, #tpu.memory_space<vmem>>
    %dma_start3A_12 = tpu.memref_squeeze %dma_start3A_11 : memref<1x128xi32, #tpu.memory_space<vmem>> -> memref<128xi32, #tpu.memory_space<vmem>>
    %dma_start3A_13 = arith.constant 0 : i32
    %dma_start3A_14 = arith.constant 0 : i32
    %dma_start3A_15 = tpu.memref_slice %arg5[%dma_start3A_13, %dma_start3A_14] : memref<126976x128xf32, #tpu.memory_space<hbm>> -> memref<126976x128xf32, #tpu.memory_space<hbm>>
    tpu.enqueue_indirect_dma source(%dma_start3A_15 : memref<126976x128xf32, #tpu.memory_space<hbm>>) target(%arg13 : memref<128x128xf32, #tpu.memory_space<vmem>>) offsets(%dma_start3A_12 : memref<128xi32, #tpu.memory_space<vmem>>) semaphore(%arg18 : memref<!tpu.dma_semaphore, #tpu.memory_space<semaphore_mem>>)
    %dma_start3A_16 = arith.constant 0 : i32
    %dma_start3A_17 = arith.constant 0 : i32
    %dma_start3A_18 = tpu.memref_slice %arg11[%dma_start3A_16, %dma_start3A_17] : memref<4x128xi32, #tpu.memory_space<vmem>> -> memref<1x128xi32, #tpu.memory_space<vmem>>
    %dma_start3A_19 = tpu.memref_squeeze %dma_start3A_18 : memref<1x128xi32, #tpu.memory_space<vmem>> -> memref<128xi32, #tpu.memory_space<vmem>>
    %dma_start3A_20 = arith.constant 0 : i32
    %dma_start3A_21 = arith.constant 0 : i32
    %dma_start3A_22 = tpu.memref_slice %arg6[%dma_start3A_20, %dma_start3A_21] : memref<126976x128xf32, #tpu.memory_space<hbm>> -> memref<126976x128xf32, #tpu.memory_space<hbm>>
    tpu.enqueue_indirect_dma source(%dma_start3A_22 : memref<126976x128xf32, #tpu.memory_space<hbm>>) target(%arg14 : memref<128x128xf32, #tpu.memory_space<vmem>>) offsets(%dma_start3A_19 : memref<128xi32, #tpu.memory_space<vmem>>) semaphore(%arg18 : memref<!tpu.dma_semaphore, #tpu.memory_space<semaphore_mem>>)
    %dma_start3A_23 = arith.constant 1 : i32
    %dma_start3A_24 = arith.constant 0 : i32
    %dma_start3A_25 = tpu.memref_slice %arg10[%dma_start3A_23, %dma_start3A_24] : memref<4x128xi32, #tpu.memory_space<vmem>> -> memref<1x128xi32, #tpu.memory_space<vmem>>
    %dma_start3A_26 = tpu.memref_squeeze %dma_start3A_25 : memref<1x128xi32, #tpu.memory_space<vmem>> -> memref<128xi32, #tpu.memory_space<vmem>>
    %dma_start3A_27 = arith.constant 0 : i32
    %dma_start3A_28 = arith.constant 0 : i32
    %dma_start3A_29 = tpu.memref_slice %arg4[%dma_start3A_27, %dma_start3A_28] : memref<126976x128xf32, #tpu.memory_space<hbm>> -> memref<126976x128xf32, #tpu.memory_space<hbm>>
    tpu.enqueue_indirect_dma source(%dma_start3A_29 : memref<126976x128xf32, #tpu.memory_space<hbm>>) target(%arg15 : memref<128x128xf32, #tpu.memory_space<vmem>>) offsets(%dma_start3A_26 : memref<128xi32, #tpu.memory_space<vmem>>) semaphore(%arg18 : memref<!tpu.dma_semaphore, #tpu.memory_space<semaphore_mem>>)
    %dma_start3A_30 = arith.constant 1 : i32
    %dma_start3A_31 = arith.constant 0 : i32
    %dma_start3A_32 = tpu.memref_slice %arg11[%dma_start3A_30, %dma_start3A_31] : memref<4x128xi32, #tpu.memory_space<vmem>> -> memref<1x128xi32, #tpu.memory_space<vmem>>
    %dma_start3A_33 = tpu.memref_squeeze %dma_start3A_32 : memref<1x128xi32, #tpu.memory_space<vmem>> -> memref<128xi32, #tpu.memory_space<vmem>>
    %dma_start3A_34 = arith.constant 0 : i32
    %dma_start3A_35 = arith.constant 0 : i32
    %dma_start3A_36 = tpu.memref_slice %arg5[%dma_start3A_34, %dma_start3A_35] : memref<126976x128xf32, #tpu.memory_space<hbm>> -> memref<126976x128xf32, #tpu.memory_space<hbm>>
    tpu.enqueue_indirect_dma source(%dma_start3A_36 : memref<126976x128xf32, #tpu.memory_space<hbm>>) target(%arg16 : memref<128x128xf32, #tpu.memory_space<vmem>>) offsets(%dma_start3A_33 : memref<128xi32, #tpu.memory_space<vmem>>) semaphore(%arg18 : memref<!tpu.dma_semaphore, #tpu.memory_space<semaphore_mem>>)
    %dma_start3A_37 = arith.constant 1 : i32
    %dma_start3A_38 = arith.constant 0 : i32
    %dma_start3A_39 = tpu.memref_slice %arg11[%dma_start3A_37, %dma_start3A_38] : memref<4x128xi32, #tpu.memory_space<vmem>> -> memref<1x128xi32, #tpu.memory_space<vmem>>
    %dma_start3A_40 = tpu.memref_squeeze %dma_start3A_39 : memref<1x128xi32, #tpu.memory_space<vmem>> -> memref<128xi32, #tpu.memory_space<vmem>>
    %dma_start3A_41 = arith.constant 0 : i32
    %dma_start3A_42 = arith.constant 0 : i32
    %dma_start3A_43 = tpu.memref_slice %arg6[%dma_start3A_41, %dma_start3A_42] : memref<126976x128xf32, #tpu.memory_space<hbm>> -> memref<126976x128xf32, #tpu.memory_space<hbm>>
    tpu.enqueue_indirect_dma source(%dma_start3A_43 : memref<126976x128xf32, #tpu.memory_space<hbm>>) target(%arg17 : memref<128x128xf32, #tpu.memory_space<vmem>>) offsets(%dma_start3A_40 : memref<128xi32, #tpu.memory_space<vmem>>) semaphore(%arg18 : memref<!tpu.dma_semaphore, #tpu.memory_space<semaphore_mem>>)
    %dma_wait3A = arith.constant 0 : i32
    %dma_wait3A_44 = arith.constant 0 : i32
    %dma_wait3A_45 = tpu.memref_slice %arg10[%dma_wait3A, %dma_wait3A_44] : memref<4x128xi32, #tpu.memory_space<vmem>> -> memref<1x128xi32, #tpu.memory_space<vmem>>
    %dma_wait3A_46 = tpu.memref_squeeze %dma_wait3A_45 : memref<1x128xi32, #tpu.memory_space<vmem>> -> memref<128xi32, #tpu.memory_space<vmem>>
    %dma_wait3A_47 = arith.constant 0 : i32
    %dma_wait3A_48 = arith.constant 0 : i32
    %dma_wait3A_49 = tpu.memref_slice %arg4[%dma_wait3A_47, %dma_wait3A_48] : memref<126976x128xf32, #tpu.memory_space<hbm>> -> memref<126976x128xf32, #tpu.memory_space<hbm>>
    tpu.wait_indirect_dma semaphore(%arg18 : memref<!tpu.dma_semaphore, #tpu.memory_space<semaphore_mem>>) src(%dma_wait3A_49 : memref<126976x128xf32, #tpu.memory_space<hbm>>) dst(%arg12 : memref<128x128xf32, #tpu.memory_space<vmem>>)
    %dma_wait3A_50 = arith.constant 0 : i32
    %dma_wait3A_51 = arith.constant 0 : i32
    %dma_wait3A_52 = tpu.memref_slice %arg11[%dma_wait3A_50, %dma_wait3A_51] : memref<4x128xi32, #tpu.memory_space<vmem>> -> memref<1x128xi32, #tpu.memory_space<vmem>>
    %dma_wait3A_53 = tpu.memref_squeeze %dma_wait3A_52 : memref<1x128xi32, #tpu.memory_space<vmem>> -> memref<128xi32, #tpu.memory_space<vmem>>
    %dma_wait3A_54 = arith.constant 0 : i32
    %dma_wait3A_55 = arith.constant 0 : i32
    %dma_wait3A_56 = tpu.memref_slice %arg5[%dma_wait3A_54, %dma_wait3A_55] : memref<126976x128xf32, #tpu.memory_space<hbm>> -> memref<126976x128xf32, #tpu.memory_space<hbm>>
    tpu.wait_indirect_dma semaphore(%arg18 : memref<!tpu.dma_semaphore, #tpu.memory_space<semaphore_mem>>) src(%dma_wait3A_56 : memref<126976x128xf32, #tpu.memory_space<hbm>>) dst(%arg13 : memref<128x128xf32, #tpu.memory_space<vmem>>)
    %dma_wait3A_57 = arith.constant 0 : i32
    %dma_wait3A_58 = arith.constant 0 : i32
    %dma_wait3A_59 = tpu.memref_slice %arg11[%dma_wait3A_57, %dma_wait3A_58] : memref<4x128xi32, #tpu.memory_space<vmem>> -> memref<1x128xi32, #tpu.memory_space<vmem>>
    %dma_wait3A_60 = tpu.memref_squeeze %dma_wait3A_59 : memref<1x128xi32, #tpu.memory_space<vmem>> -> memref<128xi32, #tpu.memory_space<vmem>>
    %dma_wait3A_61 = arith.constant 0 : i32
    %dma_wait3A_62 = arith.constant 0 : i32
    %dma_wait3A_63 = tpu.memref_slice %arg6[%dma_wait3A_61, %dma_wait3A_62] : memref<126976x128xf32, #tpu.memory_space<hbm>> -> memref<126976x128xf32, #tpu.memory_space<hbm>>
    tpu.wait_indirect_dma semaphore(%arg18 : memref<!tpu.dma_semaphore, #tpu.memory_space<semaphore_mem>>) src(%dma_wait3A_63 : memref<126976x128xf32, #tpu.memory_space<hbm>>) dst(%arg14 : memref<128x128xf32, #tpu.memory_space<vmem>>)
    %add3A_64 = arith.constant 0 : i32
    %add3A_65 = arith.addi %mul3A_2, %add3A_64 : i32
    "tpu.region"() ({
      %run_scoped3A = tpu.sem_alloc : memref<!tpu.dma_semaphore, #tpu.memory_space<semaphore_mem>>
      %dma_start3A_177 = arith.constant 0 : i32
      %dma_start3A_178 = tpu.memref_slice %arg7[%add3A_65, %dma_start3A_177] : memref<16384x128xf32, #tpu.memory_space<hbm>> -> memref<128x128xf32, #tpu.memory_space<hbm>>
      %dma_start3A_179 = arith.constant 0 : i32
      %dma_start3A_180 = tpu.memref_slice %arg7[%add3A_65, %dma_start3A_179] : memref<16384x128xf32, #tpu.memory_space<hbm>> -> memref<128x128xf32, #tpu.memory_space<hbm>>
      tpu.enqueue_dma source(%arg12 : memref<128x128xf32, #tpu.memory_space<vmem>>) target(%dma_start3A_180 : memref<128x128xf32, #tpu.memory_space<hbm>>) target_semaphore(%run_scoped3A : memref<!tpu.dma_semaphore, #tpu.memory_space<semaphore_mem>>)
      %dma_wait3A_181 = arith.constant 0 : i32
      %dma_wait3A_182 = tpu.memref_slice %arg7[%add3A_65, %dma_wait3A_181] : memref<16384x128xf32, #tpu.memory_space<hbm>> -> memref<128x128xf32, #tpu.memory_space<hbm>>
      %dma_wait3A_183 = arith.constant 0 : i32
      %dma_wait3A_184 = tpu.memref_slice %arg7[%add3A_65, %dma_wait3A_183] : memref<16384x128xf32, #tpu.memory_space<hbm>> -> memref<128x128xf32, #tpu.memory_space<hbm>>
      tpu.wait_dma2 semaphore(%run_scoped3A : memref<!tpu.dma_semaphore, #tpu.memory_space<semaphore_mem>>) src(%arg12 : memref<128x128xf32, #tpu.memory_space<vmem>>) dst(%dma_wait3A_184 : memref<128x128xf32, #tpu.memory_space<hbm>>)
      tpu.yield
    }) : () -> ()
    "tpu.region"() ({
      %run_scoped3A = tpu.sem_alloc : memref<!tpu.dma_semaphore, #tpu.memory_space<semaphore_mem>>
      %dma_start3A_177 = arith.constant 0 : i32
      %dma_start3A_178 = tpu.memref_slice %arg8[%add3A_65, %dma_start3A_177] : memref<16384x128xf32, #tpu.memory_space<hbm>> -> memref<128x128xf32, #tpu.memory_space<hbm>>
      %dma_start3A_179 = arith.constant 0 : i32
      %dma_start3A_180 = tpu.memref_slice %arg8[%add3A_65, %dma_start3A_179] : memref<16384x128xf32, #tpu.memory_space<hbm>> -> memref<128x128xf32, #tpu.memory_space<hbm>>
      tpu.enqueue_dma source(%arg13 : memref<128x128xf32, #tpu.memory_space<vmem>>) target(%dma_start3A_180 : memref<128x128xf32, #tpu.memory_space<hbm>>) target_semaphore(%run_scoped3A : memref<!tpu.dma_semaphore, #tpu.memory_space<semaphore_mem>>)
      %dma_wait3A_181 = arith.constant 0 : i32
      %dma_wait3A_182 = tpu.memref_slice %arg8[%add3A_65, %dma_wait3A_181] : memref<16384x128xf32, #tpu.memory_space<hbm>> -> memref<128x128xf32, #tpu.memory_space<hbm>>
      %dma_wait3A_183 = arith.constant 0 : i32
      %dma_wait3A_184 = tpu.memref_slice %arg8[%add3A_65, %dma_wait3A_183] : memref<16384x128xf32, #tpu.memory_space<hbm>> -> memref<128x128xf32, #tpu.memory_space<hbm>>
      tpu.wait_dma2 semaphore(%run_scoped3A : memref<!tpu.dma_semaphore, #tpu.memory_space<semaphore_mem>>) src(%arg13 : memref<128x128xf32, #tpu.memory_space<vmem>>) dst(%dma_wait3A_184 : memref<128x128xf32, #tpu.memory_space<hbm>>)
      tpu.yield
    }) : () -> ()
    "tpu.region"() ({
      %run_scoped3A = tpu.sem_alloc : memref<!tpu.dma_semaphore, #tpu.memory_space<semaphore_mem>>
      %dma_start3A_177 = arith.constant 0 : i32
      %dma_start3A_178 = tpu.memref_slice %arg9[%add3A_65, %dma_start3A_177] : memref<16384x128xf32, #tpu.memory_space<hbm>> -> memref<128x128xf32, #tpu.memory_space<hbm>>
      %dma_start3A_179 = arith.constant 0 : i32
      %dma_start3A_180 = tpu.memref_slice %arg9[%add3A_65, %dma_start3A_179] : memref<16384x128xf32, #tpu.memory_space<hbm>> -> memref<128x128xf32, #tpu.memory_space<hbm>>
      tpu.enqueue_dma source(%arg14 : memref<128x128xf32, #tpu.memory_space<vmem>>) target(%dma_start3A_180 : memref<128x128xf32, #tpu.memory_space<hbm>>) target_semaphore(%run_scoped3A : memref<!tpu.dma_semaphore, #tpu.memory_space<semaphore_mem>>)
      %dma_wait3A_181 = arith.constant 0 : i32
      %dma_wait3A_182 = tpu.memref_slice %arg9[%add3A_65, %dma_wait3A_181] : memref<16384x128xf32, #tpu.memory_space<hbm>> -> memref<128x128xf32, #tpu.memory_space<hbm>>
      %dma_wait3A_183 = arith.constant 0 : i32
      %dma_wait3A_184 = tpu.memref_slice %arg9[%add3A_65, %dma_wait3A_183] : memref<16384x128xf32, #tpu.memory_space<hbm>> -> memref<128x128xf32, #tpu.memory_space<hbm>>
      tpu.wait_dma2 semaphore(%run_scoped3A : memref<!tpu.dma_semaphore, #tpu.memory_space<semaphore_mem>>) src(%arg14 : memref<128x128xf32, #tpu.memory_space<vmem>>) dst(%dma_wait3A_184 : memref<128x128xf32, #tpu.memory_space<hbm>>)
      tpu.yield
    }) : () -> ()
    %dma_start3A_66 = arith.constant 2 : i32
    %dma_start3A_67 = arith.constant 0 : i32
    %dma_start3A_68 = tpu.memref_slice %arg10[%dma_start3A_66, %dma_start3A_67] : memref<4x128xi32, #tpu.memory_space<vmem>> -> memref<1x128xi32, #tpu.memory_space<vmem>>
    %dma_start3A_69 = tpu.memref_squeeze %dma_start3A_68 : memref<1x128xi32, #tpu.memory_space<vmem>> -> memref<128xi32, #tpu.memory_space<vmem>>
    %dma_start3A_70 = arith.constant 0 : i32
    %dma_start3A_71 = arith.constant 0 : i32
    %dma_start3A_72 = tpu.memref_slice %arg4[%dma_start3A_70, %dma_start3A_71] : memref<126976x128xf32, #tpu.memory_space<hbm>> -> memref<126976x128xf32, #tpu.memory_space<hbm>>
    tpu.enqueue_indirect_dma source(%dma_start3A_72 : memref<126976x128xf32, #tpu.memory_space<hbm>>) target(%arg12 : memref<128x128xf32, #tpu.memory_space<vmem>>) offsets(%dma_start3A_69 : memref<128xi32, #tpu.memory_space<vmem>>) semaphore(%arg18 : memref<!tpu.dma_semaphore, #tpu.memory_space<semaphore_mem>>)
    %dma_start3A_73 = arith.constant 2 : i32
    %dma_start3A_74 = arith.constant 0 : i32
    %dma_start3A_75 = tpu.memref_slice %arg11[%dma_start3A_73, %dma_start3A_74] : memref<4x128xi32, #tpu.memory_space<vmem>> -> memref<1x128xi32, #tpu.memory_space<vmem>>
    %dma_start3A_76 = tpu.memref_squeeze %dma_start3A_75 : memref<1x128xi32, #tpu.memory_space<vmem>> -> memref<128xi32, #tpu.memory_space<vmem>>
    %dma_start3A_77 = arith.constant 0 : i32
    %dma_start3A_78 = arith.constant 0 : i32
    %dma_start3A_79 = tpu.memref_slice %arg5[%dma_start3A_77, %dma_start3A_78] : memref<126976x128xf32, #tpu.memory_space<hbm>> -> memref<126976x128xf32, #tpu.memory_space<hbm>>
    tpu.enqueue_indirect_dma source(%dma_start3A_79 : memref<126976x128xf32, #tpu.memory_space<hbm>>) target(%arg13 : memref<128x128xf32, #tpu.memory_space<vmem>>) offsets(%dma_start3A_76 : memref<128xi32, #tpu.memory_space<vmem>>) semaphore(%arg18 : memref<!tpu.dma_semaphore, #tpu.memory_space<semaphore_mem>>)
    %dma_start3A_80 = arith.constant 2 : i32
    %dma_start3A_81 = arith.constant 0 : i32
    %dma_start3A_82 = tpu.memref_slice %arg11[%dma_start3A_80, %dma_start3A_81] : memref<4x128xi32, #tpu.memory_space<vmem>> -> memref<1x128xi32, #tpu.memory_space<vmem>>
    %dma_start3A_83 = tpu.memref_squeeze %dma_start3A_82 : memref<1x128xi32, #tpu.memory_space<vmem>> -> memref<128xi32, #tpu.memory_space<vmem>>
    %dma_start3A_84 = arith.constant 0 : i32
    %dma_start3A_85 = arith.constant 0 : i32
    %dma_start3A_86 = tpu.memref_slice %arg6[%dma_start3A_84, %dma_start3A_85] : memref<126976x128xf32, #tpu.memory_space<hbm>> -> memref<126976x128xf32, #tpu.memory_space<hbm>>
    tpu.enqueue_indirect_dma source(%dma_start3A_86 : memref<126976x128xf32, #tpu.memory_space<hbm>>) target(%arg14 : memref<128x128xf32, #tpu.memory_space<vmem>>) offsets(%dma_start3A_83 : memref<128xi32, #tpu.memory_space<vmem>>) semaphore(%arg18 : memref<!tpu.dma_semaphore, #tpu.memory_space<semaphore_mem>>)
    %dma_wait3A_87 = arith.constant 1 : i32
    %dma_wait3A_88 = arith.constant 0 : i32
    %dma_wait3A_89 = tpu.memref_slice %arg10[%dma_wait3A_87, %dma_wait3A_88] : memref<4x128xi32, #tpu.memory_space<vmem>> -> memref<1x128xi32, #tpu.memory_space<vmem>>
    %dma_wait3A_90 = tpu.memref_squeeze %dma_wait3A_89 : memref<1x128xi32, #tpu.memory_space<vmem>> -> memref<128xi32, #tpu.memory_space<vmem>>
    %dma_wait3A_91 = arith.constant 0 : i32
    %dma_wait3A_92 = arith.constant 0 : i32
    %dma_wait3A_93 = tpu.memref_slice %arg4[%dma_wait3A_91, %dma_wait3A_92] : memref<126976x128xf32, #tpu.memory_space<hbm>> -> memref<126976x128xf32, #tpu.memory_space<hbm>>
    tpu.wait_indirect_dma semaphore(%arg18 : memref<!tpu.dma_semaphore, #tpu.memory_space<semaphore_mem>>) src(%dma_wait3A_93 : memref<126976x128xf32, #tpu.memory_space<hbm>>) dst(%arg15 : memref<128x128xf32, #tpu.memory_space<vmem>>)
    %dma_wait3A_94 = arith.constant 1 : i32
    %dma_wait3A_95 = arith.constant 0 : i32
    %dma_wait3A_96 = tpu.memref_slice %arg11[%dma_wait3A_94, %dma_wait3A_95] : memref<4x128xi32, #tpu.memory_space<vmem>> -> memref<1x128xi32, #tpu.memory_space<vmem>>
    %dma_wait3A_97 = tpu.memref_squeeze %dma_wait3A_96 : memref<1x128xi32, #tpu.memory_space<vmem>> -> memref<128xi32, #tpu.memory_space<vmem>>
    %dma_wait3A_98 = arith.constant 0 : i32
    %dma_wait3A_99 = arith.constant 0 : i32
    %dma_wait3A_100 = tpu.memref_slice %arg5[%dma_wait3A_98, %dma_wait3A_99] : memref<126976x128xf32, #tpu.memory_space<hbm>> -> memref<126976x128xf32, #tpu.memory_space<hbm>>
    tpu.wait_indirect_dma semaphore(%arg18 : memref<!tpu.dma_semaphore, #tpu.memory_space<semaphore_mem>>) src(%dma_wait3A_100 : memref<126976x128xf32, #tpu.memory_space<hbm>>) dst(%arg16 : memref<128x128xf32, #tpu.memory_space<vmem>>)
    %dma_wait3A_101 = arith.constant 1 : i32
    %dma_wait3A_102 = arith.constant 0 : i32
    %dma_wait3A_103 = tpu.memref_slice %arg11[%dma_wait3A_101, %dma_wait3A_102] : memref<4x128xi32, #tpu.memory_space<vmem>> -> memref<1x128xi32, #tpu.memory_space<vmem>>
    %dma_wait3A_104 = tpu.memref_squeeze %dma_wait3A_103 : memref<1x128xi32, #tpu.memory_space<vmem>> -> memref<128xi32, #tpu.memory_space<vmem>>
    %dma_wait3A_105 = arith.constant 0 : i32
    %dma_wait3A_106 = arith.constant 0 : i32
    %dma_wait3A_107 = tpu.memref_slice %arg6[%dma_wait3A_105, %dma_wait3A_106] : memref<126976x128xf32, #tpu.memory_space<hbm>> -> memref<126976x128xf32, #tpu.memory_space<hbm>>
    tpu.wait_indirect_dma semaphore(%arg18 : memref<!tpu.dma_semaphore, #tpu.memory_space<semaphore_mem>>) src(%dma_wait3A_107 : memref<126976x128xf32, #tpu.memory_space<hbm>>) dst(%arg17 : memref<128x128xf32, #tpu.memory_space<vmem>>)
    %add3A_108 = arith.constant 128 : i32
    %add3A_109 = arith.addi %mul3A_2, %add3A_108 : i32
    "tpu.region"() ({
      %run_scoped3A = tpu.sem_alloc : memref<!tpu.dma_semaphore, #tpu.memory_space<semaphore_mem>>
      %dma_start3A_177 = arith.constant 0 : i32
      %dma_start3A_178 = tpu.memref_slice %arg7[%add3A_109, %dma_start3A_177] : memref<16384x128xf32, #tpu.memory_space<hbm>> -> memref<128x128xf32, #tpu.memory_space<hbm>>
      %dma_start3A_179 = arith.constant 0 : i32
      %dma_start3A_180 = tpu.memref_slice %arg7[%add3A_109, %dma_start3A_179] : memref<16384x128xf32, #tpu.memory_space<hbm>> -> memref<128x128xf32, #tpu.memory_space<hbm>>
      tpu.enqueue_dma source(%arg15 : memref<128x128xf32, #tpu.memory_space<vmem>>) target(%dma_start3A_180 : memref<128x128xf32, #tpu.memory_space<hbm>>) target_semaphore(%run_scoped3A : memref<!tpu.dma_semaphore, #tpu.memory_space<semaphore_mem>>)
      %dma_wait3A_181 = arith.constant 0 : i32
      %dma_wait3A_182 = tpu.memref_slice %arg7[%add3A_109, %dma_wait3A_181] : memref<16384x128xf32, #tpu.memory_space<hbm>> -> memref<128x128xf32, #tpu.memory_space<hbm>>
      %dma_wait3A_183 = arith.constant 0 : i32
      %dma_wait3A_184 = tpu.memref_slice %arg7[%add3A_109, %dma_wait3A_183] : memref<16384x128xf32, #tpu.memory_space<hbm>> -> memref<128x128xf32, #tpu.memory_space<hbm>>
      tpu.wait_dma2 semaphore(%run_scoped3A : memref<!tpu.dma_semaphore, #tpu.memory_space<semaphore_mem>>) src(%arg15 : memref<128x128xf32, #tpu.memory_space<vmem>>) dst(%dma_wait3A_184 : memref<128x128xf32, #tpu.memory_space<hbm>>)
      tpu.yield
    }) : () -> ()
    "tpu.region"() ({
      %run_scoped3A = tpu.sem_alloc : memref<!tpu.dma_semaphore, #tpu.memory_space<semaphore_mem>>
      %dma_start3A_177 = arith.constant 0 : i32
      %dma_start3A_178 = tpu.memref_slice %arg8[%add3A_109, %dma_start3A_177] : memref<16384x128xf32, #tpu.memory_space<hbm>> -> memref<128x128xf32, #tpu.memory_space<hbm>>
      %dma_start3A_179 = arith.constant 0 : i32
      %dma_start3A_180 = tpu.memref_slice %arg8[%add3A_109, %dma_start3A_179] : memref<16384x128xf32, #tpu.memory_space<hbm>> -> memref<128x128xf32, #tpu.memory_space<hbm>>
      tpu.enqueue_dma source(%arg16 : memref<128x128xf32, #tpu.memory_space<vmem>>) target(%dma_start3A_180 : memref<128x128xf32, #tpu.memory_space<hbm>>) target_semaphore(%run_scoped3A : memref<!tpu.dma_semaphore, #tpu.memory_space<semaphore_mem>>)
      %dma_wait3A_181 = arith.constant 0 : i32
      %dma_wait3A_182 = tpu.memref_slice %arg8[%add3A_109, %dma_wait3A_181] : memref<16384x128xf32, #tpu.memory_space<hbm>> -> memref<128x128xf32, #tpu.memory_space<hbm>>
      %dma_wait3A_183 = arith.constant 0 : i32
      %dma_wait3A_184 = tpu.memref_slice %arg8[%add3A_109, %dma_wait3A_183] : memref<16384x128xf32, #tpu.memory_space<hbm>> -> memref<128x128xf32, #tpu.memory_space<hbm>>
      tpu.wait_dma2 semaphore(%run_scoped3A : memref<!tpu.dma_semaphore, #tpu.memory_space<semaphore_mem>>) src(%arg16 : memref<128x128xf32, #tpu.memory_space<vmem>>) dst(%dma_wait3A_184 : memref<128x128xf32, #tpu.memory_space<hbm>>)
      tpu.yield
    }) : () -> ()
    "tpu.region"() ({
      %run_scoped3A = tpu.sem_alloc : memref<!tpu.dma_semaphore, #tpu.memory_space<semaphore_mem>>
      %dma_start3A_177 = arith.constant 0 : i32
      %dma_start3A_178 = tpu.memref_slice %arg9[%add3A_109, %dma_start3A_177] : memref<16384x128xf32, #tpu.memory_space<hbm>> -> memref<128x128xf32, #tpu.memory_space<hbm>>
      %dma_start3A_179 = arith.constant 0 : i32
      %dma_start3A_180 = tpu.memref_slice %arg9[%add3A_109, %dma_start3A_179] : memref<16384x128xf32, #tpu.memory_space<hbm>> -> memref<128x128xf32, #tpu.memory_space<hbm>>
      tpu.enqueue_dma source(%arg17 : memref<128x128xf32, #tpu.memory_space<vmem>>) target(%dma_start3A_180 : memref<128x128xf32, #tpu.memory_space<hbm>>) target_semaphore(%run_scoped3A : memref<!tpu.dma_semaphore, #tpu.memory_space<semaphore_mem>>)
      %dma_wait3A_181 = arith.constant 0 : i32
      %dma_wait3A_182 = tpu.memref_slice %arg9[%add3A_109, %dma_wait3A_181] : memref<16384x128xf32, #tpu.memory_space<hbm>> -> memref<128x128xf32, #tpu.memory_space<hbm>>
      %dma_wait3A_183 = arith.constant 0 : i32
      %dma_wait3A_184 = tpu.memref_slice %arg9[%add3A_109, %dma_wait3A_183] : memref<16384x128xf32, #tpu.memory_space<hbm>> -> memref<128x128xf32, #tpu.memory_space<hbm>>
      tpu.wait_dma2 semaphore(%run_scoped3A : memref<!tpu.dma_semaphore, #tpu.memory_space<semaphore_mem>>) src(%arg17 : memref<128x128xf32, #tpu.memory_space<vmem>>) dst(%dma_wait3A_184 : memref<128x128xf32, #tpu.memory_space<hbm>>)
      tpu.yield
    }) : () -> ()
    %dma_start3A_110 = arith.constant 3 : i32
    %dma_start3A_111 = arith.constant 0 : i32
    %dma_start3A_112 = tpu.memref_slice %arg10[%dma_start3A_110, %dma_start3A_111] : memref<4x128xi32, #tpu.memory_space<vmem>> -> memref<1x128xi32, #tpu.memory_space<vmem>>
    %dma_start3A_113 = tpu.memref_squeeze %dma_start3A_112 : memref<1x128xi32, #tpu.memory_space<vmem>> -> memref<128xi32, #tpu.memory_space<vmem>>
    %dma_start3A_114 = arith.constant 0 : i32
    %dma_start3A_115 = arith.constant 0 : i32
    %dma_start3A_116 = tpu.memref_slice %arg4[%dma_start3A_114, %dma_start3A_115] : memref<126976x128xf32, #tpu.memory_space<hbm>> -> memref<126976x128xf32, #tpu.memory_space<hbm>>
    tpu.enqueue_indirect_dma source(%dma_start3A_116 : memref<126976x128xf32, #tpu.memory_space<hbm>>) target(%arg15 : memref<128x128xf32, #tpu.memory_space<vmem>>) offsets(%dma_start3A_113 : memref<128xi32, #tpu.memory_space<vmem>>) semaphore(%arg18 : memref<!tpu.dma_semaphore, #tpu.memory_space<semaphore_mem>>)
    %dma_start3A_117 = arith.constant 3 : i32
    %dma_start3A_118 = arith.constant 0 : i32
    %dma_start3A_119 = tpu.memref_slice %arg11[%dma_start3A_117, %dma_start3A_118] : memref<4x128xi32, #tpu.memory_space<vmem>> -> memref<1x128xi32, #tpu.memory_space<vmem>>
    %dma_start3A_120 = tpu.memref_squeeze %dma_start3A_119 : memref<1x128xi32, #tpu.memory_space<vmem>> -> memref<128xi32, #tpu.memory_space<vmem>>
    %dma_start3A_121 = arith.constant 0 : i32
    %dma_start3A_122 = arith.constant 0 : i32
    %dma_start3A_123 = tpu.memref_slice %arg5[%dma_start3A_121, %dma_start3A_122] : memref<126976x128xf32, #tpu.memory_space<hbm>> -> memref<126976x128xf32, #tpu.memory_space<hbm>>
    tpu.enqueue_indirect_dma source(%dma_start3A_123 : memref<126976x128xf32, #tpu.memory_space<hbm>>) target(%arg16 : memref<128x128xf32, #tpu.memory_space<vmem>>) offsets(%dma_start3A_120 : memref<128xi32, #tpu.memory_space<vmem>>) semaphore(%arg18 : memref<!tpu.dma_semaphore, #tpu.memory_space<semaphore_mem>>)
    %dma_start3A_124 = arith.constant 3 : i32
    %dma_start3A_125 = arith.constant 0 : i32
    %dma_start3A_126 = tpu.memref_slice %arg11[%dma_start3A_124, %dma_start3A_125] : memref<4x128xi32, #tpu.memory_space<vmem>> -> memref<1x128xi32, #tpu.memory_space<vmem>>
    %dma_start3A_127 = tpu.memref_squeeze %dma_start3A_126 : memref<1x128xi32, #tpu.memory_space<vmem>> -> memref<128xi32, #tpu.memory_space<vmem>>
    %dma_start3A_128 = arith.constant 0 : i32
    %dma_start3A_129 = arith.constant 0 : i32
    %dma_start3A_130 = tpu.memref_slice %arg6[%dma_start3A_128, %dma_start3A_129] : memref<126976x128xf32, #tpu.memory_space<hbm>> -> memref<126976x128xf32, #tpu.memory_space<hbm>>
    tpu.enqueue_indirect_dma source(%dma_start3A_130 : memref<126976x128xf32, #tpu.memory_space<hbm>>) target(%arg17 : memref<128x128xf32, #tpu.memory_space<vmem>>) offsets(%dma_start3A_127 : memref<128xi32, #tpu.memory_space<vmem>>) semaphore(%arg18 : memref<!tpu.dma_semaphore, #tpu.memory_space<semaphore_mem>>)
    %dma_wait3A_131 = arith.constant 2 : i32
    %dma_wait3A_132 = arith.constant 0 : i32
    %dma_wait3A_133 = tpu.memref_slice %arg10[%dma_wait3A_131, %dma_wait3A_132] : memref<4x128xi32, #tpu.memory_space<vmem>> -> memref<1x128xi32, #tpu.memory_space<vmem>>
    %dma_wait3A_134 = tpu.memref_squeeze %dma_wait3A_133 : memref<1x128xi32, #tpu.memory_space<vmem>> -> memref<128xi32, #tpu.memory_space<vmem>>
    %dma_wait3A_135 = arith.constant 0 : i32
    %dma_wait3A_136 = arith.constant 0 : i32
    %dma_wait3A_137 = tpu.memref_slice %arg4[%dma_wait3A_135, %dma_wait3A_136] : memref<126976x128xf32, #tpu.memory_space<hbm>> -> memref<126976x128xf32, #tpu.memory_space<hbm>>
    tpu.wait_indirect_dma semaphore(%arg18 : memref<!tpu.dma_semaphore, #tpu.memory_space<semaphore_mem>>) src(%dma_wait3A_137 : memref<126976x128xf32, #tpu.memory_space<hbm>>) dst(%arg12 : memref<128x128xf32, #tpu.memory_space<vmem>>)
    %dma_wait3A_138 = arith.constant 2 : i32
    %dma_wait3A_139 = arith.constant 0 : i32
    %dma_wait3A_140 = tpu.memref_slice %arg11[%dma_wait3A_138, %dma_wait3A_139] : memref<4x128xi32, #tpu.memory_space<vmem>> -> memref<1x128xi32, #tpu.memory_space<vmem>>
    %dma_wait3A_141 = tpu.memref_squeeze %dma_wait3A_140 : memref<1x128xi32, #tpu.memory_space<vmem>> -> memref<128xi32, #tpu.memory_space<vmem>>
    %dma_wait3A_142 = arith.constant 0 : i32
    %dma_wait3A_143 = arith.constant 0 : i32
    %dma_wait3A_144 = tpu.memref_slice %arg5[%dma_wait3A_142, %dma_wait3A_143] : memref<126976x128xf32, #tpu.memory_space<hbm>> -> memref<126976x128xf32, #tpu.memory_space<hbm>>
    tpu.wait_indirect_dma semaphore(%arg18 : memref<!tpu.dma_semaphore, #tpu.memory_space<semaphore_mem>>) src(%dma_wait3A_144 : memref<126976x128xf32, #tpu.memory_space<hbm>>) dst(%arg13 : memref<128x128xf32, #tpu.memory_space<vmem>>)
    %dma_wait3A_145 = arith.constant 2 : i32
    %dma_wait3A_146 = arith.constant 0 : i32
    %dma_wait3A_147 = tpu.memref_slice %arg11[%dma_wait3A_145, %dma_wait3A_146] : memref<4x128xi32, #tpu.memory_space<vmem>> -> memref<1x128xi32, #tpu.memory_space<vmem>>
    %dma_wait3A_148 = tpu.memref_squeeze %dma_wait3A_147 : memref<1x128xi32, #tpu.memory_space<vmem>> -> memref<128xi32, #tpu.memory_space<vmem>>
    %dma_wait3A_149 = arith.constant 0 : i32
    %dma_wait3A_150 = arith.constant 0 : i32
    %dma_wait3A_151 = tpu.memref_slice %arg6[%dma_wait3A_149, %dma_wait3A_150] : memref<126976x128xf32, #tpu.memory_space<hbm>> -> memref<126976x128xf32, #tpu.memory_space<hbm>>
    tpu.wait_indirect_dma semaphore(%arg18 : memref<!tpu.dma_semaphore, #tpu.memory_space<semaphore_mem>>) src(%dma_wait3A_151 : memref<126976x128xf32, #tpu.memory_space<hbm>>) dst(%arg14 : memref<128x128xf32, #tpu.memory_space<vmem>>)
    %add3A_152 = arith.constant 256 : i32
    %add3A_153 = arith.addi %mul3A_2, %add3A_152 : i32
    "tpu.region"() ({
      %run_scoped3A = tpu.sem_alloc : memref<!tpu.dma_semaphore, #tpu.memory_space<semaphore_mem>>
      %dma_start3A_177 = arith.constant 0 : i32
      %dma_start3A_178 = tpu.memref_slice %arg7[%add3A_153, %dma_start3A_177] : memref<16384x128xf32, #tpu.memory_space<hbm>> -> memref<128x128xf32, #tpu.memory_space<hbm>>
      %dma_start3A_179 = arith.constant 0 : i32
      %dma_start3A_180 = tpu.memref_slice %arg7[%add3A_153, %dma_start3A_179] : memref<16384x128xf32, #tpu.memory_space<hbm>> -> memref<128x128xf32, #tpu.memory_space<hbm>>
      tpu.enqueue_dma source(%arg12 : memref<128x128xf32, #tpu.memory_space<vmem>>) target(%dma_start3A_180 : memref<128x128xf32, #tpu.memory_space<hbm>>) target_semaphore(%run_scoped3A : memref<!tpu.dma_semaphore, #tpu.memory_space<semaphore_mem>>)
      %dma_wait3A_181 = arith.constant 0 : i32
      %dma_wait3A_182 = tpu.memref_slice %arg7[%add3A_153, %dma_wait3A_181] : memref<16384x128xf32, #tpu.memory_space<hbm>> -> memref<128x128xf32, #tpu.memory_space<hbm>>
      %dma_wait3A_183 = arith.constant 0 : i32
      %dma_wait3A_184 = tpu.memref_slice %arg7[%add3A_153, %dma_wait3A_183] : memref<16384x128xf32, #tpu.memory_space<hbm>> -> memref<128x128xf32, #tpu.memory_space<hbm>>
      tpu.wait_dma2 semaphore(%run_scoped3A : memref<!tpu.dma_semaphore, #tpu.memory_space<semaphore_mem>>) src(%arg12 : memref<128x128xf32, #tpu.memory_space<vmem>>) dst(%dma_wait3A_184 : memref<128x128xf32, #tpu.memory_space<hbm>>)
      tpu.yield
    }) : () -> ()
    "tpu.region"() ({
      %run_scoped3A = tpu.sem_alloc : memref<!tpu.dma_semaphore, #tpu.memory_space<semaphore_mem>>
      %dma_start3A_177 = arith.constant 0 : i32
      %dma_start3A_178 = tpu.memref_slice %arg8[%add3A_153, %dma_start3A_177] : memref<16384x128xf32, #tpu.memory_space<hbm>> -> memref<128x128xf32, #tpu.memory_space<hbm>>
      %dma_start3A_179 = arith.constant 0 : i32
      %dma_start3A_180 = tpu.memref_slice %arg8[%add3A_153, %dma_start3A_179] : memref<16384x128xf32, #tpu.memory_space<hbm>> -> memref<128x128xf32, #tpu.memory_space<hbm>>
      tpu.enqueue_dma source(%arg13 : memref<128x128xf32, #tpu.memory_space<vmem>>) target(%dma_start3A_180 : memref<128x128xf32, #tpu.memory_space<hbm>>) target_semaphore(%run_scoped3A : memref<!tpu.dma_semaphore, #tpu.memory_space<semaphore_mem>>)
      %dma_wait3A_181 = arith.constant 0 : i32
      %dma_wait3A_182 = tpu.memref_slice %arg8[%add3A_153, %dma_wait3A_181] : memref<16384x128xf32, #tpu.memory_space<hbm>> -> memref<128x128xf32, #tpu.memory_space<hbm>>
      %dma_wait3A_183 = arith.constant 0 : i32
      %dma_wait3A_184 = tpu.memref_slice %arg8[%add3A_153, %dma_wait3A_183] : memref<16384x128xf32, #tpu.memory_space<hbm>> -> memref<128x128xf32, #tpu.memory_space<hbm>>
      tpu.wait_dma2 semaphore(%run_scoped3A : memref<!tpu.dma_semaphore, #tpu.memory_space<semaphore_mem>>) src(%arg13 : memref<128x128xf32, #tpu.memory_space<vmem>>) dst(%dma_wait3A_184 : memref<128x128xf32, #tpu.memory_space<hbm>>)
      tpu.yield
    }) : () -> ()
    "tpu.region"() ({
      %run_scoped3A = tpu.sem_alloc : memref<!tpu.dma_semaphore, #tpu.memory_space<semaphore_mem>>
      %dma_start3A_177 = arith.constant 0 : i32
      %dma_start3A_178 = tpu.memref_slice %arg9[%add3A_153, %dma_start3A_177] : memref<16384x128xf32, #tpu.memory_space<hbm>> -> memref<128x128xf32, #tpu.memory_space<hbm>>
      %dma_start3A_179 = arith.constant 0 : i32
      %dma_start3A_180 = tpu.memref_slice %arg9[%add3A_153, %dma_start3A_179] : memref<16384x128xf32, #tpu.memory_space<hbm>> -> memref<128x128xf32, #tpu.memory_space<hbm>>
      tpu.enqueue_dma source(%arg14 : memref<128x128xf32, #tpu.memory_space<vmem>>) target(%dma_start3A_180 : memref<128x128xf32, #tpu.memory_space<hbm>>) target_semaphore(%run_scoped3A : memref<!tpu.dma_semaphore, #tpu.memory_space<semaphore_mem>>)
      %dma_wait3A_181 = arith.constant 0 : i32
      %dma_wait3A_182 = tpu.memref_slice %arg9[%add3A_153, %dma_wait3A_181] : memref<16384x128xf32, #tpu.memory_space<hbm>> -> memref<128x128xf32, #tpu.memory_space<hbm>>
      %dma_wait3A_183 = arith.constant 0 : i32
      %dma_wait3A_184 = tpu.memref_slice %arg9[%add3A_153, %dma_wait3A_183] : memref<16384x128xf32, #tpu.memory_space<hbm>> -> memref<128x128xf32, #tpu.memory_space<hbm>>
      tpu.wait_dma2 semaphore(%run_scoped3A : memref<!tpu.dma_semaphore, #tpu.memory_space<semaphore_mem>>) src(%arg14 : memref<128x128xf32, #tpu.memory_space<vmem>>) dst(%dma_wait3A_184 : memref<128x128xf32, #tpu.memory_space<hbm>>)
      tpu.yield
    }) : () -> ()
    %dma_wait3A_154 = arith.constant 3 : i32
    %dma_wait3A_155 = arith.constant 0 : i32
    %dma_wait3A_156 = tpu.memref_slice %arg10[%dma_wait3A_154, %dma_wait3A_155] : memref<4x128xi32, #tpu.memory_space<vmem>> -> memref<1x128xi32, #tpu.memory_space<vmem>>
    %dma_wait3A_157 = tpu.memref_squeeze %dma_wait3A_156 : memref<1x128xi32, #tpu.memory_space<vmem>> -> memref<128xi32, #tpu.memory_space<vmem>>
    %dma_wait3A_158 = arith.constant 0 : i32
    %dma_wait3A_159 = arith.constant 0 : i32
    %dma_wait3A_160 = tpu.memref_slice %arg4[%dma_wait3A_158, %dma_wait3A_159] : memref<126976x128xf32, #tpu.memory_space<hbm>> -> memref<126976x128xf32, #tpu.memory_space<hbm>>
    tpu.wait_indirect_dma semaphore(%arg18 : memref<!tpu.dma_semaphore, #tpu.memory_space<semaphore_mem>>) src(%dma_wait3A_160 : memref<126976x128xf32, #tpu.memory_space<hbm>>) dst(%arg15 : memref<128x128xf32, #tpu.memory_space<vmem>>)
    %dma_wait3A_161 = arith.constant 3 : i32
    %dma_wait3A_162 = arith.constant 0 : i32
    %dma_wait3A_163 = tpu.memref_slice %arg11[%dma_wait3A_161, %dma_wait3A_162] : memref<4x128xi32, #tpu.memory_space<vmem>> -> memref<1x128xi32, #tpu.memory_space<vmem>>
    %dma_wait3A_164 = tpu.memref_squeeze %dma_wait3A_163 : memref<1x128xi32, #tpu.memory_space<vmem>> -> memref<128xi32, #tpu.memory_space<vmem>>
    %dma_wait3A_165 = arith.constant 0 : i32
    %dma_wait3A_166 = arith.constant 0 : i32
    %dma_wait3A_167 = tpu.memref_slice %arg5[%dma_wait3A_165, %dma_wait3A_166] : memref<126976x128xf32, #tpu.memory_space<hbm>> -> memref<126976x128xf32, #tpu.memory_space<hbm>>
    tpu.wait_indirect_dma semaphore(%arg18 : memref<!tpu.dma_semaphore, #tpu.memory_space<semaphore_mem>>) src(%dma_wait3A_167 : memref<126976x128xf32, #tpu.memory_space<hbm>>) dst(%arg16 : memref<128x128xf32, #tpu.memory_space<vmem>>)
    %dma_wait3A_168 = arith.constant 3 : i32
    %dma_wait3A_169 = arith.constant 0 : i32
    %dma_wait3A_170 = tpu.memref_slice %arg11[%dma_wait3A_168, %dma_wait3A_169] : memref<4x128xi32, #tpu.memory_space<vmem>> -> memref<1x128xi32, #tpu.memory_space<vmem>>
    %dma_wait3A_171 = tpu.memref_squeeze %dma_wait3A_170 : memref<1x128xi32, #tpu.memory_space<vmem>> -> memref<128xi32, #tpu.memory_space<vmem>>
    %dma_wait3A_172 = arith.constant 0 : i32
    %dma_wait3A_173 = arith.constant 0 : i32
    %dma_wait3A_174 = tpu.memref_slice %arg6[%dma_wait3A_172, %dma_wait3A_173] : memref<126976x128xf32, #tpu.memory_space<hbm>> -> memref<126976x128xf32, #tpu.memory_space<hbm>>
    tpu.wait_indirect_dma semaphore(%arg18 : memref<!tpu.dma_semaphore, #tpu.memory_space<semaphore_mem>>) src(%dma_wait3A_174 : memref<126976x128xf32, #tpu.memory_space<hbm>>) dst(%arg17 : memref<128x128xf32, #tpu.memory_space<vmem>>)
    %add3A_175 = arith.constant 384 : i32
    %add3A_176 = arith.addi %mul3A_2, %add3A_175 : i32
    "tpu.region"() ({
      %run_scoped3A = tpu.sem_alloc : memref<!tpu.dma_semaphore, #tpu.memory_space<semaphore_mem>>
      %dma_start3A_177 = arith.constant 0 : i32
      %dma_start3A_178 = tpu.memref_slice %arg7[%add3A_176, %dma_start3A_177] : memref<16384x128xf32, #tpu.memory_space<hbm>> -> memref<128x128xf32, #tpu.memory_space<hbm>>
      %dma_start3A_179 = arith.constant 0 : i32
      %dma_start3A_180 = tpu.memref_slice %arg7[%add3A_176, %dma_start3A_179] : memref<16384x128xf32, #tpu.memory_space<hbm>> -> memref<128x128xf32, #tpu.memory_space<hbm>>
      tpu.enqueue_dma source(%arg15 : memref<128x128xf32, #tpu.memory_space<vmem>>) target(%dma_start3A_180 : memref<128x128xf32, #tpu.memory_space<hbm>>) target_semaphore(%run_scoped3A : memref<!tpu.dma_semaphore, #tpu.memory_space<semaphore_mem>>)
      %dma_wait3A_181 = arith.constant 0 : i32
      %dma_wait3A_182 = tpu.memref_slice %arg7[%add3A_176, %dma_wait3A_181] : memref<16384x128xf32, #tpu.memory_space<hbm>> -> memref<128x128xf32, #tpu.memory_space<hbm>>
      %dma_wait3A_183 = arith.constant 0 : i32
      %dma_wait3A_184 = tpu.memref_slice %arg7[%add3A_176, %dma_wait3A_183] : memref<16384x128xf32, #tpu.memory_space<hbm>> -> memref<128x128xf32, #tpu.memory_space<hbm>>
      tpu.wait_dma2 semaphore(%run_scoped3A : memref<!tpu.dma_semaphore, #tpu.memory_space<semaphore_mem>>) src(%arg15 : memref<128x128xf32, #tpu.memory_space<vmem>>) dst(%dma_wait3A_184 : memref<128x128xf32, #tpu.memory_space<hbm>>)
      tpu.yield
    }) : () -> ()
    "tpu.region"() ({
      %run_scoped3A = tpu.sem_alloc : memref<!tpu.dma_semaphore, #tpu.memory_space<semaphore_mem>>
      %dma_start3A_177 = arith.constant 0 : i32
      %dma_start3A_178 = tpu.memref_slice %arg8[%add3A_176, %dma_start3A_177] : memref<16384x128xf32, #tpu.memory_space<hbm>> -> memref<128x128xf32, #tpu.memory_space<hbm>>
      %dma_start3A_179 = arith.constant 0 : i32
      %dma_start3A_180 = tpu.memref_slice %arg8[%add3A_176, %dma_start3A_179] : memref<16384x128xf32, #tpu.memory_space<hbm>> -> memref<128x128xf32, #tpu.memory_space<hbm>>
      tpu.enqueue_dma source(%arg16 : memref<128x128xf32, #tpu.memory_space<vmem>>) target(%dma_start3A_180 : memref<128x128xf32, #tpu.memory_space<hbm>>) target_semaphore(%run_scoped3A : memref<!tpu.dma_semaphore, #tpu.memory_space<semaphore_mem>>)
      %dma_wait3A_181 = arith.constant 0 : i32
      %dma_wait3A_182 = tpu.memref_slice %arg8[%add3A_176, %dma_wait3A_181] : memref<16384x128xf32, #tpu.memory_space<hbm>> -> memref<128x128xf32, #tpu.memory_space<hbm>>
      %dma_wait3A_183 = arith.constant 0 : i32
      %dma_wait3A_184 = tpu.memref_slice %arg8[%add3A_176, %dma_wait3A_183] : memref<16384x128xf32, #tpu.memory_space<hbm>> -> memref<128x128xf32, #tpu.memory_space<hbm>>
      tpu.wait_dma2 semaphore(%run_scoped3A : memref<!tpu.dma_semaphore, #tpu.memory_space<semaphore_mem>>) src(%arg16 : memref<128x128xf32, #tpu.memory_space<vmem>>) dst(%dma_wait3A_184 : memref<128x128xf32, #tpu.memory_space<hbm>>)
      tpu.yield
    }) : () -> ()
    "tpu.region"() ({
      %run_scoped3A = tpu.sem_alloc : memref<!tpu.dma_semaphore, #tpu.memory_space<semaphore_mem>>
      %dma_start3A_177 = arith.constant 0 : i32
      %dma_start3A_178 = tpu.memref_slice %arg9[%add3A_176, %dma_start3A_177] : memref<16384x128xf32, #tpu.memory_space<hbm>> -> memref<128x128xf32, #tpu.memory_space<hbm>>
      %dma_start3A_179 = arith.constant 0 : i32
      %dma_start3A_180 = tpu.memref_slice %arg9[%add3A_176, %dma_start3A_179] : memref<16384x128xf32, #tpu.memory_space<hbm>> -> memref<128x128xf32, #tpu.memory_space<hbm>>
      tpu.enqueue_dma source(%arg17 : memref<128x128xf32, #tpu.memory_space<vmem>>) target(%dma_start3A_180 : memref<128x128xf32, #tpu.memory_space<hbm>>) target_semaphore(%run_scoped3A : memref<!tpu.dma_semaphore, #tpu.memory_space<semaphore_mem>>)
      %dma_wait3A_181 = arith.constant 0 : i32
      %dma_wait3A_182 = tpu.memref_slice %arg9[%add3A_176, %dma_wait3A_181] : memref<16384x128xf32, #tpu.memory_space<hbm>> -> memref<128x128xf32, #tpu.memory_space<hbm>>
      %dma_wait3A_183 = arith.constant 0 : i32
      %dma_wait3A_184 = tpu.memref_slice %arg9[%add3A_176, %dma_wait3A_183] : memref<16384x128xf32, #tpu.memory_space<hbm>> -> memref<128x128xf32, #tpu.memory_space<hbm>>
      tpu.wait_dma2 semaphore(%run_scoped3A : memref<!tpu.dma_semaphore, #tpu.memory_space<semaphore_mem>>) src(%arg17 : memref<128x128xf32, #tpu.memory_space<vmem>>) dst(%dma_wait3A_184 : memref<128x128xf32, #tpu.memory_space<hbm>>)
      tpu.yield
    }) : () -> ()
    return
  }
}

module attributes {stable_mosaic.version = 14 : i64} {
  func.func @_transpose_body(%arg0: i32, %arg1: memref<16x32768xf32, #tpu.memory_space<vmem>>, %arg2: memref<16x32768xf32, #tpu.memory_space<vmem>>, %arg3: memref<16x32768xf32, #tpu.memory_space<vmem>>, %arg4: memref<4096x128xf32, #tpu.memory_space<vmem>>, %arg5: memref<4096x128xf32, #tpu.memory_space<vmem>>, %arg6: memref<4096x128xf32, #tpu.memory_space<vmem>>) attributes {dimension_semantics = [#tpu.dimension_semantics<arbitrary>], iteration_bounds = array<i64: 31>, scalar_prefetch = 0 : i64, scratch_operands = 0 : i64, tpu.core_type = #tpu.core_type<tc>, window_params = [{transform_indices = @transform_0, window_bounds = array<i64: 16, 32768>}, {transform_indices = @transform_1, window_bounds = array<i64: 16, 32768>}, {transform_indices = @transform_2, window_bounds = array<i64: 16, 32768>}, {transform_indices = @transform_3, window_bounds = array<i64: 4096, 128>}, {transform_indices = @transform_4, window_bounds = array<i64: 4096, 128>}, {transform_indices = @transform_5, window_bounds = array<i64: 4096, 128>}]} {
    %iota3A = tpu.iota {dimensions = array<i32: 0>} : vector<128x128xi32>
    %iota3A_0 = tpu.iota {dimensions = array<i32: 1>} : vector<128x128xi32>
    %jit3A = arith.constant 8 : i32
    %eq3A = arith.constant 0 : i32
    %eq3A_1 = arith.cmpi eq, %jit3A, %eq3A : i32
    %jit3A_2 = arith.constant 1 : i32
    %select_n3A = arith.select %eq3A_1, %jit3A_2, %jit3A : i32
    %rem3A = vector.broadcast %select_n3A : i32 to vector<128x128xi32>
    %rem3A_3 = arith.remsi %iota3A, %rem3A : vector<128x128xi32>
    %ne3A = arith.constant 0 : i32
    %ne3A_4 = vector.broadcast %ne3A : i32 to vector<128x128xi32>
    %ne3A_5 = arith.cmpi ne, %rem3A_3, %ne3A_4 : vector<128x128xi32>
    %lt3A = arith.constant 0 : i32
    %lt3A_6 = vector.broadcast %lt3A : i32 to vector<128x128xi32>
    %lt3A_7 = arith.cmpi slt, %rem3A_3, %lt3A_6 : vector<128x128xi32>
    %lt3A_8 = arith.constant 0 : i32
    %lt3A_9 = arith.cmpi slt, %select_n3A, %lt3A_8 : i32
    %ne3A_10 = vector.broadcast %lt3A_9 : i1 to vector<128x128xi1>
    %ne3A_11 = vector.broadcast %ne3A_10 : vector<128x128xi1> to vector<128x128xi1>
    %ne3A_12 = arith.xori %lt3A_7, %ne3A_11 : vector<128x128xi1>
    %and3A = arith.andi %ne3A_12, %ne3A_5 : vector<128x128xi1>
    %add3A = vector.broadcast %select_n3A : i32 to vector<128x128xi32>
    %add3A_13 = arith.addi %rem3A_3, %add3A : vector<128x128xi32>
    %select_n3A_14 = arith.select %and3A, %add3A_13, %rem3A_3 : vector<128x128xi1>, vector<128x128xi32>
    %mul3A = arith.constant 16 : i32
    %mul3A_15 = vector.broadcast %mul3A : i32 to vector<128x128xi32>
    %mul3A_16 = arith.muli %mul3A_15, %select_n3A_14 : vector<128x128xi32>
    %jit3A_17 = arith.constant 8 : i32
    %div3A = vector.broadcast %jit3A_17 : i32 to vector<128x128xi32>
    %div3A_18 = arith.divsi %iota3A, %div3A : vector<128x128xi32>
    %sign3A = arith.constant 0 : i32
    %sign3A_19 = vector.broadcast %sign3A : i32 to vector<128x128xi32>
    %sign3A_20 = arith.cmpi sgt, %iota3A, %sign3A_19 : vector<128x128xi32>
    %sign3A_21 = arith.extui %sign3A_20 : vector<128x128xi1> to vector<128x128xi32>
    %sign3A_22 = arith.constant 0 : i32
    %sign3A_23 = vector.broadcast %sign3A_22 : i32 to vector<128x128xi32>
    %sign3A_24 = arith.cmpi slt, %iota3A, %sign3A_23 : vector<128x128xi32>
    %sign3A_25 = arith.extui %sign3A_24 : vector<128x128xi1> to vector<128x128xi32>
    %sign3A_26 = arith.subi %sign3A_21, %sign3A_25 : vector<128x128xi32>
    %sign3A_27 = arith.constant 0 : i32
    %sign3A_28 = arith.cmpi sgt, %jit3A_17, %sign3A_27 : i32
    %sign3A_29 = arith.extui %sign3A_28 : i1 to i32
    %sign3A_30 = arith.constant 0 : i32
    %sign3A_31 = arith.cmpi slt, %jit3A_17, %sign3A_30 : i32
    %sign3A_32 = arith.extui %sign3A_31 : i1 to i32
    %sign3A_33 = arith.subi %sign3A_29, %sign3A_32 : i32
    %ne3A_34 = vector.broadcast %sign3A_33 : i32 to vector<128x128xi32>
    %ne3A_35 = arith.cmpi ne, %sign3A_26, %ne3A_34 : vector<128x128xi32>
    %rem3A_36 = vector.broadcast %jit3A_17 : i32 to vector<128x128xi32>
    %rem3A_37 = arith.remsi %iota3A, %rem3A_36 : vector<128x128xi32>
    %ne3A_38 = arith.constant 0 : i32
    %ne3A_39 = vector.broadcast %ne3A_38 : i32 to vector<128x128xi32>
    %ne3A_40 = arith.cmpi ne, %rem3A_37, %ne3A_39 : vector<128x128xi32>
    %and3A_41 = arith.andi %ne3A_35, %ne3A_40 : vector<128x128xi1>
    %sub3A = arith.constant 1 : i32
    %sub3A_42 = vector.broadcast %sub3A : i32 to vector<128x128xi32>
    %sub3A_43 = arith.subi %div3A_18, %sub3A_42 : vector<128x128xi32>
    %select_n3A_44 = arith.select %and3A_41, %sub3A_43, %div3A_18 : vector<128x128xi1>, vector<128x128xi32>
    %add3A_45 = arith.addi %mul3A_16, %select_n3A_44 : vector<128x128xi32>
    %eq3A_46 = arith.cmpi eq, %iota3A_0, %add3A_45 : vector<128x128xi32>
    %convert_element_type3A = arith.extui %eq3A_46 : vector<128x128xi1> to vector<128x128xi32>
    %convert_element_type3A_47 = arith.sitofp %convert_element_type3A : vector<128x128xi32> to vector<128x128xf32>
    %mul3A_48 = arith.constant 32768 : i32
    %mul3A_49 = arith.muli %arg0, %mul3A_48 : i32
    %get3A = arith.constant 0 : index
    %get3A_50 = arith.constant 0 : index
    %get3A_51 = vector.load %arg1[%get3A, %get3A_50] : memref<16x32768xf32, #tpu.memory_space<vmem>>, vector<16x32768xf32>
    %slice3A = vector.extract_strided_slice %get3A_51 {offsets = [0, 0], sizes = [16, 1024], strides = [1, 1]} : vector<16x32768xf32> to vector<16x1024xf32>
    %reshape3A = vector.shape_cast %slice3A : vector<16x1024xf32> to vector<128x128xf32>
    %add3A_52 = arith.constant 0 : i32
    %add3A_53 = arith.addi %mul3A_49, %add3A_52 : i32
    %jit3A_54 = arith.constant 8 : i32
    %eq3A_55 = arith.constant 0 : i32
    %eq3A_56 = arith.cmpi eq, %jit3A_54, %eq3A_55 : i32
    %jit3A_57 = arith.constant 1 : i32
    %select_n3A_58 = arith.select %eq3A_56, %jit3A_57, %jit3A_54 : i32
    %rem3A_59 = vector.broadcast %select_n3A_58 : i32 to vector<128x128xi32>
    %rem3A_60 = arith.remsi %iota3A, %rem3A_59 : vector<128x128xi32>
    %ne3A_61 = arith.constant 0 : i32
    %ne3A_62 = vector.broadcast %ne3A_61 : i32 to vector<128x128xi32>
    %ne3A_63 = arith.cmpi ne, %rem3A_60, %ne3A_62 : vector<128x128xi32>
    %lt3A_64 = arith.constant 0 : i32
    %lt3A_65 = vector.broadcast %lt3A_64 : i32 to vector<128x128xi32>
    %lt3A_66 = arith.cmpi slt, %rem3A_60, %lt3A_65 : vector<128x128xi32>
    %lt3A_67 = arith.constant 0 : i32
    %lt3A_68 = arith.cmpi slt, %select_n3A_58, %lt3A_67 : i32
    %ne3A_69 = vector.broadcast %lt3A_68 : i1 to vector<128x128xi1>
    %ne3A_70 = vector.broadcast %ne3A_69 : vector<128x128xi1> to vector<128x128xi1>
    %ne3A_71 = arith.xori %lt3A_66, %ne3A_70 : vector<128x128xi1>
    %and3A_72 = arith.andi %ne3A_71, %ne3A_63 : vector<128x128xi1>
    %add3A_73 = vector.broadcast %select_n3A_58 : i32 to vector<128x128xi32>
    %add3A_74 = arith.addi %rem3A_60, %add3A_73 : vector<128x128xi32>
    %select_n3A_75 = arith.select %and3A_72, %add3A_74, %rem3A_60 : vector<128x128xi1>, vector<128x128xi32>
    %mul3A_76 = arith.constant 128 : i32
    %mul3A_77 = vector.broadcast %mul3A_76 : i32 to vector<128x128xi32>
    %mul3A_78 = arith.muli %select_n3A_75, %mul3A_77 : vector<128x128xi32>
    %add3A_79 = vector.broadcast %add3A_53 : i32 to vector<128x128xi32>
    %add3A_80 = arith.addi %add3A_79, %mul3A_78 : vector<128x128xi32>
    %add3A_81 = arith.addi %add3A_80, %iota3A_0 : vector<128x128xi32>
    %lt3A_82 = arith.constant 1000001 : i32
    %lt3A_83 = vector.broadcast %lt3A_82 : i32 to vector<128x128xi32>
    %lt3A_84 = arith.cmpi slt, %add3A_81, %lt3A_83 : vector<128x128xi32>
    %jit3A_85 = arith.constant 0.000000e+00 : f32
    %broadcast_in_dim3A = vector.broadcast %jit3A_85 : f32 to vector<128x128xf32>
    %select_n3A_86 = arith.select %lt3A_84, %reshape3A, %broadcast_in_dim3A : vector<128x128xi1>, vector<128x128xf32>
    %dot_general3A = arith.constant dense<0.000000e+00> : vector<128x128xf32>
    %dot_general3A_87 = tpu.matmul %select_n3A_86, %convert_element_type3A_47, %dot_general3A {dimension_numbers = #tpu.dot_dimension_numbers<[0], [0], [1], [1], [0, 1, 1, 1], [], []>, transpose_lhs_hint = false} : vector<128x128xf32>, vector<128x128xf32>, vector<128x128xf32> -> vector<128x128xf32>
    %swap3A = arith.constant 0 : index
    %swap3A_88 = arith.constant 0 : index
    %swap3A_89 = vector.load %arg4[%swap3A, %swap3A_88] : memref<4096x128xf32, #tpu.memory_space<vmem>>, vector<128x128xf32>
    tpu.vector_store %arg4[%swap3A, %swap3A_88], %dot_general3A_87 {strides = array<i32>} : memref<4096x128xf32, #tpu.memory_space<vmem>>, vector<128x128xf32>,
    %slice3A_90 = vector.extract_strided_slice %get3A_51 {offsets = [0, 1024], sizes = [16, 1024], strides = [1, 1]} : vector<16x32768xf32> to vector<16x1024xf32>
    %reshape3A_91 = vector.shape_cast %slice3A_90 : vector<16x1024xf32> to vector<128x128xf32>
    %add3A_92 = arith.constant 1024 : i32
    %add3A_93 = arith.addi %mul3A_49, %add3A_92 : i32
    %jit3A_94 = arith.constant 8 : i32
    %eq3A_95 = arith.constant 0 : i32
    %eq3A_96 = arith.cmpi eq, %jit3A_94, %eq3A_95 : i32
    %jit3A_97 = arith.constant 1 : i32
    %select_n3A_98 = arith.select %eq3A_96, %jit3A_97, %jit3A_94 : i32
    %rem3A_99 = vector.broadcast %select_n3A_98 : i32 to vector<128x128xi32>
    %rem3A_100 = arith.remsi %iota3A, %rem3A_99 : vector<128x128xi32>
    %ne3A_101 = arith.constant 0 : i32
    %ne3A_102 = vector.broadcast %ne3A_101 : i32 to vector<128x128xi32>
    %ne3A_103 = arith.cmpi ne, %rem3A_100, %ne3A_102 : vector<128x128xi32>
    %lt3A_104 = arith.constant 0 : i32
    %lt3A_105 = vector.broadcast %lt3A_104 : i32 to vector<128x128xi32>
    %lt3A_106 = arith.cmpi slt, %rem3A_100, %lt3A_105 : vector<128x128xi32>
    %lt3A_107 = arith.constant 0 : i32
    %lt3A_108 = arith.cmpi slt, %select_n3A_98, %lt3A_107 : i32
    %ne3A_109 = vector.broadcast %lt3A_108 : i1 to vector<128x128xi1>
    %ne3A_110 = vector.broadcast %ne3A_109 : vector<128x128xi1> to vector<128x128xi1>
    %ne3A_111 = arith.xori %lt3A_106, %ne3A_110 : vector<128x128xi1>
    %and3A_112 = arith.andi %ne3A_111, %ne3A_103 : vector<128x128xi1>
    %add3A_113 = vector.broadcast %select_n3A_98 : i32 to vector<128x128xi32>
    %add3A_114 = arith.addi %rem3A_100, %add3A_113 : vector<128x128xi32>
    %select_n3A_115 = arith.select %and3A_112, %add3A_114, %rem3A_100 : vector<128x128xi1>, vector<128x128xi32>
    %mul3A_116 = arith.constant 128 : i32
    %mul3A_117 = vector.broadcast %mul3A_116 : i32 to vector<128x128xi32>
    %mul3A_118 = arith.muli %select_n3A_115, %mul3A_117 : vector<128x128xi32>
    %add3A_119 = vector.broadcast %add3A_93 : i32 to vector<128x128xi32>
    %add3A_120 = arith.addi %add3A_119, %mul3A_118 : vector<128x128xi32>
    %add3A_121 = arith.addi %add3A_120, %iota3A_0 : vector<128x128xi32>
    %lt3A_122 = arith.constant 1000001 : i32
    %lt3A_123 = vector.broadcast %lt3A_122 : i32 to vector<128x128xi32>
    %lt3A_124 = arith.cmpi slt, %add3A_121, %lt3A_123 : vector<128x128xi32>
    %jit3A_125 = arith.constant 0.000000e+00 : f32
    %broadcast_in_dim3A_126 = vector.broadcast %jit3A_125 : f32 to vector<128x128xf32>
    %select_n3A_127 = arith.select %lt3A_124, %reshape3A_91, %broadcast_in_dim3A_126 : vector<128x128xi1>, vector<128x128xf32>
    %dot_general3A_128 = arith.constant dense<0.000000e+00> : vector<128x128xf32>
    %dot_general3A_129 = tpu.matmul %select_n3A_127, %convert_element_type3A_47, %dot_general3A_128 {dimension_numbers = #tpu.dot_dimension_numbers<[0], [0], [1], [1], [0, 1, 1, 1], [], []>, transpose_lhs_hint = false} : vector<128x128xf32>, vector<128x128xf32>, vector<128x128xf32> -> vector<128x128xf32>
    %swap3A_130 = arith.constant 128 : index
    %swap3A_131 = arith.constant 0 : index
    %swap3A_132 = vector.load %arg4[%swap3A_130, %swap3A_131] : memref<4096x128xf32, #tpu.memory_space<vmem>>, vector<128x128xf32>
    tpu.vector_store %arg4[%swap3A_130, %swap3A_131], %dot_general3A_129 {strides = array<i32>} : memref<4096x128xf32, #tpu.memory_space<vmem>>, vector<128x128xf32>,
    %slice3A_133 = vector.extract_strided_slice %get3A_51 {offsets = [0, 2048], sizes = [16, 1024], strides = [1, 1]} : vector<16x32768xf32> to vector<16x1024xf32>
    %reshape3A_134 = vector.shape_cast %slice3A_133 : vector<16x1024xf32> to vector<128x128xf32>
    %add3A_135 = arith.constant 2048 : i32
    %add3A_136 = arith.addi %mul3A_49, %add3A_135 : i32
    %jit3A_137 = arith.constant 8 : i32
    %eq3A_138 = arith.constant 0 : i32
    %eq3A_139 = arith.cmpi eq, %jit3A_137, %eq3A_138 : i32
    %jit3A_140 = arith.constant 1 : i32
    %select_n3A_141 = arith.select %eq3A_139, %jit3A_140, %jit3A_137 : i32
    %rem3A_142 = vector.broadcast %select_n3A_141 : i32 to vector<128x128xi32>
    %rem3A_143 = arith.remsi %iota3A, %rem3A_142 : vector<128x128xi32>
    %ne3A_144 = arith.constant 0 : i32
    %ne3A_145 = vector.broadcast %ne3A_144 : i32 to vector<128x128xi32>
    %ne3A_146 = arith.cmpi ne, %rem3A_143, %ne3A_145 : vector<128x128xi32>
    %lt3A_147 = arith.constant 0 : i32
    %lt3A_148 = vector.broadcast %lt3A_147 : i32 to vector<128x128xi32>
    %lt3A_149 = arith.cmpi slt, %rem3A_143, %lt3A_148 : vector<128x128xi32>
    %lt3A_150 = arith.constant 0 : i32
    %lt3A_151 = arith.cmpi slt, %select_n3A_141, %lt3A_150 : i32
    %ne3A_152 = vector.broadcast %lt3A_151 : i1 to vector<128x128xi1>
    %ne3A_153 = vector.broadcast %ne3A_152 : vector<128x128xi1> to vector<128x128xi1>
    %ne3A_154 = arith.xori %lt3A_149, %ne3A_153 : vector<128x128xi1>
    %and3A_155 = arith.andi %ne3A_154, %ne3A_146 : vector<128x128xi1>
    %add3A_156 = vector.broadcast %select_n3A_141 : i32 to vector<128x128xi32>
    %add3A_157 = arith.addi %rem3A_143, %add3A_156 : vector<128x128xi32>
    %select_n3A_158 = arith.select %and3A_155, %add3A_157, %rem3A_143 : vector<128x128xi1>, vector<128x128xi32>
    %mul3A_159 = arith.constant 128 : i32
    %mul3A_160 = vector.broadcast %mul3A_159 : i32 to vector<128x128xi32>
    %mul3A_161 = arith.muli %select_n3A_158, %mul3A_160 : vector<128x128xi32>
    %add3A_162 = vector.broadcast %add3A_136 : i32 to vector<128x128xi32>
    %add3A_163 = arith.addi %add3A_162, %mul3A_161 : vector<128x128xi32>
    %add3A_164 = arith.addi %add3A_163, %iota3A_0 : vector<128x128xi32>
    %lt3A_165 = arith.constant 1000001 : i32
    %lt3A_166 = vector.broadcast %lt3A_165 : i32 to vector<128x128xi32>
    %lt3A_167 = arith.cmpi slt, %add3A_164, %lt3A_166 : vector<128x128xi32>
    %jit3A_168 = arith.constant 0.000000e+00 : f32
    %broadcast_in_dim3A_169 = vector.broadcast %jit3A_168 : f32 to vector<128x128xf32>
    %select_n3A_170 = arith.select %lt3A_167, %reshape3A_134, %broadcast_in_dim3A_169 : vector<128x128xi1>, vector<128x128xf32>
    %dot_general3A_171 = arith.constant dense<0.000000e+00> : vector<128x128xf32>
    %dot_general3A_172 = tpu.matmul %select_n3A_170, %convert_element_type3A_47, %dot_general3A_171 {dimension_numbers = #tpu.dot_dimension_numbers<[0], [0], [1], [1], [0, 1, 1, 1], [], []>, transpose_lhs_hint = false} : vector<128x128xf32>, vector<128x128xf32>, vector<128x128xf32> -> vector<128x128xf32>
    %swap3A_173 = arith.constant 256 : index
    %swap3A_174 = arith.constant 0 : index
    %swap3A_175 = vector.load %arg4[%swap3A_173, %swap3A_174] : memref<4096x128xf32, #tpu.memory_space<vmem>>, vector<128x128xf32>
    tpu.vector_store %arg4[%swap3A_173, %swap3A_174], %dot_general3A_172 {strides = array<i32>} : memref<4096x128xf32, #tpu.memory_space<vmem>>, vector<128x128xf32>,
    %slice3A_176 = vector.extract_strided_slice %get3A_51 {offsets = [0, 3072], sizes = [16, 1024], strides = [1, 1]} : vector<16x32768xf32> to vector<16x1024xf32>
    %reshape3A_177 = vector.shape_cast %slice3A_176 : vector<16x1024xf32> to vector<128x128xf32>
    %add3A_178 = arith.constant 3072 : i32
    %add3A_179 = arith.addi %mul3A_49, %add3A_178 : i32
    %jit3A_180 = arith.constant 8 : i32
    %eq3A_181 = arith.constant 0 : i32
    %eq3A_182 = arith.cmpi eq, %jit3A_180, %eq3A_181 : i32
    %jit3A_183 = arith.constant 1 : i32
    %select_n3A_184 = arith.select %eq3A_182, %jit3A_183, %jit3A_180 : i32
    %rem3A_185 = vector.broadcast %select_n3A_184 : i32 to vector<128x128xi32>
    %rem3A_186 = arith.remsi %iota3A, %rem3A_185 : vector<128x128xi32>
    %ne3A_187 = arith.constant 0 : i32
    %ne3A_188 = vector.broadcast %ne3A_187 : i32 to vector<128x128xi32>
    %ne3A_189 = arith.cmpi ne, %rem3A_186, %ne3A_188 : vector<128x128xi32>
    %lt3A_190 = arith.constant 0 : i32
    %lt3A_191 = vector.broadcast %lt3A_190 : i32 to vector<128x128xi32>
    %lt3A_192 = arith.cmpi slt, %rem3A_186, %lt3A_191 : vector<128x128xi32>
    %lt3A_193 = arith.constant 0 : i32
    %lt3A_194 = arith.cmpi slt, %select_n3A_184, %lt3A_193 : i32
    %ne3A_195 = vector.broadcast %lt3A_194 : i1 to vector<128x128xi1>
    %ne3A_196 = vector.broadcast %ne3A_195 : vector<128x128xi1> to vector<128x128xi1>
    %ne3A_197 = arith.xori %lt3A_192, %ne3A_196 : vector<128x128xi1>
    %and3A_198 = arith.andi %ne3A_197, %ne3A_189 : vector<128x128xi1>
    %add3A_199 = vector.broadcast %select_n3A_184 : i32 to vector<128x128xi32>
    %add3A_200 = arith.addi %rem3A_186, %add3A_199 : vector<128x128xi32>
    %select_n3A_201 = arith.select %and3A_198, %add3A_200, %rem3A_186 : vector<128x128xi1>, vector<128x128xi32>
    %mul3A_202 = arith.constant 128 : i32
    %mul3A_203 = vector.broadcast %mul3A_202 : i32 to vector<128x128xi32>
    %mul3A_204 = arith.muli %select_n3A_201, %mul3A_203 : vector<128x128xi32>
    %add3A_205 = vector.broadcast %add3A_179 : i32 to vector<128x128xi32>
    %add3A_206 = arith.addi %add3A_205, %mul3A_204 : vector<128x128xi32>
    %add3A_207 = arith.addi %add3A_206, %iota3A_0 : vector<128x128xi32>
    %lt3A_208 = arith.constant 1000001 : i32
    %lt3A_209 = vector.broadcast %lt3A_208 : i32 to vector<128x128xi32>
    %lt3A_210 = arith.cmpi slt, %add3A_207, %lt3A_209 : vector<128x128xi32>
    %jit3A_211 = arith.constant 0.000000e+00 : f32
    %broadcast_in_dim3A_212 = vector.broadcast %jit3A_211 : f32 to vector<128x128xf32>
    %select_n3A_213 = arith.select %lt3A_210, %reshape3A_177, %broadcast_in_dim3A_212 : vector<128x128xi1>, vector<128x128xf32>
    %dot_general3A_214 = arith.constant dense<0.000000e+00> : vector<128x128xf32>
    %dot_general3A_215 = tpu.matmul %select_n3A_213, %convert_element_type3A_47, %dot_general3A_214 {dimension_numbers = #tpu.dot_dimension_numbers<[0], [0], [1], [1], [0, 1, 1, 1], [], []>, transpose_lhs_hint = false} : vector<128x128xf32>, vector<128x128xf32>, vector<128x128xf32> -> vector<128x128xf32>
    %swap3A_216 = arith.constant 384 : index
    %swap3A_217 = arith.constant 0 : index
    %swap3A_218 = vector.load %arg4[%swap3A_216, %swap3A_217] : memref<4096x128xf32, #tpu.memory_space<vmem>>, vector<128x128xf32>
    tpu.vector_store %arg4[%swap3A_216, %swap3A_217], %dot_general3A_215 {strides = array<i32>} : memref<4096x128xf32, #tpu.memory_space<vmem>>, vector<128x128xf32>,
    %slice3A_219 = vector.extract_strided_slice %get3A_51 {offsets = [0, 4096], sizes = [16, 1024], strides = [1, 1]} : vector<16x32768xf32> to vector<16x1024xf32>
    %reshape3A_220 = vector.shape_cast %slice3A_219 : vector<16x1024xf32> to vector<128x128xf32>
    %add3A_221 = arith.constant 4096 : i32
    %add3A_222 = arith.addi %mul3A_49, %add3A_221 : i32
    %jit3A_223 = arith.constant 8 : i32
    %eq3A_224 = arith.constant 0 : i32
    %eq3A_225 = arith.cmpi eq, %jit3A_223, %eq3A_224 : i32
    %jit3A_226 = arith.constant 1 : i32
    %select_n3A_227 = arith.select %eq3A_225, %jit3A_226, %jit3A_223 : i32
    %rem3A_228 = vector.broadcast %select_n3A_227 : i32 to vector<128x128xi32>
    %rem3A_229 = arith.remsi %iota3A, %rem3A_228 : vector<128x128xi32>
    %ne3A_230 = arith.constant 0 : i32
    %ne3A_231 = vector.broadcast %ne3A_230 : i32 to vector<128x128xi32>
    %ne3A_232 = arith.cmpi ne, %rem3A_229, %ne3A_231 : vector<128x128xi32>
    %lt3A_233 = arith.constant 0 : i32
    %lt3A_234 = vector.broadcast %lt3A_233 : i32 to vector<128x128xi32>
    %lt3A_235 = arith.cmpi slt, %rem3A_229, %lt3A_234 : vector<128x128xi32>
    %lt3A_236 = arith.constant 0 : i32
    %lt3A_237 = arith.cmpi slt, %select_n3A_227, %lt3A_236 : i32
    %ne3A_238 = vector.broadcast %lt3A_237 : i1 to vector<128x128xi1>
    %ne3A_239 = vector.broadcast %ne3A_238 : vector<128x128xi1> to vector<128x128xi1>
    %ne3A_240 = arith.xori %lt3A_235, %ne3A_239 : vector<128x128xi1>
    %and3A_241 = arith.andi %ne3A_240, %ne3A_232 : vector<128x128xi1>
    %add3A_242 = vector.broadcast %select_n3A_227 : i32 to vector<128x128xi32>
    %add3A_243 = arith.addi %rem3A_229, %add3A_242 : vector<128x128xi32>
    %select_n3A_244 = arith.select %and3A_241, %add3A_243, %rem3A_229 : vector<128x128xi1>, vector<128x128xi32>
    %mul3A_245 = arith.constant 128 : i32
    %mul3A_246 = vector.broadcast %mul3A_245 : i32 to vector<128x128xi32>
    %mul3A_247 = arith.muli %select_n3A_244, %mul3A_246 : vector<128x128xi32>
    %add3A_248 = vector.broadcast %add3A_222 : i32 to vector<128x128xi32>
    %add3A_249 = arith.addi %add3A_248, %mul3A_247 : vector<128x128xi32>
    %add3A_250 = arith.addi %add3A_249, %iota3A_0 : vector<128x128xi32>
    %lt3A_251 = arith.constant 1000001 : i32
    %lt3A_252 = vector.broadcast %lt3A_251 : i32 to vector<128x128xi32>
    %lt3A_253 = arith.cmpi slt, %add3A_250, %lt3A_252 : vector<128x128xi32>
    %jit3A_254 = arith.constant 0.000000e+00 : f32
    %broadcast_in_dim3A_255 = vector.broadcast %jit3A_254 : f32 to vector<128x128xf32>
    %select_n3A_256 = arith.select %lt3A_253, %reshape3A_220, %broadcast_in_dim3A_255 : vector<128x128xi1>, vector<128x128xf32>
    %dot_general3A_257 = arith.constant dense<0.000000e+00> : vector<128x128xf32>
    %dot_general3A_258 = tpu.matmul %select_n3A_256, %convert_element_type3A_47, %dot_general3A_257 {dimension_numbers = #tpu.dot_dimension_numbers<[0], [0], [1], [1], [0, 1, 1, 1], [], []>, transpose_lhs_hint = false} : vector<128x128xf32>, vector<128x128xf32>, vector<128x128xf32> -> vector<128x128xf32>
    %swap3A_259 = arith.constant 512 : index
    %swap3A_260 = arith.constant 0 : index
    %swap3A_261 = vector.load %arg4[%swap3A_259, %swap3A_260] : memref<4096x128xf32, #tpu.memory_space<vmem>>, vector<128x128xf32>
    tpu.vector_store %arg4[%swap3A_259, %swap3A_260], %dot_general3A_258 {strides = array<i32>} : memref<4096x128xf32, #tpu.memory_space<vmem>>, vector<128x128xf32>,
    %slice3A_262 = vector.extract_strided_slice %get3A_51 {offsets = [0, 5120], sizes = [16, 1024], strides = [1, 1]} : vector<16x32768xf32> to vector<16x1024xf32>
    %reshape3A_263 = vector.shape_cast %slice3A_262 : vector<16x1024xf32> to vector<128x128xf32>
    %add3A_264 = arith.constant 5120 : i32
    %add3A_265 = arith.addi %mul3A_49, %add3A_264 : i32
    %jit3A_266 = arith.constant 8 : i32
    %eq3A_267 = arith.constant 0 : i32
    %eq3A_268 = arith.cmpi eq, %jit3A_266, %eq3A_267 : i32
    %jit3A_269 = arith.constant 1 : i32
    %select_n3A_270 = arith.select %eq3A_268, %jit3A_269, %jit3A_266 : i32
    %rem3A_271 = vector.broadcast %select_n3A_270 : i32 to vector<128x128xi32>
    %rem3A_272 = arith.remsi %iota3A, %rem3A_271 : vector<128x128xi32>
    %ne3A_273 = arith.constant 0 : i32
    %ne3A_274 = vector.broadcast %ne3A_273 : i32 to vector<128x128xi32>
    %ne3A_275 = arith.cmpi ne, %rem3A_272, %ne3A_274 : vector<128x128xi32>
    %lt3A_276 = arith.constant 0 : i32
    %lt3A_277 = vector.broadcast %lt3A_276 : i32 to vector<128x128xi32>
    %lt3A_278 = arith.cmpi slt, %rem3A_272, %lt3A_277 : vector<128x128xi32>
    %lt3A_279 = arith.constant 0 : i32
    %lt3A_280 = arith.cmpi slt, %select_n3A_270, %lt3A_279 : i32
    %ne3A_281 = vector.broadcast %lt3A_280 : i1 to vector<128x128xi1>
    %ne3A_282 = vector.broadcast %ne3A_281 : vector<128x128xi1> to vector<128x128xi1>
    %ne3A_283 = arith.xori %lt3A_278, %ne3A_282 : vector<128x128xi1>
    %and3A_284 = arith.andi %ne3A_283, %ne3A_275 : vector<128x128xi1>
    %add3A_285 = vector.broadcast %select_n3A_270 : i32 to vector<128x128xi32>
    %add3A_286 = arith.addi %rem3A_272, %add3A_285 : vector<128x128xi32>
    %select_n3A_287 = arith.select %and3A_284, %add3A_286, %rem3A_272 : vector<128x128xi1>, vector<128x128xi32>
    %mul3A_288 = arith.constant 128 : i32
    %mul3A_289 = vector.broadcast %mul3A_288 : i32 to vector<128x128xi32>
    %mul3A_290 = arith.muli %select_n3A_287, %mul3A_289 : vector<128x128xi32>
    %add3A_291 = vector.broadcast %add3A_265 : i32 to vector<128x128xi32>
    %add3A_292 = arith.addi %add3A_291, %mul3A_290 : vector<128x128xi32>
    %add3A_293 = arith.addi %add3A_292, %iota3A_0 : vector<128x128xi32>
    %lt3A_294 = arith.constant 1000001 : i32
    %lt3A_295 = vector.broadcast %lt3A_294 : i32 to vector<128x128xi32>
    %lt3A_296 = arith.cmpi slt, %add3A_293, %lt3A_295 : vector<128x128xi32>
    %jit3A_297 = arith.constant 0.000000e+00 : f32
    %broadcast_in_dim3A_298 = vector.broadcast %jit3A_297 : f32 to vector<128x128xf32>
    %select_n3A_299 = arith.select %lt3A_296, %reshape3A_263, %broadcast_in_dim3A_298 : vector<128x128xi1>, vector<128x128xf32>
    %dot_general3A_300 = arith.constant dense<0.000000e+00> : vector<128x128xf32>
    %dot_general3A_301 = tpu.matmul %select_n3A_299, %convert_element_type3A_47, %dot_general3A_300 {dimension_numbers = #tpu.dot_dimension_numbers<[0], [0], [1], [1], [0, 1, 1, 1], [], []>, transpose_lhs_hint = false} : vector<128x128xf32>, vector<128x128xf32>, vector<128x128xf32> -> vector<128x128xf32>
    %swap3A_302 = arith.constant 640 : index
    %swap3A_303 = arith.constant 0 : index
    %swap3A_304 = vector.load %arg4[%swap3A_302, %swap3A_303] : memref<4096x128xf32, #tpu.memory_space<vmem>>, vector<128x128xf32>
    tpu.vector_store %arg4[%swap3A_302, %swap3A_303], %dot_general3A_301 {strides = array<i32>} : memref<4096x128xf32, #tpu.memory_space<vmem>>, vector<128x128xf32>,
    %slice3A_305 = vector.extract_strided_slice %get3A_51 {offsets = [0, 6144], sizes = [16, 1024], strides = [1, 1]} : vector<16x32768xf32> to vector<16x1024xf32>
    %reshape3A_306 = vector.shape_cast %slice3A_305 : vector<16x1024xf32> to vector<128x128xf32>
    %add3A_307 = arith.constant 6144 : i32
    %add3A_308 = arith.addi %mul3A_49, %add3A_307 : i32
    %jit3A_309 = arith.constant 8 : i32
    %eq3A_310 = arith.constant 0 : i32
    %eq3A_311 = arith.cmpi eq, %jit3A_309, %eq3A_310 : i32
    %jit3A_312 = arith.constant 1 : i32
    %select_n3A_313 = arith.select %eq3A_311, %jit3A_312, %jit3A_309 : i32
    %rem3A_314 = vector.broadcast %select_n3A_313 : i32 to vector<128x128xi32>
    %rem3A_315 = arith.remsi %iota3A, %rem3A_314 : vector<128x128xi32>
    %ne3A_316 = arith.constant 0 : i32
    %ne3A_317 = vector.broadcast %ne3A_316 : i32 to vector<128x128xi32>
    %ne3A_318 = arith.cmpi ne, %rem3A_315, %ne3A_317 : vector<128x128xi32>
    %lt3A_319 = arith.constant 0 : i32
    %lt3A_320 = vector.broadcast %lt3A_319 : i32 to vector<128x128xi32>
    %lt3A_321 = arith.cmpi slt, %rem3A_315, %lt3A_320 : vector<128x128xi32>
    %lt3A_322 = arith.constant 0 : i32
    %lt3A_323 = arith.cmpi slt, %select_n3A_313, %lt3A_322 : i32
    %ne3A_324 = vector.broadcast %lt3A_323 : i1 to vector<128x128xi1>
    %ne3A_325 = vector.broadcast %ne3A_324 : vector<128x128xi1> to vector<128x128xi1>
    %ne3A_326 = arith.xori %lt3A_321, %ne3A_325 : vector<128x128xi1>
    %and3A_327 = arith.andi %ne3A_326, %ne3A_318 : vector<128x128xi1>
    %add3A_328 = vector.broadcast %select_n3A_313 : i32 to vector<128x128xi32>
    %add3A_329 = arith.addi %rem3A_315, %add3A_328 : vector<128x128xi32>
    %select_n3A_330 = arith.select %and3A_327, %add3A_329, %rem3A_315 : vector<128x128xi1>, vector<128x128xi32>
    %mul3A_331 = arith.constant 128 : i32
    %mul3A_332 = vector.broadcast %mul3A_331 : i32 to vector<128x128xi32>
    %mul3A_333 = arith.muli %select_n3A_330, %mul3A_332 : vector<128x128xi32>
    %add3A_334 = vector.broadcast %add3A_308 : i32 to vector<128x128xi32>
    %add3A_335 = arith.addi %add3A_334, %mul3A_333 : vector<128x128xi32>
    %add3A_336 = arith.addi %add3A_335, %iota3A_0 : vector<128x128xi32>
    %lt3A_337 = arith.constant 1000001 : i32
    %lt3A_338 = vector.broadcast %lt3A_337 : i32 to vector<128x128xi32>
    %lt3A_339 = arith.cmpi slt, %add3A_336, %lt3A_338 : vector<128x128xi32>
    %jit3A_340 = arith.constant 0.000000e+00 : f32
    %broadcast_in_dim3A_341 = vector.broadcast %jit3A_340 : f32 to vector<128x128xf32>
    %select_n3A_342 = arith.select %lt3A_339, %reshape3A_306, %broadcast_in_dim3A_341 : vector<128x128xi1>, vector<128x128xf32>
    %dot_general3A_343 = arith.constant dense<0.000000e+00> : vector<128x128xf32>
    %dot_general3A_344 = tpu.matmul %select_n3A_342, %convert_element_type3A_47, %dot_general3A_343 {dimension_numbers = #tpu.dot_dimension_numbers<[0], [0], [1], [1], [0, 1, 1, 1], [], []>, transpose_lhs_hint = false} : vector<128x128xf32>, vector<128x128xf32>, vector<128x128xf32> -> vector<128x128xf32>
    %swap3A_345 = arith.constant 768 : index
    %swap3A_346 = arith.constant 0 : index
    %swap3A_347 = vector.load %arg4[%swap3A_345, %swap3A_346] : memref<4096x128xf32, #tpu.memory_space<vmem>>, vector<128x128xf32>
    tpu.vector_store %arg4[%swap3A_345, %swap3A_346], %dot_general3A_344 {strides = array<i32>} : memref<4096x128xf32, #tpu.memory_space<vmem>>, vector<128x128xf32>,
    %slice3A_348 = vector.extract_strided_slice %get3A_51 {offsets = [0, 7168], sizes = [16, 1024], strides = [1, 1]} : vector<16x32768xf32> to vector<16x1024xf32>
    %reshape3A_349 = vector.shape_cast %slice3A_348 : vector<16x1024xf32> to vector<128x128xf32>
    %add3A_350 = arith.constant 7168 : i32
    %add3A_351 = arith.addi %mul3A_49, %add3A_350 : i32
    %jit3A_352 = arith.constant 8 : i32
    %eq3A_353 = arith.constant 0 : i32
    %eq3A_354 = arith.cmpi eq, %jit3A_352, %eq3A_353 : i32
    %jit3A_355 = arith.constant 1 : i32
    %select_n3A_356 = arith.select %eq3A_354, %jit3A_355, %jit3A_352 : i32
    %rem3A_357 = vector.broadcast %select_n3A_356 : i32 to vector<128x128xi32>
    %rem3A_358 = arith.remsi %iota3A, %rem3A_357 : vector<128x128xi32>
    %ne3A_359 = arith.constant 0 : i32
    %ne3A_360 = vector.broadcast %ne3A_359 : i32 to vector<128x128xi32>
    %ne3A_361 = arith.cmpi ne, %rem3A_358, %ne3A_360 : vector<128x128xi32>
    %lt3A_362 = arith.constant 0 : i32
    %lt3A_363 = vector.broadcast %lt3A_362 : i32 to vector<128x128xi32>
    %lt3A_364 = arith.cmpi slt, %rem3A_358, %lt3A_363 : vector<128x128xi32>
    %lt3A_365 = arith.constant 0 : i32
    %lt3A_366 = arith.cmpi slt, %select_n3A_356, %lt3A_365 : i32
    %ne3A_367 = vector.broadcast %lt3A_366 : i1 to vector<128x128xi1>
    %ne3A_368 = vector.broadcast %ne3A_367 : vector<128x128xi1> to vector<128x128xi1>
    %ne3A_369 = arith.xori %lt3A_364, %ne3A_368 : vector<128x128xi1>
    %and3A_370 = arith.andi %ne3A_369, %ne3A_361 : vector<128x128xi1>
    %add3A_371 = vector.broadcast %select_n3A_356 : i32 to vector<128x128xi32>
    %add3A_372 = arith.addi %rem3A_358, %add3A_371 : vector<128x128xi32>
    %select_n3A_373 = arith.select %and3A_370, %add3A_372, %rem3A_358 : vector<128x128xi1>, vector<128x128xi32>
    %mul3A_374 = arith.constant 128 : i32
    %mul3A_375 = vector.broadcast %mul3A_374 : i32 to vector<128x128xi32>
    %mul3A_376 = arith.muli %select_n3A_373, %mul3A_375 : vector<128x128xi32>
    %add3A_377 = vector.broadcast %add3A_351 : i32 to vector<128x128xi32>
    %add3A_378 = arith.addi %add3A_377, %mul3A_376 : vector<128x128xi32>
    %add3A_379 = arith.addi %add3A_378, %iota3A_0 : vector<128x128xi32>
    %lt3A_380 = arith.constant 1000001 : i32
    %lt3A_381 = vector.broadcast %lt3A_380 : i32 to vector<128x128xi32>
    %lt3A_382 = arith.cmpi slt, %add3A_379, %lt3A_381 : vector<128x128xi32>
    %jit3A_383 = arith.constant 0.000000e+00 : f32
    %broadcast_in_dim3A_384 = vector.broadcast %jit3A_383 : f32 to vector<128x128xf32>
    %select_n3A_385 = arith.select %lt3A_382, %reshape3A_349, %broadcast_in_dim3A_384 : vector<128x128xi1>, vector<128x128xf32>
    %dot_general3A_386 = arith.constant dense<0.000000e+00> : vector<128x128xf32>
    %dot_general3A_387 = tpu.matmul %select_n3A_385, %convert_element_type3A_47, %dot_general3A_386 {dimension_numbers = #tpu.dot_dimension_numbers<[0], [0], [1], [1], [0, 1, 1, 1], [], []>, transpose_lhs_hint = false} : vector<128x128xf32>, vector<128x128xf32>, vector<128x128xf32> -> vector<128x128xf32>
    %swap3A_388 = arith.constant 896 : index
    %swap3A_389 = arith.constant 0 : index
    %swap3A_390 = vector.load %arg4[%swap3A_388, %swap3A_389] : memref<4096x128xf32, #tpu.memory_space<vmem>>, vector<128x128xf32>
    tpu.vector_store %arg4[%swap3A_388, %swap3A_389], %dot_general3A_387 {strides = array<i32>} : memref<4096x128xf32, #tpu.memory_space<vmem>>, vector<128x128xf32>,
    %slice3A_391 = vector.extract_strided_slice %get3A_51 {offsets = [0, 8192], sizes = [16, 1024], strides = [1, 1]} : vector<16x32768xf32> to vector<16x1024xf32>
    %reshape3A_392 = vector.shape_cast %slice3A_391 : vector<16x1024xf32> to vector<128x128xf32>
    %add3A_393 = arith.constant 8192 : i32
    %add3A_394 = arith.addi %mul3A_49, %add3A_393 : i32
    %jit3A_395 = arith.constant 8 : i32
    %eq3A_396 = arith.constant 0 : i32
    %eq3A_397 = arith.cmpi eq, %jit3A_395, %eq3A_396 : i32
    %jit3A_398 = arith.constant 1 : i32
    %select_n3A_399 = arith.select %eq3A_397, %jit3A_398, %jit3A_395 : i32
    %rem3A_400 = vector.broadcast %select_n3A_399 : i32 to vector<128x128xi32>
    %rem3A_401 = arith.remsi %iota3A, %rem3A_400 : vector<128x128xi32>
    %ne3A_402 = arith.constant 0 : i32
    %ne3A_403 = vector.broadcast %ne3A_402 : i32 to vector<128x128xi32>
    %ne3A_404 = arith.cmpi ne, %rem3A_401, %ne3A_403 : vector<128x128xi32>
    %lt3A_405 = arith.constant 0 : i32
    %lt3A_406 = vector.broadcast %lt3A_405 : i32 to vector<128x128xi32>
    %lt3A_407 = arith.cmpi slt, %rem3A_401, %lt3A_406 : vector<128x128xi32>
    %lt3A_408 = arith.constant 0 : i32
    %lt3A_409 = arith.cmpi slt, %select_n3A_399, %lt3A_408 : i32
    %ne3A_410 = vector.broadcast %lt3A_409 : i1 to vector<128x128xi1>
    %ne3A_411 = vector.broadcast %ne3A_410 : vector<128x128xi1> to vector<128x128xi1>
    %ne3A_412 = arith.xori %lt3A_407, %ne3A_411 : vector<128x128xi1>
    %and3A_413 = arith.andi %ne3A_412, %ne3A_404 : vector<128x128xi1>
    %add3A_414 = vector.broadcast %select_n3A_399 : i32 to vector<128x128xi32>
    %add3A_415 = arith.addi %rem3A_401, %add3A_414 : vector<128x128xi32>
    %select_n3A_416 = arith.select %and3A_413, %add3A_415, %rem3A_401 : vector<128x128xi1>, vector<128x128xi32>
    %mul3A_417 = arith.constant 128 : i32
    %mul3A_418 = vector.broadcast %mul3A_417 : i32 to vector<128x128xi32>
    %mul3A_419 = arith.muli %select_n3A_416, %mul3A_418 : vector<128x128xi32>
    %add3A_420 = vector.broadcast %add3A_394 : i32 to vector<128x128xi32>
    %add3A_421 = arith.addi %add3A_420, %mul3A_419 : vector<128x128xi32>
    %add3A_422 = arith.addi %add3A_421, %iota3A_0 : vector<128x128xi32>
    %lt3A_423 = arith.constant 1000001 : i32
    %lt3A_424 = vector.broadcast %lt3A_423 : i32 to vector<128x128xi32>
    %lt3A_425 = arith.cmpi slt, %add3A_422, %lt3A_424 : vector<128x128xi32>
    %jit3A_426 = arith.constant 0.000000e+00 : f32
    %broadcast_in_dim3A_427 = vector.broadcast %jit3A_426 : f32 to vector<128x128xf32>
    %select_n3A_428 = arith.select %lt3A_425, %reshape3A_392, %broadcast_in_dim3A_427 : vector<128x128xi1>, vector<128x128xf32>
    %dot_general3A_429 = arith.constant dense<0.000000e+00> : vector<128x128xf32>
    %dot_general3A_430 = tpu.matmul %select_n3A_428, %convert_element_type3A_47, %dot_general3A_429 {dimension_numbers = #tpu.dot_dimension_numbers<[0], [0], [1], [1], [0, 1, 1, 1], [], []>, transpose_lhs_hint = false} : vector<128x128xf32>, vector<128x128xf32>, vector<128x128xf32> -> vector<128x128xf32>
    %swap3A_431 = arith.constant 1024 : index
    %swap3A_432 = arith.constant 0 : index
    %swap3A_433 = vector.load %arg4[%swap3A_431, %swap3A_432] : memref<4096x128xf32, #tpu.memory_space<vmem>>, vector<128x128xf32>
    tpu.vector_store %arg4[%swap3A_431, %swap3A_432], %dot_general3A_430 {strides = array<i32>} : memref<4096x128xf32, #tpu.memory_space<vmem>>, vector<128x128xf32>,
    %slice3A_434 = vector.extract_strided_slice %get3A_51 {offsets = [0, 9216], sizes = [16, 1024], strides = [1, 1]} : vector<16x32768xf32> to vector<16x1024xf32>
    %reshape3A_435 = vector.shape_cast %slice3A_434 : vector<16x1024xf32> to vector<128x128xf32>
    %add3A_436 = arith.constant 9216 : i32
    %add3A_437 = arith.addi %mul3A_49, %add3A_436 : i32
    %jit3A_438 = arith.constant 8 : i32
    %eq3A_439 = arith.constant 0 : i32
    %eq3A_440 = arith.cmpi eq, %jit3A_438, %eq3A_439 : i32
    %jit3A_441 = arith.constant 1 : i32
    %select_n3A_442 = arith.select %eq3A_440, %jit3A_441, %jit3A_438 : i32
    %rem3A_443 = vector.broadcast %select_n3A_442 : i32 to vector<128x128xi32>
    %rem3A_444 = arith.remsi %iota3A, %rem3A_443 : vector<128x128xi32>
    %ne3A_445 = arith.constant 0 : i32
    %ne3A_446 = vector.broadcast %ne3A_445 : i32 to vector<128x128xi32>
    %ne3A_447 = arith.cmpi ne, %rem3A_444, %ne3A_446 : vector<128x128xi32>
    %lt3A_448 = arith.constant 0 : i32
    %lt3A_449 = vector.broadcast %lt3A_448 : i32 to vector<128x128xi32>
    %lt3A_450 = arith.cmpi slt, %rem3A_444, %lt3A_449 : vector<128x128xi32>
    %lt3A_451 = arith.constant 0 : i32
    %lt3A_452 = arith.cmpi slt, %select_n3A_442, %lt3A_451 : i32
    %ne3A_453 = vector.broadcast %lt3A_452 : i1 to vector<128x128xi1>
    %ne3A_454 = vector.broadcast %ne3A_453 : vector<128x128xi1> to vector<128x128xi1>
    %ne3A_455 = arith.xori %lt3A_450, %ne3A_454 : vector<128x128xi1>
    %and3A_456 = arith.andi %ne3A_455, %ne3A_447 : vector<128x128xi1>
    %add3A_457 = vector.broadcast %select_n3A_442 : i32 to vector<128x128xi32>
    %add3A_458 = arith.addi %rem3A_444, %add3A_457 : vector<128x128xi32>
    %select_n3A_459 = arith.select %and3A_456, %add3A_458, %rem3A_444 : vector<128x128xi1>, vector<128x128xi32>
    %mul3A_460 = arith.constant 128 : i32
    %mul3A_461 = vector.broadcast %mul3A_460 : i32 to vector<128x128xi32>
    %mul3A_462 = arith.muli %select_n3A_459, %mul3A_461 : vector<128x128xi32>
    %add3A_463 = vector.broadcast %add3A_437 : i32 to vector<128x128xi32>
    %add3A_464 = arith.addi %add3A_463, %mul3A_462 : vector<128x128xi32>
    %add3A_465 = arith.addi %add3A_464, %iota3A_0 : vector<128x128xi32>
    %lt3A_466 = arith.constant 1000001 : i32
    %lt3A_467 = vector.broadcast %lt3A_466 : i32 to vector<128x128xi32>
    %lt3A_468 = arith.cmpi slt, %add3A_465, %lt3A_467 : vector<128x128xi32>
    %jit3A_469 = arith.constant 0.000000e+00 : f32
    %broadcast_in_dim3A_470 = vector.broadcast %jit3A_469 : f32 to vector<128x128xf32>
    %select_n3A_471 = arith.select %lt3A_468, %reshape3A_435, %broadcast_in_dim3A_470 : vector<128x128xi1>, vector<128x128xf32>
    %dot_general3A_472 = arith.constant dense<0.000000e+00> : vector<128x128xf32>
    %dot_general3A_473 = tpu.matmul %select_n3A_471, %convert_element_type3A_47, %dot_general3A_472 {dimension_numbers = #tpu.dot_dimension_numbers<[0], [0], [1], [1], [0, 1, 1, 1], [], []>, transpose_lhs_hint = false} : vector<128x128xf32>, vector<128x128xf32>, vector<128x128xf32> -> vector<128x128xf32>
    %swap3A_474 = arith.constant 1152 : index
    %swap3A_475 = arith.constant 0 : index
    %swap3A_476 = vector.load %arg4[%swap3A_474, %swap3A_475] : memref<4096x128xf32, #tpu.memory_space<vmem>>, vector<128x128xf32>
    tpu.vector_store %arg4[%swap3A_474, %swap3A_475], %dot_general3A_473 {strides = array<i32>} : memref<4096x128xf32, #tpu.memory_space<vmem>>, vector<128x128xf32>,
    %slice3A_477 = vector.extract_strided_slice %get3A_51 {offsets = [0, 10240], sizes = [16, 1024], strides = [1, 1]} : vector<16x32768xf32> to vector<16x1024xf32>
    %reshape3A_478 = vector.shape_cast %slice3A_477 : vector<16x1024xf32> to vector<128x128xf32>
    %add3A_479 = arith.constant 10240 : i32
    %add3A_480 = arith.addi %mul3A_49, %add3A_479 : i32
    %jit3A_481 = arith.constant 8 : i32
    %eq3A_482 = arith.constant 0 : i32
    %eq3A_483 = arith.cmpi eq, %jit3A_481, %eq3A_482 : i32
    %jit3A_484 = arith.constant 1 : i32
    %select_n3A_485 = arith.select %eq3A_483, %jit3A_484, %jit3A_481 : i32
    %rem3A_486 = vector.broadcast %select_n3A_485 : i32 to vector<128x128xi32>
    %rem3A_487 = arith.remsi %iota3A, %rem3A_486 : vector<128x128xi32>
    %ne3A_488 = arith.constant 0 : i32
    %ne3A_489 = vector.broadcast %ne3A_488 : i32 to vector<128x128xi32>
    %ne3A_490 = arith.cmpi ne, %rem3A_487, %ne3A_489 : vector<128x128xi32>
    %lt3A_491 = arith.constant 0 : i32
    %lt3A_492 = vector.broadcast %lt3A_491 : i32 to vector<128x128xi32>
    %lt3A_493 = arith.cmpi slt, %rem3A_487, %lt3A_492 : vector<128x128xi32>
    %lt3A_494 = arith.constant 0 : i32
    %lt3A_495 = arith.cmpi slt, %select_n3A_485, %lt3A_494 : i32
    %ne3A_496 = vector.broadcast %lt3A_495 : i1 to vector<128x128xi1>
    %ne3A_497 = vector.broadcast %ne3A_496 : vector<128x128xi1> to vector<128x128xi1>
    %ne3A_498 = arith.xori %lt3A_493, %ne3A_497 : vector<128x128xi1>
    %and3A_499 = arith.andi %ne3A_498, %ne3A_490 : vector<128x128xi1>
    %add3A_500 = vector.broadcast %select_n3A_485 : i32 to vector<128x128xi32>
    %add3A_501 = arith.addi %rem3A_487, %add3A_500 : vector<128x128xi32>
    %select_n3A_502 = arith.select %and3A_499, %add3A_501, %rem3A_487 : vector<128x128xi1>, vector<128x128xi32>
    %mul3A_503 = arith.constant 128 : i32
    %mul3A_504 = vector.broadcast %mul3A_503 : i32 to vector<128x128xi32>
    %mul3A_505 = arith.muli %select_n3A_502, %mul3A_504 : vector<128x128xi32>
    %add3A_506 = vector.broadcast %add3A_480 : i32 to vector<128x128xi32>
    %add3A_507 = arith.addi %add3A_506, %mul3A_505 : vector<128x128xi32>
    %add3A_508 = arith.addi %add3A_507, %iota3A_0 : vector<128x128xi32>
    %lt3A_509 = arith.constant 1000001 : i32
    %lt3A_510 = vector.broadcast %lt3A_509 : i32 to vector<128x128xi32>
    %lt3A_511 = arith.cmpi slt, %add3A_508, %lt3A_510 : vector<128x128xi32>
    %jit3A_512 = arith.constant 0.000000e+00 : f32
    %broadcast_in_dim3A_513 = vector.broadcast %jit3A_512 : f32 to vector<128x128xf32>
    %select_n3A_514 = arith.select %lt3A_511, %reshape3A_478, %broadcast_in_dim3A_513 : vector<128x128xi1>, vector<128x128xf32>
    %dot_general3A_515 = arith.constant dense<0.000000e+00> : vector<128x128xf32>
    %dot_general3A_516 = tpu.matmul %select_n3A_514, %convert_element_type3A_47, %dot_general3A_515 {dimension_numbers = #tpu.dot_dimension_numbers<[0], [0], [1], [1], [0, 1, 1, 1], [], []>, transpose_lhs_hint = false} : vector<128x128xf32>, vector<128x128xf32>, vector<128x128xf32> -> vector<128x128xf32>
    %swap3A_517 = arith.constant 1280 : index
    %swap3A_518 = arith.constant 0 : index
    %swap3A_519 = vector.load %arg4[%swap3A_517, %swap3A_518] : memref<4096x128xf32, #tpu.memory_space<vmem>>, vector<128x128xf32>
    tpu.vector_store %arg4[%swap3A_517, %swap3A_518], %dot_general3A_516 {strides = array<i32>} : memref<4096x128xf32, #tpu.memory_space<vmem>>, vector<128x128xf32>,
    %slice3A_520 = vector.extract_strided_slice %get3A_51 {offsets = [0, 11264], sizes = [16, 1024], strides = [1, 1]} : vector<16x32768xf32> to vector<16x1024xf32>
    %reshape3A_521 = vector.shape_cast %slice3A_520 : vector<16x1024xf32> to vector<128x128xf32>
    %add3A_522 = arith.constant 11264 : i32
    %add3A_523 = arith.addi %mul3A_49, %add3A_522 : i32
    %jit3A_524 = arith.constant 8 : i32
    %eq3A_525 = arith.constant 0 : i32
    %eq3A_526 = arith.cmpi eq, %jit3A_524, %eq3A_525 : i32
    %jit3A_527 = arith.constant 1 : i32
    %select_n3A_528 = arith.select %eq3A_526, %jit3A_527, %jit3A_524 : i32
    %rem3A_529 = vector.broadcast %select_n3A_528 : i32 to vector<128x128xi32>
    %rem3A_530 = arith.remsi %iota3A, %rem3A_529 : vector<128x128xi32>
    %ne3A_531 = arith.constant 0 : i32
    %ne3A_532 = vector.broadcast %ne3A_531 : i32 to vector<128x128xi32>
    %ne3A_533 = arith.cmpi ne, %rem3A_530, %ne3A_532 : vector<128x128xi32>
    %lt3A_534 = arith.constant 0 : i32
    %lt3A_535 = vector.broadcast %lt3A_534 : i32 to vector<128x128xi32>
    %lt3A_536 = arith.cmpi slt, %rem3A_530, %lt3A_535 : vector<128x128xi32>
    %lt3A_537 = arith.constant 0 : i32
    %lt3A_538 = arith.cmpi slt, %select_n3A_528, %lt3A_537 : i32
    %ne3A_539 = vector.broadcast %lt3A_538 : i1 to vector<128x128xi1>
    %ne3A_540 = vector.broadcast %ne3A_539 : vector<128x128xi1> to vector<128x128xi1>
    %ne3A_541 = arith.xori %lt3A_536, %ne3A_540 : vector<128x128xi1>
    %and3A_542 = arith.andi %ne3A_541, %ne3A_533 : vector<128x128xi1>
    %add3A_543 = vector.broadcast %select_n3A_528 : i32 to vector<128x128xi32>
    %add3A_544 = arith.addi %rem3A_530, %add3A_543 : vector<128x128xi32>
    %select_n3A_545 = arith.select %and3A_542, %add3A_544, %rem3A_530 : vector<128x128xi1>, vector<128x128xi32>
    %mul3A_546 = arith.constant 128 : i32
    %mul3A_547 = vector.broadcast %mul3A_546 : i32 to vector<128x128xi32>
    %mul3A_548 = arith.muli %select_n3A_545, %mul3A_547 : vector<128x128xi32>
    %add3A_549 = vector.broadcast %add3A_523 : i32 to vector<128x128xi32>
    %add3A_550 = arith.addi %add3A_549, %mul3A_548 : vector<128x128xi32>
    %add3A_551 = arith.addi %add3A_550, %iota3A_0 : vector<128x128xi32>
    %lt3A_552 = arith.constant 1000001 : i32
    %lt3A_553 = vector.broadcast %lt3A_552 : i32 to vector<128x128xi32>
    %lt3A_554 = arith.cmpi slt, %add3A_551, %lt3A_553 : vector<128x128xi32>
    %jit3A_555 = arith.constant 0.000000e+00 : f32
    %broadcast_in_dim3A_556 = vector.broadcast %jit3A_555 : f32 to vector<128x128xf32>
    %select_n3A_557 = arith.select %lt3A_554, %reshape3A_521, %broadcast_in_dim3A_556 : vector<128x128xi1>, vector<128x128xf32>
    %dot_general3A_558 = arith.constant dense<0.000000e+00> : vector<128x128xf32>
    %dot_general3A_559 = tpu.matmul %select_n3A_557, %convert_element_type3A_47, %dot_general3A_558 {dimension_numbers = #tpu.dot_dimension_numbers<[0], [0], [1], [1], [0, 1, 1, 1], [], []>, transpose_lhs_hint = false} : vector<128x128xf32>, vector<128x128xf32>, vector<128x128xf32> -> vector<128x128xf32>
    %swap3A_560 = arith.constant 1408 : index
    %swap3A_561 = arith.constant 0 : index
    %swap3A_562 = vector.load %arg4[%swap3A_560, %swap3A_561] : memref<4096x128xf32, #tpu.memory_space<vmem>>, vector<128x128xf32>
    tpu.vector_store %arg4[%swap3A_560, %swap3A_561], %dot_general3A_559 {strides = array<i32>} : memref<4096x128xf32, #tpu.memory_space<vmem>>, vector<128x128xf32>,
    %slice3A_563 = vector.extract_strided_slice %get3A_51 {offsets = [0, 12288], sizes = [16, 1024], strides = [1, 1]} : vector<16x32768xf32> to vector<16x1024xf32>
    %reshape3A_564 = vector.shape_cast %slice3A_563 : vector<16x1024xf32> to vector<128x128xf32>
    %add3A_565 = arith.constant 12288 : i32
    %add3A_566 = arith.addi %mul3A_49, %add3A_565 : i32
    %jit3A_567 = arith.constant 8 : i32
    %eq3A_568 = arith.constant 0 : i32
    %eq3A_569 = arith.cmpi eq, %jit3A_567, %eq3A_568 : i32
    %jit3A_570 = arith.constant 1 : i32
    %select_n3A_571 = arith.select %eq3A_569, %jit3A_570, %jit3A_567 : i32
    %rem3A_572 = vector.broadcast %select_n3A_571 : i32 to vector<128x128xi32>
    %rem3A_573 = arith.remsi %iota3A, %rem3A_572 : vector<128x128xi32>
    %ne3A_574 = arith.constant 0 : i32
    %ne3A_575 = vector.broadcast %ne3A_574 : i32 to vector<128x128xi32>
    %ne3A_576 = arith.cmpi ne, %rem3A_573, %ne3A_575 : vector<128x128xi32>
    %lt3A_577 = arith.constant 0 : i32
    %lt3A_578 = vector.broadcast %lt3A_577 : i32 to vector<128x128xi32>
    %lt3A_579 = arith.cmpi slt, %rem3A_573, %lt3A_578 : vector<128x128xi32>
    %lt3A_580 = arith.constant 0 : i32
    %lt3A_581 = arith.cmpi slt, %select_n3A_571, %lt3A_580 : i32
    %ne3A_582 = vector.broadcast %lt3A_581 : i1 to vector<128x128xi1>
    %ne3A_583 = vector.broadcast %ne3A_582 : vector<128x128xi1> to vector<128x128xi1>
    %ne3A_584 = arith.xori %lt3A_579, %ne3A_583 : vector<128x128xi1>
    %and3A_585 = arith.andi %ne3A_584, %ne3A_576 : vector<128x128xi1>
    %add3A_586 = vector.broadcast %select_n3A_571 : i32 to vector<128x128xi32>
    %add3A_587 = arith.addi %rem3A_573, %add3A_586 : vector<128x128xi32>
    %select_n3A_588 = arith.select %and3A_585, %add3A_587, %rem3A_573 : vector<128x128xi1>, vector<128x128xi32>
    %mul3A_589 = arith.constant 128 : i32
    %mul3A_590 = vector.broadcast %mul3A_589 : i32 to vector<128x128xi32>
    %mul3A_591 = arith.muli %select_n3A_588, %mul3A_590 : vector<128x128xi32>
    %add3A_592 = vector.broadcast %add3A_566 : i32 to vector<128x128xi32>
    %add3A_593 = arith.addi %add3A_592, %mul3A_591 : vector<128x128xi32>
    %add3A_594 = arith.addi %add3A_593, %iota3A_0 : vector<128x128xi32>
    %lt3A_595 = arith.constant 1000001 : i32
    %lt3A_596 = vector.broadcast %lt3A_595 : i32 to vector<128x128xi32>
    %lt3A_597 = arith.cmpi slt, %add3A_594, %lt3A_596 : vector<128x128xi32>
    %jit3A_598 = arith.constant 0.000000e+00 : f32
    %broadcast_in_dim3A_599 = vector.broadcast %jit3A_598 : f32 to vector<128x128xf32>
    %select_n3A_600 = arith.select %lt3A_597, %reshape3A_564, %broadcast_in_dim3A_599 : vector<128x128xi1>, vector<128x128xf32>
    %dot_general3A_601 = arith.constant dense<0.000000e+00> : vector<128x128xf32>
    %dot_general3A_602 = tpu.matmul %select_n3A_600, %convert_element_type3A_47, %dot_general3A_601 {dimension_numbers = #tpu.dot_dimension_numbers<[0], [0], [1], [1], [0, 1, 1, 1], [], []>, transpose_lhs_hint = false} : vector<128x128xf32>, vector<128x128xf32>, vector<128x128xf32> -> vector<128x128xf32>
    %swap3A_603 = arith.constant 1536 : index
    %swap3A_604 = arith.constant 0 : index
    %swap3A_605 = vector.load %arg4[%swap3A_603, %swap3A_604] : memref<4096x128xf32, #tpu.memory_space<vmem>>, vector<128x128xf32>
    tpu.vector_store %arg4[%swap3A_603, %swap3A_604], %dot_general3A_602 {strides = array<i32>} : memref<4096x128xf32, #tpu.memory_space<vmem>>, vector<128x128xf32>,
    %slice3A_606 = vector.extract_strided_slice %get3A_51 {offsets = [0, 13312], sizes = [16, 1024], strides = [1, 1]} : vector<16x32768xf32> to vector<16x1024xf32>
    %reshape3A_607 = vector.shape_cast %slice3A_606 : vector<16x1024xf32> to vector<128x128xf32>
    %add3A_608 = arith.constant 13312 : i32
    %add3A_609 = arith.addi %mul3A_49, %add3A_608 : i32
    %jit3A_610 = arith.constant 8 : i32
    %eq3A_611 = arith.constant 0 : i32
    %eq3A_612 = arith.cmpi eq, %jit3A_610, %eq3A_611 : i32
    %jit3A_613 = arith.constant 1 : i32
    %select_n3A_614 = arith.select %eq3A_612, %jit3A_613, %jit3A_610 : i32
    %rem3A_615 = vector.broadcast %select_n3A_614 : i32 to vector<128x128xi32>
    %rem3A_616 = arith.remsi %iota3A, %rem3A_615 : vector<128x128xi32>
    %ne3A_617 = arith.constant 0 : i32
    %ne3A_618 = vector.broadcast %ne3A_617 : i32 to vector<128x128xi32>
    %ne3A_619 = arith.cmpi ne, %rem3A_616, %ne3A_618 : vector<128x128xi32>
    %lt3A_620 = arith.constant 0 : i32
    %lt3A_621 = vector.broadcast %lt3A_620 : i32 to vector<128x128xi32>
    %lt3A_622 = arith.cmpi slt, %rem3A_616, %lt3A_621 : vector<128x128xi32>
    %lt3A_623 = arith.constant 0 : i32
    %lt3A_624 = arith.cmpi slt, %select_n3A_614, %lt3A_623 : i32
    %ne3A_625 = vector.broadcast %lt3A_624 : i1 to vector<128x128xi1>
    %ne3A_626 = vector.broadcast %ne3A_625 : vector<128x128xi1> to vector<128x128xi1>
    %ne3A_627 = arith.xori %lt3A_622, %ne3A_626 : vector<128x128xi1>
    %and3A_628 = arith.andi %ne3A_627, %ne3A_619 : vector<128x128xi1>
    %add3A_629 = vector.broadcast %select_n3A_614 : i32 to vector<128x128xi32>
    %add3A_630 = arith.addi %rem3A_616, %add3A_629 : vector<128x128xi32>
    %select_n3A_631 = arith.select %and3A_628, %add3A_630, %rem3A_616 : vector<128x128xi1>, vector<128x128xi32>
    %mul3A_632 = arith.constant 128 : i32
    %mul3A_633 = vector.broadcast %mul3A_632 : i32 to vector<128x128xi32>
    %mul3A_634 = arith.muli %select_n3A_631, %mul3A_633 : vector<128x128xi32>
    %add3A_635 = vector.broadcast %add3A_609 : i32 to vector<128x128xi32>
    %add3A_636 = arith.addi %add3A_635, %mul3A_634 : vector<128x128xi32>
    %add3A_637 = arith.addi %add3A_636, %iota3A_0 : vector<128x128xi32>
    %lt3A_638 = arith.constant 1000001 : i32
    %lt3A_639 = vector.broadcast %lt3A_638 : i32 to vector<128x128xi32>
    %lt3A_640 = arith.cmpi slt, %add3A_637, %lt3A_639 : vector<128x128xi32>
    %jit3A_641 = arith.constant 0.000000e+00 : f32
    %broadcast_in_dim3A_642 = vector.broadcast %jit3A_641 : f32 to vector<128x128xf32>
    %select_n3A_643 = arith.select %lt3A_640, %reshape3A_607, %broadcast_in_dim3A_642 : vector<128x128xi1>, vector<128x128xf32>
    %dot_general3A_644 = arith.constant dense<0.000000e+00> : vector<128x128xf32>
    %dot_general3A_645 = tpu.matmul %select_n3A_643, %convert_element_type3A_47, %dot_general3A_644 {dimension_numbers = #tpu.dot_dimension_numbers<[0], [0], [1], [1], [0, 1, 1, 1], [], []>, transpose_lhs_hint = false} : vector<128x128xf32>, vector<128x128xf32>, vector<128x128xf32> -> vector<128x128xf32>
    %swap3A_646 = arith.constant 1664 : index
    %swap3A_647 = arith.constant 0 : index
    %swap3A_648 = vector.load %arg4[%swap3A_646, %swap3A_647] : memref<4096x128xf32, #tpu.memory_space<vmem>>, vector<128x128xf32>
    tpu.vector_store %arg4[%swap3A_646, %swap3A_647], %dot_general3A_645 {strides = array<i32>} : memref<4096x128xf32, #tpu.memory_space<vmem>>, vector<128x128xf32>,
    %slice3A_649 = vector.extract_strided_slice %get3A_51 {offsets = [0, 14336], sizes = [16, 1024], strides = [1, 1]} : vector<16x32768xf32> to vector<16x1024xf32>
    %reshape3A_650 = vector.shape_cast %slice3A_649 : vector<16x1024xf32> to vector<128x128xf32>
    %add3A_651 = arith.constant 14336 : i32
    %add3A_652 = arith.addi %mul3A_49, %add3A_651 : i32
    %jit3A_653 = arith.constant 8 : i32
    %eq3A_654 = arith.constant 0 : i32
    %eq3A_655 = arith.cmpi eq, %jit3A_653, %eq3A_654 : i32
    %jit3A_656 = arith.constant 1 : i32
    %select_n3A_657 = arith.select %eq3A_655, %jit3A_656, %jit3A_653 : i32
    %rem3A_658 = vector.broadcast %select_n3A_657 : i32 to vector<128x128xi32>
    %rem3A_659 = arith.remsi %iota3A, %rem3A_658 : vector<128x128xi32>
    %ne3A_660 = arith.constant 0 : i32
    %ne3A_661 = vector.broadcast %ne3A_660 : i32 to vector<128x128xi32>
    %ne3A_662 = arith.cmpi ne, %rem3A_659, %ne3A_661 : vector<128x128xi32>
    %lt3A_663 = arith.constant 0 : i32
    %lt3A_664 = vector.broadcast %lt3A_663 : i32 to vector<128x128xi32>
    %lt3A_665 = arith.cmpi slt, %rem3A_659, %lt3A_664 : vector<128x128xi32>
    %lt3A_666 = arith.constant 0 : i32
    %lt3A_667 = arith.cmpi slt, %select_n3A_657, %lt3A_666 : i32
    %ne3A_668 = vector.broadcast %lt3A_667 : i1 to vector<128x128xi1>
    %ne3A_669 = vector.broadcast %ne3A_668 : vector<128x128xi1> to vector<128x128xi1>
    %ne3A_670 = arith.xori %lt3A_665, %ne3A_669 : vector<128x128xi1>
    %and3A_671 = arith.andi %ne3A_670, %ne3A_662 : vector<128x128xi1>
    %add3A_672 = vector.broadcast %select_n3A_657 : i32 to vector<128x128xi32>
    %add3A_673 = arith.addi %rem3A_659, %add3A_672 : vector<128x128xi32>
    %select_n3A_674 = arith.select %and3A_671, %add3A_673, %rem3A_659 : vector<128x128xi1>, vector<128x128xi32>
    %mul3A_675 = arith.constant 128 : i32
    %mul3A_676 = vector.broadcast %mul3A_675 : i32 to vector<128x128xi32>
    %mul3A_677 = arith.muli %select_n3A_674, %mul3A_676 : vector<128x128xi32>
    %add3A_678 = vector.broadcast %add3A_652 : i32 to vector<128x128xi32>
    %add3A_679 = arith.addi %add3A_678, %mul3A_677 : vector<128x128xi32>
    %add3A_680 = arith.addi %add3A_679, %iota3A_0 : vector<128x128xi32>
    %lt3A_681 = arith.constant 1000001 : i32
    %lt3A_682 = vector.broadcast %lt3A_681 : i32 to vector<128x128xi32>
    %lt3A_683 = arith.cmpi slt, %add3A_680, %lt3A_682 : vector<128x128xi32>
    %jit3A_684 = arith.constant 0.000000e+00 : f32
    %broadcast_in_dim3A_685 = vector.broadcast %jit3A_684 : f32 to vector<128x128xf32>
    %select_n3A_686 = arith.select %lt3A_683, %reshape3A_650, %broadcast_in_dim3A_685 : vector<128x128xi1>, vector<128x128xf32>
    %dot_general3A_687 = arith.constant dense<0.000000e+00> : vector<128x128xf32>
    %dot_general3A_688 = tpu.matmul %select_n3A_686, %convert_element_type3A_47, %dot_general3A_687 {dimension_numbers = #tpu.dot_dimension_numbers<[0], [0], [1], [1], [0, 1, 1, 1], [], []>, transpose_lhs_hint = false} : vector<128x128xf32>, vector<128x128xf32>, vector<128x128xf32> -> vector<128x128xf32>
    %swap3A_689 = arith.constant 1792 : index
    %swap3A_690 = arith.constant 0 : index
    %swap3A_691 = vector.load %arg4[%swap3A_689, %swap3A_690] : memref<4096x128xf32, #tpu.memory_space<vmem>>, vector<128x128xf32>
    tpu.vector_store %arg4[%swap3A_689, %swap3A_690], %dot_general3A_688 {strides = array<i32>} : memref<4096x128xf32, #tpu.memory_space<vmem>>, vector<128x128xf32>,
    %slice3A_692 = vector.extract_strided_slice %get3A_51 {offsets = [0, 15360], sizes = [16, 1024], strides = [1, 1]} : vector<16x32768xf32> to vector<16x1024xf32>
    %reshape3A_693 = vector.shape_cast %slice3A_692 : vector<16x1024xf32> to vector<128x128xf32>
    %add3A_694 = arith.constant 15360 : i32
    %add3A_695 = arith.addi %mul3A_49, %add3A_694 : i32
    %jit3A_696 = arith.constant 8 : i32
    %eq3A_697 = arith.constant 0 : i32
    %eq3A_698 = arith.cmpi eq, %jit3A_696, %eq3A_697 : i32
    %jit3A_699 = arith.constant 1 : i32
    %select_n3A_700 = arith.select %eq3A_698, %jit3A_699, %jit3A_696 : i32
    %rem3A_701 = vector.broadcast %select_n3A_700 : i32 to vector<128x128xi32>
    %rem3A_702 = arith.remsi %iota3A, %rem3A_701 : vector<128x128xi32>
    %ne3A_703 = arith.constant 0 : i32
    %ne3A_704 = vector.broadcast %ne3A_703 : i32 to vector<128x128xi32>
    %ne3A_705 = arith.cmpi ne, %rem3A_702, %ne3A_704 : vector<128x128xi32>
    %lt3A_706 = arith.constant 0 : i32
    %lt3A_707 = vector.broadcast %lt3A_706 : i32 to vector<128x128xi32>
    %lt3A_708 = arith.cmpi slt, %rem3A_702, %lt3A_707 : vector<128x128xi32>
    %lt3A_709 = arith.constant 0 : i32
    %lt3A_710 = arith.cmpi slt, %select_n3A_700, %lt3A_709 : i32
    %ne3A_711 = vector.broadcast %lt3A_710 : i1 to vector<128x128xi1>
    %ne3A_712 = vector.broadcast %ne3A_711 : vector<128x128xi1> to vector<128x128xi1>
    %ne3A_713 = arith.xori %lt3A_708, %ne3A_712 : vector<128x128xi1>
    %and3A_714 = arith.andi %ne3A_713, %ne3A_705 : vector<128x128xi1>
    %add3A_715 = vector.broadcast %select_n3A_700 : i32 to vector<128x128xi32>
    %add3A_716 = arith.addi %rem3A_702, %add3A_715 : vector<128x128xi32>
    %select_n3A_717 = arith.select %and3A_714, %add3A_716, %rem3A_702 : vector<128x128xi1>, vector<128x128xi32>
    %mul3A_718 = arith.constant 128 : i32
    %mul3A_719 = vector.broadcast %mul3A_718 : i32 to vector<128x128xi32>
    %mul3A_720 = arith.muli %select_n3A_717, %mul3A_719 : vector<128x128xi32>
    %add3A_721 = vector.broadcast %add3A_695 : i32 to vector<128x128xi32>
    %add3A_722 = arith.addi %add3A_721, %mul3A_720 : vector<128x128xi32>
    %add3A_723 = arith.addi %add3A_722, %iota3A_0 : vector<128x128xi32>
    %lt3A_724 = arith.constant 1000001 : i32
    %lt3A_725 = vector.broadcast %lt3A_724 : i32 to vector<128x128xi32>
    %lt3A_726 = arith.cmpi slt, %add3A_723, %lt3A_725 : vector<128x128xi32>
    %jit3A_727 = arith.constant 0.000000e+00 : f32
    %broadcast_in_dim3A_728 = vector.broadcast %jit3A_727 : f32 to vector<128x128xf32>
    %select_n3A_729 = arith.select %lt3A_726, %reshape3A_693, %broadcast_in_dim3A_728 : vector<128x128xi1>, vector<128x128xf32>
    %dot_general3A_730 = arith.constant dense<0.000000e+00> : vector<128x128xf32>
    %dot_general3A_731 = tpu.matmul %select_n3A_729, %convert_element_type3A_47, %dot_general3A_730 {dimension_numbers = #tpu.dot_dimension_numbers<[0], [0], [1], [1], [0, 1, 1, 1], [], []>, transpose_lhs_hint = false} : vector<128x128xf32>, vector<128x128xf32>, vector<128x128xf32> -> vector<128x128xf32>
    %swap3A_732 = arith.constant 1920 : index
    %swap3A_733 = arith.constant 0 : index
    %swap3A_734 = vector.load %arg4[%swap3A_732, %swap3A_733] : memref<4096x128xf32, #tpu.memory_space<vmem>>, vector<128x128xf32>
    tpu.vector_store %arg4[%swap3A_732, %swap3A_733], %dot_general3A_731 {strides = array<i32>} : memref<4096x128xf32, #tpu.memory_space<vmem>>, vector<128x128xf32>,
    %slice3A_735 = vector.extract_strided_slice %get3A_51 {offsets = [0, 16384], sizes = [16, 1024], strides = [1, 1]} : vector<16x32768xf32> to vector<16x1024xf32>
    %reshape3A_736 = vector.shape_cast %slice3A_735 : vector<16x1024xf32> to vector<128x128xf32>
    %add3A_737 = arith.constant 16384 : i32
    %add3A_738 = arith.addi %mul3A_49, %add3A_737 : i32
    %jit3A_739 = arith.constant 8 : i32
    %eq3A_740 = arith.constant 0 : i32
    %eq3A_741 = arith.cmpi eq, %jit3A_739, %eq3A_740 : i32
    %jit3A_742 = arith.constant 1 : i32
    %select_n3A_743 = arith.select %eq3A_741, %jit3A_742, %jit3A_739 : i32
    %rem3A_744 = vector.broadcast %select_n3A_743 : i32 to vector<128x128xi32>
    %rem3A_745 = arith.remsi %iota3A, %rem3A_744 : vector<128x128xi32>
    %ne3A_746 = arith.constant 0 : i32
    %ne3A_747 = vector.broadcast %ne3A_746 : i32 to vector<128x128xi32>
    %ne3A_748 = arith.cmpi ne, %rem3A_745, %ne3A_747 : vector<128x128xi32>
    %lt3A_749 = arith.constant 0 : i32
    %lt3A_750 = vector.broadcast %lt3A_749 : i32 to vector<128x128xi32>
    %lt3A_751 = arith.cmpi slt, %rem3A_745, %lt3A_750 : vector<128x128xi32>
    %lt3A_752 = arith.constant 0 : i32
    %lt3A_753 = arith.cmpi slt, %select_n3A_743, %lt3A_752 : i32
    %ne3A_754 = vector.broadcast %lt3A_753 : i1 to vector<128x128xi1>
    %ne3A_755 = vector.broadcast %ne3A_754 : vector<128x128xi1> to vector<128x128xi1>
    %ne3A_756 = arith.xori %lt3A_751, %ne3A_755 : vector<128x128xi1>
    %and3A_757 = arith.andi %ne3A_756, %ne3A_748 : vector<128x128xi1>
    %add3A_758 = vector.broadcast %select_n3A_743 : i32 to vector<128x128xi32>
    %add3A_759 = arith.addi %rem3A_745, %add3A_758 : vector<128x128xi32>
    %select_n3A_760 = arith.select %and3A_757, %add3A_759, %rem3A_745 : vector<128x128xi1>, vector<128x128xi32>
    %mul3A_761 = arith.constant 128 : i32
    %mul3A_762 = vector.broadcast %mul3A_761 : i32 to vector<128x128xi32>
    %mul3A_763 = arith.muli %select_n3A_760, %mul3A_762 : vector<128x128xi32>
    %add3A_764 = vector.broadcast %add3A_738 : i32 to vector<128x128xi32>
    %add3A_765 = arith.addi %add3A_764, %mul3A_763 : vector<128x128xi32>
    %add3A_766 = arith.addi %add3A_765, %iota3A_0 : vector<128x128xi32>
    %lt3A_767 = arith.constant 1000001 : i32
    %lt3A_768 = vector.broadcast %lt3A_767 : i32 to vector<128x128xi32>
    %lt3A_769 = arith.cmpi slt, %add3A_766, %lt3A_768 : vector<128x128xi32>
    %jit3A_770 = arith.constant 0.000000e+00 : f32
    %broadcast_in_dim3A_771 = vector.broadcast %jit3A_770 : f32 to vector<128x128xf32>
    %select_n3A_772 = arith.select %lt3A_769, %reshape3A_736, %broadcast_in_dim3A_771 : vector<128x128xi1>, vector<128x128xf32>
    %dot_general3A_773 = arith.constant dense<0.000000e+00> : vector<128x128xf32>
    %dot_general3A_774 = tpu.matmul %select_n3A_772, %convert_element_type3A_47, %dot_general3A_773 {dimension_numbers = #tpu.dot_dimension_numbers<[0], [0], [1], [1], [0, 1, 1, 1], [], []>, transpose_lhs_hint = false} : vector<128x128xf32>, vector<128x128xf32>, vector<128x128xf32> -> vector<128x128xf32>
    %swap3A_775 = arith.constant 2048 : index
    %swap3A_776 = arith.constant 0 : index
    %swap3A_777 = vector.load %arg4[%swap3A_775, %swap3A_776] : memref<4096x128xf32, #tpu.memory_space<vmem>>, vector<128x128xf32>
    tpu.vector_store %arg4[%swap3A_775, %swap3A_776], %dot_general3A_774 {strides = array<i32>} : memref<4096x128xf32, #tpu.memory_space<vmem>>, vector<128x128xf32>,
    %slice3A_778 = vector.extract_strided_slice %get3A_51 {offsets = [0, 17408], sizes = [16, 1024], strides = [1, 1]} : vector<16x32768xf32> to vector<16x1024xf32>
    %reshape3A_779 = vector.shape_cast %slice3A_778 : vector<16x1024xf32> to vector<128x128xf32>
    %add3A_780 = arith.constant 17408 : i32
    %add3A_781 = arith.addi %mul3A_49, %add3A_780 : i32
    %jit3A_782 = arith.constant 8 : i32
    %eq3A_783 = arith.constant 0 : i32
    %eq3A_784 = arith.cmpi eq, %jit3A_782, %eq3A_783 : i32
    %jit3A_785 = arith.constant 1 : i32
    %select_n3A_786 = arith.select %eq3A_784, %jit3A_785, %jit3A_782 : i32
    %rem3A_787 = vector.broadcast %select_n3A_786 : i32 to vector<128x128xi32>
    %rem3A_788 = arith.remsi %iota3A, %rem3A_787 : vector<128x128xi32>
    %ne3A_789 = arith.constant 0 : i32
    %ne3A_790 = vector.broadcast %ne3A_789 : i32 to vector<128x128xi32>
    %ne3A_791 = arith.cmpi ne, %rem3A_788, %ne3A_790 : vector<128x128xi32>
    %lt3A_792 = arith.constant 0 : i32
    %lt3A_793 = vector.broadcast %lt3A_792 : i32 to vector<128x128xi32>
    %lt3A_794 = arith.cmpi slt, %rem3A_788, %lt3A_793 : vector<128x128xi32>
    %lt3A_795 = arith.constant 0 : i32
    %lt3A_796 = arith.cmpi slt, %select_n3A_786, %lt3A_795 : i32
    %ne3A_797 = vector.broadcast %lt3A_796 : i1 to vector<128x128xi1>
    %ne3A_798 = vector.broadcast %ne3A_797 : vector<128x128xi1> to vector<128x128xi1>
    %ne3A_799 = arith.xori %lt3A_794, %ne3A_798 : vector<128x128xi1>
    %and3A_800 = arith.andi %ne3A_799, %ne3A_791 : vector<128x128xi1>
    %add3A_801 = vector.broadcast %select_n3A_786 : i32 to vector<128x128xi32>
    %add3A_802 = arith.addi %rem3A_788, %add3A_801 : vector<128x128xi32>
    %select_n3A_803 = arith.select %and3A_800, %add3A_802, %rem3A_788 : vector<128x128xi1>, vector<128x128xi32>
    %mul3A_804 = arith.constant 128 : i32
    %mul3A_805 = vector.broadcast %mul3A_804 : i32 to vector<128x128xi32>
    %mul3A_806 = arith.muli %select_n3A_803, %mul3A_805 : vector<128x128xi32>
    %add3A_807 = vector.broadcast %add3A_781 : i32 to vector<128x128xi32>
    %add3A_808 = arith.addi %add3A_807, %mul3A_806 : vector<128x128xi32>
    %add3A_809 = arith.addi %add3A_808, %iota3A_0 : vector<128x128xi32>
    %lt3A_810 = arith.constant 1000001 : i32
    %lt3A_811 = vector.broadcast %lt3A_810 : i32 to vector<128x128xi32>
    %lt3A_812 = arith.cmpi slt, %add3A_809, %lt3A_811 : vector<128x128xi32>
    %jit3A_813 = arith.constant 0.000000e+00 : f32
    %broadcast_in_dim3A_814 = vector.broadcast %jit3A_813 : f32 to vector<128x128xf32>
    %select_n3A_815 = arith.select %lt3A_812, %reshape3A_779, %broadcast_in_dim3A_814 : vector<128x128xi1>, vector<128x128xf32>
    %dot_general3A_816 = arith.constant dense<0.000000e+00> : vector<128x128xf32>
    %dot_general3A_817 = tpu.matmul %select_n3A_815, %convert_element_type3A_47, %dot_general3A_816 {dimension_numbers = #tpu.dot_dimension_numbers<[0], [0], [1], [1], [0, 1, 1, 1], [], []>, transpose_lhs_hint = false} : vector<128x128xf32>, vector<128x128xf32>, vector<128x128xf32> -> vector<128x128xf32>
    %swap3A_818 = arith.constant 2176 : index
    %swap3A_819 = arith.constant 0 : index
    %swap3A_820 = vector.load %arg4[%swap3A_818, %swap3A_819] : memref<4096x128xf32, #tpu.memory_space<vmem>>, vector<128x128xf32>
    tpu.vector_store %arg4[%swap3A_818, %swap3A_819], %dot_general3A_817 {strides = array<i32>} : memref<4096x128xf32, #tpu.memory_space<vmem>>, vector<128x128xf32>,
    %slice3A_821 = vector.extract_strided_slice %get3A_51 {offsets = [0, 18432], sizes = [16, 1024], strides = [1, 1]} : vector<16x32768xf32> to vector<16x1024xf32>
    %reshape3A_822 = vector.shape_cast %slice3A_821 : vector<16x1024xf32> to vector<128x128xf32>
    %add3A_823 = arith.constant 18432 : i32
    %add3A_824 = arith.addi %mul3A_49, %add3A_823 : i32
    %jit3A_825 = arith.constant 8 : i32
    %eq3A_826 = arith.constant 0 : i32
    %eq3A_827 = arith.cmpi eq, %jit3A_825, %eq3A_826 : i32
    %jit3A_828 = arith.constant 1 : i32
    %select_n3A_829 = arith.select %eq3A_827, %jit3A_828, %jit3A_825 : i32
    %rem3A_830 = vector.broadcast %select_n3A_829 : i32 to vector<128x128xi32>
    %rem3A_831 = arith.remsi %iota3A, %rem3A_830 : vector<128x128xi32>
    %ne3A_832 = arith.constant 0 : i32
    %ne3A_833 = vector.broadcast %ne3A_832 : i32 to vector<128x128xi32>
    %ne3A_834 = arith.cmpi ne, %rem3A_831, %ne3A_833 : vector<128x128xi32>
    %lt3A_835 = arith.constant 0 : i32
    %lt3A_836 = vector.broadcast %lt3A_835 : i32 to vector<128x128xi32>
    %lt3A_837 = arith.cmpi slt, %rem3A_831, %lt3A_836 : vector<128x128xi32>
    %lt3A_838 = arith.constant 0 : i32
    %lt3A_839 = arith.cmpi slt, %select_n3A_829, %lt3A_838 : i32
    %ne3A_840 = vector.broadcast %lt3A_839 : i1 to vector<128x128xi1>
    %ne3A_841 = vector.broadcast %ne3A_840 : vector<128x128xi1> to vector<128x128xi1>
    %ne3A_842 = arith.xori %lt3A_837, %ne3A_841 : vector<128x128xi1>
    %and3A_843 = arith.andi %ne3A_842, %ne3A_834 : vector<128x128xi1>
    %add3A_844 = vector.broadcast %select_n3A_829 : i32 to vector<128x128xi32>
    %add3A_845 = arith.addi %rem3A_831, %add3A_844 : vector<128x128xi32>
    %select_n3A_846 = arith.select %and3A_843, %add3A_845, %rem3A_831 : vector<128x128xi1>, vector<128x128xi32>
    %mul3A_847 = arith.constant 128 : i32
    %mul3A_848 = vector.broadcast %mul3A_847 : i32 to vector<128x128xi32>
    %mul3A_849 = arith.muli %select_n3A_846, %mul3A_848 : vector<128x128xi32>
    %add3A_850 = vector.broadcast %add3A_824 : i32 to vector<128x128xi32>
    %add3A_851 = arith.addi %add3A_850, %mul3A_849 : vector<128x128xi32>
    %add3A_852 = arith.addi %add3A_851, %iota3A_0 : vector<128x128xi32>
    %lt3A_853 = arith.constant 1000001 : i32
    %lt3A_854 = vector.broadcast %lt3A_853 : i32 to vector<128x128xi32>
    %lt3A_855 = arith.cmpi slt, %add3A_852, %lt3A_854 : vector<128x128xi32>
    %jit3A_856 = arith.constant 0.000000e+00 : f32
    %broadcast_in_dim3A_857 = vector.broadcast %jit3A_856 : f32 to vector<128x128xf32>
    %select_n3A_858 = arith.select %lt3A_855, %reshape3A_822, %broadcast_in_dim3A_857 : vector<128x128xi1>, vector<128x128xf32>
    %dot_general3A_859 = arith.constant dense<0.000000e+00> : vector<128x128xf32>
    %dot_general3A_860 = tpu.matmul %select_n3A_858, %convert_element_type3A_47, %dot_general3A_859 {dimension_numbers = #tpu.dot_dimension_numbers<[0], [0], [1], [1], [0, 1, 1, 1], [], []>, transpose_lhs_hint = false} : vector<128x128xf32>, vector<128x128xf32>, vector<128x128xf32> -> vector<128x128xf32>
    %swap3A_861 = arith.constant 2304 : index
    %swap3A_862 = arith.constant 0 : index
    %swap3A_863 = vector.load %arg4[%swap3A_861, %swap3A_862] : memref<4096x128xf32, #tpu.memory_space<vmem>>, vector<128x128xf32>
    tpu.vector_store %arg4[%swap3A_861, %swap3A_862], %dot_general3A_860 {strides = array<i32>} : memref<4096x128xf32, #tpu.memory_space<vmem>>, vector<128x128xf32>,
    %slice3A_864 = vector.extract_strided_slice %get3A_51 {offsets = [0, 19456], sizes = [16, 1024], strides = [1, 1]} : vector<16x32768xf32> to vector<16x1024xf32>
    %reshape3A_865 = vector.shape_cast %slice3A_864 : vector<16x1024xf32> to vector<128x128xf32>
    %add3A_866 = arith.constant 19456 : i32
    %add3A_867 = arith.addi %mul3A_49, %add3A_866 : i32
    %jit3A_868 = arith.constant 8 : i32
    %eq3A_869 = arith.constant 0 : i32
    %eq3A_870 = arith.cmpi eq, %jit3A_868, %eq3A_869 : i32
    %jit3A_871 = arith.constant 1 : i32
    %select_n3A_872 = arith.select %eq3A_870, %jit3A_871, %jit3A_868 : i32
    %rem3A_873 = vector.broadcast %select_n3A_872 : i32 to vector<128x128xi32>
    %rem3A_874 = arith.remsi %iota3A, %rem3A_873 : vector<128x128xi32>
    %ne3A_875 = arith.constant 0 : i32
    %ne3A_876 = vector.broadcast %ne3A_875 : i32 to vector<128x128xi32>
    %ne3A_877 = arith.cmpi ne, %rem3A_874, %ne3A_876 : vector<128x128xi32>
    %lt3A_878 = arith.constant 0 : i32
    %lt3A_879 = vector.broadcast %lt3A_878 : i32 to vector<128x128xi32>
    %lt3A_880 = arith.cmpi slt, %rem3A_874, %lt3A_879 : vector<128x128xi32>
    %lt3A_881 = arith.constant 0 : i32
    %lt3A_882 = arith.cmpi slt, %select_n3A_872, %lt3A_881 : i32
    %ne3A_883 = vector.broadcast %lt3A_882 : i1 to vector<128x128xi1>
    %ne3A_884 = vector.broadcast %ne3A_883 : vector<128x128xi1> to vector<128x128xi1>
    %ne3A_885 = arith.xori %lt3A_880, %ne3A_884 : vector<128x128xi1>
    %and3A_886 = arith.andi %ne3A_885, %ne3A_877 : vector<128x128xi1>
    %add3A_887 = vector.broadcast %select_n3A_872 : i32 to vector<128x128xi32>
    %add3A_888 = arith.addi %rem3A_874, %add3A_887 : vector<128x128xi32>
    %select_n3A_889 = arith.select %and3A_886, %add3A_888, %rem3A_874 : vector<128x128xi1>, vector<128x128xi32>
    %mul3A_890 = arith.constant 128 : i32
    %mul3A_891 = vector.broadcast %mul3A_890 : i32 to vector<128x128xi32>
    %mul3A_892 = arith.muli %select_n3A_889, %mul3A_891 : vector<128x128xi32>
    %add3A_893 = vector.broadcast %add3A_867 : i32 to vector<128x128xi32>
    %add3A_894 = arith.addi %add3A_893, %mul3A_892 : vector<128x128xi32>
    %add3A_895 = arith.addi %add3A_894, %iota3A_0 : vector<128x128xi32>
    %lt3A_896 = arith.constant 1000001 : i32
    %lt3A_897 = vector.broadcast %lt3A_896 : i32 to vector<128x128xi32>
    %lt3A_898 = arith.cmpi slt, %add3A_895, %lt3A_897 : vector<128x128xi32>
    %jit3A_899 = arith.constant 0.000000e+00 : f32
    %broadcast_in_dim3A_900 = vector.broadcast %jit3A_899 : f32 to vector<128x128xf32>
    %select_n3A_901 = arith.select %lt3A_898, %reshape3A_865, %broadcast_in_dim3A_900 : vector<128x128xi1>, vector<128x128xf32>
    %dot_general3A_902 = arith.constant dense<0.000000e+00> : vector<128x128xf32>
    %dot_general3A_903 = tpu.matmul %select_n3A_901, %convert_element_type3A_47, %dot_general3A_902 {dimension_numbers = #tpu.dot_dimension_numbers<[0], [0], [1], [1], [0, 1, 1, 1], [], []>, transpose_lhs_hint = false} : vector<128x128xf32>, vector<128x128xf32>, vector<128x128xf32> -> vector<128x128xf32>
    %swap3A_904 = arith.constant 2432 : index
    %swap3A_905 = arith.constant 0 : index
    %swap3A_906 = vector.load %arg4[%swap3A_904, %swap3A_905] : memref<4096x128xf32, #tpu.memory_space<vmem>>, vector<128x128xf32>
    tpu.vector_store %arg4[%swap3A_904, %swap3A_905], %dot_general3A_903 {strides = array<i32>} : memref<4096x128xf32, #tpu.memory_space<vmem>>, vector<128x128xf32>,
    %slice3A_907 = vector.extract_strided_slice %get3A_51 {offsets = [0, 20480], sizes = [16, 1024], strides = [1, 1]} : vector<16x32768xf32> to vector<16x1024xf32>
    %reshape3A_908 = vector.shape_cast %slice3A_907 : vector<16x1024xf32> to vector<128x128xf32>
    %add3A_909 = arith.constant 20480 : i32
    %add3A_910 = arith.addi %mul3A_49, %add3A_909 : i32
    %jit3A_911 = arith.constant 8 : i32
    %eq3A_912 = arith.constant 0 : i32
    %eq3A_913 = arith.cmpi eq, %jit3A_911, %eq3A_912 : i32
    %jit3A_914 = arith.constant 1 : i32
    %select_n3A_915 = arith.select %eq3A_913, %jit3A_914, %jit3A_911 : i32
    %rem3A_916 = vector.broadcast %select_n3A_915 : i32 to vector<128x128xi32>
    %rem3A_917 = arith.remsi %iota3A, %rem3A_916 : vector<128x128xi32>
    %ne3A_918 = arith.constant 0 : i32
    %ne3A_919 = vector.broadcast %ne3A_918 : i32 to vector<128x128xi32>
    %ne3A_920 = arith.cmpi ne, %rem3A_917, %ne3A_919 : vector<128x128xi32>
    %lt3A_921 = arith.constant 0 : i32
    %lt3A_922 = vector.broadcast %lt3A_921 : i32 to vector<128x128xi32>
    %lt3A_923 = arith.cmpi slt, %rem3A_917, %lt3A_922 : vector<128x128xi32>
    %lt3A_924 = arith.constant 0 : i32
    %lt3A_925 = arith.cmpi slt, %select_n3A_915, %lt3A_924 : i32
    %ne3A_926 = vector.broadcast %lt3A_925 : i1 to vector<128x128xi1>
    %ne3A_927 = vector.broadcast %ne3A_926 : vector<128x128xi1> to vector<128x128xi1>
    %ne3A_928 = arith.xori %lt3A_923, %ne3A_927 : vector<128x128xi1>
    %and3A_929 = arith.andi %ne3A_928, %ne3A_920 : vector<128x128xi1>
    %add3A_930 = vector.broadcast %select_n3A_915 : i32 to vector<128x128xi32>
    %add3A_931 = arith.addi %rem3A_917, %add3A_930 : vector<128x128xi32>
    %select_n3A_932 = arith.select %and3A_929, %add3A_931, %rem3A_917 : vector<128x128xi1>, vector<128x128xi32>
    %mul3A_933 = arith.constant 128 : i32
    %mul3A_934 = vector.broadcast %mul3A_933 : i32 to vector<128x128xi32>
    %mul3A_935 = arith.muli %select_n3A_932, %mul3A_934 : vector<128x128xi32>
    %add3A_936 = vector.broadcast %add3A_910 : i32 to vector<128x128xi32>
    %add3A_937 = arith.addi %add3A_936, %mul3A_935 : vector<128x128xi32>
    %add3A_938 = arith.addi %add3A_937, %iota3A_0 : vector<128x128xi32>
    %lt3A_939 = arith.constant 1000001 : i32
    %lt3A_940 = vector.broadcast %lt3A_939 : i32 to vector<128x128xi32>
    %lt3A_941 = arith.cmpi slt, %add3A_938, %lt3A_940 : vector<128x128xi32>
    %jit3A_942 = arith.constant 0.000000e+00 : f32
    %broadcast_in_dim3A_943 = vector.broadcast %jit3A_942 : f32 to vector<128x128xf32>
    %select_n3A_944 = arith.select %lt3A_941, %reshape3A_908, %broadcast_in_dim3A_943 : vector<128x128xi1>, vector<128x128xf32>
    %dot_general3A_945 = arith.constant dense<0.000000e+00> : vector<128x128xf32>
    %dot_general3A_946 = tpu.matmul %select_n3A_944, %convert_element_type3A_47, %dot_general3A_945 {dimension_numbers = #tpu.dot_dimension_numbers<[0], [0], [1], [1], [0, 1, 1, 1], [], []>, transpose_lhs_hint = false} : vector<128x128xf32>, vector<128x128xf32>, vector<128x128xf32> -> vector<128x128xf32>
    %swap3A_947 = arith.constant 2560 : index
    %swap3A_948 = arith.constant 0 : index
    %swap3A_949 = vector.load %arg4[%swap3A_947, %swap3A_948] : memref<4096x128xf32, #tpu.memory_space<vmem>>, vector<128x128xf32>
    tpu.vector_store %arg4[%swap3A_947, %swap3A_948], %dot_general3A_946 {strides = array<i32>} : memref<4096x128xf32, #tpu.memory_space<vmem>>, vector<128x128xf32>,
    %slice3A_950 = vector.extract_strided_slice %get3A_51 {offsets = [0, 21504], sizes = [16, 1024], strides = [1, 1]} : vector<16x32768xf32> to vector<16x1024xf32>
    %reshape3A_951 = vector.shape_cast %slice3A_950 : vector<16x1024xf32> to vector<128x128xf32>
    %add3A_952 = arith.constant 21504 : i32
    %add3A_953 = arith.addi %mul3A_49, %add3A_952 : i32
    %jit3A_954 = arith.constant 8 : i32
    %eq3A_955 = arith.constant 0 : i32
    %eq3A_956 = arith.cmpi eq, %jit3A_954, %eq3A_955 : i32
    %jit3A_957 = arith.constant 1 : i32
    %select_n3A_958 = arith.select %eq3A_956, %jit3A_957, %jit3A_954 : i32
    %rem3A_959 = vector.broadcast %select_n3A_958 : i32 to vector<128x128xi32>
    %rem3A_960 = arith.remsi %iota3A, %rem3A_959 : vector<128x128xi32>
    %ne3A_961 = arith.constant 0 : i32
    %ne3A_962 = vector.broadcast %ne3A_961 : i32 to vector<128x128xi32>
    %ne3A_963 = arith.cmpi ne, %rem3A_960, %ne3A_962 : vector<128x128xi32>
    %lt3A_964 = arith.constant 0 : i32
    %lt3A_965 = vector.broadcast %lt3A_964 : i32 to vector<128x128xi32>
    %lt3A_966 = arith.cmpi slt, %rem3A_960, %lt3A_965 : vector<128x128xi32>
    %lt3A_967 = arith.constant 0 : i32
    %lt3A_968 = arith.cmpi slt, %select_n3A_958, %lt3A_967 : i32
    %ne3A_969 = vector.broadcast %lt3A_968 : i1 to vector<128x128xi1>
    %ne3A_970 = vector.broadcast %ne3A_969 : vector<128x128xi1> to vector<128x128xi1>
    %ne3A_971 = arith.xori %lt3A_966, %ne3A_970 : vector<128x128xi1>
    %and3A_972 = arith.andi %ne3A_971, %ne3A_963 : vector<128x128xi1>
    %add3A_973 = vector.broadcast %select_n3A_958 : i32 to vector<128x128xi32>
    %add3A_974 = arith.addi %rem3A_960, %add3A_973 : vector<128x128xi32>
    %select_n3A_975 = arith.select %and3A_972, %add3A_974, %rem3A_960 : vector<128x128xi1>, vector<128x128xi32>
    %mul3A_976 = arith.constant 128 : i32
    %mul3A_977 = vector.broadcast %mul3A_976 : i32 to vector<128x128xi32>
    %mul3A_978 = arith.muli %select_n3A_975, %mul3A_977 : vector<128x128xi32>
    %add3A_979 = vector.broadcast %add3A_953 : i32 to vector<128x128xi32>
    %add3A_980 = arith.addi %add3A_979, %mul3A_978 : vector<128x128xi32>
    %add3A_981 = arith.addi %add3A_980, %iota3A_0 : vector<128x128xi32>
    %lt3A_982 = arith.constant 1000001 : i32
    %lt3A_983 = vector.broadcast %lt3A_982 : i32 to vector<128x128xi32>
    %lt3A_984 = arith.cmpi slt, %add3A_981, %lt3A_983 : vector<128x128xi32>
    %jit3A_985 = arith.constant 0.000000e+00 : f32
    %broadcast_in_dim3A_986 = vector.broadcast %jit3A_985 : f32 to vector<128x128xf32>
    %select_n3A_987 = arith.select %lt3A_984, %reshape3A_951, %broadcast_in_dim3A_986 : vector<128x128xi1>, vector<128x128xf32>
    %dot_general3A_988 = arith.constant dense<0.000000e+00> : vector<128x128xf32>
    %dot_general3A_989 = tpu.matmul %select_n3A_987, %convert_element_type3A_47, %dot_general3A_988 {dimension_numbers = #tpu.dot_dimension_numbers<[0], [0], [1], [1], [0, 1, 1, 1], [], []>, transpose_lhs_hint = false} : vector<128x128xf32>, vector<128x128xf32>, vector<128x128xf32> -> vector<128x128xf32>
    %swap3A_990 = arith.constant 2688 : index
    %swap3A_991 = arith.constant 0 : index
    %swap3A_992 = vector.load %arg4[%swap3A_990, %swap3A_991] : memref<4096x128xf32, #tpu.memory_space<vmem>>, vector<128x128xf32>
    tpu.vector_store %arg4[%swap3A_990, %swap3A_991], %dot_general3A_989 {strides = array<i32>} : memref<4096x128xf32, #tpu.memory_space<vmem>>, vector<128x128xf32>,
    %slice3A_993 = vector.extract_strided_slice %get3A_51 {offsets = [0, 22528], sizes = [16, 1024], strides = [1, 1]} : vector<16x32768xf32> to vector<16x1024xf32>
    %reshape3A_994 = vector.shape_cast %slice3A_993 : vector<16x1024xf32> to vector<128x128xf32>
    %add3A_995 = arith.constant 22528 : i32
    %add3A_996 = arith.addi %mul3A_49, %add3A_995 : i32
    %jit3A_997 = arith.constant 8 : i32
    %eq3A_998 = arith.constant 0 : i32
    %eq3A_999 = arith.cmpi eq, %jit3A_997, %eq3A_998 : i32
    %jit3A_1000 = arith.constant 1 : i32
    %select_n3A_1001 = arith.select %eq3A_999, %jit3A_1000, %jit3A_997 : i32
    %rem3A_1002 = vector.broadcast %select_n3A_1001 : i32 to vector<128x128xi32>
    %rem3A_1003 = arith.remsi %iota3A, %rem3A_1002 : vector<128x128xi32>
    %ne3A_1004 = arith.constant 0 : i32
    %ne3A_1005 = vector.broadcast %ne3A_1004 : i32 to vector<128x128xi32>
    %ne3A_1006 = arith.cmpi ne, %rem3A_1003, %ne3A_1005 : vector<128x128xi32>
    %lt3A_1007 = arith.constant 0 : i32
    %lt3A_1008 = vector.broadcast %lt3A_1007 : i32 to vector<128x128xi32>
    %lt3A_1009 = arith.cmpi slt, %rem3A_1003, %lt3A_1008 : vector<128x128xi32>
    %lt3A_1010 = arith.constant 0 : i32
    %lt3A_1011 = arith.cmpi slt, %select_n3A_1001, %lt3A_1010 : i32
    %ne3A_1012 = vector.broadcast %lt3A_1011 : i1 to vector<128x128xi1>
    %ne3A_1013 = vector.broadcast %ne3A_1012 : vector<128x128xi1> to vector<128x128xi1>
    %ne3A_1014 = arith.xori %lt3A_1009, %ne3A_1013 : vector<128x128xi1>
    %and3A_1015 = arith.andi %ne3A_1014, %ne3A_1006 : vector<128x128xi1>
    %add3A_1016 = vector.broadcast %select_n3A_1001 : i32 to vector<128x128xi32>
    %add3A_1017 = arith.addi %rem3A_1003, %add3A_1016 : vector<128x128xi32>
    %select_n3A_1018 = arith.select %and3A_1015, %add3A_1017, %rem3A_1003 : vector<128x128xi1>, vector<128x128xi32>
    %mul3A_1019 = arith.constant 128 : i32
    %mul3A_1020 = vector.broadcast %mul3A_1019 : i32 to vector<128x128xi32>
    %mul3A_1021 = arith.muli %select_n3A_1018, %mul3A_1020 : vector<128x128xi32>
    %add3A_1022 = vector.broadcast %add3A_996 : i32 to vector<128x128xi32>
    %add3A_1023 = arith.addi %add3A_1022, %mul3A_1021 : vector<128x128xi32>
    %add3A_1024 = arith.addi %add3A_1023, %iota3A_0 : vector<128x128xi32>
    %lt3A_1025 = arith.constant 1000001 : i32
    %lt3A_1026 = vector.broadcast %lt3A_1025 : i32 to vector<128x128xi32>
    %lt3A_1027 = arith.cmpi slt, %add3A_1024, %lt3A_1026 : vector<128x128xi32>
    %jit3A_1028 = arith.constant 0.000000e+00 : f32
    %broadcast_in_dim3A_1029 = vector.broadcast %jit3A_1028 : f32 to vector<128x128xf32>
    %select_n3A_1030 = arith.select %lt3A_1027, %reshape3A_994, %broadcast_in_dim3A_1029 : vector<128x128xi1>, vector<128x128xf32>
    %dot_general3A_1031 = arith.constant dense<0.000000e+00> : vector<128x128xf32>
    %dot_general3A_1032 = tpu.matmul %select_n3A_1030, %convert_element_type3A_47, %dot_general3A_1031 {dimension_numbers = #tpu.dot_dimension_numbers<[0], [0], [1], [1], [0, 1, 1, 1], [], []>, transpose_lhs_hint = false} : vector<128x128xf32>, vector<128x128xf32>, vector<128x128xf32> -> vector<128x128xf32>
    %swap3A_1033 = arith.constant 2816 : index
    %swap3A_1034 = arith.constant 0 : index
    %swap3A_1035 = vector.load %arg4[%swap3A_1033, %swap3A_1034] : memref<4096x128xf32, #tpu.memory_space<vmem>>, vector<128x128xf32>
    tpu.vector_store %arg4[%swap3A_1033, %swap3A_1034], %dot_general3A_1032 {strides = array<i32>} : memref<4096x128xf32, #tpu.memory_space<vmem>>, vector<128x128xf32>,
    %slice3A_1036 = vector.extract_strided_slice %get3A_51 {offsets = [0, 23552], sizes = [16, 1024], strides = [1, 1]} : vector<16x32768xf32> to vector<16x1024xf32>
    %reshape3A_1037 = vector.shape_cast %slice3A_1036 : vector<16x1024xf32> to vector<128x128xf32>
    %add3A_1038 = arith.constant 23552 : i32
    %add3A_1039 = arith.addi %mul3A_49, %add3A_1038 : i32
    %jit3A_1040 = arith.constant 8 : i32
    %eq3A_1041 = arith.constant 0 : i32
    %eq3A_1042 = arith.cmpi eq, %jit3A_1040, %eq3A_1041 : i32
    %jit3A_1043 = arith.constant 1 : i32
    %select_n3A_1044 = arith.select %eq3A_1042, %jit3A_1043, %jit3A_1040 : i32
    %rem3A_1045 = vector.broadcast %select_n3A_1044 : i32 to vector<128x128xi32>
    %rem3A_1046 = arith.remsi %iota3A, %rem3A_1045 : vector<128x128xi32>
    %ne3A_1047 = arith.constant 0 : i32
    %ne3A_1048 = vector.broadcast %ne3A_1047 : i32 to vector<128x128xi32>
    %ne3A_1049 = arith.cmpi ne, %rem3A_1046, %ne3A_1048 : vector<128x128xi32>
    %lt3A_1050 = arith.constant 0 : i32
    %lt3A_1051 = vector.broadcast %lt3A_1050 : i32 to vector<128x128xi32>
    %lt3A_1052 = arith.cmpi slt, %rem3A_1046, %lt3A_1051 : vector<128x128xi32>
    %lt3A_1053 = arith.constant 0 : i32
    %lt3A_1054 = arith.cmpi slt, %select_n3A_1044, %lt3A_1053 : i32
    %ne3A_1055 = vector.broadcast %lt3A_1054 : i1 to vector<128x128xi1>
    %ne3A_1056 = vector.broadcast %ne3A_1055 : vector<128x128xi1> to vector<128x128xi1>
    %ne3A_1057 = arith.xori %lt3A_1052, %ne3A_1056 : vector<128x128xi1>
    %and3A_1058 = arith.andi %ne3A_1057, %ne3A_1049 : vector<128x128xi1>
    %add3A_1059 = vector.broadcast %select_n3A_1044 : i32 to vector<128x128xi32>
    %add3A_1060 = arith.addi %rem3A_1046, %add3A_1059 : vector<128x128xi32>
    %select_n3A_1061 = arith.select %and3A_1058, %add3A_1060, %rem3A_1046 : vector<128x128xi1>, vector<128x128xi32>
    %mul3A_1062 = arith.constant 128 : i32
    %mul3A_1063 = vector.broadcast %mul3A_1062 : i32 to vector<128x128xi32>
    %mul3A_1064 = arith.muli %select_n3A_1061, %mul3A_1063 : vector<128x128xi32>
    %add3A_1065 = vector.broadcast %add3A_1039 : i32 to vector<128x128xi32>
    %add3A_1066 = arith.addi %add3A_1065, %mul3A_1064 : vector<128x128xi32>
    %add3A_1067 = arith.addi %add3A_1066, %iota3A_0 : vector<128x128xi32>
    %lt3A_1068 = arith.constant 1000001 : i32
    %lt3A_1069 = vector.broadcast %lt3A_1068 : i32 to vector<128x128xi32>
    %lt3A_1070 = arith.cmpi slt, %add3A_1067, %lt3A_1069 : vector<128x128xi32>
    %jit3A_1071 = arith.constant 0.000000e+00 : f32
    %broadcast_in_dim3A_1072 = vector.broadcast %jit3A_1071 : f32 to vector<128x128xf32>
    %select_n3A_1073 = arith.select %lt3A_1070, %reshape3A_1037, %broadcast_in_dim3A_1072 : vector<128x128xi1>, vector<128x128xf32>
    %dot_general3A_1074 = arith.constant dense<0.000000e+00> : vector<128x128xf32>
    %dot_general3A_1075 = tpu.matmul %select_n3A_1073, %convert_element_type3A_47, %dot_general3A_1074 {dimension_numbers = #tpu.dot_dimension_numbers<[0], [0], [1], [1], [0, 1, 1, 1], [], []>, transpose_lhs_hint = false} : vector<128x128xf32>, vector<128x128xf32>, vector<128x128xf32> -> vector<128x128xf32>
    %swap3A_1076 = arith.constant 2944 : index
    %swap3A_1077 = arith.constant 0 : index
    %swap3A_1078 = vector.load %arg4[%swap3A_1076, %swap3A_1077] : memref<4096x128xf32, #tpu.memory_space<vmem>>, vector<128x128xf32>
    tpu.vector_store %arg4[%swap3A_1076, %swap3A_1077], %dot_general3A_1075 {strides = array<i32>} : memref<4096x128xf32, #tpu.memory_space<vmem>>, vector<128x128xf32>,
    %slice3A_1079 = vector.extract_strided_slice %get3A_51 {offsets = [0, 24576], sizes = [16, 1024], strides = [1, 1]} : vector<16x32768xf32> to vector<16x1024xf32>
    %reshape3A_1080 = vector.shape_cast %slice3A_1079 : vector<16x1024xf32> to vector<128x128xf32>
    %add3A_1081 = arith.constant 24576 : i32
    %add3A_1082 = arith.addi %mul3A_49, %add3A_1081 : i32
    %jit3A_1083 = arith.constant 8 : i32
    %eq3A_1084 = arith.constant 0 : i32
    %eq3A_1085 = arith.cmpi eq, %jit3A_1083, %eq3A_1084 : i32
    %jit3A_1086 = arith.constant 1 : i32
    %select_n3A_1087 = arith.select %eq3A_1085, %jit3A_1086, %jit3A_1083 : i32
    %rem3A_1088 = vector.broadcast %select_n3A_1087 : i32 to vector<128x128xi32>
    %rem3A_1089 = arith.remsi %iota3A, %rem3A_1088 : vector<128x128xi32>
    %ne3A_1090 = arith.constant 0 : i32
    %ne3A_1091 = vector.broadcast %ne3A_1090 : i32 to vector<128x128xi32>
    %ne3A_1092 = arith.cmpi ne, %rem3A_1089, %ne3A_1091 : vector<128x128xi32>
    %lt3A_1093 = arith.constant 0 : i32
    %lt3A_1094 = vector.broadcast %lt3A_1093 : i32 to vector<128x128xi32>
    %lt3A_1095 = arith.cmpi slt, %rem3A_1089, %lt3A_1094 : vector<128x128xi32>
    %lt3A_1096 = arith.constant 0 : i32
    %lt3A_1097 = arith.cmpi slt, %select_n3A_1087, %lt3A_1096 : i32
    %ne3A_1098 = vector.broadcast %lt3A_1097 : i1 to vector<128x128xi1>
    %ne3A_1099 = vector.broadcast %ne3A_1098 : vector<128x128xi1> to vector<128x128xi1>
    %ne3A_1100 = arith.xori %lt3A_1095, %ne3A_1099 : vector<128x128xi1>
    %and3A_1101 = arith.andi %ne3A_1100, %ne3A_1092 : vector<128x128xi1>
    %add3A_1102 = vector.broadcast %select_n3A_1087 : i32 to vector<128x128xi32>
    %add3A_1103 = arith.addi %rem3A_1089, %add3A_1102 : vector<128x128xi32>
    %select_n3A_1104 = arith.select %and3A_1101, %add3A_1103, %rem3A_1089 : vector<128x128xi1>, vector<128x128xi32>
    %mul3A_1105 = arith.constant 128 : i32
    %mul3A_1106 = vector.broadcast %mul3A_1105 : i32 to vector<128x128xi32>
    %mul3A_1107 = arith.muli %select_n3A_1104, %mul3A_1106 : vector<128x128xi32>
    %add3A_1108 = vector.broadcast %add3A_1082 : i32 to vector<128x128xi32>
    %add3A_1109 = arith.addi %add3A_1108, %mul3A_1107 : vector<128x128xi32>
    %add3A_1110 = arith.addi %add3A_1109, %iota3A_0 : vector<128x128xi32>
    %lt3A_1111 = arith.constant 1000001 : i32
    %lt3A_1112 = vector.broadcast %lt3A_1111 : i32 to vector<128x128xi32>
    %lt3A_1113 = arith.cmpi slt, %add3A_1110, %lt3A_1112 : vector<128x128xi32>
    %jit3A_1114 = arith.constant 0.000000e+00 : f32
    %broadcast_in_dim3A_1115 = vector.broadcast %jit3A_1114 : f32 to vector<128x128xf32>
    %select_n3A_1116 = arith.select %lt3A_1113, %reshape3A_1080, %broadcast_in_dim3A_1115 : vector<128x128xi1>, vector<128x128xf32>
    %dot_general3A_1117 = arith.constant dense<0.000000e+00> : vector<128x128xf32>
    %dot_general3A_1118 = tpu.matmul %select_n3A_1116, %convert_element_type3A_47, %dot_general3A_1117 {dimension_numbers = #tpu.dot_dimension_numbers<[0], [0], [1], [1], [0, 1, 1, 1], [], []>, transpose_lhs_hint = false} : vector<128x128xf32>, vector<128x128xf32>, vector<128x128xf32> -> vector<128x128xf32>
    %swap3A_1119 = arith.constant 3072 : index
    %swap3A_1120 = arith.constant 0 : index
    %swap3A_1121 = vector.load %arg4[%swap3A_1119, %swap3A_1120] : memref<4096x128xf32, #tpu.memory_space<vmem>>, vector<128x128xf32>
    tpu.vector_store %arg4[%swap3A_1119, %swap3A_1120], %dot_general3A_1118 {strides = array<i32>} : memref<4096x128xf32, #tpu.memory_space<vmem>>, vector<128x128xf32>,
    %slice3A_1122 = vector.extract_strided_slice %get3A_51 {offsets = [0, 25600], sizes = [16, 1024], strides = [1, 1]} : vector<16x32768xf32> to vector<16x1024xf32>
    %reshape3A_1123 = vector.shape_cast %slice3A_1122 : vector<16x1024xf32> to vector<128x128xf32>
    %add3A_1124 = arith.constant 25600 : i32
    %add3A_1125 = arith.addi %mul3A_49, %add3A_1124 : i32
    %jit3A_1126 = arith.constant 8 : i32
    %eq3A_1127 = arith.constant 0 : i32
    %eq3A_1128 = arith.cmpi eq, %jit3A_1126, %eq3A_1127 : i32
    %jit3A_1129 = arith.constant 1 : i32
    %select_n3A_1130 = arith.select %eq3A_1128, %jit3A_1129, %jit3A_1126 : i32
    %rem3A_1131 = vector.broadcast %select_n3A_1130 : i32 to vector<128x128xi32>
    %rem3A_1132 = arith.remsi %iota3A, %rem3A_1131 : vector<128x128xi32>
    %ne3A_1133 = arith.constant 0 : i32
    %ne3A_1134 = vector.broadcast %ne3A_1133 : i32 to vector<128x128xi32>
    %ne3A_1135 = arith.cmpi ne, %rem3A_1132, %ne3A_1134 : vector<128x128xi32>
    %lt3A_1136 = arith.constant 0 : i32
    %lt3A_1137 = vector.broadcast %lt3A_1136 : i32 to vector<128x128xi32>
    %lt3A_1138 = arith.cmpi slt, %rem3A_1132, %lt3A_1137 : vector<128x128xi32>
    %lt3A_1139 = arith.constant 0 : i32
    %lt3A_1140 = arith.cmpi slt, %select_n3A_1130, %lt3A_1139 : i32
    %ne3A_1141 = vector.broadcast %lt3A_1140 : i1 to vector<128x128xi1>
    %ne3A_1142 = vector.broadcast %ne3A_1141 : vector<128x128xi1> to vector<128x128xi1>
    %ne3A_1143 = arith.xori %lt3A_1138, %ne3A_1142 : vector<128x128xi1>
    %and3A_1144 = arith.andi %ne3A_1143, %ne3A_1135 : vector<128x128xi1>
    %add3A_1145 = vector.broadcast %select_n3A_1130 : i32 to vector<128x128xi32>
    %add3A_1146 = arith.addi %rem3A_1132, %add3A_1145 : vector<128x128xi32>
    %select_n3A_1147 = arith.select %and3A_1144, %add3A_1146, %rem3A_1132 : vector<128x128xi1>, vector<128x128xi32>
    %mul3A_1148 = arith.constant 128 : i32
    %mul3A_1149 = vector.broadcast %mul3A_1148 : i32 to vector<128x128xi32>
    %mul3A_1150 = arith.muli %select_n3A_1147, %mul3A_1149 : vector<128x128xi32>
    %add3A_1151 = vector.broadcast %add3A_1125 : i32 to vector<128x128xi32>
    %add3A_1152 = arith.addi %add3A_1151, %mul3A_1150 : vector<128x128xi32>
    %add3A_1153 = arith.addi %add3A_1152, %iota3A_0 : vector<128x128xi32>
    %lt3A_1154 = arith.constant 1000001 : i32
    %lt3A_1155 = vector.broadcast %lt3A_1154 : i32 to vector<128x128xi32>
    %lt3A_1156 = arith.cmpi slt, %add3A_1153, %lt3A_1155 : vector<128x128xi32>
    %jit3A_1157 = arith.constant 0.000000e+00 : f32
    %broadcast_in_dim3A_1158 = vector.broadcast %jit3A_1157 : f32 to vector<128x128xf32>
    %select_n3A_1159 = arith.select %lt3A_1156, %reshape3A_1123, %broadcast_in_dim3A_1158 : vector<128x128xi1>, vector<128x128xf32>
    %dot_general3A_1160 = arith.constant dense<0.000000e+00> : vector<128x128xf32>
    %dot_general3A_1161 = tpu.matmul %select_n3A_1159, %convert_element_type3A_47, %dot_general3A_1160 {dimension_numbers = #tpu.dot_dimension_numbers<[0], [0], [1], [1], [0, 1, 1, 1], [], []>, transpose_lhs_hint = false} : vector<128x128xf32>, vector<128x128xf32>, vector<128x128xf32> -> vector<128x128xf32>
    %swap3A_1162 = arith.constant 3200 : index
    %swap3A_1163 = arith.constant 0 : index
    %swap3A_1164 = vector.load %arg4[%swap3A_1162, %swap3A_1163] : memref<4096x128xf32, #tpu.memory_space<vmem>>, vector<128x128xf32>
    tpu.vector_store %arg4[%swap3A_1162, %swap3A_1163], %dot_general3A_1161 {strides = array<i32>} : memref<4096x128xf32, #tpu.memory_space<vmem>>, vector<128x128xf32>,
    %slice3A_1165 = vector.extract_strided_slice %get3A_51 {offsets = [0, 26624], sizes = [16, 1024], strides = [1, 1]} : vector<16x32768xf32> to vector<16x1024xf32>
    %reshape3A_1166 = vector.shape_cast %slice3A_1165 : vector<16x1024xf32> to vector<128x128xf32>
    %add3A_1167 = arith.constant 26624 : i32
    %add3A_1168 = arith.addi %mul3A_49, %add3A_1167 : i32
    %jit3A_1169 = arith.constant 8 : i32
    %eq3A_1170 = arith.constant 0 : i32
    %eq3A_1171 = arith.cmpi eq, %jit3A_1169, %eq3A_1170 : i32
    %jit3A_1172 = arith.constant 1 : i32
    %select_n3A_1173 = arith.select %eq3A_1171, %jit3A_1172, %jit3A_1169 : i32
    %rem3A_1174 = vector.broadcast %select_n3A_1173 : i32 to vector<128x128xi32>
    %rem3A_1175 = arith.remsi %iota3A, %rem3A_1174 : vector<128x128xi32>
    %ne3A_1176 = arith.constant 0 : i32
    %ne3A_1177 = vector.broadcast %ne3A_1176 : i32 to vector<128x128xi32>
    %ne3A_1178 = arith.cmpi ne, %rem3A_1175, %ne3A_1177 : vector<128x128xi32>
    %lt3A_1179 = arith.constant 0 : i32
    %lt3A_1180 = vector.broadcast %lt3A_1179 : i32 to vector<128x128xi32>
    %lt3A_1181 = arith.cmpi slt, %rem3A_1175, %lt3A_1180 : vector<128x128xi32>
    %lt3A_1182 = arith.constant 0 : i32
    %lt3A_1183 = arith.cmpi slt, %select_n3A_1173, %lt3A_1182 : i32
    %ne3A_1184 = vector.broadcast %lt3A_1183 : i1 to vector<128x128xi1>
    %ne3A_1185 = vector.broadcast %ne3A_1184 : vector<128x128xi1> to vector<128x128xi1>
    %ne3A_1186 = arith.xori %lt3A_1181, %ne3A_1185 : vector<128x128xi1>
    %and3A_1187 = arith.andi %ne3A_1186, %ne3A_1178 : vector<128x128xi1>
    %add3A_1188 = vector.broadcast %select_n3A_1173 : i32 to vector<128x128xi32>
    %add3A_1189 = arith.addi %rem3A_1175, %add3A_1188 : vector<128x128xi32>
    %select_n3A_1190 = arith.select %and3A_1187, %add3A_1189, %rem3A_1175 : vector<128x128xi1>, vector<128x128xi32>
    %mul3A_1191 = arith.constant 128 : i32
    %mul3A_1192 = vector.broadcast %mul3A_1191 : i32 to vector<128x128xi32>
    %mul3A_1193 = arith.muli %select_n3A_1190, %mul3A_1192 : vector<128x128xi32>
    %add3A_1194 = vector.broadcast %add3A_1168 : i32 to vector<128x128xi32>
    %add3A_1195 = arith.addi %add3A_1194, %mul3A_1193 : vector<128x128xi32>
    %add3A_1196 = arith.addi %add3A_1195, %iota3A_0 : vector<128x128xi32>
    %lt3A_1197 = arith.constant 1000001 : i32
    %lt3A_1198 = vector.broadcast %lt3A_1197 : i32 to vector<128x128xi32>
    %lt3A_1199 = arith.cmpi slt, %add3A_1196, %lt3A_1198 : vector<128x128xi32>
    %jit3A_1200 = arith.constant 0.000000e+00 : f32
    %broadcast_in_dim3A_1201 = vector.broadcast %jit3A_1200 : f32 to vector<128x128xf32>
    %select_n3A_1202 = arith.select %lt3A_1199, %reshape3A_1166, %broadcast_in_dim3A_1201 : vector<128x128xi1>, vector<128x128xf32>
    %dot_general3A_1203 = arith.constant dense<0.000000e+00> : vector<128x128xf32>
    %dot_general3A_1204 = tpu.matmul %select_n3A_1202, %convert_element_type3A_47, %dot_general3A_1203 {dimension_numbers = #tpu.dot_dimension_numbers<[0], [0], [1], [1], [0, 1, 1, 1], [], []>, transpose_lhs_hint = false} : vector<128x128xf32>, vector<128x128xf32>, vector<128x128xf32> -> vector<128x128xf32>
    %swap3A_1205 = arith.constant 3328 : index
    %swap3A_1206 = arith.constant 0 : index
    %swap3A_1207 = vector.load %arg4[%swap3A_1205, %swap3A_1206] : memref<4096x128xf32, #tpu.memory_space<vmem>>, vector<128x128xf32>
    tpu.vector_store %arg4[%swap3A_1205, %swap3A_1206], %dot_general3A_1204 {strides = array<i32>} : memref<4096x128xf32, #tpu.memory_space<vmem>>, vector<128x128xf32>,
    %slice3A_1208 = vector.extract_strided_slice %get3A_51 {offsets = [0, 27648], sizes = [16, 1024], strides = [1, 1]} : vector<16x32768xf32> to vector<16x1024xf32>
    %reshape3A_1209 = vector.shape_cast %slice3A_1208 : vector<16x1024xf32> to vector<128x128xf32>
    %add3A_1210 = arith.constant 27648 : i32
    %add3A_1211 = arith.addi %mul3A_49, %add3A_1210 : i32
    %jit3A_1212 = arith.constant 8 : i32
    %eq3A_1213 = arith.constant 0 : i32
    %eq3A_1214 = arith.cmpi eq, %jit3A_1212, %eq3A_1213 : i32
    %jit3A_1215 = arith.constant 1 : i32
    %select_n3A_1216 = arith.select %eq3A_1214, %jit3A_1215, %jit3A_1212 : i32
    %rem3A_1217 = vector.broadcast %select_n3A_1216 : i32 to vector<128x128xi32>
    %rem3A_1218 = arith.remsi %iota3A, %rem3A_1217 : vector<128x128xi32>
    %ne3A_1219 = arith.constant 0 : i32
    %ne3A_1220 = vector.broadcast %ne3A_1219 : i32 to vector<128x128xi32>
    %ne3A_1221 = arith.cmpi ne, %rem3A_1218, %ne3A_1220 : vector<128x128xi32>
    %lt3A_1222 = arith.constant 0 : i32
    %lt3A_1223 = vector.broadcast %lt3A_1222 : i32 to vector<128x128xi32>
    %lt3A_1224 = arith.cmpi slt, %rem3A_1218, %lt3A_1223 : vector<128x128xi32>
    %lt3A_1225 = arith.constant 0 : i32
    %lt3A_1226 = arith.cmpi slt, %select_n3A_1216, %lt3A_1225 : i32
    %ne3A_1227 = vector.broadcast %lt3A_1226 : i1 to vector<128x128xi1>
    %ne3A_1228 = vector.broadcast %ne3A_1227 : vector<128x128xi1> to vector<128x128xi1>
    %ne3A_1229 = arith.xori %lt3A_1224, %ne3A_1228 : vector<128x128xi1>
    %and3A_1230 = arith.andi %ne3A_1229, %ne3A_1221 : vector<128x128xi1>
    %add3A_1231 = vector.broadcast %select_n3A_1216 : i32 to vector<128x128xi32>
    %add3A_1232 = arith.addi %rem3A_1218, %add3A_1231 : vector<128x128xi32>
    %select_n3A_1233 = arith.select %and3A_1230, %add3A_1232, %rem3A_1218 : vector<128x128xi1>, vector<128x128xi32>
    %mul3A_1234 = arith.constant 128 : i32
    %mul3A_1235 = vector.broadcast %mul3A_1234 : i32 to vector<128x128xi32>
    %mul3A_1236 = arith.muli %select_n3A_1233, %mul3A_1235 : vector<128x128xi32>
    %add3A_1237 = vector.broadcast %add3A_1211 : i32 to vector<128x128xi32>
    %add3A_1238 = arith.addi %add3A_1237, %mul3A_1236 : vector<128x128xi32>
    %add3A_1239 = arith.addi %add3A_1238, %iota3A_0 : vector<128x128xi32>
    %lt3A_1240 = arith.constant 1000001 : i32
    %lt3A_1241 = vector.broadcast %lt3A_1240 : i32 to vector<128x128xi32>
    %lt3A_1242 = arith.cmpi slt, %add3A_1239, %lt3A_1241 : vector<128x128xi32>
    %jit3A_1243 = arith.constant 0.000000e+00 : f32
    %broadcast_in_dim3A_1244 = vector.broadcast %jit3A_1243 : f32 to vector<128x128xf32>
    %select_n3A_1245 = arith.select %lt3A_1242, %reshape3A_1209, %broadcast_in_dim3A_1244 : vector<128x128xi1>, vector<128x128xf32>
    %dot_general3A_1246 = arith.constant dense<0.000000e+00> : vector<128x128xf32>
    %dot_general3A_1247 = tpu.matmul %select_n3A_1245, %convert_element_type3A_47, %dot_general3A_1246 {dimension_numbers = #tpu.dot_dimension_numbers<[0], [0], [1], [1], [0, 1, 1, 1], [], []>, transpose_lhs_hint = false} : vector<128x128xf32>, vector<128x128xf32>, vector<128x128xf32> -> vector<128x128xf32>
    %swap3A_1248 = arith.constant 3456 : index
    %swap3A_1249 = arith.constant 0 : index
    %swap3A_1250 = vector.load %arg4[%swap3A_1248, %swap3A_1249] : memref<4096x128xf32, #tpu.memory_space<vmem>>, vector<128x128xf32>
    tpu.vector_store %arg4[%swap3A_1248, %swap3A_1249], %dot_general3A_1247 {strides = array<i32>} : memref<4096x128xf32, #tpu.memory_space<vmem>>, vector<128x128xf32>,
    %slice3A_1251 = vector.extract_strided_slice %get3A_51 {offsets = [0, 28672], sizes = [16, 1024], strides = [1, 1]} : vector<16x32768xf32> to vector<16x1024xf32>
    %reshape3A_1252 = vector.shape_cast %slice3A_1251 : vector<16x1024xf32> to vector<128x128xf32>
    %add3A_1253 = arith.constant 28672 : i32
    %add3A_1254 = arith.addi %mul3A_49, %add3A_1253 : i32
    %jit3A_1255 = arith.constant 8 : i32
    %eq3A_1256 = arith.constant 0 : i32
    %eq3A_1257 = arith.cmpi eq, %jit3A_1255, %eq3A_1256 : i32
    %jit3A_1258 = arith.constant 1 : i32
    %select_n3A_1259 = arith.select %eq3A_1257, %jit3A_1258, %jit3A_1255 : i32
    %rem3A_1260 = vector.broadcast %select_n3A_1259 : i32 to vector<128x128xi32>
    %rem3A_1261 = arith.remsi %iota3A, %rem3A_1260 : vector<128x128xi32>
    %ne3A_1262 = arith.constant 0 : i32
    %ne3A_1263 = vector.broadcast %ne3A_1262 : i32 to vector<128x128xi32>
    %ne3A_1264 = arith.cmpi ne, %rem3A_1261, %ne3A_1263 : vector<128x128xi32>
    %lt3A_1265 = arith.constant 0 : i32
    %lt3A_1266 = vector.broadcast %lt3A_1265 : i32 to vector<128x128xi32>
    %lt3A_1267 = arith.cmpi slt, %rem3A_1261, %lt3A_1266 : vector<128x128xi32>
    %lt3A_1268 = arith.constant 0 : i32
    %lt3A_1269 = arith.cmpi slt, %select_n3A_1259, %lt3A_1268 : i32
    %ne3A_1270 = vector.broadcast %lt3A_1269 : i1 to vector<128x128xi1>
    %ne3A_1271 = vector.broadcast %ne3A_1270 : vector<128x128xi1> to vector<128x128xi1>
    %ne3A_1272 = arith.xori %lt3A_1267, %ne3A_1271 : vector<128x128xi1>
    %and3A_1273 = arith.andi %ne3A_1272, %ne3A_1264 : vector<128x128xi1>
    %add3A_1274 = vector.broadcast %select_n3A_1259 : i32 to vector<128x128xi32>
    %add3A_1275 = arith.addi %rem3A_1261, %add3A_1274 : vector<128x128xi32>
    %select_n3A_1276 = arith.select %and3A_1273, %add3A_1275, %rem3A_1261 : vector<128x128xi1>, vector<128x128xi32>
    %mul3A_1277 = arith.constant 128 : i32
    %mul3A_1278 = vector.broadcast %mul3A_1277 : i32 to vector<128x128xi32>
    %mul3A_1279 = arith.muli %select_n3A_1276, %mul3A_1278 : vector<128x128xi32>
    %add3A_1280 = vector.broadcast %add3A_1254 : i32 to vector<128x128xi32>
    %add3A_1281 = arith.addi %add3A_1280, %mul3A_1279 : vector<128x128xi32>
    %add3A_1282 = arith.addi %add3A_1281, %iota3A_0 : vector<128x128xi32>
    %lt3A_1283 = arith.constant 1000001 : i32
    %lt3A_1284 = vector.broadcast %lt3A_1283 : i32 to vector<128x128xi32>
    %lt3A_1285 = arith.cmpi slt, %add3A_1282, %lt3A_1284 : vector<128x128xi32>
    %jit3A_1286 = arith.constant 0.000000e+00 : f32
    %broadcast_in_dim3A_1287 = vector.broadcast %jit3A_1286 : f32 to vector<128x128xf32>
    %select_n3A_1288 = arith.select %lt3A_1285, %reshape3A_1252, %broadcast_in_dim3A_1287 : vector<128x128xi1>, vector<128x128xf32>
    %dot_general3A_1289 = arith.constant dense<0.000000e+00> : vector<128x128xf32>
    %dot_general3A_1290 = tpu.matmul %select_n3A_1288, %convert_element_type3A_47, %dot_general3A_1289 {dimension_numbers = #tpu.dot_dimension_numbers<[0], [0], [1], [1], [0, 1, 1, 1], [], []>, transpose_lhs_hint = false} : vector<128x128xf32>, vector<128x128xf32>, vector<128x128xf32> -> vector<128x128xf32>
    %swap3A_1291 = arith.constant 3584 : index
    %swap3A_1292 = arith.constant 0 : index
    %swap3A_1293 = vector.load %arg4[%swap3A_1291, %swap3A_1292] : memref<4096x128xf32, #tpu.memory_space<vmem>>, vector<128x128xf32>
    tpu.vector_store %arg4[%swap3A_1291, %swap3A_1292], %dot_general3A_1290 {strides = array<i32>} : memref<4096x128xf32, #tpu.memory_space<vmem>>, vector<128x128xf32>,
    %slice3A_1294 = vector.extract_strided_slice %get3A_51 {offsets = [0, 29696], sizes = [16, 1024], strides = [1, 1]} : vector<16x32768xf32> to vector<16x1024xf32>
    %reshape3A_1295 = vector.shape_cast %slice3A_1294 : vector<16x1024xf32> to vector<128x128xf32>
    %add3A_1296 = arith.constant 29696 : i32
    %add3A_1297 = arith.addi %mul3A_49, %add3A_1296 : i32
    %jit3A_1298 = arith.constant 8 : i32
    %eq3A_1299 = arith.constant 0 : i32
    %eq3A_1300 = arith.cmpi eq, %jit3A_1298, %eq3A_1299 : i32
    %jit3A_1301 = arith.constant 1 : i32
    %select_n3A_1302 = arith.select %eq3A_1300, %jit3A_1301, %jit3A_1298 : i32
    %rem3A_1303 = vector.broadcast %select_n3A_1302 : i32 to vector<128x128xi32>
    %rem3A_1304 = arith.remsi %iota3A, %rem3A_1303 : vector<128x128xi32>
    %ne3A_1305 = arith.constant 0 : i32
    %ne3A_1306 = vector.broadcast %ne3A_1305 : i32 to vector<128x128xi32>
    %ne3A_1307 = arith.cmpi ne, %rem3A_1304, %ne3A_1306 : vector<128x128xi32>
    %lt3A_1308 = arith.constant 0 : i32
    %lt3A_1309 = vector.broadcast %lt3A_1308 : i32 to vector<128x128xi32>
    %lt3A_1310 = arith.cmpi slt, %rem3A_1304, %lt3A_1309 : vector<128x128xi32>
    %lt3A_1311 = arith.constant 0 : i32
    %lt3A_1312 = arith.cmpi slt, %select_n3A_1302, %lt3A_1311 : i32
    %ne3A_1313 = vector.broadcast %lt3A_1312 : i1 to vector<128x128xi1>
    %ne3A_1314 = vector.broadcast %ne3A_1313 : vector<128x128xi1> to vector<128x128xi1>
    %ne3A_1315 = arith.xori %lt3A_1310, %ne3A_1314 : vector<128x128xi1>
    %and3A_1316 = arith.andi %ne3A_1315, %ne3A_1307 : vector<128x128xi1>
    %add3A_1317 = vector.broadcast %select_n3A_1302 : i32 to vector<128x128xi32>
    %add3A_1318 = arith.addi %rem3A_1304, %add3A_1317 : vector<128x128xi32>
    %select_n3A_1319 = arith.select %and3A_1316, %add3A_1318, %rem3A_1304 : vector<128x128xi1>, vector<128x128xi32>
    %mul3A_1320 = arith.constant 128 : i32
    %mul3A_1321 = vector.broadcast %mul3A_1320 : i32 to vector<128x128xi32>
    %mul3A_1322 = arith.muli %select_n3A_1319, %mul3A_1321 : vector<128x128xi32>
    %add3A_1323 = vector.broadcast %add3A_1297 : i32 to vector<128x128xi32>
    %add3A_1324 = arith.addi %add3A_1323, %mul3A_1322 : vector<128x128xi32>
    %add3A_1325 = arith.addi %add3A_1324, %iota3A_0 : vector<128x128xi32>
    %lt3A_1326 = arith.constant 1000001 : i32
    %lt3A_1327 = vector.broadcast %lt3A_1326 : i32 to vector<128x128xi32>
    %lt3A_1328 = arith.cmpi slt, %add3A_1325, %lt3A_1327 : vector<128x128xi32>
    %jit3A_1329 = arith.constant 0.000000e+00 : f32
    %broadcast_in_dim3A_1330 = vector.broadcast %jit3A_1329 : f32 to vector<128x128xf32>
    %select_n3A_1331 = arith.select %lt3A_1328, %reshape3A_1295, %broadcast_in_dim3A_1330 : vector<128x128xi1>, vector<128x128xf32>
    %dot_general3A_1332 = arith.constant dense<0.000000e+00> : vector<128x128xf32>
    %dot_general3A_1333 = tpu.matmul %select_n3A_1331, %convert_element_type3A_47, %dot_general3A_1332 {dimension_numbers = #tpu.dot_dimension_numbers<[0], [0], [1], [1], [0, 1, 1, 1], [], []>, transpose_lhs_hint = false} : vector<128x128xf32>, vector<128x128xf32>, vector<128x128xf32> -> vector<128x128xf32>
    %swap3A_1334 = arith.constant 3712 : index
    %swap3A_1335 = arith.constant 0 : index
    %swap3A_1336 = vector.load %arg4[%swap3A_1334, %swap3A_1335] : memref<4096x128xf32, #tpu.memory_space<vmem>>, vector<128x128xf32>
    tpu.vector_store %arg4[%swap3A_1334, %swap3A_1335], %dot_general3A_1333 {strides = array<i32>} : memref<4096x128xf32, #tpu.memory_space<vmem>>, vector<128x128xf32>,
    %slice3A_1337 = vector.extract_strided_slice %get3A_51 {offsets = [0, 30720], sizes = [16, 1024], strides = [1, 1]} : vector<16x32768xf32> to vector<16x1024xf32>
    %reshape3A_1338 = vector.shape_cast %slice3A_1337 : vector<16x1024xf32> to vector<128x128xf32>
    %add3A_1339 = arith.constant 30720 : i32
    %add3A_1340 = arith.addi %mul3A_49, %add3A_1339 : i32
    %jit3A_1341 = arith.constant 8 : i32
    %eq3A_1342 = arith.constant 0 : i32
    %eq3A_1343 = arith.cmpi eq, %jit3A_1341, %eq3A_1342 : i32
    %jit3A_1344 = arith.constant 1 : i32
    %select_n3A_1345 = arith.select %eq3A_1343, %jit3A_1344, %jit3A_1341 : i32
    %rem3A_1346 = vector.broadcast %select_n3A_1345 : i32 to vector<128x128xi32>
    %rem3A_1347 = arith.remsi %iota3A, %rem3A_1346 : vector<128x128xi32>
    %ne3A_1348 = arith.constant 0 : i32
    %ne3A_1349 = vector.broadcast %ne3A_1348 : i32 to vector<128x128xi32>
    %ne3A_1350 = arith.cmpi ne, %rem3A_1347, %ne3A_1349 : vector<128x128xi32>
    %lt3A_1351 = arith.constant 0 : i32
    %lt3A_1352 = vector.broadcast %lt3A_1351 : i32 to vector<128x128xi32>
    %lt3A_1353 = arith.cmpi slt, %rem3A_1347, %lt3A_1352 : vector<128x128xi32>
    %lt3A_1354 = arith.constant 0 : i32
    %lt3A_1355 = arith.cmpi slt, %select_n3A_1345, %lt3A_1354 : i32
    %ne3A_1356 = vector.broadcast %lt3A_1355 : i1 to vector<128x128xi1>
    %ne3A_1357 = vector.broadcast %ne3A_1356 : vector<128x128xi1> to vector<128x128xi1>
    %ne3A_1358 = arith.xori %lt3A_1353, %ne3A_1357 : vector<128x128xi1>
    %and3A_1359 = arith.andi %ne3A_1358, %ne3A_1350 : vector<128x128xi1>
    %add3A_1360 = vector.broadcast %select_n3A_1345 : i32 to vector<128x128xi32>
    %add3A_1361 = arith.addi %rem3A_1347, %add3A_1360 : vector<128x128xi32>
    %select_n3A_1362 = arith.select %and3A_1359, %add3A_1361, %rem3A_1347 : vector<128x128xi1>, vector<128x128xi32>
    %mul3A_1363 = arith.constant 128 : i32
    %mul3A_1364 = vector.broadcast %mul3A_1363 : i32 to vector<128x128xi32>
    %mul3A_1365 = arith.muli %select_n3A_1362, %mul3A_1364 : vector<128x128xi32>
    %add3A_1366 = vector.broadcast %add3A_1340 : i32 to vector<128x128xi32>
    %add3A_1367 = arith.addi %add3A_1366, %mul3A_1365 : vector<128x128xi32>
    %add3A_1368 = arith.addi %add3A_1367, %iota3A_0 : vector<128x128xi32>
    %lt3A_1369 = arith.constant 1000001 : i32
    %lt3A_1370 = vector.broadcast %lt3A_1369 : i32 to vector<128x128xi32>
    %lt3A_1371 = arith.cmpi slt, %add3A_1368, %lt3A_1370 : vector<128x128xi32>
    %jit3A_1372 = arith.constant 0.000000e+00 : f32
    %broadcast_in_dim3A_1373 = vector.broadcast %jit3A_1372 : f32 to vector<128x128xf32>
    %select_n3A_1374 = arith.select %lt3A_1371, %reshape3A_1338, %broadcast_in_dim3A_1373 : vector<128x128xi1>, vector<128x128xf32>
    %dot_general3A_1375 = arith.constant dense<0.000000e+00> : vector<128x128xf32>
    %dot_general3A_1376 = tpu.matmul %select_n3A_1374, %convert_element_type3A_47, %dot_general3A_1375 {dimension_numbers = #tpu.dot_dimension_numbers<[0], [0], [1], [1], [0, 1, 1, 1], [], []>, transpose_lhs_hint = false} : vector<128x128xf32>, vector<128x128xf32>, vector<128x128xf32> -> vector<128x128xf32>
    %swap3A_1377 = arith.constant 3840 : index
    %swap3A_1378 = arith.constant 0 : index
    %swap3A_1379 = vector.load %arg4[%swap3A_1377, %swap3A_1378] : memref<4096x128xf32, #tpu.memory_space<vmem>>, vector<128x128xf32>
    tpu.vector_store %arg4[%swap3A_1377, %swap3A_1378], %dot_general3A_1376 {strides = array<i32>} : memref<4096x128xf32, #tpu.memory_space<vmem>>, vector<128x128xf32>,
    %slice3A_1380 = vector.extract_strided_slice %get3A_51 {offsets = [0, 31744], sizes = [16, 1024], strides = [1, 1]} : vector<16x32768xf32> to vector<16x1024xf32>
    %reshape3A_1381 = vector.shape_cast %slice3A_1380 : vector<16x1024xf32> to vector<128x128xf32>
    %add3A_1382 = arith.constant 31744 : i32
    %add3A_1383 = arith.addi %mul3A_49, %add3A_1382 : i32
    %jit3A_1384 = arith.constant 8 : i32
    %eq3A_1385 = arith.constant 0 : i32
    %eq3A_1386 = arith.cmpi eq, %jit3A_1384, %eq3A_1385 : i32
    %jit3A_1387 = arith.constant 1 : i32
    %select_n3A_1388 = arith.select %eq3A_1386, %jit3A_1387, %jit3A_1384 : i32
    %rem3A_1389 = vector.broadcast %select_n3A_1388 : i32 to vector<128x128xi32>
    %rem3A_1390 = arith.remsi %iota3A, %rem3A_1389 : vector<128x128xi32>
    %ne3A_1391 = arith.constant 0 : i32
    %ne3A_1392 = vector.broadcast %ne3A_1391 : i32 to vector<128x128xi32>
    %ne3A_1393 = arith.cmpi ne, %rem3A_1390, %ne3A_1392 : vector<128x128xi32>
    %lt3A_1394 = arith.constant 0 : i32
    %lt3A_1395 = vector.broadcast %lt3A_1394 : i32 to vector<128x128xi32>
    %lt3A_1396 = arith.cmpi slt, %rem3A_1390, %lt3A_1395 : vector<128x128xi32>
    %lt3A_1397 = arith.constant 0 : i32
    %lt3A_1398 = arith.cmpi slt, %select_n3A_1388, %lt3A_1397 : i32
    %ne3A_1399 = vector.broadcast %lt3A_1398 : i1 to vector<128x128xi1>
    %ne3A_1400 = vector.broadcast %ne3A_1399 : vector<128x128xi1> to vector<128x128xi1>
    %ne3A_1401 = arith.xori %lt3A_1396, %ne3A_1400 : vector<128x128xi1>
    %and3A_1402 = arith.andi %ne3A_1401, %ne3A_1393 : vector<128x128xi1>
    %add3A_1403 = vector.broadcast %select_n3A_1388 : i32 to vector<128x128xi32>
    %add3A_1404 = arith.addi %rem3A_1390, %add3A_1403 : vector<128x128xi32>
    %select_n3A_1405 = arith.select %and3A_1402, %add3A_1404, %rem3A_1390 : vector<128x128xi1>, vector<128x128xi32>
    %mul3A_1406 = arith.constant 128 : i32
    %mul3A_1407 = vector.broadcast %mul3A_1406 : i32 to vector<128x128xi32>
    %mul3A_1408 = arith.muli %select_n3A_1405, %mul3A_1407 : vector<128x128xi32>
    %add3A_1409 = vector.broadcast %add3A_1383 : i32 to vector<128x128xi32>
    %add3A_1410 = arith.addi %add3A_1409, %mul3A_1408 : vector<128x128xi32>
    %add3A_1411 = arith.addi %add3A_1410, %iota3A_0 : vector<128x128xi32>
    %lt3A_1412 = arith.constant 1000001 : i32
    %lt3A_1413 = vector.broadcast %lt3A_1412 : i32 to vector<128x128xi32>
    %lt3A_1414 = arith.cmpi slt, %add3A_1411, %lt3A_1413 : vector<128x128xi32>
    %jit3A_1415 = arith.constant 0.000000e+00 : f32
    %broadcast_in_dim3A_1416 = vector.broadcast %jit3A_1415 : f32 to vector<128x128xf32>
    %select_n3A_1417 = arith.select %lt3A_1414, %reshape3A_1381, %broadcast_in_dim3A_1416 : vector<128x128xi1>, vector<128x128xf32>
    %dot_general3A_1418 = arith.constant dense<0.000000e+00> : vector<128x128xf32>
    %dot_general3A_1419 = tpu.matmul %select_n3A_1417, %convert_element_type3A_47, %dot_general3A_1418 {dimension_numbers = #tpu.dot_dimension_numbers<[0], [0], [1], [1], [0, 1, 1, 1], [], []>, transpose_lhs_hint = false} : vector<128x128xf32>, vector<128x128xf32>, vector<128x128xf32> -> vector<128x128xf32>
    %swap3A_1420 = arith.constant 3968 : index
    %swap3A_1421 = arith.constant 0 : index
    %swap3A_1422 = vector.load %arg4[%swap3A_1420, %swap3A_1421] : memref<4096x128xf32, #tpu.memory_space<vmem>>, vector<128x128xf32>
    tpu.vector_store %arg4[%swap3A_1420, %swap3A_1421], %dot_general3A_1419 {strides = array<i32>} : memref<4096x128xf32, #tpu.memory_space<vmem>>, vector<128x128xf32>,
    %get3A_1423 = arith.constant 0 : index
    %get3A_1424 = arith.constant 0 : index
    %get3A_1425 = vector.load %arg2[%get3A_1423, %get3A_1424] : memref<16x32768xf32, #tpu.memory_space<vmem>>, vector<16x32768xf32>
    %slice3A_1426 = vector.extract_strided_slice %get3A_1425 {offsets = [0, 0], sizes = [16, 1024], strides = [1, 1]} : vector<16x32768xf32> to vector<16x1024xf32>
    %reshape3A_1427 = vector.shape_cast %slice3A_1426 : vector<16x1024xf32> to vector<128x128xf32>
    %add3A_1428 = arith.constant 0 : i32
    %add3A_1429 = arith.addi %mul3A_49, %add3A_1428 : i32
    %jit3A_1430 = arith.constant 8 : i32
    %eq3A_1431 = arith.constant 0 : i32
    %eq3A_1432 = arith.cmpi eq, %jit3A_1430, %eq3A_1431 : i32
    %jit3A_1433 = arith.constant 1 : i32
    %select_n3A_1434 = arith.select %eq3A_1432, %jit3A_1433, %jit3A_1430 : i32
    %rem3A_1435 = vector.broadcast %select_n3A_1434 : i32 to vector<128x128xi32>
    %rem3A_1436 = arith.remsi %iota3A, %rem3A_1435 : vector<128x128xi32>
    %ne3A_1437 = arith.constant 0 : i32
    %ne3A_1438 = vector.broadcast %ne3A_1437 : i32 to vector<128x128xi32>
    %ne3A_1439 = arith.cmpi ne, %rem3A_1436, %ne3A_1438 : vector<128x128xi32>
    %lt3A_1440 = arith.constant 0 : i32
    %lt3A_1441 = vector.broadcast %lt3A_1440 : i32 to vector<128x128xi32>
    %lt3A_1442 = arith.cmpi slt, %rem3A_1436, %lt3A_1441 : vector<128x128xi32>
    %lt3A_1443 = arith.constant 0 : i32
    %lt3A_1444 = arith.cmpi slt, %select_n3A_1434, %lt3A_1443 : i32
    %ne3A_1445 = vector.broadcast %lt3A_1444 : i1 to vector<128x128xi1>
    %ne3A_1446 = vector.broadcast %ne3A_1445 : vector<128x128xi1> to vector<128x128xi1>
    %ne3A_1447 = arith.xori %lt3A_1442, %ne3A_1446 : vector<128x128xi1>
    %and3A_1448 = arith.andi %ne3A_1447, %ne3A_1439 : vector<128x128xi1>
    %add3A_1449 = vector.broadcast %select_n3A_1434 : i32 to vector<128x128xi32>
    %add3A_1450 = arith.addi %rem3A_1436, %add3A_1449 : vector<128x128xi32>
    %select_n3A_1451 = arith.select %and3A_1448, %add3A_1450, %rem3A_1436 : vector<128x128xi1>, vector<128x128xi32>
    %mul3A_1452 = arith.constant 128 : i32
    %mul3A_1453 = vector.broadcast %mul3A_1452 : i32 to vector<128x128xi32>
    %mul3A_1454 = arith.muli %select_n3A_1451, %mul3A_1453 : vector<128x128xi32>
    %add3A_1455 = vector.broadcast %add3A_1429 : i32 to vector<128x128xi32>
    %add3A_1456 = arith.addi %add3A_1455, %mul3A_1454 : vector<128x128xi32>
    %add3A_1457 = arith.addi %add3A_1456, %iota3A_0 : vector<128x128xi32>
    %lt3A_1458 = arith.constant 1000001 : i32
    %lt3A_1459 = vector.broadcast %lt3A_1458 : i32 to vector<128x128xi32>
    %lt3A_1460 = arith.cmpi slt, %add3A_1457, %lt3A_1459 : vector<128x128xi32>
    %jit3A_1461 = arith.constant 0.000000e+00 : f32
    %broadcast_in_dim3A_1462 = vector.broadcast %jit3A_1461 : f32 to vector<128x128xf32>
    %select_n3A_1463 = arith.select %lt3A_1460, %reshape3A_1427, %broadcast_in_dim3A_1462 : vector<128x128xi1>, vector<128x128xf32>
    %dot_general3A_1464 = arith.constant dense<0.000000e+00> : vector<128x128xf32>
    %dot_general3A_1465 = tpu.matmul %select_n3A_1463, %convert_element_type3A_47, %dot_general3A_1464 {dimension_numbers = #tpu.dot_dimension_numbers<[0], [0], [1], [1], [0, 1, 1, 1], [], []>, transpose_lhs_hint = false} : vector<128x128xf32>, vector<128x128xf32>, vector<128x128xf32> -> vector<128x128xf32>
    %swap3A_1466 = arith.constant 0 : index
    %swap3A_1467 = arith.constant 0 : index
    %swap3A_1468 = vector.load %arg5[%swap3A_1466, %swap3A_1467] : memref<4096x128xf32, #tpu.memory_space<vmem>>, vector<128x128xf32>
    tpu.vector_store %arg5[%swap3A_1466, %swap3A_1467], %dot_general3A_1465 {strides = array<i32>} : memref<4096x128xf32, #tpu.memory_space<vmem>>, vector<128x128xf32>,
    %slice3A_1469 = vector.extract_strided_slice %get3A_1425 {offsets = [0, 1024], sizes = [16, 1024], strides = [1, 1]} : vector<16x32768xf32> to vector<16x1024xf32>
    %reshape3A_1470 = vector.shape_cast %slice3A_1469 : vector<16x1024xf32> to vector<128x128xf32>
    %add3A_1471 = arith.constant 1024 : i32
    %add3A_1472 = arith.addi %mul3A_49, %add3A_1471 : i32
    %jit3A_1473 = arith.constant 8 : i32
    %eq3A_1474 = arith.constant 0 : i32
    %eq3A_1475 = arith.cmpi eq, %jit3A_1473, %eq3A_1474 : i32
    %jit3A_1476 = arith.constant 1 : i32
    %select_n3A_1477 = arith.select %eq3A_1475, %jit3A_1476, %jit3A_1473 : i32
    %rem3A_1478 = vector.broadcast %select_n3A_1477 : i32 to vector<128x128xi32>
    %rem3A_1479 = arith.remsi %iota3A, %rem3A_1478 : vector<128x128xi32>
    %ne3A_1480 = arith.constant 0 : i32
    %ne3A_1481 = vector.broadcast %ne3A_1480 : i32 to vector<128x128xi32>
    %ne3A_1482 = arith.cmpi ne, %rem3A_1479, %ne3A_1481 : vector<128x128xi32>
    %lt3A_1483 = arith.constant 0 : i32
    %lt3A_1484 = vector.broadcast %lt3A_1483 : i32 to vector<128x128xi32>
    %lt3A_1485 = arith.cmpi slt, %rem3A_1479, %lt3A_1484 : vector<128x128xi32>
    %lt3A_1486 = arith.constant 0 : i32
    %lt3A_1487 = arith.cmpi slt, %select_n3A_1477, %lt3A_1486 : i32
    %ne3A_1488 = vector.broadcast %lt3A_1487 : i1 to vector<128x128xi1>
    %ne3A_1489 = vector.broadcast %ne3A_1488 : vector<128x128xi1> to vector<128x128xi1>
    %ne3A_1490 = arith.xori %lt3A_1485, %ne3A_1489 : vector<128x128xi1>
    %and3A_1491 = arith.andi %ne3A_1490, %ne3A_1482 : vector<128x128xi1>
    %add3A_1492 = vector.broadcast %select_n3A_1477 : i32 to vector<128x128xi32>
    %add3A_1493 = arith.addi %rem3A_1479, %add3A_1492 : vector<128x128xi32>
    %select_n3A_1494 = arith.select %and3A_1491, %add3A_1493, %rem3A_1479 : vector<128x128xi1>, vector<128x128xi32>
    %mul3A_1495 = arith.constant 128 : i32
    %mul3A_1496 = vector.broadcast %mul3A_1495 : i32 to vector<128x128xi32>
    %mul3A_1497 = arith.muli %select_n3A_1494, %mul3A_1496 : vector<128x128xi32>
    %add3A_1498 = vector.broadcast %add3A_1472 : i32 to vector<128x128xi32>
    %add3A_1499 = arith.addi %add3A_1498, %mul3A_1497 : vector<128x128xi32>
    %add3A_1500 = arith.addi %add3A_1499, %iota3A_0 : vector<128x128xi32>
    %lt3A_1501 = arith.constant 1000001 : i32
    %lt3A_1502 = vector.broadcast %lt3A_1501 : i32 to vector<128x128xi32>
    %lt3A_1503 = arith.cmpi slt, %add3A_1500, %lt3A_1502 : vector<128x128xi32>
    %jit3A_1504 = arith.constant 0.000000e+00 : f32
    %broadcast_in_dim3A_1505 = vector.broadcast %jit3A_1504 : f32 to vector<128x128xf32>
    %select_n3A_1506 = arith.select %lt3A_1503, %reshape3A_1470, %broadcast_in_dim3A_1505 : vector<128x128xi1>, vector<128x128xf32>
    %dot_general3A_1507 = arith.constant dense<0.000000e+00> : vector<128x128xf32>
    %dot_general3A_1508 = tpu.matmul %select_n3A_1506, %convert_element_type3A_47, %dot_general3A_1507 {dimension_numbers = #tpu.dot_dimension_numbers<[0], [0], [1], [1], [0, 1, 1, 1], [], []>, transpose_lhs_hint = false} : vector<128x128xf32>, vector<128x128xf32>, vector<128x128xf32> -> vector<128x128xf32>
    %swap3A_1509 = arith.constant 128 : index
    %swap3A_1510 = arith.constant 0 : index
    %swap3A_1511 = vector.load %arg5[%swap3A_1509, %swap3A_1510] : memref<4096x128xf32, #tpu.memory_space<vmem>>, vector<128x128xf32>
    tpu.vector_store %arg5[%swap3A_1509, %swap3A_1510], %dot_general3A_1508 {strides = array<i32>} : memref<4096x128xf32, #tpu.memory_space<vmem>>, vector<128x128xf32>,
    %slice3A_1512 = vector.extract_strided_slice %get3A_1425 {offsets = [0, 2048], sizes = [16, 1024], strides = [1, 1]} : vector<16x32768xf32> to vector<16x1024xf32>
    %reshape3A_1513 = vector.shape_cast %slice3A_1512 : vector<16x1024xf32> to vector<128x128xf32>
    %add3A_1514 = arith.constant 2048 : i32
    %add3A_1515 = arith.addi %mul3A_49, %add3A_1514 : i32
    %jit3A_1516 = arith.constant 8 : i32
    %eq3A_1517 = arith.constant 0 : i32
    %eq3A_1518 = arith.cmpi eq, %jit3A_1516, %eq3A_1517 : i32
    %jit3A_1519 = arith.constant 1 : i32
    %select_n3A_1520 = arith.select %eq3A_1518, %jit3A_1519, %jit3A_1516 : i32
    %rem3A_1521 = vector.broadcast %select_n3A_1520 : i32 to vector<128x128xi32>
    %rem3A_1522 = arith.remsi %iota3A, %rem3A_1521 : vector<128x128xi32>
    %ne3A_1523 = arith.constant 0 : i32
    %ne3A_1524 = vector.broadcast %ne3A_1523 : i32 to vector<128x128xi32>
    %ne3A_1525 = arith.cmpi ne, %rem3A_1522, %ne3A_1524 : vector<128x128xi32>
    %lt3A_1526 = arith.constant 0 : i32
    %lt3A_1527 = vector.broadcast %lt3A_1526 : i32 to vector<128x128xi32>
    %lt3A_1528 = arith.cmpi slt, %rem3A_1522, %lt3A_1527 : vector<128x128xi32>
    %lt3A_1529 = arith.constant 0 : i32
    %lt3A_1530 = arith.cmpi slt, %select_n3A_1520, %lt3A_1529 : i32
    %ne3A_1531 = vector.broadcast %lt3A_1530 : i1 to vector<128x128xi1>
    %ne3A_1532 = vector.broadcast %ne3A_1531 : vector<128x128xi1> to vector<128x128xi1>
    %ne3A_1533 = arith.xori %lt3A_1528, %ne3A_1532 : vector<128x128xi1>
    %and3A_1534 = arith.andi %ne3A_1533, %ne3A_1525 : vector<128x128xi1>
    %add3A_1535 = vector.broadcast %select_n3A_1520 : i32 to vector<128x128xi32>
    %add3A_1536 = arith.addi %rem3A_1522, %add3A_1535 : vector<128x128xi32>
    %select_n3A_1537 = arith.select %and3A_1534, %add3A_1536, %rem3A_1522 : vector<128x128xi1>, vector<128x128xi32>
    %mul3A_1538 = arith.constant 128 : i32
    %mul3A_1539 = vector.broadcast %mul3A_1538 : i32 to vector<128x128xi32>
    %mul3A_1540 = arith.muli %select_n3A_1537, %mul3A_1539 : vector<128x128xi32>
    %add3A_1541 = vector.broadcast %add3A_1515 : i32 to vector<128x128xi32>
    %add3A_1542 = arith.addi %add3A_1541, %mul3A_1540 : vector<128x128xi32>
    %add3A_1543 = arith.addi %add3A_1542, %iota3A_0 : vector<128x128xi32>
    %lt3A_1544 = arith.constant 1000001 : i32
    %lt3A_1545 = vector.broadcast %lt3A_1544 : i32 to vector<128x128xi32>
    %lt3A_1546 = arith.cmpi slt, %add3A_1543, %lt3A_1545 : vector<128x128xi32>
    %jit3A_1547 = arith.constant 0.000000e+00 : f32
    %broadcast_in_dim3A_1548 = vector.broadcast %jit3A_1547 : f32 to vector<128x128xf32>
    %select_n3A_1549 = arith.select %lt3A_1546, %reshape3A_1513, %broadcast_in_dim3A_1548 : vector<128x128xi1>, vector<128x128xf32>
    %dot_general3A_1550 = arith.constant dense<0.000000e+00> : vector<128x128xf32>
    %dot_general3A_1551 = tpu.matmul %select_n3A_1549, %convert_element_type3A_47, %dot_general3A_1550 {dimension_numbers = #tpu.dot_dimension_numbers<[0], [0], [1], [1], [0, 1, 1, 1], [], []>, transpose_lhs_hint = false} : vector<128x128xf32>, vector<128x128xf32>, vector<128x128xf32> -> vector<128x128xf32>
    %swap3A_1552 = arith.constant 256 : index
    %swap3A_1553 = arith.constant 0 : index
    %swap3A_1554 = vector.load %arg5[%swap3A_1552, %swap3A_1553] : memref<4096x128xf32, #tpu.memory_space<vmem>>, vector<128x128xf32>
    tpu.vector_store %arg5[%swap3A_1552, %swap3A_1553], %dot_general3A_1551 {strides = array<i32>} : memref<4096x128xf32, #tpu.memory_space<vmem>>, vector<128x128xf32>,
    %slice3A_1555 = vector.extract_strided_slice %get3A_1425 {offsets = [0, 3072], sizes = [16, 1024], strides = [1, 1]} : vector<16x32768xf32> to vector<16x1024xf32>
    %reshape3A_1556 = vector.shape_cast %slice3A_1555 : vector<16x1024xf32> to vector<128x128xf32>
    %add3A_1557 = arith.constant 3072 : i32
    %add3A_1558 = arith.addi %mul3A_49, %add3A_1557 : i32
    %jit3A_1559 = arith.constant 8 : i32
    %eq3A_1560 = arith.constant 0 : i32
    %eq3A_1561 = arith.cmpi eq, %jit3A_1559, %eq3A_1560 : i32
    %jit3A_1562 = arith.constant 1 : i32
    %select_n3A_1563 = arith.select %eq3A_1561, %jit3A_1562, %jit3A_1559 : i32
    %rem3A_1564 = vector.broadcast %select_n3A_1563 : i32 to vector<128x128xi32>
    %rem3A_1565 = arith.remsi %iota3A, %rem3A_1564 : vector<128x128xi32>
    %ne3A_1566 = arith.constant 0 : i32
    %ne3A_1567 = vector.broadcast %ne3A_1566 : i32 to vector<128x128xi32>
    %ne3A_1568 = arith.cmpi ne, %rem3A_1565, %ne3A_1567 : vector<128x128xi32>
    %lt3A_1569 = arith.constant 0 : i32
    %lt3A_1570 = vector.broadcast %lt3A_1569 : i32 to vector<128x128xi32>
    %lt3A_1571 = arith.cmpi slt, %rem3A_1565, %lt3A_1570 : vector<128x128xi32>
    %lt3A_1572 = arith.constant 0 : i32
    %lt3A_1573 = arith.cmpi slt, %select_n3A_1563, %lt3A_1572 : i32
    %ne3A_1574 = vector.broadcast %lt3A_1573 : i1 to vector<128x128xi1>
    %ne3A_1575 = vector.broadcast %ne3A_1574 : vector<128x128xi1> to vector<128x128xi1>
    %ne3A_1576 = arith.xori %lt3A_1571, %ne3A_1575 : vector<128x128xi1>
    %and3A_1577 = arith.andi %ne3A_1576, %ne3A_1568 : vector<128x128xi1>
    %add3A_1578 = vector.broadcast %select_n3A_1563 : i32 to vector<128x128xi32>
    %add3A_1579 = arith.addi %rem3A_1565, %add3A_1578 : vector<128x128xi32>
    %select_n3A_1580 = arith.select %and3A_1577, %add3A_1579, %rem3A_1565 : vector<128x128xi1>, vector<128x128xi32>
    %mul3A_1581 = arith.constant 128 : i32
    %mul3A_1582 = vector.broadcast %mul3A_1581 : i32 to vector<128x128xi32>
    %mul3A_1583 = arith.muli %select_n3A_1580, %mul3A_1582 : vector<128x128xi32>
    %add3A_1584 = vector.broadcast %add3A_1558 : i32 to vector<128x128xi32>
    %add3A_1585 = arith.addi %add3A_1584, %mul3A_1583 : vector<128x128xi32>
    %add3A_1586 = arith.addi %add3A_1585, %iota3A_0 : vector<128x128xi32>
    %lt3A_1587 = arith.constant 1000001 : i32
    %lt3A_1588 = vector.broadcast %lt3A_1587 : i32 to vector<128x128xi32>
    %lt3A_1589 = arith.cmpi slt, %add3A_1586, %lt3A_1588 : vector<128x128xi32>
    %jit3A_1590 = arith.constant 0.000000e+00 : f32
    %broadcast_in_dim3A_1591 = vector.broadcast %jit3A_1590 : f32 to vector<128x128xf32>
    %select_n3A_1592 = arith.select %lt3A_1589, %reshape3A_1556, %broadcast_in_dim3A_1591 : vector<128x128xi1>, vector<128x128xf32>
    %dot_general3A_1593 = arith.constant dense<0.000000e+00> : vector<128x128xf32>
    %dot_general3A_1594 = tpu.matmul %select_n3A_1592, %convert_element_type3A_47, %dot_general3A_1593 {dimension_numbers = #tpu.dot_dimension_numbers<[0], [0], [1], [1], [0, 1, 1, 1], [], []>, transpose_lhs_hint = false} : vector<128x128xf32>, vector<128x128xf32>, vector<128x128xf32> -> vector<128x128xf32>
    %swap3A_1595 = arith.constant 384 : index
    %swap3A_1596 = arith.constant 0 : index
    %swap3A_1597 = vector.load %arg5[%swap3A_1595, %swap3A_1596] : memref<4096x128xf32, #tpu.memory_space<vmem>>, vector<128x128xf32>
    tpu.vector_store %arg5[%swap3A_1595, %swap3A_1596], %dot_general3A_1594 {strides = array<i32>} : memref<4096x128xf32, #tpu.memory_space<vmem>>, vector<128x128xf32>,
    %slice3A_1598 = vector.extract_strided_slice %get3A_1425 {offsets = [0, 4096], sizes = [16, 1024], strides = [1, 1]} : vector<16x32768xf32> to vector<16x1024xf32>
    %reshape3A_1599 = vector.shape_cast %slice3A_1598 : vector<16x1024xf32> to vector<128x128xf32>
    %add3A_1600 = arith.constant 4096 : i32
    %add3A_1601 = arith.addi %mul3A_49, %add3A_1600 : i32
    %jit3A_1602 = arith.constant 8 : i32
    %eq3A_1603 = arith.constant 0 : i32
    %eq3A_1604 = arith.cmpi eq, %jit3A_1602, %eq3A_1603 : i32
    %jit3A_1605 = arith.constant 1 : i32
    %select_n3A_1606 = arith.select %eq3A_1604, %jit3A_1605, %jit3A_1602 : i32
    %rem3A_1607 = vector.broadcast %select_n3A_1606 : i32 to vector<128x128xi32>
    %rem3A_1608 = arith.remsi %iota3A, %rem3A_1607 : vector<128x128xi32>
    %ne3A_1609 = arith.constant 0 : i32
    %ne3A_1610 = vector.broadcast %ne3A_1609 : i32 to vector<128x128xi32>
    %ne3A_1611 = arith.cmpi ne, %rem3A_1608, %ne3A_1610 : vector<128x128xi32>
    %lt3A_1612 = arith.constant 0 : i32
    %lt3A_1613 = vector.broadcast %lt3A_1612 : i32 to vector<128x128xi32>
    %lt3A_1614 = arith.cmpi slt, %rem3A_1608, %lt3A_1613 : vector<128x128xi32>
    %lt3A_1615 = arith.constant 0 : i32
    %lt3A_1616 = arith.cmpi slt, %select_n3A_1606, %lt3A_1615 : i32
    %ne3A_1617 = vector.broadcast %lt3A_1616 : i1 to vector<128x128xi1>
    %ne3A_1618 = vector.broadcast %ne3A_1617 : vector<128x128xi1> to vector<128x128xi1>
    %ne3A_1619 = arith.xori %lt3A_1614, %ne3A_1618 : vector<128x128xi1>
    %and3A_1620 = arith.andi %ne3A_1619, %ne3A_1611 : vector<128x128xi1>
    %add3A_1621 = vector.broadcast %select_n3A_1606 : i32 to vector<128x128xi32>
    %add3A_1622 = arith.addi %rem3A_1608, %add3A_1621 : vector<128x128xi32>
    %select_n3A_1623 = arith.select %and3A_1620, %add3A_1622, %rem3A_1608 : vector<128x128xi1>, vector<128x128xi32>
    %mul3A_1624 = arith.constant 128 : i32
    %mul3A_1625 = vector.broadcast %mul3A_1624 : i32 to vector<128x128xi32>
    %mul3A_1626 = arith.muli %select_n3A_1623, %mul3A_1625 : vector<128x128xi32>
    %add3A_1627 = vector.broadcast %add3A_1601 : i32 to vector<128x128xi32>
    %add3A_1628 = arith.addi %add3A_1627, %mul3A_1626 : vector<128x128xi32>
    %add3A_1629 = arith.addi %add3A_1628, %iota3A_0 : vector<128x128xi32>
    %lt3A_1630 = arith.constant 1000001 : i32
    %lt3A_1631 = vector.broadcast %lt3A_1630 : i32 to vector<128x128xi32>
    %lt3A_1632 = arith.cmpi slt, %add3A_1629, %lt3A_1631 : vector<128x128xi32>
    %jit3A_1633 = arith.constant 0.000000e+00 : f32
    %broadcast_in_dim3A_1634 = vector.broadcast %jit3A_1633 : f32 to vector<128x128xf32>
    %select_n3A_1635 = arith.select %lt3A_1632, %reshape3A_1599, %broadcast_in_dim3A_1634 : vector<128x128xi1>, vector<128x128xf32>
    %dot_general3A_1636 = arith.constant dense<0.000000e+00> : vector<128x128xf32>
    %dot_general3A_1637 = tpu.matmul %select_n3A_1635, %convert_element_type3A_47, %dot_general3A_1636 {dimension_numbers = #tpu.dot_dimension_numbers<[0], [0], [1], [1], [0, 1, 1, 1], [], []>, transpose_lhs_hint = false} : vector<128x128xf32>, vector<128x128xf32>, vector<128x128xf32> -> vector<128x128xf32>
    %swap3A_1638 = arith.constant 512 : index
    %swap3A_1639 = arith.constant 0 : index
    %swap3A_1640 = vector.load %arg5[%swap3A_1638, %swap3A_1639] : memref<4096x128xf32, #tpu.memory_space<vmem>>, vector<128x128xf32>
    tpu.vector_store %arg5[%swap3A_1638, %swap3A_1639], %dot_general3A_1637 {strides = array<i32>} : memref<4096x128xf32, #tpu.memory_space<vmem>>, vector<128x128xf32>,
    %slice3A_1641 = vector.extract_strided_slice %get3A_1425 {offsets = [0, 5120], sizes = [16, 1024], strides = [1, 1]} : vector<16x32768xf32> to vector<16x1024xf32>
    %reshape3A_1642 = vector.shape_cast %slice3A_1641 : vector<16x1024xf32> to vector<128x128xf32>
    %add3A_1643 = arith.constant 5120 : i32
    %add3A_1644 = arith.addi %mul3A_49, %add3A_1643 : i32
    %jit3A_1645 = arith.constant 8 : i32
    %eq3A_1646 = arith.constant 0 : i32
    %eq3A_1647 = arith.cmpi eq, %jit3A_1645, %eq3A_1646 : i32
    %jit3A_1648 = arith.constant 1 : i32
    %select_n3A_1649 = arith.select %eq3A_1647, %jit3A_1648, %jit3A_1645 : i32
    %rem3A_1650 = vector.broadcast %select_n3A_1649 : i32 to vector<128x128xi32>
    %rem3A_1651 = arith.remsi %iota3A, %rem3A_1650 : vector<128x128xi32>
    %ne3A_1652 = arith.constant 0 : i32
    %ne3A_1653 = vector.broadcast %ne3A_1652 : i32 to vector<128x128xi32>
    %ne3A_1654 = arith.cmpi ne, %rem3A_1651, %ne3A_1653 : vector<128x128xi32>
    %lt3A_1655 = arith.constant 0 : i32
    %lt3A_1656 = vector.broadcast %lt3A_1655 : i32 to vector<128x128xi32>
    %lt3A_1657 = arith.cmpi slt, %rem3A_1651, %lt3A_1656 : vector<128x128xi32>
    %lt3A_1658 = arith.constant 0 : i32
    %lt3A_1659 = arith.cmpi slt, %select_n3A_1649, %lt3A_1658 : i32
    %ne3A_1660 = vector.broadcast %lt3A_1659 : i1 to vector<128x128xi1>
    %ne3A_1661 = vector.broadcast %ne3A_1660 : vector<128x128xi1> to vector<128x128xi1>
    %ne3A_1662 = arith.xori %lt3A_1657, %ne3A_1661 : vector<128x128xi1>
    %and3A_1663 = arith.andi %ne3A_1662, %ne3A_1654 : vector<128x128xi1>
    %add3A_1664 = vector.broadcast %select_n3A_1649 : i32 to vector<128x128xi32>
    %add3A_1665 = arith.addi %rem3A_1651, %add3A_1664 : vector<128x128xi32>
    %select_n3A_1666 = arith.select %and3A_1663, %add3A_1665, %rem3A_1651 : vector<128x128xi1>, vector<128x128xi32>
    %mul3A_1667 = arith.constant 128 : i32
    %mul3A_1668 = vector.broadcast %mul3A_1667 : i32 to vector<128x128xi32>
    %mul3A_1669 = arith.muli %select_n3A_1666, %mul3A_1668 : vector<128x128xi32>
    %add3A_1670 = vector.broadcast %add3A_1644 : i32 to vector<128x128xi32>
    %add3A_1671 = arith.addi %add3A_1670, %mul3A_1669 : vector<128x128xi32>
    %add3A_1672 = arith.addi %add3A_1671, %iota3A_0 : vector<128x128xi32>
    %lt3A_1673 = arith.constant 1000001 : i32
    %lt3A_1674 = vector.broadcast %lt3A_1673 : i32 to vector<128x128xi32>
    %lt3A_1675 = arith.cmpi slt, %add3A_1672, %lt3A_1674 : vector<128x128xi32>
    %jit3A_1676 = arith.constant 0.000000e+00 : f32
    %broadcast_in_dim3A_1677 = vector.broadcast %jit3A_1676 : f32 to vector<128x128xf32>
    %select_n3A_1678 = arith.select %lt3A_1675, %reshape3A_1642, %broadcast_in_dim3A_1677 : vector<128x128xi1>, vector<128x128xf32>
    %dot_general3A_1679 = arith.constant dense<0.000000e+00> : vector<128x128xf32>
    %dot_general3A_1680 = tpu.matmul %select_n3A_1678, %convert_element_type3A_47, %dot_general3A_1679 {dimension_numbers = #tpu.dot_dimension_numbers<[0], [0], [1], [1], [0, 1, 1, 1], [], []>, transpose_lhs_hint = false} : vector<128x128xf32>, vector<128x128xf32>, vector<128x128xf32> -> vector<128x128xf32>
    %swap3A_1681 = arith.constant 640 : index
    %swap3A_1682 = arith.constant 0 : index
    %swap3A_1683 = vector.load %arg5[%swap3A_1681, %swap3A_1682] : memref<4096x128xf32, #tpu.memory_space<vmem>>, vector<128x128xf32>
    tpu.vector_store %arg5[%swap3A_1681, %swap3A_1682], %dot_general3A_1680 {strides = array<i32>} : memref<4096x128xf32, #tpu.memory_space<vmem>>, vector<128x128xf32>,
    %slice3A_1684 = vector.extract_strided_slice %get3A_1425 {offsets = [0, 6144], sizes = [16, 1024], strides = [1, 1]} : vector<16x32768xf32> to vector<16x1024xf32>
    %reshape3A_1685 = vector.shape_cast %slice3A_1684 : vector<16x1024xf32> to vector<128x128xf32>
    %add3A_1686 = arith.constant 6144 : i32
    %add3A_1687 = arith.addi %mul3A_49, %add3A_1686 : i32
    %jit3A_1688 = arith.constant 8 : i32
    %eq3A_1689 = arith.constant 0 : i32
    %eq3A_1690 = arith.cmpi eq, %jit3A_1688, %eq3A_1689 : i32
    %jit3A_1691 = arith.constant 1 : i32
    %select_n3A_1692 = arith.select %eq3A_1690, %jit3A_1691, %jit3A_1688 : i32
    %rem3A_1693 = vector.broadcast %select_n3A_1692 : i32 to vector<128x128xi32>
    %rem3A_1694 = arith.remsi %iota3A, %rem3A_1693 : vector<128x128xi32>
    %ne3A_1695 = arith.constant 0 : i32
    %ne3A_1696 = vector.broadcast %ne3A_1695 : i32 to vector<128x128xi32>
    %ne3A_1697 = arith.cmpi ne, %rem3A_1694, %ne3A_1696 : vector<128x128xi32>
    %lt3A_1698 = arith.constant 0 : i32
    %lt3A_1699 = vector.broadcast %lt3A_1698 : i32 to vector<128x128xi32>
    %lt3A_1700 = arith.cmpi slt, %rem3A_1694, %lt3A_1699 : vector<128x128xi32>
    %lt3A_1701 = arith.constant 0 : i32
    %lt3A_1702 = arith.cmpi slt, %select_n3A_1692, %lt3A_1701 : i32
    %ne3A_1703 = vector.broadcast %lt3A_1702 : i1 to vector<128x128xi1>
    %ne3A_1704 = vector.broadcast %ne3A_1703 : vector<128x128xi1> to vector<128x128xi1>
    %ne3A_1705 = arith.xori %lt3A_1700, %ne3A_1704 : vector<128x128xi1>
    %and3A_1706 = arith.andi %ne3A_1705, %ne3A_1697 : vector<128x128xi1>
    %add3A_1707 = vector.broadcast %select_n3A_1692 : i32 to vector<128x128xi32>
    %add3A_1708 = arith.addi %rem3A_1694, %add3A_1707 : vector<128x128xi32>
    %select_n3A_1709 = arith.select %and3A_1706, %add3A_1708, %rem3A_1694 : vector<128x128xi1>, vector<128x128xi32>
    %mul3A_1710 = arith.constant 128 : i32
    %mul3A_1711 = vector.broadcast %mul3A_1710 : i32 to vector<128x128xi32>
    %mul3A_1712 = arith.muli %select_n3A_1709, %mul3A_1711 : vector<128x128xi32>
    %add3A_1713 = vector.broadcast %add3A_1687 : i32 to vector<128x128xi32>
    %add3A_1714 = arith.addi %add3A_1713, %mul3A_1712 : vector<128x128xi32>
    %add3A_1715 = arith.addi %add3A_1714, %iota3A_0 : vector<128x128xi32>
    %lt3A_1716 = arith.constant 1000001 : i32
    %lt3A_1717 = vector.broadcast %lt3A_1716 : i32 to vector<128x128xi32>
    %lt3A_1718 = arith.cmpi slt, %add3A_1715, %lt3A_1717 : vector<128x128xi32>
    %jit3A_1719 = arith.constant 0.000000e+00 : f32
    %broadcast_in_dim3A_1720 = vector.broadcast %jit3A_1719 : f32 to vector<128x128xf32>
    %select_n3A_1721 = arith.select %lt3A_1718, %reshape3A_1685, %broadcast_in_dim3A_1720 : vector<128x128xi1>, vector<128x128xf32>
    %dot_general3A_1722 = arith.constant dense<0.000000e+00> : vector<128x128xf32>
    %dot_general3A_1723 = tpu.matmul %select_n3A_1721, %convert_element_type3A_47, %dot_general3A_1722 {dimension_numbers = #tpu.dot_dimension_numbers<[0], [0], [1], [1], [0, 1, 1, 1], [], []>, transpose_lhs_hint = false} : vector<128x128xf32>, vector<128x128xf32>, vector<128x128xf32> -> vector<128x128xf32>
    %swap3A_1724 = arith.constant 768 : index
    %swap3A_1725 = arith.constant 0 : index
    %swap3A_1726 = vector.load %arg5[%swap3A_1724, %swap3A_1725] : memref<4096x128xf32, #tpu.memory_space<vmem>>, vector<128x128xf32>
    tpu.vector_store %arg5[%swap3A_1724, %swap3A_1725], %dot_general3A_1723 {strides = array<i32>} : memref<4096x128xf32, #tpu.memory_space<vmem>>, vector<128x128xf32>,
    %slice3A_1727 = vector.extract_strided_slice %get3A_1425 {offsets = [0, 7168], sizes = [16, 1024], strides = [1, 1]} : vector<16x32768xf32> to vector<16x1024xf32>
    %reshape3A_1728 = vector.shape_cast %slice3A_1727 : vector<16x1024xf32> to vector<128x128xf32>
    %add3A_1729 = arith.constant 7168 : i32
    %add3A_1730 = arith.addi %mul3A_49, %add3A_1729 : i32
    %jit3A_1731 = arith.constant 8 : i32
    %eq3A_1732 = arith.constant 0 : i32
    %eq3A_1733 = arith.cmpi eq, %jit3A_1731, %eq3A_1732 : i32
    %jit3A_1734 = arith.constant 1 : i32
    %select_n3A_1735 = arith.select %eq3A_1733, %jit3A_1734, %jit3A_1731 : i32
    %rem3A_1736 = vector.broadcast %select_n3A_1735 : i32 to vector<128x128xi32>
    %rem3A_1737 = arith.remsi %iota3A, %rem3A_1736 : vector<128x128xi32>
    %ne3A_1738 = arith.constant 0 : i32
    %ne3A_1739 = vector.broadcast %ne3A_1738 : i32 to vector<128x128xi32>
    %ne3A_1740 = arith.cmpi ne, %rem3A_1737, %ne3A_1739 : vector<128x128xi32>
    %lt3A_1741 = arith.constant 0 : i32
    %lt3A_1742 = vector.broadcast %lt3A_1741 : i32 to vector<128x128xi32>
    %lt3A_1743 = arith.cmpi slt, %rem3A_1737, %lt3A_1742 : vector<128x128xi32>
    %lt3A_1744 = arith.constant 0 : i32
    %lt3A_1745 = arith.cmpi slt, %select_n3A_1735, %lt3A_1744 : i32
    %ne3A_1746 = vector.broadcast %lt3A_1745 : i1 to vector<128x128xi1>
    %ne3A_1747 = vector.broadcast %ne3A_1746 : vector<128x128xi1> to vector<128x128xi1>
    %ne3A_1748 = arith.xori %lt3A_1743, %ne3A_1747 : vector<128x128xi1>
    %and3A_1749 = arith.andi %ne3A_1748, %ne3A_1740 : vector<128x128xi1>
    %add3A_1750 = vector.broadcast %select_n3A_1735 : i32 to vector<128x128xi32>
    %add3A_1751 = arith.addi %rem3A_1737, %add3A_1750 : vector<128x128xi32>
    %select_n3A_1752 = arith.select %and3A_1749, %add3A_1751, %rem3A_1737 : vector<128x128xi1>, vector<128x128xi32>
    %mul3A_1753 = arith.constant 128 : i32
    %mul3A_1754 = vector.broadcast %mul3A_1753 : i32 to vector<128x128xi32>
    %mul3A_1755 = arith.muli %select_n3A_1752, %mul3A_1754 : vector<128x128xi32>
    %add3A_1756 = vector.broadcast %add3A_1730 : i32 to vector<128x128xi32>
    %add3A_1757 = arith.addi %add3A_1756, %mul3A_1755 : vector<128x128xi32>
    %add3A_1758 = arith.addi %add3A_1757, %iota3A_0 : vector<128x128xi32>
    %lt3A_1759 = arith.constant 1000001 : i32
    %lt3A_1760 = vector.broadcast %lt3A_1759 : i32 to vector<128x128xi32>
    %lt3A_1761 = arith.cmpi slt, %add3A_1758, %lt3A_1760 : vector<128x128xi32>
    %jit3A_1762 = arith.constant 0.000000e+00 : f32
    %broadcast_in_dim3A_1763 = vector.broadcast %jit3A_1762 : f32 to vector<128x128xf32>
    %select_n3A_1764 = arith.select %lt3A_1761, %reshape3A_1728, %broadcast_in_dim3A_1763 : vector<128x128xi1>, vector<128x128xf32>
    %dot_general3A_1765 = arith.constant dense<0.000000e+00> : vector<128x128xf32>
    %dot_general3A_1766 = tpu.matmul %select_n3A_1764, %convert_element_type3A_47, %dot_general3A_1765 {dimension_numbers = #tpu.dot_dimension_numbers<[0], [0], [1], [1], [0, 1, 1, 1], [], []>, transpose_lhs_hint = false} : vector<128x128xf32>, vector<128x128xf32>, vector<128x128xf32> -> vector<128x128xf32>
    %swap3A_1767 = arith.constant 896 : index
    %swap3A_1768 = arith.constant 0 : index
    %swap3A_1769 = vector.load %arg5[%swap3A_1767, %swap3A_1768] : memref<4096x128xf32, #tpu.memory_space<vmem>>, vector<128x128xf32>
    tpu.vector_store %arg5[%swap3A_1767, %swap3A_1768], %dot_general3A_1766 {strides = array<i32>} : memref<4096x128xf32, #tpu.memory_space<vmem>>, vector<128x128xf32>,
    %slice3A_1770 = vector.extract_strided_slice %get3A_1425 {offsets = [0, 8192], sizes = [16, 1024], strides = [1, 1]} : vector<16x32768xf32> to vector<16x1024xf32>
    %reshape3A_1771 = vector.shape_cast %slice3A_1770 : vector<16x1024xf32> to vector<128x128xf32>
    %add3A_1772 = arith.constant 8192 : i32
    %add3A_1773 = arith.addi %mul3A_49, %add3A_1772 : i32
    %jit3A_1774 = arith.constant 8 : i32
    %eq3A_1775 = arith.constant 0 : i32
    %eq3A_1776 = arith.cmpi eq, %jit3A_1774, %eq3A_1775 : i32
    %jit3A_1777 = arith.constant 1 : i32
    %select_n3A_1778 = arith.select %eq3A_1776, %jit3A_1777, %jit3A_1774 : i32
    %rem3A_1779 = vector.broadcast %select_n3A_1778 : i32 to vector<128x128xi32>
    %rem3A_1780 = arith.remsi %iota3A, %rem3A_1779 : vector<128x128xi32>
    %ne3A_1781 = arith.constant 0 : i32
    %ne3A_1782 = vector.broadcast %ne3A_1781 : i32 to vector<128x128xi32>
    %ne3A_1783 = arith.cmpi ne, %rem3A_1780, %ne3A_1782 : vector<128x128xi32>
    %lt3A_1784 = arith.constant 0 : i32
    %lt3A_1785 = vector.broadcast %lt3A_1784 : i32 to vector<128x128xi32>
    %lt3A_1786 = arith.cmpi slt, %rem3A_1780, %lt3A_1785 : vector<128x128xi32>
    %lt3A_1787 = arith.constant 0 : i32
    %lt3A_1788 = arith.cmpi slt, %select_n3A_1778, %lt3A_1787 : i32
    %ne3A_1789 = vector.broadcast %lt3A_1788 : i1 to vector<128x128xi1>
    %ne3A_1790 = vector.broadcast %ne3A_1789 : vector<128x128xi1> to vector<128x128xi1>
    %ne3A_1791 = arith.xori %lt3A_1786, %ne3A_1790 : vector<128x128xi1>
    %and3A_1792 = arith.andi %ne3A_1791, %ne3A_1783 : vector<128x128xi1>
    %add3A_1793 = vector.broadcast %select_n3A_1778 : i32 to vector<128x128xi32>
    %add3A_1794 = arith.addi %rem3A_1780, %add3A_1793 : vector<128x128xi32>
    %select_n3A_1795 = arith.select %and3A_1792, %add3A_1794, %rem3A_1780 : vector<128x128xi1>, vector<128x128xi32>
    %mul3A_1796 = arith.constant 128 : i32
    %mul3A_1797 = vector.broadcast %mul3A_1796 : i32 to vector<128x128xi32>
    %mul3A_1798 = arith.muli %select_n3A_1795, %mul3A_1797 : vector<128x128xi32>
    %add3A_1799 = vector.broadcast %add3A_1773 : i32 to vector<128x128xi32>
    %add3A_1800 = arith.addi %add3A_1799, %mul3A_1798 : vector<128x128xi32>
    %add3A_1801 = arith.addi %add3A_1800, %iota3A_0 : vector<128x128xi32>
    %lt3A_1802 = arith.constant 1000001 : i32
    %lt3A_1803 = vector.broadcast %lt3A_1802 : i32 to vector<128x128xi32>
    %lt3A_1804 = arith.cmpi slt, %add3A_1801, %lt3A_1803 : vector<128x128xi32>
    %jit3A_1805 = arith.constant 0.000000e+00 : f32
    %broadcast_in_dim3A_1806 = vector.broadcast %jit3A_1805 : f32 to vector<128x128xf32>
    %select_n3A_1807 = arith.select %lt3A_1804, %reshape3A_1771, %broadcast_in_dim3A_1806 : vector<128x128xi1>, vector<128x128xf32>
    %dot_general3A_1808 = arith.constant dense<0.000000e+00> : vector<128x128xf32>
    %dot_general3A_1809 = tpu.matmul %select_n3A_1807, %convert_element_type3A_47, %dot_general3A_1808 {dimension_numbers = #tpu.dot_dimension_numbers<[0], [0], [1], [1], [0, 1, 1, 1], [], []>, transpose_lhs_hint = false} : vector<128x128xf32>, vector<128x128xf32>, vector<128x128xf32> -> vector<128x128xf32>
    %swap3A_1810 = arith.constant 1024 : index
    %swap3A_1811 = arith.constant 0 : index
    %swap3A_1812 = vector.load %arg5[%swap3A_1810, %swap3A_1811] : memref<4096x128xf32, #tpu.memory_space<vmem>>, vector<128x128xf32>
    tpu.vector_store %arg5[%swap3A_1810, %swap3A_1811], %dot_general3A_1809 {strides = array<i32>} : memref<4096x128xf32, #tpu.memory_space<vmem>>, vector<128x128xf32>,
    %slice3A_1813 = vector.extract_strided_slice %get3A_1425 {offsets = [0, 9216], sizes = [16, 1024], strides = [1, 1]} : vector<16x32768xf32> to vector<16x1024xf32>
    %reshape3A_1814 = vector.shape_cast %slice3A_1813 : vector<16x1024xf32> to vector<128x128xf32>
    %add3A_1815 = arith.constant 9216 : i32
    %add3A_1816 = arith.addi %mul3A_49, %add3A_1815 : i32
    %jit3A_1817 = arith.constant 8 : i32
    %eq3A_1818 = arith.constant 0 : i32
    %eq3A_1819 = arith.cmpi eq, %jit3A_1817, %eq3A_1818 : i32
    %jit3A_1820 = arith.constant 1 : i32
    %select_n3A_1821 = arith.select %eq3A_1819, %jit3A_1820, %jit3A_1817 : i32
    %rem3A_1822 = vector.broadcast %select_n3A_1821 : i32 to vector<128x128xi32>
    %rem3A_1823 = arith.remsi %iota3A, %rem3A_1822 : vector<128x128xi32>
    %ne3A_1824 = arith.constant 0 : i32
    %ne3A_1825 = vector.broadcast %ne3A_1824 : i32 to vector<128x128xi32>
    %ne3A_1826 = arith.cmpi ne, %rem3A_1823, %ne3A_1825 : vector<128x128xi32>
    %lt3A_1827 = arith.constant 0 : i32
    %lt3A_1828 = vector.broadcast %lt3A_1827 : i32 to vector<128x128xi32>
    %lt3A_1829 = arith.cmpi slt, %rem3A_1823, %lt3A_1828 : vector<128x128xi32>
    %lt3A_1830 = arith.constant 0 : i32
    %lt3A_1831 = arith.cmpi slt, %select_n3A_1821, %lt3A_1830 : i32
    %ne3A_1832 = vector.broadcast %lt3A_1831 : i1 to vector<128x128xi1>
    %ne3A_1833 = vector.broadcast %ne3A_1832 : vector<128x128xi1> to vector<128x128xi1>
    %ne3A_1834 = arith.xori %lt3A_1829, %ne3A_1833 : vector<128x128xi1>
    %and3A_1835 = arith.andi %ne3A_1834, %ne3A_1826 : vector<128x128xi1>
    %add3A_1836 = vector.broadcast %select_n3A_1821 : i32 to vector<128x128xi32>
    %add3A_1837 = arith.addi %rem3A_1823, %add3A_1836 : vector<128x128xi32>
    %select_n3A_1838 = arith.select %and3A_1835, %add3A_1837, %rem3A_1823 : vector<128x128xi1>, vector<128x128xi32>
    %mul3A_1839 = arith.constant 128 : i32
    %mul3A_1840 = vector.broadcast %mul3A_1839 : i32 to vector<128x128xi32>
    %mul3A_1841 = arith.muli %select_n3A_1838, %mul3A_1840 : vector<128x128xi32>
    %add3A_1842 = vector.broadcast %add3A_1816 : i32 to vector<128x128xi32>
    %add3A_1843 = arith.addi %add3A_1842, %mul3A_1841 : vector<128x128xi32>
    %add3A_1844 = arith.addi %add3A_1843, %iota3A_0 : vector<128x128xi32>
    %lt3A_1845 = arith.constant 1000001 : i32
    %lt3A_1846 = vector.broadcast %lt3A_1845 : i32 to vector<128x128xi32>
    %lt3A_1847 = arith.cmpi slt, %add3A_1844, %lt3A_1846 : vector<128x128xi32>
    %jit3A_1848 = arith.constant 0.000000e+00 : f32
    %broadcast_in_dim3A_1849 = vector.broadcast %jit3A_1848 : f32 to vector<128x128xf32>
    %select_n3A_1850 = arith.select %lt3A_1847, %reshape3A_1814, %broadcast_in_dim3A_1849 : vector<128x128xi1>, vector<128x128xf32>
    %dot_general3A_1851 = arith.constant dense<0.000000e+00> : vector<128x128xf32>
    %dot_general3A_1852 = tpu.matmul %select_n3A_1850, %convert_element_type3A_47, %dot_general3A_1851 {dimension_numbers = #tpu.dot_dimension_numbers<[0], [0], [1], [1], [0, 1, 1, 1], [], []>, transpose_lhs_hint = false} : vector<128x128xf32>, vector<128x128xf32>, vector<128x128xf32> -> vector<128x128xf32>
    %swap3A_1853 = arith.constant 1152 : index
    %swap3A_1854 = arith.constant 0 : index
    %swap3A_1855 = vector.load %arg5[%swap3A_1853, %swap3A_1854] : memref<4096x128xf32, #tpu.memory_space<vmem>>, vector<128x128xf32>
    tpu.vector_store %arg5[%swap3A_1853, %swap3A_1854], %dot_general3A_1852 {strides = array<i32>} : memref<4096x128xf32, #tpu.memory_space<vmem>>, vector<128x128xf32>,
    %slice3A_1856 = vector.extract_strided_slice %get3A_1425 {offsets = [0, 10240], sizes = [16, 1024], strides = [1, 1]} : vector<16x32768xf32> to vector<16x1024xf32>
    %reshape3A_1857 = vector.shape_cast %slice3A_1856 : vector<16x1024xf32> to vector<128x128xf32>
    %add3A_1858 = arith.constant 10240 : i32
    %add3A_1859 = arith.addi %mul3A_49, %add3A_1858 : i32
    %jit3A_1860 = arith.constant 8 : i32
    %eq3A_1861 = arith.constant 0 : i32
    %eq3A_1862 = arith.cmpi eq, %jit3A_1860, %eq3A_1861 : i32
    %jit3A_1863 = arith.constant 1 : i32
    %select_n3A_1864 = arith.select %eq3A_1862, %jit3A_1863, %jit3A_1860 : i32
    %rem3A_1865 = vector.broadcast %select_n3A_1864 : i32 to vector<128x128xi32>
    %rem3A_1866 = arith.remsi %iota3A, %rem3A_1865 : vector<128x128xi32>
    %ne3A_1867 = arith.constant 0 : i32
    %ne3A_1868 = vector.broadcast %ne3A_1867 : i32 to vector<128x128xi32>
    %ne3A_1869 = arith.cmpi ne, %rem3A_1866, %ne3A_1868 : vector<128x128xi32>
    %lt3A_1870 = arith.constant 0 : i32
    %lt3A_1871 = vector.broadcast %lt3A_1870 : i32 to vector<128x128xi32>
    %lt3A_1872 = arith.cmpi slt, %rem3A_1866, %lt3A_1871 : vector<128x128xi32>
    %lt3A_1873 = arith.constant 0 : i32
    %lt3A_1874 = arith.cmpi slt, %select_n3A_1864, %lt3A_1873 : i32
    %ne3A_1875 = vector.broadcast %lt3A_1874 : i1 to vector<128x128xi1>
    %ne3A_1876 = vector.broadcast %ne3A_1875 : vector<128x128xi1> to vector<128x128xi1>
    %ne3A_1877 = arith.xori %lt3A_1872, %ne3A_1876 : vector<128x128xi1>
    %and3A_1878 = arith.andi %ne3A_1877, %ne3A_1869 : vector<128x128xi1>
    %add3A_1879 = vector.broadcast %select_n3A_1864 : i32 to vector<128x128xi32>
    %add3A_1880 = arith.addi %rem3A_1866, %add3A_1879 : vector<128x128xi32>
    %select_n3A_1881 = arith.select %and3A_1878, %add3A_1880, %rem3A_1866 : vector<128x128xi1>, vector<128x128xi32>
    %mul3A_1882 = arith.constant 128 : i32
    %mul3A_1883 = vector.broadcast %mul3A_1882 : i32 to vector<128x128xi32>
    %mul3A_1884 = arith.muli %select_n3A_1881, %mul3A_1883 : vector<128x128xi32>
    %add3A_1885 = vector.broadcast %add3A_1859 : i32 to vector<128x128xi32>
    %add3A_1886 = arith.addi %add3A_1885, %mul3A_1884 : vector<128x128xi32>
    %add3A_1887 = arith.addi %add3A_1886, %iota3A_0 : vector<128x128xi32>
    %lt3A_1888 = arith.constant 1000001 : i32
    %lt3A_1889 = vector.broadcast %lt3A_1888 : i32 to vector<128x128xi32>
    %lt3A_1890 = arith.cmpi slt, %add3A_1887, %lt3A_1889 : vector<128x128xi32>
    %jit3A_1891 = arith.constant 0.000000e+00 : f32
    %broadcast_in_dim3A_1892 = vector.broadcast %jit3A_1891 : f32 to vector<128x128xf32>
    %select_n3A_1893 = arith.select %lt3A_1890, %reshape3A_1857, %broadcast_in_dim3A_1892 : vector<128x128xi1>, vector<128x128xf32>
    %dot_general3A_1894 = arith.constant dense<0.000000e+00> : vector<128x128xf32>
    %dot_general3A_1895 = tpu.matmul %select_n3A_1893, %convert_element_type3A_47, %dot_general3A_1894 {dimension_numbers = #tpu.dot_dimension_numbers<[0], [0], [1], [1], [0, 1, 1, 1], [], []>, transpose_lhs_hint = false} : vector<128x128xf32>, vector<128x128xf32>, vector<128x128xf32> -> vector<128x128xf32>
    %swap3A_1896 = arith.constant 1280 : index
    %swap3A_1897 = arith.constant 0 : index
    %swap3A_1898 = vector.load %arg5[%swap3A_1896, %swap3A_1897] : memref<4096x128xf32, #tpu.memory_space<vmem>>, vector<128x128xf32>
    tpu.vector_store %arg5[%swap3A_1896, %swap3A_1897], %dot_general3A_1895 {strides = array<i32>} : memref<4096x128xf32, #tpu.memory_space<vmem>>, vector<128x128xf32>,
    %slice3A_1899 = vector.extract_strided_slice %get3A_1425 {offsets = [0, 11264], sizes = [16, 1024], strides = [1, 1]} : vector<16x32768xf32> to vector<16x1024xf32>
    %reshape3A_1900 = vector.shape_cast %slice3A_1899 : vector<16x1024xf32> to vector<128x128xf32>
    %add3A_1901 = arith.constant 11264 : i32
    %add3A_1902 = arith.addi %mul3A_49, %add3A_1901 : i32
    %jit3A_1903 = arith.constant 8 : i32
    %eq3A_1904 = arith.constant 0 : i32
    %eq3A_1905 = arith.cmpi eq, %jit3A_1903, %eq3A_1904 : i32
    %jit3A_1906 = arith.constant 1 : i32
    %select_n3A_1907 = arith.select %eq3A_1905, %jit3A_1906, %jit3A_1903 : i32
    %rem3A_1908 = vector.broadcast %select_n3A_1907 : i32 to vector<128x128xi32>
    %rem3A_1909 = arith.remsi %iota3A, %rem3A_1908 : vector<128x128xi32>
    %ne3A_1910 = arith.constant 0 : i32
    %ne3A_1911 = vector.broadcast %ne3A_1910 : i32 to vector<128x128xi32>
    %ne3A_1912 = arith.cmpi ne, %rem3A_1909, %ne3A_1911 : vector<128x128xi32>
    %lt3A_1913 = arith.constant 0 : i32
    %lt3A_1914 = vector.broadcast %lt3A_1913 : i32 to vector<128x128xi32>
    %lt3A_1915 = arith.cmpi slt, %rem3A_1909, %lt3A_1914 : vector<128x128xi32>
    %lt3A_1916 = arith.constant 0 : i32
    %lt3A_1917 = arith.cmpi slt, %select_n3A_1907, %lt3A_1916 : i32
    %ne3A_1918 = vector.broadcast %lt3A_1917 : i1 to vector<128x128xi1>
    %ne3A_1919 = vector.broadcast %ne3A_1918 : vector<128x128xi1> to vector<128x128xi1>
    %ne3A_1920 = arith.xori %lt3A_1915, %ne3A_1919 : vector<128x128xi1>
    %and3A_1921 = arith.andi %ne3A_1920, %ne3A_1912 : vector<128x128xi1>
    %add3A_1922 = vector.broadcast %select_n3A_1907 : i32 to vector<128x128xi32>
    %add3A_1923 = arith.addi %rem3A_1909, %add3A_1922 : vector<128x128xi32>
    %select_n3A_1924 = arith.select %and3A_1921, %add3A_1923, %rem3A_1909 : vector<128x128xi1>, vector<128x128xi32>
    %mul3A_1925 = arith.constant 128 : i32
    %mul3A_1926 = vector.broadcast %mul3A_1925 : i32 to vector<128x128xi32>
    %mul3A_1927 = arith.muli %select_n3A_1924, %mul3A_1926 : vector<128x128xi32>
    %add3A_1928 = vector.broadcast %add3A_1902 : i32 to vector<128x128xi32>
    %add3A_1929 = arith.addi %add3A_1928, %mul3A_1927 : vector<128x128xi32>
    %add3A_1930 = arith.addi %add3A_1929, %iota3A_0 : vector<128x128xi32>
    %lt3A_1931 = arith.constant 1000001 : i32
    %lt3A_1932 = vector.broadcast %lt3A_1931 : i32 to vector<128x128xi32>
    %lt3A_1933 = arith.cmpi slt, %add3A_1930, %lt3A_1932 : vector<128x128xi32>
    %jit3A_1934 = arith.constant 0.000000e+00 : f32
    %broadcast_in_dim3A_1935 = vector.broadcast %jit3A_1934 : f32 to vector<128x128xf32>
    %select_n3A_1936 = arith.select %lt3A_1933, %reshape3A_1900, %broadcast_in_dim3A_1935 : vector<128x128xi1>, vector<128x128xf32>
    %dot_general3A_1937 = arith.constant dense<0.000000e+00> : vector<128x128xf32>
    %dot_general3A_1938 = tpu.matmul %select_n3A_1936, %convert_element_type3A_47, %dot_general3A_1937 {dimension_numbers = #tpu.dot_dimension_numbers<[0], [0], [1], [1], [0, 1, 1, 1], [], []>, transpose_lhs_hint = false} : vector<128x128xf32>, vector<128x128xf32>, vector<128x128xf32> -> vector<128x128xf32>
    %swap3A_1939 = arith.constant 1408 : index
    %swap3A_1940 = arith.constant 0 : index
    %swap3A_1941 = vector.load %arg5[%swap3A_1939, %swap3A_1940] : memref<4096x128xf32, #tpu.memory_space<vmem>>, vector<128x128xf32>
    tpu.vector_store %arg5[%swap3A_1939, %swap3A_1940], %dot_general3A_1938 {strides = array<i32>} : memref<4096x128xf32, #tpu.memory_space<vmem>>, vector<128x128xf32>,
    %slice3A_1942 = vector.extract_strided_slice %get3A_1425 {offsets = [0, 12288], sizes = [16, 1024], strides = [1, 1]} : vector<16x32768xf32> to vector<16x1024xf32>
    %reshape3A_1943 = vector.shape_cast %slice3A_1942 : vector<16x1024xf32> to vector<128x128xf32>
    %add3A_1944 = arith.constant 12288 : i32
    %add3A_1945 = arith.addi %mul3A_49, %add3A_1944 : i32
    %jit3A_1946 = arith.constant 8 : i32
    %eq3A_1947 = arith.constant 0 : i32
    %eq3A_1948 = arith.cmpi eq, %jit3A_1946, %eq3A_1947 : i32
    %jit3A_1949 = arith.constant 1 : i32
    %select_n3A_1950 = arith.select %eq3A_1948, %jit3A_1949, %jit3A_1946 : i32
    %rem3A_1951 = vector.broadcast %select_n3A_1950 : i32 to vector<128x128xi32>
    %rem3A_1952 = arith.remsi %iota3A, %rem3A_1951 : vector<128x128xi32>
    %ne3A_1953 = arith.constant 0 : i32
    %ne3A_1954 = vector.broadcast %ne3A_1953 : i32 to vector<128x128xi32>
    %ne3A_1955 = arith.cmpi ne, %rem3A_1952, %ne3A_1954 : vector<128x128xi32>
    %lt3A_1956 = arith.constant 0 : i32
    %lt3A_1957 = vector.broadcast %lt3A_1956 : i32 to vector<128x128xi32>
    %lt3A_1958 = arith.cmpi slt, %rem3A_1952, %lt3A_1957 : vector<128x128xi32>
    %lt3A_1959 = arith.constant 0 : i32
    %lt3A_1960 = arith.cmpi slt, %select_n3A_1950, %lt3A_1959 : i32
    %ne3A_1961 = vector.broadcast %lt3A_1960 : i1 to vector<128x128xi1>
    %ne3A_1962 = vector.broadcast %ne3A_1961 : vector<128x128xi1> to vector<128x128xi1>
    %ne3A_1963 = arith.xori %lt3A_1958, %ne3A_1962 : vector<128x128xi1>
    %and3A_1964 = arith.andi %ne3A_1963, %ne3A_1955 : vector<128x128xi1>
    %add3A_1965 = vector.broadcast %select_n3A_1950 : i32 to vector<128x128xi32>
    %add3A_1966 = arith.addi %rem3A_1952, %add3A_1965 : vector<128x128xi32>
    %select_n3A_1967 = arith.select %and3A_1964, %add3A_1966, %rem3A_1952 : vector<128x128xi1>, vector<128x128xi32>
    %mul3A_1968 = arith.constant 128 : i32
    %mul3A_1969 = vector.broadcast %mul3A_1968 : i32 to vector<128x128xi32>
    %mul3A_1970 = arith.muli %select_n3A_1967, %mul3A_1969 : vector<128x128xi32>
    %add3A_1971 = vector.broadcast %add3A_1945 : i32 to vector<128x128xi32>
    %add3A_1972 = arith.addi %add3A_1971, %mul3A_1970 : vector<128x128xi32>
    %add3A_1973 = arith.addi %add3A_1972, %iota3A_0 : vector<128x128xi32>
    %lt3A_1974 = arith.constant 1000001 : i32
    %lt3A_1975 = vector.broadcast %lt3A_1974 : i32 to vector<128x128xi32>
    %lt3A_1976 = arith.cmpi slt, %add3A_1973, %lt3A_1975 : vector<128x128xi32>
    %jit3A_1977 = arith.constant 0.000000e+00 : f32
    %broadcast_in_dim3A_1978 = vector.broadcast %jit3A_1977 : f32 to vector<128x128xf32>
    %select_n3A_1979 = arith.select %lt3A_1976, %reshape3A_1943, %broadcast_in_dim3A_1978 : vector<128x128xi1>, vector<128x128xf32>
    %dot_general3A_1980 = arith.constant dense<0.000000e+00> : vector<128x128xf32>
    %dot_general3A_1981 = tpu.matmul %select_n3A_1979, %convert_element_type3A_47, %dot_general3A_1980 {dimension_numbers = #tpu.dot_dimension_numbers<[0], [0], [1], [1], [0, 1, 1, 1], [], []>, transpose_lhs_hint = false} : vector<128x128xf32>, vector<128x128xf32>, vector<128x128xf32> -> vector<128x128xf32>
    %swap3A_1982 = arith.constant 1536 : index
    %swap3A_1983 = arith.constant 0 : index
    %swap3A_1984 = vector.load %arg5[%swap3A_1982, %swap3A_1983] : memref<4096x128xf32, #tpu.memory_space<vmem>>, vector<128x128xf32>
    tpu.vector_store %arg5[%swap3A_1982, %swap3A_1983], %dot_general3A_1981 {strides = array<i32>} : memref<4096x128xf32, #tpu.memory_space<vmem>>, vector<128x128xf32>,
    %slice3A_1985 = vector.extract_strided_slice %get3A_1425 {offsets = [0, 13312], sizes = [16, 1024], strides = [1, 1]} : vector<16x32768xf32> to vector<16x1024xf32>
    %reshape3A_1986 = vector.shape_cast %slice3A_1985 : vector<16x1024xf32> to vector<128x128xf32>
    %add3A_1987 = arith.constant 13312 : i32
    %add3A_1988 = arith.addi %mul3A_49, %add3A_1987 : i32
    %jit3A_1989 = arith.constant 8 : i32
    %eq3A_1990 = arith.constant 0 : i32
    %eq3A_1991 = arith.cmpi eq, %jit3A_1989, %eq3A_1990 : i32
    %jit3A_1992 = arith.constant 1 : i32
    %select_n3A_1993 = arith.select %eq3A_1991, %jit3A_1992, %jit3A_1989 : i32
    %rem3A_1994 = vector.broadcast %select_n3A_1993 : i32 to vector<128x128xi32>
    %rem3A_1995 = arith.remsi %iota3A, %rem3A_1994 : vector<128x128xi32>
    %ne3A_1996 = arith.constant 0 : i32
    %ne3A_1997 = vector.broadcast %ne3A_1996 : i32 to vector<128x128xi32>
    %ne3A_1998 = arith.cmpi ne, %rem3A_1995, %ne3A_1997 : vector<128x128xi32>
    %lt3A_1999 = arith.constant 0 : i32
    %lt3A_2000 = vector.broadcast %lt3A_1999 : i32 to vector<128x128xi32>
    %lt3A_2001 = arith.cmpi slt, %rem3A_1995, %lt3A_2000 : vector<128x128xi32>
    %lt3A_2002 = arith.constant 0 : i32
    %lt3A_2003 = arith.cmpi slt, %select_n3A_1993, %lt3A_2002 : i32
    %ne3A_2004 = vector.broadcast %lt3A_2003 : i1 to vector<128x128xi1>
    %ne3A_2005 = vector.broadcast %ne3A_2004 : vector<128x128xi1> to vector<128x128xi1>
    %ne3A_2006 = arith.xori %lt3A_2001, %ne3A_2005 : vector<128x128xi1>
    %and3A_2007 = arith.andi %ne3A_2006, %ne3A_1998 : vector<128x128xi1>
    %add3A_2008 = vector.broadcast %select_n3A_1993 : i32 to vector<128x128xi32>
    %add3A_2009 = arith.addi %rem3A_1995, %add3A_2008 : vector<128x128xi32>
    %select_n3A_2010 = arith.select %and3A_2007, %add3A_2009, %rem3A_1995 : vector<128x128xi1>, vector<128x128xi32>
    %mul3A_2011 = arith.constant 128 : i32
    %mul3A_2012 = vector.broadcast %mul3A_2011 : i32 to vector<128x128xi32>
    %mul3A_2013 = arith.muli %select_n3A_2010, %mul3A_2012 : vector<128x128xi32>
    %add3A_2014 = vector.broadcast %add3A_1988 : i32 to vector<128x128xi32>
    %add3A_2015 = arith.addi %add3A_2014, %mul3A_2013 : vector<128x128xi32>
    %add3A_2016 = arith.addi %add3A_2015, %iota3A_0 : vector<128x128xi32>
    %lt3A_2017 = arith.constant 1000001 : i32
    %lt3A_2018 = vector.broadcast %lt3A_2017 : i32 to vector<128x128xi32>
    %lt3A_2019 = arith.cmpi slt, %add3A_2016, %lt3A_2018 : vector<128x128xi32>
    %jit3A_2020 = arith.constant 0.000000e+00 : f32
    %broadcast_in_dim3A_2021 = vector.broadcast %jit3A_2020 : f32 to vector<128x128xf32>
    %select_n3A_2022 = arith.select %lt3A_2019, %reshape3A_1986, %broadcast_in_dim3A_2021 : vector<128x128xi1>, vector<128x128xf32>
    %dot_general3A_2023 = arith.constant dense<0.000000e+00> : vector<128x128xf32>
    %dot_general3A_2024 = tpu.matmul %select_n3A_2022, %convert_element_type3A_47, %dot_general3A_2023 {dimension_numbers = #tpu.dot_dimension_numbers<[0], [0], [1], [1], [0, 1, 1, 1], [], []>, transpose_lhs_hint = false} : vector<128x128xf32>, vector<128x128xf32>, vector<128x128xf32> -> vector<128x128xf32>
    %swap3A_2025 = arith.constant 1664 : index
    %swap3A_2026 = arith.constant 0 : index
    %swap3A_2027 = vector.load %arg5[%swap3A_2025, %swap3A_2026] : memref<4096x128xf32, #tpu.memory_space<vmem>>, vector<128x128xf32>
    tpu.vector_store %arg5[%swap3A_2025, %swap3A_2026], %dot_general3A_2024 {strides = array<i32>} : memref<4096x128xf32, #tpu.memory_space<vmem>>, vector<128x128xf32>,
    %slice3A_2028 = vector.extract_strided_slice %get3A_1425 {offsets = [0, 14336], sizes = [16, 1024], strides = [1, 1]} : vector<16x32768xf32> to vector<16x1024xf32>
    %reshape3A_2029 = vector.shape_cast %slice3A_2028 : vector<16x1024xf32> to vector<128x128xf32>
    %add3A_2030 = arith.constant 14336 : i32
    %add3A_2031 = arith.addi %mul3A_49, %add3A_2030 : i32
    %jit3A_2032 = arith.constant 8 : i32
    %eq3A_2033 = arith.constant 0 : i32
    %eq3A_2034 = arith.cmpi eq, %jit3A_2032, %eq3A_2033 : i32
    %jit3A_2035 = arith.constant 1 : i32
    %select_n3A_2036 = arith.select %eq3A_2034, %jit3A_2035, %jit3A_2032 : i32
    %rem3A_2037 = vector.broadcast %select_n3A_2036 : i32 to vector<128x128xi32>
    %rem3A_2038 = arith.remsi %iota3A, %rem3A_2037 : vector<128x128xi32>
    %ne3A_2039 = arith.constant 0 : i32
    %ne3A_2040 = vector.broadcast %ne3A_2039 : i32 to vector<128x128xi32>
    %ne3A_2041 = arith.cmpi ne, %rem3A_2038, %ne3A_2040 : vector<128x128xi32>
    %lt3A_2042 = arith.constant 0 : i32
    %lt3A_2043 = vector.broadcast %lt3A_2042 : i32 to vector<128x128xi32>
    %lt3A_2044 = arith.cmpi slt, %rem3A_2038, %lt3A_2043 : vector<128x128xi32>
    %lt3A_2045 = arith.constant 0 : i32
    %lt3A_2046 = arith.cmpi slt, %select_n3A_2036, %lt3A_2045 : i32
    %ne3A_2047 = vector.broadcast %lt3A_2046 : i1 to vector<128x128xi1>
    %ne3A_2048 = vector.broadcast %ne3A_2047 : vector<128x128xi1> to vector<128x128xi1>
    %ne3A_2049 = arith.xori %lt3A_2044, %ne3A_2048 : vector<128x128xi1>
    %and3A_2050 = arith.andi %ne3A_2049, %ne3A_2041 : vector<128x128xi1>
    %add3A_2051 = vector.broadcast %select_n3A_2036 : i32 to vector<128x128xi32>
    %add3A_2052 = arith.addi %rem3A_2038, %add3A_2051 : vector<128x128xi32>
    %select_n3A_2053 = arith.select %and3A_2050, %add3A_2052, %rem3A_2038 : vector<128x128xi1>, vector<128x128xi32>
    %mul3A_2054 = arith.constant 128 : i32
    %mul3A_2055 = vector.broadcast %mul3A_2054 : i32 to vector<128x128xi32>
    %mul3A_2056 = arith.muli %select_n3A_2053, %mul3A_2055 : vector<128x128xi32>
    %add3A_2057 = vector.broadcast %add3A_2031 : i32 to vector<128x128xi32>
    %add3A_2058 = arith.addi %add3A_2057, %mul3A_2056 : vector<128x128xi32>
    %add3A_2059 = arith.addi %add3A_2058, %iota3A_0 : vector<128x128xi32>
    %lt3A_2060 = arith.constant 1000001 : i32
    %lt3A_2061 = vector.broadcast %lt3A_2060 : i32 to vector<128x128xi32>
    %lt3A_2062 = arith.cmpi slt, %add3A_2059, %lt3A_2061 : vector<128x128xi32>
    %jit3A_2063 = arith.constant 0.000000e+00 : f32
    %broadcast_in_dim3A_2064 = vector.broadcast %jit3A_2063 : f32 to vector<128x128xf32>
    %select_n3A_2065 = arith.select %lt3A_2062, %reshape3A_2029, %broadcast_in_dim3A_2064 : vector<128x128xi1>, vector<128x128xf32>
    %dot_general3A_2066 = arith.constant dense<0.000000e+00> : vector<128x128xf32>
    %dot_general3A_2067 = tpu.matmul %select_n3A_2065, %convert_element_type3A_47, %dot_general3A_2066 {dimension_numbers = #tpu.dot_dimension_numbers<[0], [0], [1], [1], [0, 1, 1, 1], [], []>, transpose_lhs_hint = false} : vector<128x128xf32>, vector<128x128xf32>, vector<128x128xf32> -> vector<128x128xf32>
    %swap3A_2068 = arith.constant 1792 : index
    %swap3A_2069 = arith.constant 0 : index
    %swap3A_2070 = vector.load %arg5[%swap3A_2068, %swap3A_2069] : memref<4096x128xf32, #tpu.memory_space<vmem>>, vector<128x128xf32>
    tpu.vector_store %arg5[%swap3A_2068, %swap3A_2069], %dot_general3A_2067 {strides = array<i32>} : memref<4096x128xf32, #tpu.memory_space<vmem>>, vector<128x128xf32>,
    %slice3A_2071 = vector.extract_strided_slice %get3A_1425 {offsets = [0, 15360], sizes = [16, 1024], strides = [1, 1]} : vector<16x32768xf32> to vector<16x1024xf32>
    %reshape3A_2072 = vector.shape_cast %slice3A_2071 : vector<16x1024xf32> to vector<128x128xf32>
    %add3A_2073 = arith.constant 15360 : i32
    %add3A_2074 = arith.addi %mul3A_49, %add3A_2073 : i32
    %jit3A_2075 = arith.constant 8 : i32
    %eq3A_2076 = arith.constant 0 : i32
    %eq3A_2077 = arith.cmpi eq, %jit3A_2075, %eq3A_2076 : i32
    %jit3A_2078 = arith.constant 1 : i32
    %select_n3A_2079 = arith.select %eq3A_2077, %jit3A_2078, %jit3A_2075 : i32
    %rem3A_2080 = vector.broadcast %select_n3A_2079 : i32 to vector<128x128xi32>
    %rem3A_2081 = arith.remsi %iota3A, %rem3A_2080 : vector<128x128xi32>
    %ne3A_2082 = arith.constant 0 : i32
    %ne3A_2083 = vector.broadcast %ne3A_2082 : i32 to vector<128x128xi32>
    %ne3A_2084 = arith.cmpi ne, %rem3A_2081, %ne3A_2083 : vector<128x128xi32>
    %lt3A_2085 = arith.constant 0 : i32
    %lt3A_2086 = vector.broadcast %lt3A_2085 : i32 to vector<128x128xi32>
    %lt3A_2087 = arith.cmpi slt, %rem3A_2081, %lt3A_2086 : vector<128x128xi32>
    %lt3A_2088 = arith.constant 0 : i32
    %lt3A_2089 = arith.cmpi slt, %select_n3A_2079, %lt3A_2088 : i32
    %ne3A_2090 = vector.broadcast %lt3A_2089 : i1 to vector<128x128xi1>
    %ne3A_2091 = vector.broadcast %ne3A_2090 : vector<128x128xi1> to vector<128x128xi1>
    %ne3A_2092 = arith.xori %lt3A_2087, %ne3A_2091 : vector<128x128xi1>
    %and3A_2093 = arith.andi %ne3A_2092, %ne3A_2084 : vector<128x128xi1>
    %add3A_2094 = vector.broadcast %select_n3A_2079 : i32 to vector<128x128xi32>
    %add3A_2095 = arith.addi %rem3A_2081, %add3A_2094 : vector<128x128xi32>
    %select_n3A_2096 = arith.select %and3A_2093, %add3A_2095, %rem3A_2081 : vector<128x128xi1>, vector<128x128xi32>
    %mul3A_2097 = arith.constant 128 : i32
    %mul3A_2098 = vector.broadcast %mul3A_2097 : i32 to vector<128x128xi32>
    %mul3A_2099 = arith.muli %select_n3A_2096, %mul3A_2098 : vector<128x128xi32>
    %add3A_2100 = vector.broadcast %add3A_2074 : i32 to vector<128x128xi32>
    %add3A_2101 = arith.addi %add3A_2100, %mul3A_2099 : vector<128x128xi32>
    %add3A_2102 = arith.addi %add3A_2101, %iota3A_0 : vector<128x128xi32>
    %lt3A_2103 = arith.constant 1000001 : i32
    %lt3A_2104 = vector.broadcast %lt3A_2103 : i32 to vector<128x128xi32>
    %lt3A_2105 = arith.cmpi slt, %add3A_2102, %lt3A_2104 : vector<128x128xi32>
    %jit3A_2106 = arith.constant 0.000000e+00 : f32
    %broadcast_in_dim3A_2107 = vector.broadcast %jit3A_2106 : f32 to vector<128x128xf32>
    %select_n3A_2108 = arith.select %lt3A_2105, %reshape3A_2072, %broadcast_in_dim3A_2107 : vector<128x128xi1>, vector<128x128xf32>
    %dot_general3A_2109 = arith.constant dense<0.000000e+00> : vector<128x128xf32>
    %dot_general3A_2110 = tpu.matmul %select_n3A_2108, %convert_element_type3A_47, %dot_general3A_2109 {dimension_numbers = #tpu.dot_dimension_numbers<[0], [0], [1], [1], [0, 1, 1, 1], [], []>, transpose_lhs_hint = false} : vector<128x128xf32>, vector<128x128xf32>, vector<128x128xf32> -> vector<128x128xf32>
    %swap3A_2111 = arith.constant 1920 : index
    %swap3A_2112 = arith.constant 0 : index
    %swap3A_2113 = vector.load %arg5[%swap3A_2111, %swap3A_2112] : memref<4096x128xf32, #tpu.memory_space<vmem>>, vector<128x128xf32>
    tpu.vector_store %arg5[%swap3A_2111, %swap3A_2112], %dot_general3A_2110 {strides = array<i32>} : memref<4096x128xf32, #tpu.memory_space<vmem>>, vector<128x128xf32>,
    %slice3A_2114 = vector.extract_strided_slice %get3A_1425 {offsets = [0, 16384], sizes = [16, 1024], strides = [1, 1]} : vector<16x32768xf32> to vector<16x1024xf32>
    %reshape3A_2115 = vector.shape_cast %slice3A_2114 : vector<16x1024xf32> to vector<128x128xf32>
    %add3A_2116 = arith.constant 16384 : i32
    %add3A_2117 = arith.addi %mul3A_49, %add3A_2116 : i32
    %jit3A_2118 = arith.constant 8 : i32
    %eq3A_2119 = arith.constant 0 : i32
    %eq3A_2120 = arith.cmpi eq, %jit3A_2118, %eq3A_2119 : i32
    %jit3A_2121 = arith.constant 1 : i32
    %select_n3A_2122 = arith.select %eq3A_2120, %jit3A_2121, %jit3A_2118 : i32
    %rem3A_2123 = vector.broadcast %select_n3A_2122 : i32 to vector<128x128xi32>
    %rem3A_2124 = arith.remsi %iota3A, %rem3A_2123 : vector<128x128xi32>
    %ne3A_2125 = arith.constant 0 : i32
    %ne3A_2126 = vector.broadcast %ne3A_2125 : i32 to vector<128x128xi32>
    %ne3A_2127 = arith.cmpi ne, %rem3A_2124, %ne3A_2126 : vector<128x128xi32>
    %lt3A_2128 = arith.constant 0 : i32
    %lt3A_2129 = vector.broadcast %lt3A_2128 : i32 to vector<128x128xi32>
    %lt3A_2130 = arith.cmpi slt, %rem3A_2124, %lt3A_2129 : vector<128x128xi32>
    %lt3A_2131 = arith.constant 0 : i32
    %lt3A_2132 = arith.cmpi slt, %select_n3A_2122, %lt3A_2131 : i32
    %ne3A_2133 = vector.broadcast %lt3A_2132 : i1 to vector<128x128xi1>
    %ne3A_2134 = vector.broadcast %ne3A_2133 : vector<128x128xi1> to vector<128x128xi1>
    %ne3A_2135 = arith.xori %lt3A_2130, %ne3A_2134 : vector<128x128xi1>
    %and3A_2136 = arith.andi %ne3A_2135, %ne3A_2127 : vector<128x128xi1>
    %add3A_2137 = vector.broadcast %select_n3A_2122 : i32 to vector<128x128xi32>
    %add3A_2138 = arith.addi %rem3A_2124, %add3A_2137 : vector<128x128xi32>
    %select_n3A_2139 = arith.select %and3A_2136, %add3A_2138, %rem3A_2124 : vector<128x128xi1>, vector<128x128xi32>
    %mul3A_2140 = arith.constant 128 : i32
    %mul3A_2141 = vector.broadcast %mul3A_2140 : i32 to vector<128x128xi32>
    %mul3A_2142 = arith.muli %select_n3A_2139, %mul3A_2141 : vector<128x128xi32>
    %add3A_2143 = vector.broadcast %add3A_2117 : i32 to vector<128x128xi32>
    %add3A_2144 = arith.addi %add3A_2143, %mul3A_2142 : vector<128x128xi32>
    %add3A_2145 = arith.addi %add3A_2144, %iota3A_0 : vector<128x128xi32>
    %lt3A_2146 = arith.constant 1000001 : i32
    %lt3A_2147 = vector.broadcast %lt3A_2146 : i32 to vector<128x128xi32>
    %lt3A_2148 = arith.cmpi slt, %add3A_2145, %lt3A_2147 : vector<128x128xi32>
    %jit3A_2149 = arith.constant 0.000000e+00 : f32
    %broadcast_in_dim3A_2150 = vector.broadcast %jit3A_2149 : f32 to vector<128x128xf32>
    %select_n3A_2151 = arith.select %lt3A_2148, %reshape3A_2115, %broadcast_in_dim3A_2150 : vector<128x128xi1>, vector<128x128xf32>
    %dot_general3A_2152 = arith.constant dense<0.000000e+00> : vector<128x128xf32>
    %dot_general3A_2153 = tpu.matmul %select_n3A_2151, %convert_element_type3A_47, %dot_general3A_2152 {dimension_numbers = #tpu.dot_dimension_numbers<[0], [0], [1], [1], [0, 1, 1, 1], [], []>, transpose_lhs_hint = false} : vector<128x128xf32>, vector<128x128xf32>, vector<128x128xf32> -> vector<128x128xf32>
    %swap3A_2154 = arith.constant 2048 : index
    %swap3A_2155 = arith.constant 0 : index
    %swap3A_2156 = vector.load %arg5[%swap3A_2154, %swap3A_2155] : memref<4096x128xf32, #tpu.memory_space<vmem>>, vector<128x128xf32>
    tpu.vector_store %arg5[%swap3A_2154, %swap3A_2155], %dot_general3A_2153 {strides = array<i32>} : memref<4096x128xf32, #tpu.memory_space<vmem>>, vector<128x128xf32>,
    %slice3A_2157 = vector.extract_strided_slice %get3A_1425 {offsets = [0, 17408], sizes = [16, 1024], strides = [1, 1]} : vector<16x32768xf32> to vector<16x1024xf32>
    %reshape3A_2158 = vector.shape_cast %slice3A_2157 : vector<16x1024xf32> to vector<128x128xf32>
    %add3A_2159 = arith.constant 17408 : i32
    %add3A_2160 = arith.addi %mul3A_49, %add3A_2159 : i32
    %jit3A_2161 = arith.constant 8 : i32
    %eq3A_2162 = arith.constant 0 : i32
    %eq3A_2163 = arith.cmpi eq, %jit3A_2161, %eq3A_2162 : i32
    %jit3A_2164 = arith.constant 1 : i32
    %select_n3A_2165 = arith.select %eq3A_2163, %jit3A_2164, %jit3A_2161 : i32
    %rem3A_2166 = vector.broadcast %select_n3A_2165 : i32 to vector<128x128xi32>
    %rem3A_2167 = arith.remsi %iota3A, %rem3A_2166 : vector<128x128xi32>
    %ne3A_2168 = arith.constant 0 : i32
    %ne3A_2169 = vector.broadcast %ne3A_2168 : i32 to vector<128x128xi32>
    %ne3A_2170 = arith.cmpi ne, %rem3A_2167, %ne3A_2169 : vector<128x128xi32>
    %lt3A_2171 = arith.constant 0 : i32
    %lt3A_2172 = vector.broadcast %lt3A_2171 : i32 to vector<128x128xi32>
    %lt3A_2173 = arith.cmpi slt, %rem3A_2167, %lt3A_2172 : vector<128x128xi32>
    %lt3A_2174 = arith.constant 0 : i32
    %lt3A_2175 = arith.cmpi slt, %select_n3A_2165, %lt3A_2174 : i32
    %ne3A_2176 = vector.broadcast %lt3A_2175 : i1 to vector<128x128xi1>
    %ne3A_2177 = vector.broadcast %ne3A_2176 : vector<128x128xi1> to vector<128x128xi1>
    %ne3A_2178 = arith.xori %lt3A_2173, %ne3A_2177 : vector<128x128xi1>
    %and3A_2179 = arith.andi %ne3A_2178, %ne3A_2170 : vector<128x128xi1>
    %add3A_2180 = vector.broadcast %select_n3A_2165 : i32 to vector<128x128xi32>
    %add3A_2181 = arith.addi %rem3A_2167, %add3A_2180 : vector<128x128xi32>
    %select_n3A_2182 = arith.select %and3A_2179, %add3A_2181, %rem3A_2167 : vector<128x128xi1>, vector<128x128xi32>
    %mul3A_2183 = arith.constant 128 : i32
    %mul3A_2184 = vector.broadcast %mul3A_2183 : i32 to vector<128x128xi32>
    %mul3A_2185 = arith.muli %select_n3A_2182, %mul3A_2184 : vector<128x128xi32>
    %add3A_2186 = vector.broadcast %add3A_2160 : i32 to vector<128x128xi32>
    %add3A_2187 = arith.addi %add3A_2186, %mul3A_2185 : vector<128x128xi32>
    %add3A_2188 = arith.addi %add3A_2187, %iota3A_0 : vector<128x128xi32>
    %lt3A_2189 = arith.constant 1000001 : i32
    %lt3A_2190 = vector.broadcast %lt3A_2189 : i32 to vector<128x128xi32>
    %lt3A_2191 = arith.cmpi slt, %add3A_2188, %lt3A_2190 : vector<128x128xi32>
    %jit3A_2192 = arith.constant 0.000000e+00 : f32
    %broadcast_in_dim3A_2193 = vector.broadcast %jit3A_2192 : f32 to vector<128x128xf32>
    %select_n3A_2194 = arith.select %lt3A_2191, %reshape3A_2158, %broadcast_in_dim3A_2193 : vector<128x128xi1>, vector<128x128xf32>
    %dot_general3A_2195 = arith.constant dense<0.000000e+00> : vector<128x128xf32>
    %dot_general3A_2196 = tpu.matmul %select_n3A_2194, %convert_element_type3A_47, %dot_general3A_2195 {dimension_numbers = #tpu.dot_dimension_numbers<[0], [0], [1], [1], [0, 1, 1, 1], [], []>, transpose_lhs_hint = false} : vector<128x128xf32>, vector<128x128xf32>, vector<128x128xf32> -> vector<128x128xf32>
    %swap3A_2197 = arith.constant 2176 : index
    %swap3A_2198 = arith.constant 0 : index
    %swap3A_2199 = vector.load %arg5[%swap3A_2197, %swap3A_2198] : memref<4096x128xf32, #tpu.memory_space<vmem>>, vector<128x128xf32>
    tpu.vector_store %arg5[%swap3A_2197, %swap3A_2198], %dot_general3A_2196 {strides = array<i32>} : memref<4096x128xf32, #tpu.memory_space<vmem>>, vector<128x128xf32>,
    %slice3A_2200 = vector.extract_strided_slice %get3A_1425 {offsets = [0, 18432], sizes = [16, 1024], strides = [1, 1]} : vector<16x32768xf32> to vector<16x1024xf32>
    %reshape3A_2201 = vector.shape_cast %slice3A_2200 : vector<16x1024xf32> to vector<128x128xf32>
    %add3A_2202 = arith.constant 18432 : i32
    %add3A_2203 = arith.addi %mul3A_49, %add3A_2202 : i32
    %jit3A_2204 = arith.constant 8 : i32
    %eq3A_2205 = arith.constant 0 : i32
    %eq3A_2206 = arith.cmpi eq, %jit3A_2204, %eq3A_2205 : i32
    %jit3A_2207 = arith.constant 1 : i32
    %select_n3A_2208 = arith.select %eq3A_2206, %jit3A_2207, %jit3A_2204 : i32
    %rem3A_2209 = vector.broadcast %select_n3A_2208 : i32 to vector<128x128xi32>
    %rem3A_2210 = arith.remsi %iota3A, %rem3A_2209 : vector<128x128xi32>
    %ne3A_2211 = arith.constant 0 : i32
    %ne3A_2212 = vector.broadcast %ne3A_2211 : i32 to vector<128x128xi32>
    %ne3A_2213 = arith.cmpi ne, %rem3A_2210, %ne3A_2212 : vector<128x128xi32>
    %lt3A_2214 = arith.constant 0 : i32
    %lt3A_2215 = vector.broadcast %lt3A_2214 : i32 to vector<128x128xi32>
    %lt3A_2216 = arith.cmpi slt, %rem3A_2210, %lt3A_2215 : vector<128x128xi32>
    %lt3A_2217 = arith.constant 0 : i32
    %lt3A_2218 = arith.cmpi slt, %select_n3A_2208, %lt3A_2217 : i32
    %ne3A_2219 = vector.broadcast %lt3A_2218 : i1 to vector<128x128xi1>
    %ne3A_2220 = vector.broadcast %ne3A_2219 : vector<128x128xi1> to vector<128x128xi1>
    %ne3A_2221 = arith.xori %lt3A_2216, %ne3A_2220 : vector<128x128xi1>
    %and3A_2222 = arith.andi %ne3A_2221, %ne3A_2213 : vector<128x128xi1>
    %add3A_2223 = vector.broadcast %select_n3A_2208 : i32 to vector<128x128xi32>
    %add3A_2224 = arith.addi %rem3A_2210, %add3A_2223 : vector<128x128xi32>
    %select_n3A_2225 = arith.select %and3A_2222, %add3A_2224, %rem3A_2210 : vector<128x128xi1>, vector<128x128xi32>
    %mul3A_2226 = arith.constant 128 : i32
    %mul3A_2227 = vector.broadcast %mul3A_2226 : i32 to vector<128x128xi32>
    %mul3A_2228 = arith.muli %select_n3A_2225, %mul3A_2227 : vector<128x128xi32>
    %add3A_2229 = vector.broadcast %add3A_2203 : i32 to vector<128x128xi32>
    %add3A_2230 = arith.addi %add3A_2229, %mul3A_2228 : vector<128x128xi32>
    %add3A_2231 = arith.addi %add3A_2230, %iota3A_0 : vector<128x128xi32>
    %lt3A_2232 = arith.constant 1000001 : i32
    %lt3A_2233 = vector.broadcast %lt3A_2232 : i32 to vector<128x128xi32>
    %lt3A_2234 = arith.cmpi slt, %add3A_2231, %lt3A_2233 : vector<128x128xi32>
    %jit3A_2235 = arith.constant 0.000000e+00 : f32
    %broadcast_in_dim3A_2236 = vector.broadcast %jit3A_2235 : f32 to vector<128x128xf32>
    %select_n3A_2237 = arith.select %lt3A_2234, %reshape3A_2201, %broadcast_in_dim3A_2236 : vector<128x128xi1>, vector<128x128xf32>
    %dot_general3A_2238 = arith.constant dense<0.000000e+00> : vector<128x128xf32>
    %dot_general3A_2239 = tpu.matmul %select_n3A_2237, %convert_element_type3A_47, %dot_general3A_2238 {dimension_numbers = #tpu.dot_dimension_numbers<[0], [0], [1], [1], [0, 1, 1, 1], [], []>, transpose_lhs_hint = false} : vector<128x128xf32>, vector<128x128xf32>, vector<128x128xf32> -> vector<128x128xf32>
    %swap3A_2240 = arith.constant 2304 : index
    %swap3A_2241 = arith.constant 0 : index
    %swap3A_2242 = vector.load %arg5[%swap3A_2240, %swap3A_2241] : memref<4096x128xf32, #tpu.memory_space<vmem>>, vector<128x128xf32>
    tpu.vector_store %arg5[%swap3A_2240, %swap3A_2241], %dot_general3A_2239 {strides = array<i32>} : memref<4096x128xf32, #tpu.memory_space<vmem>>, vector<128x128xf32>,
    %slice3A_2243 = vector.extract_strided_slice %get3A_1425 {offsets = [0, 19456], sizes = [16, 1024], strides = [1, 1]} : vector<16x32768xf32> to vector<16x1024xf32>
    %reshape3A_2244 = vector.shape_cast %slice3A_2243 : vector<16x1024xf32> to vector<128x128xf32>
    %add3A_2245 = arith.constant 19456 : i32
    %add3A_2246 = arith.addi %mul3A_49, %add3A_2245 : i32
    %jit3A_2247 = arith.constant 8 : i32
    %eq3A_2248 = arith.constant 0 : i32
    %eq3A_2249 = arith.cmpi eq, %jit3A_2247, %eq3A_2248 : i32
    %jit3A_2250 = arith.constant 1 : i32
    %select_n3A_2251 = arith.select %eq3A_2249, %jit3A_2250, %jit3A_2247 : i32
    %rem3A_2252 = vector.broadcast %select_n3A_2251 : i32 to vector<128x128xi32>
    %rem3A_2253 = arith.remsi %iota3A, %rem3A_2252 : vector<128x128xi32>
    %ne3A_2254 = arith.constant 0 : i32
    %ne3A_2255 = vector.broadcast %ne3A_2254 : i32 to vector<128x128xi32>
    %ne3A_2256 = arith.cmpi ne, %rem3A_2253, %ne3A_2255 : vector<128x128xi32>
    %lt3A_2257 = arith.constant 0 : i32
    %lt3A_2258 = vector.broadcast %lt3A_2257 : i32 to vector<128x128xi32>
    %lt3A_2259 = arith.cmpi slt, %rem3A_2253, %lt3A_2258 : vector<128x128xi32>
    %lt3A_2260 = arith.constant 0 : i32
    %lt3A_2261 = arith.cmpi slt, %select_n3A_2251, %lt3A_2260 : i32
    %ne3A_2262 = vector.broadcast %lt3A_2261 : i1 to vector<128x128xi1>
    %ne3A_2263 = vector.broadcast %ne3A_2262 : vector<128x128xi1> to vector<128x128xi1>
    %ne3A_2264 = arith.xori %lt3A_2259, %ne3A_2263 : vector<128x128xi1>
    %and3A_2265 = arith.andi %ne3A_2264, %ne3A_2256 : vector<128x128xi1>
    %add3A_2266 = vector.broadcast %select_n3A_2251 : i32 to vector<128x128xi32>
    %add3A_2267 = arith.addi %rem3A_2253, %add3A_2266 : vector<128x128xi32>
    %select_n3A_2268 = arith.select %and3A_2265, %add3A_2267, %rem3A_2253 : vector<128x128xi1>, vector<128x128xi32>
    %mul3A_2269 = arith.constant 128 : i32
    %mul3A_2270 = vector.broadcast %mul3A_2269 : i32 to vector<128x128xi32>
    %mul3A_2271 = arith.muli %select_n3A_2268, %mul3A_2270 : vector<128x128xi32>
    %add3A_2272 = vector.broadcast %add3A_2246 : i32 to vector<128x128xi32>
    %add3A_2273 = arith.addi %add3A_2272, %mul3A_2271 : vector<128x128xi32>
    %add3A_2274 = arith.addi %add3A_2273, %iota3A_0 : vector<128x128xi32>
    %lt3A_2275 = arith.constant 1000001 : i32
    %lt3A_2276 = vector.broadcast %lt3A_2275 : i32 to vector<128x128xi32>
    %lt3A_2277 = arith.cmpi slt, %add3A_2274, %lt3A_2276 : vector<128x128xi32>
    %jit3A_2278 = arith.constant 0.000000e+00 : f32
    %broadcast_in_dim3A_2279 = vector.broadcast %jit3A_2278 : f32 to vector<128x128xf32>
    %select_n3A_2280 = arith.select %lt3A_2277, %reshape3A_2244, %broadcast_in_dim3A_2279 : vector<128x128xi1>, vector<128x128xf32>
    %dot_general3A_2281 = arith.constant dense<0.000000e+00> : vector<128x128xf32>
    %dot_general3A_2282 = tpu.matmul %select_n3A_2280, %convert_element_type3A_47, %dot_general3A_2281 {dimension_numbers = #tpu.dot_dimension_numbers<[0], [0], [1], [1], [0, 1, 1, 1], [], []>, transpose_lhs_hint = false} : vector<128x128xf32>, vector<128x128xf32>, vector<128x128xf32> -> vector<128x128xf32>
    %swap3A_2283 = arith.constant 2432 : index
    %swap3A_2284 = arith.constant 0 : index
    %swap3A_2285 = vector.load %arg5[%swap3A_2283, %swap3A_2284] : memref<4096x128xf32, #tpu.memory_space<vmem>>, vector<128x128xf32>
    tpu.vector_store %arg5[%swap3A_2283, %swap3A_2284], %dot_general3A_2282 {strides = array<i32>} : memref<4096x128xf32, #tpu.memory_space<vmem>>, vector<128x128xf32>,
    %slice3A_2286 = vector.extract_strided_slice %get3A_1425 {offsets = [0, 20480], sizes = [16, 1024], strides = [1, 1]} : vector<16x32768xf32> to vector<16x1024xf32>
    %reshape3A_2287 = vector.shape_cast %slice3A_2286 : vector<16x1024xf32> to vector<128x128xf32>
    %add3A_2288 = arith.constant 20480 : i32
    %add3A_2289 = arith.addi %mul3A_49, %add3A_2288 : i32
    %jit3A_2290 = arith.constant 8 : i32
    %eq3A_2291 = arith.constant 0 : i32
    %eq3A_2292 = arith.cmpi eq, %jit3A_2290, %eq3A_2291 : i32
    %jit3A_2293 = arith.constant 1 : i32
    %select_n3A_2294 = arith.select %eq3A_2292, %jit3A_2293, %jit3A_2290 : i32
    %rem3A_2295 = vector.broadcast %select_n3A_2294 : i32 to vector<128x128xi32>
    %rem3A_2296 = arith.remsi %iota3A, %rem3A_2295 : vector<128x128xi32>
    %ne3A_2297 = arith.constant 0 : i32
    %ne3A_2298 = vector.broadcast %ne3A_2297 : i32 to vector<128x128xi32>
    %ne3A_2299 = arith.cmpi ne, %rem3A_2296, %ne3A_2298 : vector<128x128xi32>
    %lt3A_2300 = arith.constant 0 : i32
    %lt3A_2301 = vector.broadcast %lt3A_2300 : i32 to vector<128x128xi32>
    %lt3A_2302 = arith.cmpi slt, %rem3A_2296, %lt3A_2301 : vector<128x128xi32>
    %lt3A_2303 = arith.constant 0 : i32
    %lt3A_2304 = arith.cmpi slt, %select_n3A_2294, %lt3A_2303 : i32
    %ne3A_2305 = vector.broadcast %lt3A_2304 : i1 to vector<128x128xi1>
    %ne3A_2306 = vector.broadcast %ne3A_2305 : vector<128x128xi1> to vector<128x128xi1>
    %ne3A_2307 = arith.xori %lt3A_2302, %ne3A_2306 : vector<128x128xi1>
    %and3A_2308 = arith.andi %ne3A_2307, %ne3A_2299 : vector<128x128xi1>
    %add3A_2309 = vector.broadcast %select_n3A_2294 : i32 to vector<128x128xi32>
    %add3A_2310 = arith.addi %rem3A_2296, %add3A_2309 : vector<128x128xi32>
    %select_n3A_2311 = arith.select %and3A_2308, %add3A_2310, %rem3A_2296 : vector<128x128xi1>, vector<128x128xi32>
    %mul3A_2312 = arith.constant 128 : i32
    %mul3A_2313 = vector.broadcast %mul3A_2312 : i32 to vector<128x128xi32>
    %mul3A_2314 = arith.muli %select_n3A_2311, %mul3A_2313 : vector<128x128xi32>
    %add3A_2315 = vector.broadcast %add3A_2289 : i32 to vector<128x128xi32>
    %add3A_2316 = arith.addi %add3A_2315, %mul3A_2314 : vector<128x128xi32>
    %add3A_2317 = arith.addi %add3A_2316, %iota3A_0 : vector<128x128xi32>
    %lt3A_2318 = arith.constant 1000001 : i32
    %lt3A_2319 = vector.broadcast %lt3A_2318 : i32 to vector<128x128xi32>
    %lt3A_2320 = arith.cmpi slt, %add3A_2317, %lt3A_2319 : vector<128x128xi32>
    %jit3A_2321 = arith.constant 0.000000e+00 : f32
    %broadcast_in_dim3A_2322 = vector.broadcast %jit3A_2321 : f32 to vector<128x128xf32>
    %select_n3A_2323 = arith.select %lt3A_2320, %reshape3A_2287, %broadcast_in_dim3A_2322 : vector<128x128xi1>, vector<128x128xf32>
    %dot_general3A_2324 = arith.constant dense<0.000000e+00> : vector<128x128xf32>
    %dot_general3A_2325 = tpu.matmul %select_n3A_2323, %convert_element_type3A_47, %dot_general3A_2324 {dimension_numbers = #tpu.dot_dimension_numbers<[0], [0], [1], [1], [0, 1, 1, 1], [], []>, transpose_lhs_hint = false} : vector<128x128xf32>, vector<128x128xf32>, vector<128x128xf32> -> vector<128x128xf32>
    %swap3A_2326 = arith.constant 2560 : index
    %swap3A_2327 = arith.constant 0 : index
    %swap3A_2328 = vector.load %arg5[%swap3A_2326, %swap3A_2327] : memref<4096x128xf32, #tpu.memory_space<vmem>>, vector<128x128xf32>
    tpu.vector_store %arg5[%swap3A_2326, %swap3A_2327], %dot_general3A_2325 {strides = array<i32>} : memref<4096x128xf32, #tpu.memory_space<vmem>>, vector<128x128xf32>,
    %slice3A_2329 = vector.extract_strided_slice %get3A_1425 {offsets = [0, 21504], sizes = [16, 1024], strides = [1, 1]} : vector<16x32768xf32> to vector<16x1024xf32>
    %reshape3A_2330 = vector.shape_cast %slice3A_2329 : vector<16x1024xf32> to vector<128x128xf32>
    %add3A_2331 = arith.constant 21504 : i32
    %add3A_2332 = arith.addi %mul3A_49, %add3A_2331 : i32
    %jit3A_2333 = arith.constant 8 : i32
    %eq3A_2334 = arith.constant 0 : i32
    %eq3A_2335 = arith.cmpi eq, %jit3A_2333, %eq3A_2334 : i32
    %jit3A_2336 = arith.constant 1 : i32
    %select_n3A_2337 = arith.select %eq3A_2335, %jit3A_2336, %jit3A_2333 : i32
    %rem3A_2338 = vector.broadcast %select_n3A_2337 : i32 to vector<128x128xi32>
    %rem3A_2339 = arith.remsi %iota3A, %rem3A_2338 : vector<128x128xi32>
    %ne3A_2340 = arith.constant 0 : i32
    %ne3A_2341 = vector.broadcast %ne3A_2340 : i32 to vector<128x128xi32>
    %ne3A_2342 = arith.cmpi ne, %rem3A_2339, %ne3A_2341 : vector<128x128xi32>
    %lt3A_2343 = arith.constant 0 : i32
    %lt3A_2344 = vector.broadcast %lt3A_2343 : i32 to vector<128x128xi32>
    %lt3A_2345 = arith.cmpi slt, %rem3A_2339, %lt3A_2344 : vector<128x128xi32>
    %lt3A_2346 = arith.constant 0 : i32
    %lt3A_2347 = arith.cmpi slt, %select_n3A_2337, %lt3A_2346 : i32
    %ne3A_2348 = vector.broadcast %lt3A_2347 : i1 to vector<128x128xi1>
    %ne3A_2349 = vector.broadcast %ne3A_2348 : vector<128x128xi1> to vector<128x128xi1>
    %ne3A_2350 = arith.xori %lt3A_2345, %ne3A_2349 : vector<128x128xi1>
    %and3A_2351 = arith.andi %ne3A_2350, %ne3A_2342 : vector<128x128xi1>
    %add3A_2352 = vector.broadcast %select_n3A_2337 : i32 to vector<128x128xi32>
    %add3A_2353 = arith.addi %rem3A_2339, %add3A_2352 : vector<128x128xi32>
    %select_n3A_2354 = arith.select %and3A_2351, %add3A_2353, %rem3A_2339 : vector<128x128xi1>, vector<128x128xi32>
    %mul3A_2355 = arith.constant 128 : i32
    %mul3A_2356 = vector.broadcast %mul3A_2355 : i32 to vector<128x128xi32>
    %mul3A_2357 = arith.muli %select_n3A_2354, %mul3A_2356 : vector<128x128xi32>
    %add3A_2358 = vector.broadcast %add3A_2332 : i32 to vector<128x128xi32>
    %add3A_2359 = arith.addi %add3A_2358, %mul3A_2357 : vector<128x128xi32>
    %add3A_2360 = arith.addi %add3A_2359, %iota3A_0 : vector<128x128xi32>
    %lt3A_2361 = arith.constant 1000001 : i32
    %lt3A_2362 = vector.broadcast %lt3A_2361 : i32 to vector<128x128xi32>
    %lt3A_2363 = arith.cmpi slt, %add3A_2360, %lt3A_2362 : vector<128x128xi32>
    %jit3A_2364 = arith.constant 0.000000e+00 : f32
    %broadcast_in_dim3A_2365 = vector.broadcast %jit3A_2364 : f32 to vector<128x128xf32>
    %select_n3A_2366 = arith.select %lt3A_2363, %reshape3A_2330, %broadcast_in_dim3A_2365 : vector<128x128xi1>, vector<128x128xf32>
    %dot_general3A_2367 = arith.constant dense<0.000000e+00> : vector<128x128xf32>
    %dot_general3A_2368 = tpu.matmul %select_n3A_2366, %convert_element_type3A_47, %dot_general3A_2367 {dimension_numbers = #tpu.dot_dimension_numbers<[0], [0], [1], [1], [0, 1, 1, 1], [], []>, transpose_lhs_hint = false} : vector<128x128xf32>, vector<128x128xf32>, vector<128x128xf32> -> vector<128x128xf32>
    %swap3A_2369 = arith.constant 2688 : index
    %swap3A_2370 = arith.constant 0 : index
    %swap3A_2371 = vector.load %arg5[%swap3A_2369, %swap3A_2370] : memref<4096x128xf32, #tpu.memory_space<vmem>>, vector<128x128xf32>
    tpu.vector_store %arg5[%swap3A_2369, %swap3A_2370], %dot_general3A_2368 {strides = array<i32>} : memref<4096x128xf32, #tpu.memory_space<vmem>>, vector<128x128xf32>,
    %slice3A_2372 = vector.extract_strided_slice %get3A_1425 {offsets = [0, 22528], sizes = [16, 1024], strides = [1, 1]} : vector<16x32768xf32> to vector<16x1024xf32>
    %reshape3A_2373 = vector.shape_cast %slice3A_2372 : vector<16x1024xf32> to vector<128x128xf32>
    %add3A_2374 = arith.constant 22528 : i32
    %add3A_2375 = arith.addi %mul3A_49, %add3A_2374 : i32
    %jit3A_2376 = arith.constant 8 : i32
    %eq3A_2377 = arith.constant 0 : i32
    %eq3A_2378 = arith.cmpi eq, %jit3A_2376, %eq3A_2377 : i32
    %jit3A_2379 = arith.constant 1 : i32
    %select_n3A_2380 = arith.select %eq3A_2378, %jit3A_2379, %jit3A_2376 : i32
    %rem3A_2381 = vector.broadcast %select_n3A_2380 : i32 to vector<128x128xi32>
    %rem3A_2382 = arith.remsi %iota3A, %rem3A_2381 : vector<128x128xi32>
    %ne3A_2383 = arith.constant 0 : i32
    %ne3A_2384 = vector.broadcast %ne3A_2383 : i32 to vector<128x128xi32>
    %ne3A_2385 = arith.cmpi ne, %rem3A_2382, %ne3A_2384 : vector<128x128xi32>
    %lt3A_2386 = arith.constant 0 : i32
    %lt3A_2387 = vector.broadcast %lt3A_2386 : i32 to vector<128x128xi32>
    %lt3A_2388 = arith.cmpi slt, %rem3A_2382, %lt3A_2387 : vector<128x128xi32>
    %lt3A_2389 = arith.constant 0 : i32
    %lt3A_2390 = arith.cmpi slt, %select_n3A_2380, %lt3A_2389 : i32
    %ne3A_2391 = vector.broadcast %lt3A_2390 : i1 to vector<128x128xi1>
    %ne3A_2392 = vector.broadcast %ne3A_2391 : vector<128x128xi1> to vector<128x128xi1>
    %ne3A_2393 = arith.xori %lt3A_2388, %ne3A_2392 : vector<128x128xi1>
    %and3A_2394 = arith.andi %ne3A_2393, %ne3A_2385 : vector<128x128xi1>
    %add3A_2395 = vector.broadcast %select_n3A_2380 : i32 to vector<128x128xi32>
    %add3A_2396 = arith.addi %rem3A_2382, %add3A_2395 : vector<128x128xi32>
    %select_n3A_2397 = arith.select %and3A_2394, %add3A_2396, %rem3A_2382 : vector<128x128xi1>, vector<128x128xi32>
    %mul3A_2398 = arith.constant 128 : i32
    %mul3A_2399 = vector.broadcast %mul3A_2398 : i32 to vector<128x128xi32>
    %mul3A_2400 = arith.muli %select_n3A_2397, %mul3A_2399 : vector<128x128xi32>
    %add3A_2401 = vector.broadcast %add3A_2375 : i32 to vector<128x128xi32>
    %add3A_2402 = arith.addi %add3A_2401, %mul3A_2400 : vector<128x128xi32>
    %add3A_2403 = arith.addi %add3A_2402, %iota3A_0 : vector<128x128xi32>
    %lt3A_2404 = arith.constant 1000001 : i32
    %lt3A_2405 = vector.broadcast %lt3A_2404 : i32 to vector<128x128xi32>
    %lt3A_2406 = arith.cmpi slt, %add3A_2403, %lt3A_2405 : vector<128x128xi32>
    %jit3A_2407 = arith.constant 0.000000e+00 : f32
    %broadcast_in_dim3A_2408 = vector.broadcast %jit3A_2407 : f32 to vector<128x128xf32>
    %select_n3A_2409 = arith.select %lt3A_2406, %reshape3A_2373, %broadcast_in_dim3A_2408 : vector<128x128xi1>, vector<128x128xf32>
    %dot_general3A_2410 = arith.constant dense<0.000000e+00> : vector<128x128xf32>
    %dot_general3A_2411 = tpu.matmul %select_n3A_2409, %convert_element_type3A_47, %dot_general3A_2410 {dimension_numbers = #tpu.dot_dimension_numbers<[0], [0], [1], [1], [0, 1, 1, 1], [], []>, transpose_lhs_hint = false} : vector<128x128xf32>, vector<128x128xf32>, vector<128x128xf32> -> vector<128x128xf32>
    %swap3A_2412 = arith.constant 2816 : index
    %swap3A_2413 = arith.constant 0 : index
    %swap3A_2414 = vector.load %arg5[%swap3A_2412, %swap3A_2413] : memref<4096x128xf32, #tpu.memory_space<vmem>>, vector<128x128xf32>
    tpu.vector_store %arg5[%swap3A_2412, %swap3A_2413], %dot_general3A_2411 {strides = array<i32>} : memref<4096x128xf32, #tpu.memory_space<vmem>>, vector<128x128xf32>,
    %slice3A_2415 = vector.extract_strided_slice %get3A_1425 {offsets = [0, 23552], sizes = [16, 1024], strides = [1, 1]} : vector<16x32768xf32> to vector<16x1024xf32>
    %reshape3A_2416 = vector.shape_cast %slice3A_2415 : vector<16x1024xf32> to vector<128x128xf32>
    %add3A_2417 = arith.constant 23552 : i32
    %add3A_2418 = arith.addi %mul3A_49, %add3A_2417 : i32
    %jit3A_2419 = arith.constant 8 : i32
    %eq3A_2420 = arith.constant 0 : i32
    %eq3A_2421 = arith.cmpi eq, %jit3A_2419, %eq3A_2420 : i32
    %jit3A_2422 = arith.constant 1 : i32
    %select_n3A_2423 = arith.select %eq3A_2421, %jit3A_2422, %jit3A_2419 : i32
    %rem3A_2424 = vector.broadcast %select_n3A_2423 : i32 to vector<128x128xi32>
    %rem3A_2425 = arith.remsi %iota3A, %rem3A_2424 : vector<128x128xi32>
    %ne3A_2426 = arith.constant 0 : i32
    %ne3A_2427 = vector.broadcast %ne3A_2426 : i32 to vector<128x128xi32>
    %ne3A_2428 = arith.cmpi ne, %rem3A_2425, %ne3A_2427 : vector<128x128xi32>
    %lt3A_2429 = arith.constant 0 : i32
    %lt3A_2430 = vector.broadcast %lt3A_2429 : i32 to vector<128x128xi32>
    %lt3A_2431 = arith.cmpi slt, %rem3A_2425, %lt3A_2430 : vector<128x128xi32>
    %lt3A_2432 = arith.constant 0 : i32
    %lt3A_2433 = arith.cmpi slt, %select_n3A_2423, %lt3A_2432 : i32
    %ne3A_2434 = vector.broadcast %lt3A_2433 : i1 to vector<128x128xi1>
    %ne3A_2435 = vector.broadcast %ne3A_2434 : vector<128x128xi1> to vector<128x128xi1>
    %ne3A_2436 = arith.xori %lt3A_2431, %ne3A_2435 : vector<128x128xi1>
    %and3A_2437 = arith.andi %ne3A_2436, %ne3A_2428 : vector<128x128xi1>
    %add3A_2438 = vector.broadcast %select_n3A_2423 : i32 to vector<128x128xi32>
    %add3A_2439 = arith.addi %rem3A_2425, %add3A_2438 : vector<128x128xi32>
    %select_n3A_2440 = arith.select %and3A_2437, %add3A_2439, %rem3A_2425 : vector<128x128xi1>, vector<128x128xi32>
    %mul3A_2441 = arith.constant 128 : i32
    %mul3A_2442 = vector.broadcast %mul3A_2441 : i32 to vector<128x128xi32>
    %mul3A_2443 = arith.muli %select_n3A_2440, %mul3A_2442 : vector<128x128xi32>
    %add3A_2444 = vector.broadcast %add3A_2418 : i32 to vector<128x128xi32>
    %add3A_2445 = arith.addi %add3A_2444, %mul3A_2443 : vector<128x128xi32>
    %add3A_2446 = arith.addi %add3A_2445, %iota3A_0 : vector<128x128xi32>
    %lt3A_2447 = arith.constant 1000001 : i32
    %lt3A_2448 = vector.broadcast %lt3A_2447 : i32 to vector<128x128xi32>
    %lt3A_2449 = arith.cmpi slt, %add3A_2446, %lt3A_2448 : vector<128x128xi32>
    %jit3A_2450 = arith.constant 0.000000e+00 : f32
    %broadcast_in_dim3A_2451 = vector.broadcast %jit3A_2450 : f32 to vector<128x128xf32>
    %select_n3A_2452 = arith.select %lt3A_2449, %reshape3A_2416, %broadcast_in_dim3A_2451 : vector<128x128xi1>, vector<128x128xf32>
    %dot_general3A_2453 = arith.constant dense<0.000000e+00> : vector<128x128xf32>
    %dot_general3A_2454 = tpu.matmul %select_n3A_2452, %convert_element_type3A_47, %dot_general3A_2453 {dimension_numbers = #tpu.dot_dimension_numbers<[0], [0], [1], [1], [0, 1, 1, 1], [], []>, transpose_lhs_hint = false} : vector<128x128xf32>, vector<128x128xf32>, vector<128x128xf32> -> vector<128x128xf32>
    %swap3A_2455 = arith.constant 2944 : index
    %swap3A_2456 = arith.constant 0 : index
    %swap3A_2457 = vector.load %arg5[%swap3A_2455, %swap3A_2456] : memref<4096x128xf32, #tpu.memory_space<vmem>>, vector<128x128xf32>
    tpu.vector_store %arg5[%swap3A_2455, %swap3A_2456], %dot_general3A_2454 {strides = array<i32>} : memref<4096x128xf32, #tpu.memory_space<vmem>>, vector<128x128xf32>,
    %slice3A_2458 = vector.extract_strided_slice %get3A_1425 {offsets = [0, 24576], sizes = [16, 1024], strides = [1, 1]} : vector<16x32768xf32> to vector<16x1024xf32>
    %reshape3A_2459 = vector.shape_cast %slice3A_2458 : vector<16x1024xf32> to vector<128x128xf32>
    %add3A_2460 = arith.constant 24576 : i32
    %add3A_2461 = arith.addi %mul3A_49, %add3A_2460 : i32
    %jit3A_2462 = arith.constant 8 : i32
    %eq3A_2463 = arith.constant 0 : i32
    %eq3A_2464 = arith.cmpi eq, %jit3A_2462, %eq3A_2463 : i32
    %jit3A_2465 = arith.constant 1 : i32
    %select_n3A_2466 = arith.select %eq3A_2464, %jit3A_2465, %jit3A_2462 : i32
    %rem3A_2467 = vector.broadcast %select_n3A_2466 : i32 to vector<128x128xi32>
    %rem3A_2468 = arith.remsi %iota3A, %rem3A_2467 : vector<128x128xi32>
    %ne3A_2469 = arith.constant 0 : i32
    %ne3A_2470 = vector.broadcast %ne3A_2469 : i32 to vector<128x128xi32>
    %ne3A_2471 = arith.cmpi ne, %rem3A_2468, %ne3A_2470 : vector<128x128xi32>
    %lt3A_2472 = arith.constant 0 : i32
    %lt3A_2473 = vector.broadcast %lt3A_2472 : i32 to vector<128x128xi32>
    %lt3A_2474 = arith.cmpi slt, %rem3A_2468, %lt3A_2473 : vector<128x128xi32>
    %lt3A_2475 = arith.constant 0 : i32
    %lt3A_2476 = arith.cmpi slt, %select_n3A_2466, %lt3A_2475 : i32
    %ne3A_2477 = vector.broadcast %lt3A_2476 : i1 to vector<128x128xi1>
    %ne3A_2478 = vector.broadcast %ne3A_2477 : vector<128x128xi1> to vector<128x128xi1>
    %ne3A_2479 = arith.xori %lt3A_2474, %ne3A_2478 : vector<128x128xi1>
    %and3A_2480 = arith.andi %ne3A_2479, %ne3A_2471 : vector<128x128xi1>
    %add3A_2481 = vector.broadcast %select_n3A_2466 : i32 to vector<128x128xi32>
    %add3A_2482 = arith.addi %rem3A_2468, %add3A_2481 : vector<128x128xi32>
    %select_n3A_2483 = arith.select %and3A_2480, %add3A_2482, %rem3A_2468 : vector<128x128xi1>, vector<128x128xi32>
    %mul3A_2484 = arith.constant 128 : i32
    %mul3A_2485 = vector.broadcast %mul3A_2484 : i32 to vector<128x128xi32>
    %mul3A_2486 = arith.muli %select_n3A_2483, %mul3A_2485 : vector<128x128xi32>
    %add3A_2487 = vector.broadcast %add3A_2461 : i32 to vector<128x128xi32>
    %add3A_2488 = arith.addi %add3A_2487, %mul3A_2486 : vector<128x128xi32>
    %add3A_2489 = arith.addi %add3A_2488, %iota3A_0 : vector<128x128xi32>
    %lt3A_2490 = arith.constant 1000001 : i32
    %lt3A_2491 = vector.broadcast %lt3A_2490 : i32 to vector<128x128xi32>
    %lt3A_2492 = arith.cmpi slt, %add3A_2489, %lt3A_2491 : vector<128x128xi32>
    %jit3A_2493 = arith.constant 0.000000e+00 : f32
    %broadcast_in_dim3A_2494 = vector.broadcast %jit3A_2493 : f32 to vector<128x128xf32>
    %select_n3A_2495 = arith.select %lt3A_2492, %reshape3A_2459, %broadcast_in_dim3A_2494 : vector<128x128xi1>, vector<128x128xf32>
    %dot_general3A_2496 = arith.constant dense<0.000000e+00> : vector<128x128xf32>
    %dot_general3A_2497 = tpu.matmul %select_n3A_2495, %convert_element_type3A_47, %dot_general3A_2496 {dimension_numbers = #tpu.dot_dimension_numbers<[0], [0], [1], [1], [0, 1, 1, 1], [], []>, transpose_lhs_hint = false} : vector<128x128xf32>, vector<128x128xf32>, vector<128x128xf32> -> vector<128x128xf32>
    %swap3A_2498 = arith.constant 3072 : index
    %swap3A_2499 = arith.constant 0 : index
    %swap3A_2500 = vector.load %arg5[%swap3A_2498, %swap3A_2499] : memref<4096x128xf32, #tpu.memory_space<vmem>>, vector<128x128xf32>
    tpu.vector_store %arg5[%swap3A_2498, %swap3A_2499], %dot_general3A_2497 {strides = array<i32>} : memref<4096x128xf32, #tpu.memory_space<vmem>>, vector<128x128xf32>,
    %slice3A_2501 = vector.extract_strided_slice %get3A_1425 {offsets = [0, 25600], sizes = [16, 1024], strides = [1, 1]} : vector<16x32768xf32> to vector<16x1024xf32>
    %reshape3A_2502 = vector.shape_cast %slice3A_2501 : vector<16x1024xf32> to vector<128x128xf32>
    %add3A_2503 = arith.constant 25600 : i32
    %add3A_2504 = arith.addi %mul3A_49, %add3A_2503 : i32
    %jit3A_2505 = arith.constant 8 : i32
    %eq3A_2506 = arith.constant 0 : i32
    %eq3A_2507 = arith.cmpi eq, %jit3A_2505, %eq3A_2506 : i32
    %jit3A_2508 = arith.constant 1 : i32
    %select_n3A_2509 = arith.select %eq3A_2507, %jit3A_2508, %jit3A_2505 : i32
    %rem3A_2510 = vector.broadcast %select_n3A_2509 : i32 to vector<128x128xi32>
    %rem3A_2511 = arith.remsi %iota3A, %rem3A_2510 : vector<128x128xi32>
    %ne3A_2512 = arith.constant 0 : i32
    %ne3A_2513 = vector.broadcast %ne3A_2512 : i32 to vector<128x128xi32>
    %ne3A_2514 = arith.cmpi ne, %rem3A_2511, %ne3A_2513 : vector<128x128xi32>
    %lt3A_2515 = arith.constant 0 : i32
    %lt3A_2516 = vector.broadcast %lt3A_2515 : i32 to vector<128x128xi32>
    %lt3A_2517 = arith.cmpi slt, %rem3A_2511, %lt3A_2516 : vector<128x128xi32>
    %lt3A_2518 = arith.constant 0 : i32
    %lt3A_2519 = arith.cmpi slt, %select_n3A_2509, %lt3A_2518 : i32
    %ne3A_2520 = vector.broadcast %lt3A_2519 : i1 to vector<128x128xi1>
    %ne3A_2521 = vector.broadcast %ne3A_2520 : vector<128x128xi1> to vector<128x128xi1>
    %ne3A_2522 = arith.xori %lt3A_2517, %ne3A_2521 : vector<128x128xi1>
    %and3A_2523 = arith.andi %ne3A_2522, %ne3A_2514 : vector<128x128xi1>
    %add3A_2524 = vector.broadcast %select_n3A_2509 : i32 to vector<128x128xi32>
    %add3A_2525 = arith.addi %rem3A_2511, %add3A_2524 : vector<128x128xi32>
    %select_n3A_2526 = arith.select %and3A_2523, %add3A_2525, %rem3A_2511 : vector<128x128xi1>, vector<128x128xi32>
    %mul3A_2527 = arith.constant 128 : i32
    %mul3A_2528 = vector.broadcast %mul3A_2527 : i32 to vector<128x128xi32>
    %mul3A_2529 = arith.muli %select_n3A_2526, %mul3A_2528 : vector<128x128xi32>
    %add3A_2530 = vector.broadcast %add3A_2504 : i32 to vector<128x128xi32>
    %add3A_2531 = arith.addi %add3A_2530, %mul3A_2529 : vector<128x128xi32>
    %add3A_2532 = arith.addi %add3A_2531, %iota3A_0 : vector<128x128xi32>
    %lt3A_2533 = arith.constant 1000001 : i32
    %lt3A_2534 = vector.broadcast %lt3A_2533 : i32 to vector<128x128xi32>
    %lt3A_2535 = arith.cmpi slt, %add3A_2532, %lt3A_2534 : vector<128x128xi32>
    %jit3A_2536 = arith.constant 0.000000e+00 : f32
    %broadcast_in_dim3A_2537 = vector.broadcast %jit3A_2536 : f32 to vector<128x128xf32>
    %select_n3A_2538 = arith.select %lt3A_2535, %reshape3A_2502, %broadcast_in_dim3A_2537 : vector<128x128xi1>, vector<128x128xf32>
    %dot_general3A_2539 = arith.constant dense<0.000000e+00> : vector<128x128xf32>
    %dot_general3A_2540 = tpu.matmul %select_n3A_2538, %convert_element_type3A_47, %dot_general3A_2539 {dimension_numbers = #tpu.dot_dimension_numbers<[0], [0], [1], [1], [0, 1, 1, 1], [], []>, transpose_lhs_hint = false} : vector<128x128xf32>, vector<128x128xf32>, vector<128x128xf32> -> vector<128x128xf32>
    %swap3A_2541 = arith.constant 3200 : index
    %swap3A_2542 = arith.constant 0 : index
    %swap3A_2543 = vector.load %arg5[%swap3A_2541, %swap3A_2542] : memref<4096x128xf32, #tpu.memory_space<vmem>>, vector<128x128xf32>
    tpu.vector_store %arg5[%swap3A_2541, %swap3A_2542], %dot_general3A_2540 {strides = array<i32>} : memref<4096x128xf32, #tpu.memory_space<vmem>>, vector<128x128xf32>,
    %slice3A_2544 = vector.extract_strided_slice %get3A_1425 {offsets = [0, 26624], sizes = [16, 1024], strides = [1, 1]} : vector<16x32768xf32> to vector<16x1024xf32>
    %reshape3A_2545 = vector.shape_cast %slice3A_2544 : vector<16x1024xf32> to vector<128x128xf32>
    %add3A_2546 = arith.constant 26624 : i32
    %add3A_2547 = arith.addi %mul3A_49, %add3A_2546 : i32
    %jit3A_2548 = arith.constant 8 : i32
    %eq3A_2549 = arith.constant 0 : i32
    %eq3A_2550 = arith.cmpi eq, %jit3A_2548, %eq3A_2549 : i32
    %jit3A_2551 = arith.constant 1 : i32
    %select_n3A_2552 = arith.select %eq3A_2550, %jit3A_2551, %jit3A_2548 : i32
    %rem3A_2553 = vector.broadcast %select_n3A_2552 : i32 to vector<128x128xi32>
    %rem3A_2554 = arith.remsi %iota3A, %rem3A_2553 : vector<128x128xi32>
    %ne3A_2555 = arith.constant 0 : i32
    %ne3A_2556 = vector.broadcast %ne3A_2555 : i32 to vector<128x128xi32>
    %ne3A_2557 = arith.cmpi ne, %rem3A_2554, %ne3A_2556 : vector<128x128xi32>
    %lt3A_2558 = arith.constant 0 : i32
    %lt3A_2559 = vector.broadcast %lt3A_2558 : i32 to vector<128x128xi32>
    %lt3A_2560 = arith.cmpi slt, %rem3A_2554, %lt3A_2559 : vector<128x128xi32>
    %lt3A_2561 = arith.constant 0 : i32
    %lt3A_2562 = arith.cmpi slt, %select_n3A_2552, %lt3A_2561 : i32
    %ne3A_2563 = vector.broadcast %lt3A_2562 : i1 to vector<128x128xi1>
    %ne3A_2564 = vector.broadcast %ne3A_2563 : vector<128x128xi1> to vector<128x128xi1>
    %ne3A_2565 = arith.xori %lt3A_2560, %ne3A_2564 : vector<128x128xi1>
    %and3A_2566 = arith.andi %ne3A_2565, %ne3A_2557 : vector<128x128xi1>
    %add3A_2567 = vector.broadcast %select_n3A_2552 : i32 to vector<128x128xi32>
    %add3A_2568 = arith.addi %rem3A_2554, %add3A_2567 : vector<128x128xi32>
    %select_n3A_2569 = arith.select %and3A_2566, %add3A_2568, %rem3A_2554 : vector<128x128xi1>, vector<128x128xi32>
    %mul3A_2570 = arith.constant 128 : i32
    %mul3A_2571 = vector.broadcast %mul3A_2570 : i32 to vector<128x128xi32>
    %mul3A_2572 = arith.muli %select_n3A_2569, %mul3A_2571 : vector<128x128xi32>
    %add3A_2573 = vector.broadcast %add3A_2547 : i32 to vector<128x128xi32>
    %add3A_2574 = arith.addi %add3A_2573, %mul3A_2572 : vector<128x128xi32>
    %add3A_2575 = arith.addi %add3A_2574, %iota3A_0 : vector<128x128xi32>
    %lt3A_2576 = arith.constant 1000001 : i32
    %lt3A_2577 = vector.broadcast %lt3A_2576 : i32 to vector<128x128xi32>
    %lt3A_2578 = arith.cmpi slt, %add3A_2575, %lt3A_2577 : vector<128x128xi32>
    %jit3A_2579 = arith.constant 0.000000e+00 : f32
    %broadcast_in_dim3A_2580 = vector.broadcast %jit3A_2579 : f32 to vector<128x128xf32>
    %select_n3A_2581 = arith.select %lt3A_2578, %reshape3A_2545, %broadcast_in_dim3A_2580 : vector<128x128xi1>, vector<128x128xf32>
    %dot_general3A_2582 = arith.constant dense<0.000000e+00> : vector<128x128xf32>
    %dot_general3A_2583 = tpu.matmul %select_n3A_2581, %convert_element_type3A_47, %dot_general3A_2582 {dimension_numbers = #tpu.dot_dimension_numbers<[0], [0], [1], [1], [0, 1, 1, 1], [], []>, transpose_lhs_hint = false} : vector<128x128xf32>, vector<128x128xf32>, vector<128x128xf32> -> vector<128x128xf32>
    %swap3A_2584 = arith.constant 3328 : index
    %swap3A_2585 = arith.constant 0 : index
    %swap3A_2586 = vector.load %arg5[%swap3A_2584, %swap3A_2585] : memref<4096x128xf32, #tpu.memory_space<vmem>>, vector<128x128xf32>
    tpu.vector_store %arg5[%swap3A_2584, %swap3A_2585], %dot_general3A_2583 {strides = array<i32>} : memref<4096x128xf32, #tpu.memory_space<vmem>>, vector<128x128xf32>,
    %slice3A_2587 = vector.extract_strided_slice %get3A_1425 {offsets = [0, 27648], sizes = [16, 1024], strides = [1, 1]} : vector<16x32768xf32> to vector<16x1024xf32>
    %reshape3A_2588 = vector.shape_cast %slice3A_2587 : vector<16x1024xf32> to vector<128x128xf32>
    %add3A_2589 = arith.constant 27648 : i32
    %add3A_2590 = arith.addi %mul3A_49, %add3A_2589 : i32
    %jit3A_2591 = arith.constant 8 : i32
    %eq3A_2592 = arith.constant 0 : i32
    %eq3A_2593 = arith.cmpi eq, %jit3A_2591, %eq3A_2592 : i32
    %jit3A_2594 = arith.constant 1 : i32
    %select_n3A_2595 = arith.select %eq3A_2593, %jit3A_2594, %jit3A_2591 : i32
    %rem3A_2596 = vector.broadcast %select_n3A_2595 : i32 to vector<128x128xi32>
    %rem3A_2597 = arith.remsi %iota3A, %rem3A_2596 : vector<128x128xi32>
    %ne3A_2598 = arith.constant 0 : i32
    %ne3A_2599 = vector.broadcast %ne3A_2598 : i32 to vector<128x128xi32>
    %ne3A_2600 = arith.cmpi ne, %rem3A_2597, %ne3A_2599 : vector<128x128xi32>
    %lt3A_2601 = arith.constant 0 : i32
    %lt3A_2602 = vector.broadcast %lt3A_2601 : i32 to vector<128x128xi32>
    %lt3A_2603 = arith.cmpi slt, %rem3A_2597, %lt3A_2602 : vector<128x128xi32>
    %lt3A_2604 = arith.constant 0 : i32
    %lt3A_2605 = arith.cmpi slt, %select_n3A_2595, %lt3A_2604 : i32
    %ne3A_2606 = vector.broadcast %lt3A_2605 : i1 to vector<128x128xi1>
    %ne3A_2607 = vector.broadcast %ne3A_2606 : vector<128x128xi1> to vector<128x128xi1>
    %ne3A_2608 = arith.xori %lt3A_2603, %ne3A_2607 : vector<128x128xi1>
    %and3A_2609 = arith.andi %ne3A_2608, %ne3A_2600 : vector<128x128xi1>
    %add3A_2610 = vector.broadcast %select_n3A_2595 : i32 to vector<128x128xi32>
    %add3A_2611 = arith.addi %rem3A_2597, %add3A_2610 : vector<128x128xi32>
    %select_n3A_2612 = arith.select %and3A_2609, %add3A_2611, %rem3A_2597 : vector<128x128xi1>, vector<128x128xi32>
    %mul3A_2613 = arith.constant 128 : i32
    %mul3A_2614 = vector.broadcast %mul3A_2613 : i32 to vector<128x128xi32>
    %mul3A_2615 = arith.muli %select_n3A_2612, %mul3A_2614 : vector<128x128xi32>
    %add3A_2616 = vector.broadcast %add3A_2590 : i32 to vector<128x128xi32>
    %add3A_2617 = arith.addi %add3A_2616, %mul3A_2615 : vector<128x128xi32>
    %add3A_2618 = arith.addi %add3A_2617, %iota3A_0 : vector<128x128xi32>
    %lt3A_2619 = arith.constant 1000001 : i32
    %lt3A_2620 = vector.broadcast %lt3A_2619 : i32 to vector<128x128xi32>
    %lt3A_2621 = arith.cmpi slt, %add3A_2618, %lt3A_2620 : vector<128x128xi32>
    %jit3A_2622 = arith.constant 0.000000e+00 : f32
    %broadcast_in_dim3A_2623 = vector.broadcast %jit3A_2622 : f32 to vector<128x128xf32>
    %select_n3A_2624 = arith.select %lt3A_2621, %reshape3A_2588, %broadcast_in_dim3A_2623 : vector<128x128xi1>, vector<128x128xf32>
    %dot_general3A_2625 = arith.constant dense<0.000000e+00> : vector<128x128xf32>
    %dot_general3A_2626 = tpu.matmul %select_n3A_2624, %convert_element_type3A_47, %dot_general3A_2625 {dimension_numbers = #tpu.dot_dimension_numbers<[0], [0], [1], [1], [0, 1, 1, 1], [], []>, transpose_lhs_hint = false} : vector<128x128xf32>, vector<128x128xf32>, vector<128x128xf32> -> vector<128x128xf32>
    %swap3A_2627 = arith.constant 3456 : index
    %swap3A_2628 = arith.constant 0 : index
    %swap3A_2629 = vector.load %arg5[%swap3A_2627, %swap3A_2628] : memref<4096x128xf32, #tpu.memory_space<vmem>>, vector<128x128xf32>
    tpu.vector_store %arg5[%swap3A_2627, %swap3A_2628], %dot_general3A_2626 {strides = array<i32>} : memref<4096x128xf32, #tpu.memory_space<vmem>>, vector<128x128xf32>,
    %slice3A_2630 = vector.extract_strided_slice %get3A_1425 {offsets = [0, 28672], sizes = [16, 1024], strides = [1, 1]} : vector<16x32768xf32> to vector<16x1024xf32>
    %reshape3A_2631 = vector.shape_cast %slice3A_2630 : vector<16x1024xf32> to vector<128x128xf32>
    %add3A_2632 = arith.constant 28672 : i32
    %add3A_2633 = arith.addi %mul3A_49, %add3A_2632 : i32
    %jit3A_2634 = arith.constant 8 : i32
    %eq3A_2635 = arith.constant 0 : i32
    %eq3A_2636 = arith.cmpi eq, %jit3A_2634, %eq3A_2635 : i32
    %jit3A_2637 = arith.constant 1 : i32
    %select_n3A_2638 = arith.select %eq3A_2636, %jit3A_2637, %jit3A_2634 : i32
    %rem3A_2639 = vector.broadcast %select_n3A_2638 : i32 to vector<128x128xi32>
    %rem3A_2640 = arith.remsi %iota3A, %rem3A_2639 : vector<128x128xi32>
    %ne3A_2641 = arith.constant 0 : i32
    %ne3A_2642 = vector.broadcast %ne3A_2641 : i32 to vector<128x128xi32>
    %ne3A_2643 = arith.cmpi ne, %rem3A_2640, %ne3A_2642 : vector<128x128xi32>
    %lt3A_2644 = arith.constant 0 : i32
    %lt3A_2645 = vector.broadcast %lt3A_2644 : i32 to vector<128x128xi32>
    %lt3A_2646 = arith.cmpi slt, %rem3A_2640, %lt3A_2645 : vector<128x128xi32>
    %lt3A_2647 = arith.constant 0 : i32
    %lt3A_2648 = arith.cmpi slt, %select_n3A_2638, %lt3A_2647 : i32
    %ne3A_2649 = vector.broadcast %lt3A_2648 : i1 to vector<128x128xi1>
    %ne3A_2650 = vector.broadcast %ne3A_2649 : vector<128x128xi1> to vector<128x128xi1>
    %ne3A_2651 = arith.xori %lt3A_2646, %ne3A_2650 : vector<128x128xi1>
    %and3A_2652 = arith.andi %ne3A_2651, %ne3A_2643 : vector<128x128xi1>
    %add3A_2653 = vector.broadcast %select_n3A_2638 : i32 to vector<128x128xi32>
    %add3A_2654 = arith.addi %rem3A_2640, %add3A_2653 : vector<128x128xi32>
    %select_n3A_2655 = arith.select %and3A_2652, %add3A_2654, %rem3A_2640 : vector<128x128xi1>, vector<128x128xi32>
    %mul3A_2656 = arith.constant 128 : i32
    %mul3A_2657 = vector.broadcast %mul3A_2656 : i32 to vector<128x128xi32>
    %mul3A_2658 = arith.muli %select_n3A_2655, %mul3A_2657 : vector<128x128xi32>
    %add3A_2659 = vector.broadcast %add3A_2633 : i32 to vector<128x128xi32>
    %add3A_2660 = arith.addi %add3A_2659, %mul3A_2658 : vector<128x128xi32>
    %add3A_2661 = arith.addi %add3A_2660, %iota3A_0 : vector<128x128xi32>
    %lt3A_2662 = arith.constant 1000001 : i32
    %lt3A_2663 = vector.broadcast %lt3A_2662 : i32 to vector<128x128xi32>
    %lt3A_2664 = arith.cmpi slt, %add3A_2661, %lt3A_2663 : vector<128x128xi32>
    %jit3A_2665 = arith.constant 0.000000e+00 : f32
    %broadcast_in_dim3A_2666 = vector.broadcast %jit3A_2665 : f32 to vector<128x128xf32>
    %select_n3A_2667 = arith.select %lt3A_2664, %reshape3A_2631, %broadcast_in_dim3A_2666 : vector<128x128xi1>, vector<128x128xf32>
    %dot_general3A_2668 = arith.constant dense<0.000000e+00> : vector<128x128xf32>
    %dot_general3A_2669 = tpu.matmul %select_n3A_2667, %convert_element_type3A_47, %dot_general3A_2668 {dimension_numbers = #tpu.dot_dimension_numbers<[0], [0], [1], [1], [0, 1, 1, 1], [], []>, transpose_lhs_hint = false} : vector<128x128xf32>, vector<128x128xf32>, vector<128x128xf32> -> vector<128x128xf32>
    %swap3A_2670 = arith.constant 3584 : index
    %swap3A_2671 = arith.constant 0 : index
    %swap3A_2672 = vector.load %arg5[%swap3A_2670, %swap3A_2671] : memref<4096x128xf32, #tpu.memory_space<vmem>>, vector<128x128xf32>
    tpu.vector_store %arg5[%swap3A_2670, %swap3A_2671], %dot_general3A_2669 {strides = array<i32>} : memref<4096x128xf32, #tpu.memory_space<vmem>>, vector<128x128xf32>,
    %slice3A_2673 = vector.extract_strided_slice %get3A_1425 {offsets = [0, 29696], sizes = [16, 1024], strides = [1, 1]} : vector<16x32768xf32> to vector<16x1024xf32>
    %reshape3A_2674 = vector.shape_cast %slice3A_2673 : vector<16x1024xf32> to vector<128x128xf32>
    %add3A_2675 = arith.constant 29696 : i32
    %add3A_2676 = arith.addi %mul3A_49, %add3A_2675 : i32
    %jit3A_2677 = arith.constant 8 : i32
    %eq3A_2678 = arith.constant 0 : i32
    %eq3A_2679 = arith.cmpi eq, %jit3A_2677, %eq3A_2678 : i32
    %jit3A_2680 = arith.constant 1 : i32
    %select_n3A_2681 = arith.select %eq3A_2679, %jit3A_2680, %jit3A_2677 : i32
    %rem3A_2682 = vector.broadcast %select_n3A_2681 : i32 to vector<128x128xi32>
    %rem3A_2683 = arith.remsi %iota3A, %rem3A_2682 : vector<128x128xi32>
    %ne3A_2684 = arith.constant 0 : i32
    %ne3A_2685 = vector.broadcast %ne3A_2684 : i32 to vector<128x128xi32>
    %ne3A_2686 = arith.cmpi ne, %rem3A_2683, %ne3A_2685 : vector<128x128xi32>
    %lt3A_2687 = arith.constant 0 : i32
    %lt3A_2688 = vector.broadcast %lt3A_2687 : i32 to vector<128x128xi32>
    %lt3A_2689 = arith.cmpi slt, %rem3A_2683, %lt3A_2688 : vector<128x128xi32>
    %lt3A_2690 = arith.constant 0 : i32
    %lt3A_2691 = arith.cmpi slt, %select_n3A_2681, %lt3A_2690 : i32
    %ne3A_2692 = vector.broadcast %lt3A_2691 : i1 to vector<128x128xi1>
    %ne3A_2693 = vector.broadcast %ne3A_2692 : vector<128x128xi1> to vector<128x128xi1>
    %ne3A_2694 = arith.xori %lt3A_2689, %ne3A_2693 : vector<128x128xi1>
    %and3A_2695 = arith.andi %ne3A_2694, %ne3A_2686 : vector<128x128xi1>
    %add3A_2696 = vector.broadcast %select_n3A_2681 : i32 to vector<128x128xi32>
    %add3A_2697 = arith.addi %rem3A_2683, %add3A_2696 : vector<128x128xi32>
    %select_n3A_2698 = arith.select %and3A_2695, %add3A_2697, %rem3A_2683 : vector<128x128xi1>, vector<128x128xi32>
    %mul3A_2699 = arith.constant 128 : i32
    %mul3A_2700 = vector.broadcast %mul3A_2699 : i32 to vector<128x128xi32>
    %mul3A_2701 = arith.muli %select_n3A_2698, %mul3A_2700 : vector<128x128xi32>
    %add3A_2702 = vector.broadcast %add3A_2676 : i32 to vector<128x128xi32>
    %add3A_2703 = arith.addi %add3A_2702, %mul3A_2701 : vector<128x128xi32>
    %add3A_2704 = arith.addi %add3A_2703, %iota3A_0 : vector<128x128xi32>
    %lt3A_2705 = arith.constant 1000001 : i32
    %lt3A_2706 = vector.broadcast %lt3A_2705 : i32 to vector<128x128xi32>
    %lt3A_2707 = arith.cmpi slt, %add3A_2704, %lt3A_2706 : vector<128x128xi32>
    %jit3A_2708 = arith.constant 0.000000e+00 : f32
    %broadcast_in_dim3A_2709 = vector.broadcast %jit3A_2708 : f32 to vector<128x128xf32>
    %select_n3A_2710 = arith.select %lt3A_2707, %reshape3A_2674, %broadcast_in_dim3A_2709 : vector<128x128xi1>, vector<128x128xf32>
    %dot_general3A_2711 = arith.constant dense<0.000000e+00> : vector<128x128xf32>
    %dot_general3A_2712 = tpu.matmul %select_n3A_2710, %convert_element_type3A_47, %dot_general3A_2711 {dimension_numbers = #tpu.dot_dimension_numbers<[0], [0], [1], [1], [0, 1, 1, 1], [], []>, transpose_lhs_hint = false} : vector<128x128xf32>, vector<128x128xf32>, vector<128x128xf32> -> vector<128x128xf32>
    %swap3A_2713 = arith.constant 3712 : index
    %swap3A_2714 = arith.constant 0 : index
    %swap3A_2715 = vector.load %arg5[%swap3A_2713, %swap3A_2714] : memref<4096x128xf32, #tpu.memory_space<vmem>>, vector<128x128xf32>
    tpu.vector_store %arg5[%swap3A_2713, %swap3A_2714], %dot_general3A_2712 {strides = array<i32>} : memref<4096x128xf32, #tpu.memory_space<vmem>>, vector<128x128xf32>,
    %slice3A_2716 = vector.extract_strided_slice %get3A_1425 {offsets = [0, 30720], sizes = [16, 1024], strides = [1, 1]} : vector<16x32768xf32> to vector<16x1024xf32>
    %reshape3A_2717 = vector.shape_cast %slice3A_2716 : vector<16x1024xf32> to vector<128x128xf32>
    %add3A_2718 = arith.constant 30720 : i32
    %add3A_2719 = arith.addi %mul3A_49, %add3A_2718 : i32
    %jit3A_2720 = arith.constant 8 : i32
    %eq3A_2721 = arith.constant 0 : i32
    %eq3A_2722 = arith.cmpi eq, %jit3A_2720, %eq3A_2721 : i32
    %jit3A_2723 = arith.constant 1 : i32
    %select_n3A_2724 = arith.select %eq3A_2722, %jit3A_2723, %jit3A_2720 : i32
    %rem3A_2725 = vector.broadcast %select_n3A_2724 : i32 to vector<128x128xi32>
    %rem3A_2726 = arith.remsi %iota3A, %rem3A_2725 : vector<128x128xi32>
    %ne3A_2727 = arith.constant 0 : i32
    %ne3A_2728 = vector.broadcast %ne3A_2727 : i32 to vector<128x128xi32>
    %ne3A_2729 = arith.cmpi ne, %rem3A_2726, %ne3A_2728 : vector<128x128xi32>
    %lt3A_2730 = arith.constant 0 : i32
    %lt3A_2731 = vector.broadcast %lt3A_2730 : i32 to vector<128x128xi32>
    %lt3A_2732 = arith.cmpi slt, %rem3A_2726, %lt3A_2731 : vector<128x128xi32>
    %lt3A_2733 = arith.constant 0 : i32
    %lt3A_2734 = arith.cmpi slt, %select_n3A_2724, %lt3A_2733 : i32
    %ne3A_2735 = vector.broadcast %lt3A_2734 : i1 to vector<128x128xi1>
    %ne3A_2736 = vector.broadcast %ne3A_2735 : vector<128x128xi1> to vector<128x128xi1>
    %ne3A_2737 = arith.xori %lt3A_2732, %ne3A_2736 : vector<128x128xi1>
    %and3A_2738 = arith.andi %ne3A_2737, %ne3A_2729 : vector<128x128xi1>
    %add3A_2739 = vector.broadcast %select_n3A_2724 : i32 to vector<128x128xi32>
    %add3A_2740 = arith.addi %rem3A_2726, %add3A_2739 : vector<128x128xi32>
    %select_n3A_2741 = arith.select %and3A_2738, %add3A_2740, %rem3A_2726 : vector<128x128xi1>, vector<128x128xi32>
    %mul3A_2742 = arith.constant 128 : i32
    %mul3A_2743 = vector.broadcast %mul3A_2742 : i32 to vector<128x128xi32>
    %mul3A_2744 = arith.muli %select_n3A_2741, %mul3A_2743 : vector<128x128xi32>
    %add3A_2745 = vector.broadcast %add3A_2719 : i32 to vector<128x128xi32>
    %add3A_2746 = arith.addi %add3A_2745, %mul3A_2744 : vector<128x128xi32>
    %add3A_2747 = arith.addi %add3A_2746, %iota3A_0 : vector<128x128xi32>
    %lt3A_2748 = arith.constant 1000001 : i32
    %lt3A_2749 = vector.broadcast %lt3A_2748 : i32 to vector<128x128xi32>
    %lt3A_2750 = arith.cmpi slt, %add3A_2747, %lt3A_2749 : vector<128x128xi32>
    %jit3A_2751 = arith.constant 0.000000e+00 : f32
    %broadcast_in_dim3A_2752 = vector.broadcast %jit3A_2751 : f32 to vector<128x128xf32>
    %select_n3A_2753 = arith.select %lt3A_2750, %reshape3A_2717, %broadcast_in_dim3A_2752 : vector<128x128xi1>, vector<128x128xf32>
    %dot_general3A_2754 = arith.constant dense<0.000000e+00> : vector<128x128xf32>
    %dot_general3A_2755 = tpu.matmul %select_n3A_2753, %convert_element_type3A_47, %dot_general3A_2754 {dimension_numbers = #tpu.dot_dimension_numbers<[0], [0], [1], [1], [0, 1, 1, 1], [], []>, transpose_lhs_hint = false} : vector<128x128xf32>, vector<128x128xf32>, vector<128x128xf32> -> vector<128x128xf32>
    %swap3A_2756 = arith.constant 3840 : index
    %swap3A_2757 = arith.constant 0 : index
    %swap3A_2758 = vector.load %arg5[%swap3A_2756, %swap3A_2757] : memref<4096x128xf32, #tpu.memory_space<vmem>>, vector<128x128xf32>
    tpu.vector_store %arg5[%swap3A_2756, %swap3A_2757], %dot_general3A_2755 {strides = array<i32>} : memref<4096x128xf32, #tpu.memory_space<vmem>>, vector<128x128xf32>,
    %slice3A_2759 = vector.extract_strided_slice %get3A_1425 {offsets = [0, 31744], sizes = [16, 1024], strides = [1, 1]} : vector<16x32768xf32> to vector<16x1024xf32>
    %reshape3A_2760 = vector.shape_cast %slice3A_2759 : vector<16x1024xf32> to vector<128x128xf32>
    %add3A_2761 = arith.constant 31744 : i32
    %add3A_2762 = arith.addi %mul3A_49, %add3A_2761 : i32
    %jit3A_2763 = arith.constant 8 : i32
    %eq3A_2764 = arith.constant 0 : i32
    %eq3A_2765 = arith.cmpi eq, %jit3A_2763, %eq3A_2764 : i32
    %jit3A_2766 = arith.constant 1 : i32
    %select_n3A_2767 = arith.select %eq3A_2765, %jit3A_2766, %jit3A_2763 : i32
    %rem3A_2768 = vector.broadcast %select_n3A_2767 : i32 to vector<128x128xi32>
    %rem3A_2769 = arith.remsi %iota3A, %rem3A_2768 : vector<128x128xi32>
    %ne3A_2770 = arith.constant 0 : i32
    %ne3A_2771 = vector.broadcast %ne3A_2770 : i32 to vector<128x128xi32>
    %ne3A_2772 = arith.cmpi ne, %rem3A_2769, %ne3A_2771 : vector<128x128xi32>
    %lt3A_2773 = arith.constant 0 : i32
    %lt3A_2774 = vector.broadcast %lt3A_2773 : i32 to vector<128x128xi32>
    %lt3A_2775 = arith.cmpi slt, %rem3A_2769, %lt3A_2774 : vector<128x128xi32>
    %lt3A_2776 = arith.constant 0 : i32
    %lt3A_2777 = arith.cmpi slt, %select_n3A_2767, %lt3A_2776 : i32
    %ne3A_2778 = vector.broadcast %lt3A_2777 : i1 to vector<128x128xi1>
    %ne3A_2779 = vector.broadcast %ne3A_2778 : vector<128x128xi1> to vector<128x128xi1>
    %ne3A_2780 = arith.xori %lt3A_2775, %ne3A_2779 : vector<128x128xi1>
    %and3A_2781 = arith.andi %ne3A_2780, %ne3A_2772 : vector<128x128xi1>
    %add3A_2782 = vector.broadcast %select_n3A_2767 : i32 to vector<128x128xi32>
    %add3A_2783 = arith.addi %rem3A_2769, %add3A_2782 : vector<128x128xi32>
    %select_n3A_2784 = arith.select %and3A_2781, %add3A_2783, %rem3A_2769 : vector<128x128xi1>, vector<128x128xi32>
    %mul3A_2785 = arith.constant 128 : i32
    %mul3A_2786 = vector.broadcast %mul3A_2785 : i32 to vector<128x128xi32>
    %mul3A_2787 = arith.muli %select_n3A_2784, %mul3A_2786 : vector<128x128xi32>
    %add3A_2788 = vector.broadcast %add3A_2762 : i32 to vector<128x128xi32>
    %add3A_2789 = arith.addi %add3A_2788, %mul3A_2787 : vector<128x128xi32>
    %add3A_2790 = arith.addi %add3A_2789, %iota3A_0 : vector<128x128xi32>
    %lt3A_2791 = arith.constant 1000001 : i32
    %lt3A_2792 = vector.broadcast %lt3A_2791 : i32 to vector<128x128xi32>
    %lt3A_2793 = arith.cmpi slt, %add3A_2790, %lt3A_2792 : vector<128x128xi32>
    %jit3A_2794 = arith.constant 0.000000e+00 : f32
    %broadcast_in_dim3A_2795 = vector.broadcast %jit3A_2794 : f32 to vector<128x128xf32>
    %select_n3A_2796 = arith.select %lt3A_2793, %reshape3A_2760, %broadcast_in_dim3A_2795 : vector<128x128xi1>, vector<128x128xf32>
    %dot_general3A_2797 = arith.constant dense<0.000000e+00> : vector<128x128xf32>
    %dot_general3A_2798 = tpu.matmul %select_n3A_2796, %convert_element_type3A_47, %dot_general3A_2797 {dimension_numbers = #tpu.dot_dimension_numbers<[0], [0], [1], [1], [0, 1, 1, 1], [], []>, transpose_lhs_hint = false} : vector<128x128xf32>, vector<128x128xf32>, vector<128x128xf32> -> vector<128x128xf32>
    %swap3A_2799 = arith.constant 3968 : index
    %swap3A_2800 = arith.constant 0 : index
    %swap3A_2801 = vector.load %arg5[%swap3A_2799, %swap3A_2800] : memref<4096x128xf32, #tpu.memory_space<vmem>>, vector<128x128xf32>
    tpu.vector_store %arg5[%swap3A_2799, %swap3A_2800], %dot_general3A_2798 {strides = array<i32>} : memref<4096x128xf32, #tpu.memory_space<vmem>>, vector<128x128xf32>,
    %get3A_2802 = arith.constant 0 : index
    %get3A_2803 = arith.constant 0 : index
    %get3A_2804 = vector.load %arg3[%get3A_2802, %get3A_2803] : memref<16x32768xf32, #tpu.memory_space<vmem>>, vector<16x32768xf32>
    %slice3A_2805 = vector.extract_strided_slice %get3A_2804 {offsets = [0, 0], sizes = [16, 1024], strides = [1, 1]} : vector<16x32768xf32> to vector<16x1024xf32>
    %reshape3A_2806 = vector.shape_cast %slice3A_2805 : vector<16x1024xf32> to vector<128x128xf32>
    %add3A_2807 = arith.constant 0 : i32
    %add3A_2808 = arith.addi %mul3A_49, %add3A_2807 : i32
    %jit3A_2809 = arith.constant 8 : i32
    %eq3A_2810 = arith.constant 0 : i32
    %eq3A_2811 = arith.cmpi eq, %jit3A_2809, %eq3A_2810 : i32
    %jit3A_2812 = arith.constant 1 : i32
    %select_n3A_2813 = arith.select %eq3A_2811, %jit3A_2812, %jit3A_2809 : i32
    %rem3A_2814 = vector.broadcast %select_n3A_2813 : i32 to vector<128x128xi32>
    %rem3A_2815 = arith.remsi %iota3A, %rem3A_2814 : vector<128x128xi32>
    %ne3A_2816 = arith.constant 0 : i32
    %ne3A_2817 = vector.broadcast %ne3A_2816 : i32 to vector<128x128xi32>
    %ne3A_2818 = arith.cmpi ne, %rem3A_2815, %ne3A_2817 : vector<128x128xi32>
    %lt3A_2819 = arith.constant 0 : i32
    %lt3A_2820 = vector.broadcast %lt3A_2819 : i32 to vector<128x128xi32>
    %lt3A_2821 = arith.cmpi slt, %rem3A_2815, %lt3A_2820 : vector<128x128xi32>
    %lt3A_2822 = arith.constant 0 : i32
    %lt3A_2823 = arith.cmpi slt, %select_n3A_2813, %lt3A_2822 : i32
    %ne3A_2824 = vector.broadcast %lt3A_2823 : i1 to vector<128x128xi1>
    %ne3A_2825 = vector.broadcast %ne3A_2824 : vector<128x128xi1> to vector<128x128xi1>
    %ne3A_2826 = arith.xori %lt3A_2821, %ne3A_2825 : vector<128x128xi1>
    %and3A_2827 = arith.andi %ne3A_2826, %ne3A_2818 : vector<128x128xi1>
    %add3A_2828 = vector.broadcast %select_n3A_2813 : i32 to vector<128x128xi32>
    %add3A_2829 = arith.addi %rem3A_2815, %add3A_2828 : vector<128x128xi32>
    %select_n3A_2830 = arith.select %and3A_2827, %add3A_2829, %rem3A_2815 : vector<128x128xi1>, vector<128x128xi32>
    %mul3A_2831 = arith.constant 128 : i32
    %mul3A_2832 = vector.broadcast %mul3A_2831 : i32 to vector<128x128xi32>
    %mul3A_2833 = arith.muli %select_n3A_2830, %mul3A_2832 : vector<128x128xi32>
    %add3A_2834 = vector.broadcast %add3A_2808 : i32 to vector<128x128xi32>
    %add3A_2835 = arith.addi %add3A_2834, %mul3A_2833 : vector<128x128xi32>
    %add3A_2836 = arith.addi %add3A_2835, %iota3A_0 : vector<128x128xi32>
    %lt3A_2837 = arith.constant 1000001 : i32
    %lt3A_2838 = vector.broadcast %lt3A_2837 : i32 to vector<128x128xi32>
    %lt3A_2839 = arith.cmpi slt, %add3A_2836, %lt3A_2838 : vector<128x128xi32>
    %jit3A_2840 = arith.constant 0.000000e+00 : f32
    %broadcast_in_dim3A_2841 = vector.broadcast %jit3A_2840 : f32 to vector<128x128xf32>
    %select_n3A_2842 = arith.select %lt3A_2839, %reshape3A_2806, %broadcast_in_dim3A_2841 : vector<128x128xi1>, vector<128x128xf32>
    %dot_general3A_2843 = arith.constant dense<0.000000e+00> : vector<128x128xf32>
    %dot_general3A_2844 = tpu.matmul %select_n3A_2842, %convert_element_type3A_47, %dot_general3A_2843 {dimension_numbers = #tpu.dot_dimension_numbers<[0], [0], [1], [1], [0, 1, 1, 1], [], []>, transpose_lhs_hint = false} : vector<128x128xf32>, vector<128x128xf32>, vector<128x128xf32> -> vector<128x128xf32>
    %swap3A_2845 = arith.constant 0 : index
    %swap3A_2846 = arith.constant 0 : index
    %swap3A_2847 = vector.load %arg6[%swap3A_2845, %swap3A_2846] : memref<4096x128xf32, #tpu.memory_space<vmem>>, vector<128x128xf32>
    tpu.vector_store %arg6[%swap3A_2845, %swap3A_2846], %dot_general3A_2844 {strides = array<i32>} : memref<4096x128xf32, #tpu.memory_space<vmem>>, vector<128x128xf32>,
    %slice3A_2848 = vector.extract_strided_slice %get3A_2804 {offsets = [0, 1024], sizes = [16, 1024], strides = [1, 1]} : vector<16x32768xf32> to vector<16x1024xf32>
    %reshape3A_2849 = vector.shape_cast %slice3A_2848 : vector<16x1024xf32> to vector<128x128xf32>
    %add3A_2850 = arith.constant 1024 : i32
    %add3A_2851 = arith.addi %mul3A_49, %add3A_2850 : i32
    %jit3A_2852 = arith.constant 8 : i32
    %eq3A_2853 = arith.constant 0 : i32
    %eq3A_2854 = arith.cmpi eq, %jit3A_2852, %eq3A_2853 : i32
    %jit3A_2855 = arith.constant 1 : i32
    %select_n3A_2856 = arith.select %eq3A_2854, %jit3A_2855, %jit3A_2852 : i32
    %rem3A_2857 = vector.broadcast %select_n3A_2856 : i32 to vector<128x128xi32>
    %rem3A_2858 = arith.remsi %iota3A, %rem3A_2857 : vector<128x128xi32>
    %ne3A_2859 = arith.constant 0 : i32
    %ne3A_2860 = vector.broadcast %ne3A_2859 : i32 to vector<128x128xi32>
    %ne3A_2861 = arith.cmpi ne, %rem3A_2858, %ne3A_2860 : vector<128x128xi32>
    %lt3A_2862 = arith.constant 0 : i32
    %lt3A_2863 = vector.broadcast %lt3A_2862 : i32 to vector<128x128xi32>
    %lt3A_2864 = arith.cmpi slt, %rem3A_2858, %lt3A_2863 : vector<128x128xi32>
    %lt3A_2865 = arith.constant 0 : i32
    %lt3A_2866 = arith.cmpi slt, %select_n3A_2856, %lt3A_2865 : i32
    %ne3A_2867 = vector.broadcast %lt3A_2866 : i1 to vector<128x128xi1>
    %ne3A_2868 = vector.broadcast %ne3A_2867 : vector<128x128xi1> to vector<128x128xi1>
    %ne3A_2869 = arith.xori %lt3A_2864, %ne3A_2868 : vector<128x128xi1>
    %and3A_2870 = arith.andi %ne3A_2869, %ne3A_2861 : vector<128x128xi1>
    %add3A_2871 = vector.broadcast %select_n3A_2856 : i32 to vector<128x128xi32>
    %add3A_2872 = arith.addi %rem3A_2858, %add3A_2871 : vector<128x128xi32>
    %select_n3A_2873 = arith.select %and3A_2870, %add3A_2872, %rem3A_2858 : vector<128x128xi1>, vector<128x128xi32>
    %mul3A_2874 = arith.constant 128 : i32
    %mul3A_2875 = vector.broadcast %mul3A_2874 : i32 to vector<128x128xi32>
    %mul3A_2876 = arith.muli %select_n3A_2873, %mul3A_2875 : vector<128x128xi32>
    %add3A_2877 = vector.broadcast %add3A_2851 : i32 to vector<128x128xi32>
    %add3A_2878 = arith.addi %add3A_2877, %mul3A_2876 : vector<128x128xi32>
    %add3A_2879 = arith.addi %add3A_2878, %iota3A_0 : vector<128x128xi32>
    %lt3A_2880 = arith.constant 1000001 : i32
    %lt3A_2881 = vector.broadcast %lt3A_2880 : i32 to vector<128x128xi32>
    %lt3A_2882 = arith.cmpi slt, %add3A_2879, %lt3A_2881 : vector<128x128xi32>
    %jit3A_2883 = arith.constant 0.000000e+00 : f32
    %broadcast_in_dim3A_2884 = vector.broadcast %jit3A_2883 : f32 to vector<128x128xf32>
    %select_n3A_2885 = arith.select %lt3A_2882, %reshape3A_2849, %broadcast_in_dim3A_2884 : vector<128x128xi1>, vector<128x128xf32>
    %dot_general3A_2886 = arith.constant dense<0.000000e+00> : vector<128x128xf32>
    %dot_general3A_2887 = tpu.matmul %select_n3A_2885, %convert_element_type3A_47, %dot_general3A_2886 {dimension_numbers = #tpu.dot_dimension_numbers<[0], [0], [1], [1], [0, 1, 1, 1], [], []>, transpose_lhs_hint = false} : vector<128x128xf32>, vector<128x128xf32>, vector<128x128xf32> -> vector<128x128xf32>
    %swap3A_2888 = arith.constant 128 : index
    %swap3A_2889 = arith.constant 0 : index
    %swap3A_2890 = vector.load %arg6[%swap3A_2888, %swap3A_2889] : memref<4096x128xf32, #tpu.memory_space<vmem>>, vector<128x128xf32>
    tpu.vector_store %arg6[%swap3A_2888, %swap3A_2889], %dot_general3A_2887 {strides = array<i32>} : memref<4096x128xf32, #tpu.memory_space<vmem>>, vector<128x128xf32>,
    %slice3A_2891 = vector.extract_strided_slice %get3A_2804 {offsets = [0, 2048], sizes = [16, 1024], strides = [1, 1]} : vector<16x32768xf32> to vector<16x1024xf32>
    %reshape3A_2892 = vector.shape_cast %slice3A_2891 : vector<16x1024xf32> to vector<128x128xf32>
    %add3A_2893 = arith.constant 2048 : i32
    %add3A_2894 = arith.addi %mul3A_49, %add3A_2893 : i32
    %jit3A_2895 = arith.constant 8 : i32
    %eq3A_2896 = arith.constant 0 : i32
    %eq3A_2897 = arith.cmpi eq, %jit3A_2895, %eq3A_2896 : i32
    %jit3A_2898 = arith.constant 1 : i32
    %select_n3A_2899 = arith.select %eq3A_2897, %jit3A_2898, %jit3A_2895 : i32
    %rem3A_2900 = vector.broadcast %select_n3A_2899 : i32 to vector<128x128xi32>
    %rem3A_2901 = arith.remsi %iota3A, %rem3A_2900 : vector<128x128xi32>
    %ne3A_2902 = arith.constant 0 : i32
    %ne3A_2903 = vector.broadcast %ne3A_2902 : i32 to vector<128x128xi32>
    %ne3A_2904 = arith.cmpi ne, %rem3A_2901, %ne3A_2903 : vector<128x128xi32>
    %lt3A_2905 = arith.constant 0 : i32
    %lt3A_2906 = vector.broadcast %lt3A_2905 : i32 to vector<128x128xi32>
    %lt3A_2907 = arith.cmpi slt, %rem3A_2901, %lt3A_2906 : vector<128x128xi32>
    %lt3A_2908 = arith.constant 0 : i32
    %lt3A_2909 = arith.cmpi slt, %select_n3A_2899, %lt3A_2908 : i32
    %ne3A_2910 = vector.broadcast %lt3A_2909 : i1 to vector<128x128xi1>
    %ne3A_2911 = vector.broadcast %ne3A_2910 : vector<128x128xi1> to vector<128x128xi1>
    %ne3A_2912 = arith.xori %lt3A_2907, %ne3A_2911 : vector<128x128xi1>
    %and3A_2913 = arith.andi %ne3A_2912, %ne3A_2904 : vector<128x128xi1>
    %add3A_2914 = vector.broadcast %select_n3A_2899 : i32 to vector<128x128xi32>
    %add3A_2915 = arith.addi %rem3A_2901, %add3A_2914 : vector<128x128xi32>
    %select_n3A_2916 = arith.select %and3A_2913, %add3A_2915, %rem3A_2901 : vector<128x128xi1>, vector<128x128xi32>
    %mul3A_2917 = arith.constant 128 : i32
    %mul3A_2918 = vector.broadcast %mul3A_2917 : i32 to vector<128x128xi32>
    %mul3A_2919 = arith.muli %select_n3A_2916, %mul3A_2918 : vector<128x128xi32>
    %add3A_2920 = vector.broadcast %add3A_2894 : i32 to vector<128x128xi32>
    %add3A_2921 = arith.addi %add3A_2920, %mul3A_2919 : vector<128x128xi32>
    %add3A_2922 = arith.addi %add3A_2921, %iota3A_0 : vector<128x128xi32>
    %lt3A_2923 = arith.constant 1000001 : i32
    %lt3A_2924 = vector.broadcast %lt3A_2923 : i32 to vector<128x128xi32>
    %lt3A_2925 = arith.cmpi slt, %add3A_2922, %lt3A_2924 : vector<128x128xi32>
    %jit3A_2926 = arith.constant 0.000000e+00 : f32
    %broadcast_in_dim3A_2927 = vector.broadcast %jit3A_2926 : f32 to vector<128x128xf32>
    %select_n3A_2928 = arith.select %lt3A_2925, %reshape3A_2892, %broadcast_in_dim3A_2927 : vector<128x128xi1>, vector<128x128xf32>
    %dot_general3A_2929 = arith.constant dense<0.000000e+00> : vector<128x128xf32>
    %dot_general3A_2930 = tpu.matmul %select_n3A_2928, %convert_element_type3A_47, %dot_general3A_2929 {dimension_numbers = #tpu.dot_dimension_numbers<[0], [0], [1], [1], [0, 1, 1, 1], [], []>, transpose_lhs_hint = false} : vector<128x128xf32>, vector<128x128xf32>, vector<128x128xf32> -> vector<128x128xf32>
    %swap3A_2931 = arith.constant 256 : index
    %swap3A_2932 = arith.constant 0 : index
    %swap3A_2933 = vector.load %arg6[%swap3A_2931, %swap3A_2932] : memref<4096x128xf32, #tpu.memory_space<vmem>>, vector<128x128xf32>
    tpu.vector_store %arg6[%swap3A_2931, %swap3A_2932], %dot_general3A_2930 {strides = array<i32>} : memref<4096x128xf32, #tpu.memory_space<vmem>>, vector<128x128xf32>,
    %slice3A_2934 = vector.extract_strided_slice %get3A_2804 {offsets = [0, 3072], sizes = [16, 1024], strides = [1, 1]} : vector<16x32768xf32> to vector<16x1024xf32>
    %reshape3A_2935 = vector.shape_cast %slice3A_2934 : vector<16x1024xf32> to vector<128x128xf32>
    %add3A_2936 = arith.constant 3072 : i32
    %add3A_2937 = arith.addi %mul3A_49, %add3A_2936 : i32
    %jit3A_2938 = arith.constant 8 : i32
    %eq3A_2939 = arith.constant 0 : i32
    %eq3A_2940 = arith.cmpi eq, %jit3A_2938, %eq3A_2939 : i32
    %jit3A_2941 = arith.constant 1 : i32
    %select_n3A_2942 = arith.select %eq3A_2940, %jit3A_2941, %jit3A_2938 : i32
    %rem3A_2943 = vector.broadcast %select_n3A_2942 : i32 to vector<128x128xi32>
    %rem3A_2944 = arith.remsi %iota3A, %rem3A_2943 : vector<128x128xi32>
    %ne3A_2945 = arith.constant 0 : i32
    %ne3A_2946 = vector.broadcast %ne3A_2945 : i32 to vector<128x128xi32>
    %ne3A_2947 = arith.cmpi ne, %rem3A_2944, %ne3A_2946 : vector<128x128xi32>
    %lt3A_2948 = arith.constant 0 : i32
    %lt3A_2949 = vector.broadcast %lt3A_2948 : i32 to vector<128x128xi32>
    %lt3A_2950 = arith.cmpi slt, %rem3A_2944, %lt3A_2949 : vector<128x128xi32>
    %lt3A_2951 = arith.constant 0 : i32
    %lt3A_2952 = arith.cmpi slt, %select_n3A_2942, %lt3A_2951 : i32
    %ne3A_2953 = vector.broadcast %lt3A_2952 : i1 to vector<128x128xi1>
    %ne3A_2954 = vector.broadcast %ne3A_2953 : vector<128x128xi1> to vector<128x128xi1>
    %ne3A_2955 = arith.xori %lt3A_2950, %ne3A_2954 : vector<128x128xi1>
    %and3A_2956 = arith.andi %ne3A_2955, %ne3A_2947 : vector<128x128xi1>
    %add3A_2957 = vector.broadcast %select_n3A_2942 : i32 to vector<128x128xi32>
    %add3A_2958 = arith.addi %rem3A_2944, %add3A_2957 : vector<128x128xi32>
    %select_n3A_2959 = arith.select %and3A_2956, %add3A_2958, %rem3A_2944 : vector<128x128xi1>, vector<128x128xi32>
    %mul3A_2960 = arith.constant 128 : i32
    %mul3A_2961 = vector.broadcast %mul3A_2960 : i32 to vector<128x128xi32>
    %mul3A_2962 = arith.muli %select_n3A_2959, %mul3A_2961 : vector<128x128xi32>
    %add3A_2963 = vector.broadcast %add3A_2937 : i32 to vector<128x128xi32>
    %add3A_2964 = arith.addi %add3A_2963, %mul3A_2962 : vector<128x128xi32>
    %add3A_2965 = arith.addi %add3A_2964, %iota3A_0 : vector<128x128xi32>
    %lt3A_2966 = arith.constant 1000001 : i32
    %lt3A_2967 = vector.broadcast %lt3A_2966 : i32 to vector<128x128xi32>
    %lt3A_2968 = arith.cmpi slt, %add3A_2965, %lt3A_2967 : vector<128x128xi32>
    %jit3A_2969 = arith.constant 0.000000e+00 : f32
    %broadcast_in_dim3A_2970 = vector.broadcast %jit3A_2969 : f32 to vector<128x128xf32>
    %select_n3A_2971 = arith.select %lt3A_2968, %reshape3A_2935, %broadcast_in_dim3A_2970 : vector<128x128xi1>, vector<128x128xf32>
    %dot_general3A_2972 = arith.constant dense<0.000000e+00> : vector<128x128xf32>
    %dot_general3A_2973 = tpu.matmul %select_n3A_2971, %convert_element_type3A_47, %dot_general3A_2972 {dimension_numbers = #tpu.dot_dimension_numbers<[0], [0], [1], [1], [0, 1, 1, 1], [], []>, transpose_lhs_hint = false} : vector<128x128xf32>, vector<128x128xf32>, vector<128x128xf32> -> vector<128x128xf32>
    %swap3A_2974 = arith.constant 384 : index
    %swap3A_2975 = arith.constant 0 : index
    %swap3A_2976 = vector.load %arg6[%swap3A_2974, %swap3A_2975] : memref<4096x128xf32, #tpu.memory_space<vmem>>, vector<128x128xf32>
    tpu.vector_store %arg6[%swap3A_2974, %swap3A_2975], %dot_general3A_2973 {strides = array<i32>} : memref<4096x128xf32, #tpu.memory_space<vmem>>, vector<128x128xf32>,
    %slice3A_2977 = vector.extract_strided_slice %get3A_2804 {offsets = [0, 4096], sizes = [16, 1024], strides = [1, 1]} : vector<16x32768xf32> to vector<16x1024xf32>
    %reshape3A_2978 = vector.shape_cast %slice3A_2977 : vector<16x1024xf32> to vector<128x128xf32>
    %add3A_2979 = arith.constant 4096 : i32
    %add3A_2980 = arith.addi %mul3A_49, %add3A_2979 : i32
    %jit3A_2981 = arith.constant 8 : i32
    %eq3A_2982 = arith.constant 0 : i32
    %eq3A_2983 = arith.cmpi eq, %jit3A_2981, %eq3A_2982 : i32
    %jit3A_2984 = arith.constant 1 : i32
    %select_n3A_2985 = arith.select %eq3A_2983, %jit3A_2984, %jit3A_2981 : i32
    %rem3A_2986 = vector.broadcast %select_n3A_2985 : i32 to vector<128x128xi32>
    %rem3A_2987 = arith.remsi %iota3A, %rem3A_2986 : vector<128x128xi32>
    %ne3A_2988 = arith.constant 0 : i32
    %ne3A_2989 = vector.broadcast %ne3A_2988 : i32 to vector<128x128xi32>
    %ne3A_2990 = arith.cmpi ne, %rem3A_2987, %ne3A_2989 : vector<128x128xi32>
    %lt3A_2991 = arith.constant 0 : i32
    %lt3A_2992 = vector.broadcast %lt3A_2991 : i32 to vector<128x128xi32>
    %lt3A_2993 = arith.cmpi slt, %rem3A_2987, %lt3A_2992 : vector<128x128xi32>
    %lt3A_2994 = arith.constant 0 : i32
    %lt3A_2995 = arith.cmpi slt, %select_n3A_2985, %lt3A_2994 : i32
    %ne3A_2996 = vector.broadcast %lt3A_2995 : i1 to vector<128x128xi1>
    %ne3A_2997 = vector.broadcast %ne3A_2996 : vector<128x128xi1> to vector<128x128xi1>
    %ne3A_2998 = arith.xori %lt3A_2993, %ne3A_2997 : vector<128x128xi1>
    %and3A_2999 = arith.andi %ne3A_2998, %ne3A_2990 : vector<128x128xi1>
    %add3A_3000 = vector.broadcast %select_n3A_2985 : i32 to vector<128x128xi32>
    %add3A_3001 = arith.addi %rem3A_2987, %add3A_3000 : vector<128x128xi32>
    %select_n3A_3002 = arith.select %and3A_2999, %add3A_3001, %rem3A_2987 : vector<128x128xi1>, vector<128x128xi32>
    %mul3A_3003 = arith.constant 128 : i32
    %mul3A_3004 = vector.broadcast %mul3A_3003 : i32 to vector<128x128xi32>
    %mul3A_3005 = arith.muli %select_n3A_3002, %mul3A_3004 : vector<128x128xi32>
    %add3A_3006 = vector.broadcast %add3A_2980 : i32 to vector<128x128xi32>
    %add3A_3007 = arith.addi %add3A_3006, %mul3A_3005 : vector<128x128xi32>
    %add3A_3008 = arith.addi %add3A_3007, %iota3A_0 : vector<128x128xi32>
    %lt3A_3009 = arith.constant 1000001 : i32
    %lt3A_3010 = vector.broadcast %lt3A_3009 : i32 to vector<128x128xi32>
    %lt3A_3011 = arith.cmpi slt, %add3A_3008, %lt3A_3010 : vector<128x128xi32>
    %jit3A_3012 = arith.constant 0.000000e+00 : f32
    %broadcast_in_dim3A_3013 = vector.broadcast %jit3A_3012 : f32 to vector<128x128xf32>
    %select_n3A_3014 = arith.select %lt3A_3011, %reshape3A_2978, %broadcast_in_dim3A_3013 : vector<128x128xi1>, vector<128x128xf32>
    %dot_general3A_3015 = arith.constant dense<0.000000e+00> : vector<128x128xf32>
    %dot_general3A_3016 = tpu.matmul %select_n3A_3014, %convert_element_type3A_47, %dot_general3A_3015 {dimension_numbers = #tpu.dot_dimension_numbers<[0], [0], [1], [1], [0, 1, 1, 1], [], []>, transpose_lhs_hint = false} : vector<128x128xf32>, vector<128x128xf32>, vector<128x128xf32> -> vector<128x128xf32>
    %swap3A_3017 = arith.constant 512 : index
    %swap3A_3018 = arith.constant 0 : index
    %swap3A_3019 = vector.load %arg6[%swap3A_3017, %swap3A_3018] : memref<4096x128xf32, #tpu.memory_space<vmem>>, vector<128x128xf32>
    tpu.vector_store %arg6[%swap3A_3017, %swap3A_3018], %dot_general3A_3016 {strides = array<i32>} : memref<4096x128xf32, #tpu.memory_space<vmem>>, vector<128x128xf32>,
    %slice3A_3020 = vector.extract_strided_slice %get3A_2804 {offsets = [0, 5120], sizes = [16, 1024], strides = [1, 1]} : vector<16x32768xf32> to vector<16x1024xf32>
    %reshape3A_3021 = vector.shape_cast %slice3A_3020 : vector<16x1024xf32> to vector<128x128xf32>
    %add3A_3022 = arith.constant 5120 : i32
    %add3A_3023 = arith.addi %mul3A_49, %add3A_3022 : i32
    %jit3A_3024 = arith.constant 8 : i32
    %eq3A_3025 = arith.constant 0 : i32
    %eq3A_3026 = arith.cmpi eq, %jit3A_3024, %eq3A_3025 : i32
    %jit3A_3027 = arith.constant 1 : i32
    %select_n3A_3028 = arith.select %eq3A_3026, %jit3A_3027, %jit3A_3024 : i32
    %rem3A_3029 = vector.broadcast %select_n3A_3028 : i32 to vector<128x128xi32>
    %rem3A_3030 = arith.remsi %iota3A, %rem3A_3029 : vector<128x128xi32>
    %ne3A_3031 = arith.constant 0 : i32
    %ne3A_3032 = vector.broadcast %ne3A_3031 : i32 to vector<128x128xi32>
    %ne3A_3033 = arith.cmpi ne, %rem3A_3030, %ne3A_3032 : vector<128x128xi32>
    %lt3A_3034 = arith.constant 0 : i32
    %lt3A_3035 = vector.broadcast %lt3A_3034 : i32 to vector<128x128xi32>
    %lt3A_3036 = arith.cmpi slt, %rem3A_3030, %lt3A_3035 : vector<128x128xi32>
    %lt3A_3037 = arith.constant 0 : i32
    %lt3A_3038 = arith.cmpi slt, %select_n3A_3028, %lt3A_3037 : i32
    %ne3A_3039 = vector.broadcast %lt3A_3038 : i1 to vector<128x128xi1>
    %ne3A_3040 = vector.broadcast %ne3A_3039 : vector<128x128xi1> to vector<128x128xi1>
    %ne3A_3041 = arith.xori %lt3A_3036, %ne3A_3040 : vector<128x128xi1>
    %and3A_3042 = arith.andi %ne3A_3041, %ne3A_3033 : vector<128x128xi1>
    %add3A_3043 = vector.broadcast %select_n3A_3028 : i32 to vector<128x128xi32>
    %add3A_3044 = arith.addi %rem3A_3030, %add3A_3043 : vector<128x128xi32>
    %select_n3A_3045 = arith.select %and3A_3042, %add3A_3044, %rem3A_3030 : vector<128x128xi1>, vector<128x128xi32>
    %mul3A_3046 = arith.constant 128 : i32
    %mul3A_3047 = vector.broadcast %mul3A_3046 : i32 to vector<128x128xi32>
    %mul3A_3048 = arith.muli %select_n3A_3045, %mul3A_3047 : vector<128x128xi32>
    %add3A_3049 = vector.broadcast %add3A_3023 : i32 to vector<128x128xi32>
    %add3A_3050 = arith.addi %add3A_3049, %mul3A_3048 : vector<128x128xi32>
    %add3A_3051 = arith.addi %add3A_3050, %iota3A_0 : vector<128x128xi32>
    %lt3A_3052 = arith.constant 1000001 : i32
    %lt3A_3053 = vector.broadcast %lt3A_3052 : i32 to vector<128x128xi32>
    %lt3A_3054 = arith.cmpi slt, %add3A_3051, %lt3A_3053 : vector<128x128xi32>
    %jit3A_3055 = arith.constant 0.000000e+00 : f32
    %broadcast_in_dim3A_3056 = vector.broadcast %jit3A_3055 : f32 to vector<128x128xf32>
    %select_n3A_3057 = arith.select %lt3A_3054, %reshape3A_3021, %broadcast_in_dim3A_3056 : vector<128x128xi1>, vector<128x128xf32>
    %dot_general3A_3058 = arith.constant dense<0.000000e+00> : vector<128x128xf32>
    %dot_general3A_3059 = tpu.matmul %select_n3A_3057, %convert_element_type3A_47, %dot_general3A_3058 {dimension_numbers = #tpu.dot_dimension_numbers<[0], [0], [1], [1], [0, 1, 1, 1], [], []>, transpose_lhs_hint = false} : vector<128x128xf32>, vector<128x128xf32>, vector<128x128xf32> -> vector<128x128xf32>
    %swap3A_3060 = arith.constant 640 : index
    %swap3A_3061 = arith.constant 0 : index
    %swap3A_3062 = vector.load %arg6[%swap3A_3060, %swap3A_3061] : memref<4096x128xf32, #tpu.memory_space<vmem>>, vector<128x128xf32>
    tpu.vector_store %arg6[%swap3A_3060, %swap3A_3061], %dot_general3A_3059 {strides = array<i32>} : memref<4096x128xf32, #tpu.memory_space<vmem>>, vector<128x128xf32>,
    %slice3A_3063 = vector.extract_strided_slice %get3A_2804 {offsets = [0, 6144], sizes = [16, 1024], strides = [1, 1]} : vector<16x32768xf32> to vector<16x1024xf32>
    %reshape3A_3064 = vector.shape_cast %slice3A_3063 : vector<16x1024xf32> to vector<128x128xf32>
    %add3A_3065 = arith.constant 6144 : i32
    %add3A_3066 = arith.addi %mul3A_49, %add3A_3065 : i32
    %jit3A_3067 = arith.constant 8 : i32
    %eq3A_3068 = arith.constant 0 : i32
    %eq3A_3069 = arith.cmpi eq, %jit3A_3067, %eq3A_3068 : i32
    %jit3A_3070 = arith.constant 1 : i32
    %select_n3A_3071 = arith.select %eq3A_3069, %jit3A_3070, %jit3A_3067 : i32
    %rem3A_3072 = vector.broadcast %select_n3A_3071 : i32 to vector<128x128xi32>
    %rem3A_3073 = arith.remsi %iota3A, %rem3A_3072 : vector<128x128xi32>
    %ne3A_3074 = arith.constant 0 : i32
    %ne3A_3075 = vector.broadcast %ne3A_3074 : i32 to vector<128x128xi32>
    %ne3A_3076 = arith.cmpi ne, %rem3A_3073, %ne3A_3075 : vector<128x128xi32>
    %lt3A_3077 = arith.constant 0 : i32
    %lt3A_3078 = vector.broadcast %lt3A_3077 : i32 to vector<128x128xi32>
    %lt3A_3079 = arith.cmpi slt, %rem3A_3073, %lt3A_3078 : vector<128x128xi32>
    %lt3A_3080 = arith.constant 0 : i32
    %lt3A_3081 = arith.cmpi slt, %select_n3A_3071, %lt3A_3080 : i32
    %ne3A_3082 = vector.broadcast %lt3A_3081 : i1 to vector<128x128xi1>
    %ne3A_3083 = vector.broadcast %ne3A_3082 : vector<128x128xi1> to vector<128x128xi1>
    %ne3A_3084 = arith.xori %lt3A_3079, %ne3A_3083 : vector<128x128xi1>
    %and3A_3085 = arith.andi %ne3A_3084, %ne3A_3076 : vector<128x128xi1>
    %add3A_3086 = vector.broadcast %select_n3A_3071 : i32 to vector<128x128xi32>
    %add3A_3087 = arith.addi %rem3A_3073, %add3A_3086 : vector<128x128xi32>
    %select_n3A_3088 = arith.select %and3A_3085, %add3A_3087, %rem3A_3073 : vector<128x128xi1>, vector<128x128xi32>
    %mul3A_3089 = arith.constant 128 : i32
    %mul3A_3090 = vector.broadcast %mul3A_3089 : i32 to vector<128x128xi32>
    %mul3A_3091 = arith.muli %select_n3A_3088, %mul3A_3090 : vector<128x128xi32>
    %add3A_3092 = vector.broadcast %add3A_3066 : i32 to vector<128x128xi32>
    %add3A_3093 = arith.addi %add3A_3092, %mul3A_3091 : vector<128x128xi32>
    %add3A_3094 = arith.addi %add3A_3093, %iota3A_0 : vector<128x128xi32>
    %lt3A_3095 = arith.constant 1000001 : i32
    %lt3A_3096 = vector.broadcast %lt3A_3095 : i32 to vector<128x128xi32>
    %lt3A_3097 = arith.cmpi slt, %add3A_3094, %lt3A_3096 : vector<128x128xi32>
    %jit3A_3098 = arith.constant 0.000000e+00 : f32
    %broadcast_in_dim3A_3099 = vector.broadcast %jit3A_3098 : f32 to vector<128x128xf32>
    %select_n3A_3100 = arith.select %lt3A_3097, %reshape3A_3064, %broadcast_in_dim3A_3099 : vector<128x128xi1>, vector<128x128xf32>
    %dot_general3A_3101 = arith.constant dense<0.000000e+00> : vector<128x128xf32>
    %dot_general3A_3102 = tpu.matmul %select_n3A_3100, %convert_element_type3A_47, %dot_general3A_3101 {dimension_numbers = #tpu.dot_dimension_numbers<[0], [0], [1], [1], [0, 1, 1, 1], [], []>, transpose_lhs_hint = false} : vector<128x128xf32>, vector<128x128xf32>, vector<128x128xf32> -> vector<128x128xf32>
    %swap3A_3103 = arith.constant 768 : index
    %swap3A_3104 = arith.constant 0 : index
    %swap3A_3105 = vector.load %arg6[%swap3A_3103, %swap3A_3104] : memref<4096x128xf32, #tpu.memory_space<vmem>>, vector<128x128xf32>
    tpu.vector_store %arg6[%swap3A_3103, %swap3A_3104], %dot_general3A_3102 {strides = array<i32>} : memref<4096x128xf32, #tpu.memory_space<vmem>>, vector<128x128xf32>,
    %slice3A_3106 = vector.extract_strided_slice %get3A_2804 {offsets = [0, 7168], sizes = [16, 1024], strides = [1, 1]} : vector<16x32768xf32> to vector<16x1024xf32>
    %reshape3A_3107 = vector.shape_cast %slice3A_3106 : vector<16x1024xf32> to vector<128x128xf32>
    %add3A_3108 = arith.constant 7168 : i32
    %add3A_3109 = arith.addi %mul3A_49, %add3A_3108 : i32
    %jit3A_3110 = arith.constant 8 : i32
    %eq3A_3111 = arith.constant 0 : i32
    %eq3A_3112 = arith.cmpi eq, %jit3A_3110, %eq3A_3111 : i32
    %jit3A_3113 = arith.constant 1 : i32
    %select_n3A_3114 = arith.select %eq3A_3112, %jit3A_3113, %jit3A_3110 : i32
    %rem3A_3115 = vector.broadcast %select_n3A_3114 : i32 to vector<128x128xi32>
    %rem3A_3116 = arith.remsi %iota3A, %rem3A_3115 : vector<128x128xi32>
    %ne3A_3117 = arith.constant 0 : i32
    %ne3A_3118 = vector.broadcast %ne3A_3117 : i32 to vector<128x128xi32>
    %ne3A_3119 = arith.cmpi ne, %rem3A_3116, %ne3A_3118 : vector<128x128xi32>
    %lt3A_3120 = arith.constant 0 : i32
    %lt3A_3121 = vector.broadcast %lt3A_3120 : i32 to vector<128x128xi32>
    %lt3A_3122 = arith.cmpi slt, %rem3A_3116, %lt3A_3121 : vector<128x128xi32>
    %lt3A_3123 = arith.constant 0 : i32
    %lt3A_3124 = arith.cmpi slt, %select_n3A_3114, %lt3A_3123 : i32
    %ne3A_3125 = vector.broadcast %lt3A_3124 : i1 to vector<128x128xi1>
    %ne3A_3126 = vector.broadcast %ne3A_3125 : vector<128x128xi1> to vector<128x128xi1>
    %ne3A_3127 = arith.xori %lt3A_3122, %ne3A_3126 : vector<128x128xi1>
    %and3A_3128 = arith.andi %ne3A_3127, %ne3A_3119 : vector<128x128xi1>
    %add3A_3129 = vector.broadcast %select_n3A_3114 : i32 to vector<128x128xi32>
    %add3A_3130 = arith.addi %rem3A_3116, %add3A_3129 : vector<128x128xi32>
    %select_n3A_3131 = arith.select %and3A_3128, %add3A_3130, %rem3A_3116 : vector<128x128xi1>, vector<128x128xi32>
    %mul3A_3132 = arith.constant 128 : i32
    %mul3A_3133 = vector.broadcast %mul3A_3132 : i32 to vector<128x128xi32>
    %mul3A_3134 = arith.muli %select_n3A_3131, %mul3A_3133 : vector<128x128xi32>
    %add3A_3135 = vector.broadcast %add3A_3109 : i32 to vector<128x128xi32>
    %add3A_3136 = arith.addi %add3A_3135, %mul3A_3134 : vector<128x128xi32>
    %add3A_3137 = arith.addi %add3A_3136, %iota3A_0 : vector<128x128xi32>
    %lt3A_3138 = arith.constant 1000001 : i32
    %lt3A_3139 = vector.broadcast %lt3A_3138 : i32 to vector<128x128xi32>
    %lt3A_3140 = arith.cmpi slt, %add3A_3137, %lt3A_3139 : vector<128x128xi32>
    %jit3A_3141 = arith.constant 0.000000e+00 : f32
    %broadcast_in_dim3A_3142 = vector.broadcast %jit3A_3141 : f32 to vector<128x128xf32>
    %select_n3A_3143 = arith.select %lt3A_3140, %reshape3A_3107, %broadcast_in_dim3A_3142 : vector<128x128xi1>, vector<128x128xf32>
    %dot_general3A_3144 = arith.constant dense<0.000000e+00> : vector<128x128xf32>
    %dot_general3A_3145 = tpu.matmul %select_n3A_3143, %convert_element_type3A_47, %dot_general3A_3144 {dimension_numbers = #tpu.dot_dimension_numbers<[0], [0], [1], [1], [0, 1, 1, 1], [], []>, transpose_lhs_hint = false} : vector<128x128xf32>, vector<128x128xf32>, vector<128x128xf32> -> vector<128x128xf32>
    %swap3A_3146 = arith.constant 896 : index
    %swap3A_3147 = arith.constant 0 : index
    %swap3A_3148 = vector.load %arg6[%swap3A_3146, %swap3A_3147] : memref<4096x128xf32, #tpu.memory_space<vmem>>, vector<128x128xf32>
    tpu.vector_store %arg6[%swap3A_3146, %swap3A_3147], %dot_general3A_3145 {strides = array<i32>} : memref<4096x128xf32, #tpu.memory_space<vmem>>, vector<128x128xf32>,
    %slice3A_3149 = vector.extract_strided_slice %get3A_2804 {offsets = [0, 8192], sizes = [16, 1024], strides = [1, 1]} : vector<16x32768xf32> to vector<16x1024xf32>
    %reshape3A_3150 = vector.shape_cast %slice3A_3149 : vector<16x1024xf32> to vector<128x128xf32>
    %add3A_3151 = arith.constant 8192 : i32
    %add3A_3152 = arith.addi %mul3A_49, %add3A_3151 : i32
    %jit3A_3153 = arith.constant 8 : i32
    %eq3A_3154 = arith.constant 0 : i32
    %eq3A_3155 = arith.cmpi eq, %jit3A_3153, %eq3A_3154 : i32
    %jit3A_3156 = arith.constant 1 : i32
    %select_n3A_3157 = arith.select %eq3A_3155, %jit3A_3156, %jit3A_3153 : i32
    %rem3A_3158 = vector.broadcast %select_n3A_3157 : i32 to vector<128x128xi32>
    %rem3A_3159 = arith.remsi %iota3A, %rem3A_3158 : vector<128x128xi32>
    %ne3A_3160 = arith.constant 0 : i32
    %ne3A_3161 = vector.broadcast %ne3A_3160 : i32 to vector<128x128xi32>
    %ne3A_3162 = arith.cmpi ne, %rem3A_3159, %ne3A_3161 : vector<128x128xi32>
    %lt3A_3163 = arith.constant 0 : i32
    %lt3A_3164 = vector.broadcast %lt3A_3163 : i32 to vector<128x128xi32>
    %lt3A_3165 = arith.cmpi slt, %rem3A_3159, %lt3A_3164 : vector<128x128xi32>
    %lt3A_3166 = arith.constant 0 : i32
    %lt3A_3167 = arith.cmpi slt, %select_n3A_3157, %lt3A_3166 : i32
    %ne3A_3168 = vector.broadcast %lt3A_3167 : i1 to vector<128x128xi1>
    %ne3A_3169 = vector.broadcast %ne3A_3168 : vector<128x128xi1> to vector<128x128xi1>
    %ne3A_3170 = arith.xori %lt3A_3165, %ne3A_3169 : vector<128x128xi1>
    %and3A_3171 = arith.andi %ne3A_3170, %ne3A_3162 : vector<128x128xi1>
    %add3A_3172 = vector.broadcast %select_n3A_3157 : i32 to vector<128x128xi32>
    %add3A_3173 = arith.addi %rem3A_3159, %add3A_3172 : vector<128x128xi32>
    %select_n3A_3174 = arith.select %and3A_3171, %add3A_3173, %rem3A_3159 : vector<128x128xi1>, vector<128x128xi32>
    %mul3A_3175 = arith.constant 128 : i32
    %mul3A_3176 = vector.broadcast %mul3A_3175 : i32 to vector<128x128xi32>
    %mul3A_3177 = arith.muli %select_n3A_3174, %mul3A_3176 : vector<128x128xi32>
    %add3A_3178 = vector.broadcast %add3A_3152 : i32 to vector<128x128xi32>
    %add3A_3179 = arith.addi %add3A_3178, %mul3A_3177 : vector<128x128xi32>
    %add3A_3180 = arith.addi %add3A_3179, %iota3A_0 : vector<128x128xi32>
    %lt3A_3181 = arith.constant 1000001 : i32
    %lt3A_3182 = vector.broadcast %lt3A_3181 : i32 to vector<128x128xi32>
    %lt3A_3183 = arith.cmpi slt, %add3A_3180, %lt3A_3182 : vector<128x128xi32>
    %jit3A_3184 = arith.constant 0.000000e+00 : f32
    %broadcast_in_dim3A_3185 = vector.broadcast %jit3A_3184 : f32 to vector<128x128xf32>
    %select_n3A_3186 = arith.select %lt3A_3183, %reshape3A_3150, %broadcast_in_dim3A_3185 : vector<128x128xi1>, vector<128x128xf32>
    %dot_general3A_3187 = arith.constant dense<0.000000e+00> : vector<128x128xf32>
    %dot_general3A_3188 = tpu.matmul %select_n3A_3186, %convert_element_type3A_47, %dot_general3A_3187 {dimension_numbers = #tpu.dot_dimension_numbers<[0], [0], [1], [1], [0, 1, 1, 1], [], []>, transpose_lhs_hint = false} : vector<128x128xf32>, vector<128x128xf32>, vector<128x128xf32> -> vector<128x128xf32>
    %swap3A_3189 = arith.constant 1024 : index
    %swap3A_3190 = arith.constant 0 : index
    %swap3A_3191 = vector.load %arg6[%swap3A_3189, %swap3A_3190] : memref<4096x128xf32, #tpu.memory_space<vmem>>, vector<128x128xf32>
    tpu.vector_store %arg6[%swap3A_3189, %swap3A_3190], %dot_general3A_3188 {strides = array<i32>} : memref<4096x128xf32, #tpu.memory_space<vmem>>, vector<128x128xf32>,
    %slice3A_3192 = vector.extract_strided_slice %get3A_2804 {offsets = [0, 9216], sizes = [16, 1024], strides = [1, 1]} : vector<16x32768xf32> to vector<16x1024xf32>
    %reshape3A_3193 = vector.shape_cast %slice3A_3192 : vector<16x1024xf32> to vector<128x128xf32>
    %add3A_3194 = arith.constant 9216 : i32
    %add3A_3195 = arith.addi %mul3A_49, %add3A_3194 : i32
    %jit3A_3196 = arith.constant 8 : i32
    %eq3A_3197 = arith.constant 0 : i32
    %eq3A_3198 = arith.cmpi eq, %jit3A_3196, %eq3A_3197 : i32
    %jit3A_3199 = arith.constant 1 : i32
    %select_n3A_3200 = arith.select %eq3A_3198, %jit3A_3199, %jit3A_3196 : i32
    %rem3A_3201 = vector.broadcast %select_n3A_3200 : i32 to vector<128x128xi32>
    %rem3A_3202 = arith.remsi %iota3A, %rem3A_3201 : vector<128x128xi32>
    %ne3A_3203 = arith.constant 0 : i32
    %ne3A_3204 = vector.broadcast %ne3A_3203 : i32 to vector<128x128xi32>
    %ne3A_3205 = arith.cmpi ne, %rem3A_3202, %ne3A_3204 : vector<128x128xi32>
    %lt3A_3206 = arith.constant 0 : i32
    %lt3A_3207 = vector.broadcast %lt3A_3206 : i32 to vector<128x128xi32>
    %lt3A_3208 = arith.cmpi slt, %rem3A_3202, %lt3A_3207 : vector<128x128xi32>
    %lt3A_3209 = arith.constant 0 : i32
    %lt3A_3210 = arith.cmpi slt, %select_n3A_3200, %lt3A_3209 : i32
    %ne3A_3211 = vector.broadcast %lt3A_3210 : i1 to vector<128x128xi1>
    %ne3A_3212 = vector.broadcast %ne3A_3211 : vector<128x128xi1> to vector<128x128xi1>
    %ne3A_3213 = arith.xori %lt3A_3208, %ne3A_3212 : vector<128x128xi1>
    %and3A_3214 = arith.andi %ne3A_3213, %ne3A_3205 : vector<128x128xi1>
    %add3A_3215 = vector.broadcast %select_n3A_3200 : i32 to vector<128x128xi32>
    %add3A_3216 = arith.addi %rem3A_3202, %add3A_3215 : vector<128x128xi32>
    %select_n3A_3217 = arith.select %and3A_3214, %add3A_3216, %rem3A_3202 : vector<128x128xi1>, vector<128x128xi32>
    %mul3A_3218 = arith.constant 128 : i32
    %mul3A_3219 = vector.broadcast %mul3A_3218 : i32 to vector<128x128xi32>
    %mul3A_3220 = arith.muli %select_n3A_3217, %mul3A_3219 : vector<128x128xi32>
    %add3A_3221 = vector.broadcast %add3A_3195 : i32 to vector<128x128xi32>
    %add3A_3222 = arith.addi %add3A_3221, %mul3A_3220 : vector<128x128xi32>
    %add3A_3223 = arith.addi %add3A_3222, %iota3A_0 : vector<128x128xi32>
    %lt3A_3224 = arith.constant 1000001 : i32
    %lt3A_3225 = vector.broadcast %lt3A_3224 : i32 to vector<128x128xi32>
    %lt3A_3226 = arith.cmpi slt, %add3A_3223, %lt3A_3225 : vector<128x128xi32>
    %jit3A_3227 = arith.constant 0.000000e+00 : f32
    %broadcast_in_dim3A_3228 = vector.broadcast %jit3A_3227 : f32 to vector<128x128xf32>
    %select_n3A_3229 = arith.select %lt3A_3226, %reshape3A_3193, %broadcast_in_dim3A_3228 : vector<128x128xi1>, vector<128x128xf32>
    %dot_general3A_3230 = arith.constant dense<0.000000e+00> : vector<128x128xf32>
    %dot_general3A_3231 = tpu.matmul %select_n3A_3229, %convert_element_type3A_47, %dot_general3A_3230 {dimension_numbers = #tpu.dot_dimension_numbers<[0], [0], [1], [1], [0, 1, 1, 1], [], []>, transpose_lhs_hint = false} : vector<128x128xf32>, vector<128x128xf32>, vector<128x128xf32> -> vector<128x128xf32>
    %swap3A_3232 = arith.constant 1152 : index
    %swap3A_3233 = arith.constant 0 : index
    %swap3A_3234 = vector.load %arg6[%swap3A_3232, %swap3A_3233] : memref<4096x128xf32, #tpu.memory_space<vmem>>, vector<128x128xf32>
    tpu.vector_store %arg6[%swap3A_3232, %swap3A_3233], %dot_general3A_3231 {strides = array<i32>} : memref<4096x128xf32, #tpu.memory_space<vmem>>, vector<128x128xf32>,
    %slice3A_3235 = vector.extract_strided_slice %get3A_2804 {offsets = [0, 10240], sizes = [16, 1024], strides = [1, 1]} : vector<16x32768xf32> to vector<16x1024xf32>
    %reshape3A_3236 = vector.shape_cast %slice3A_3235 : vector<16x1024xf32> to vector<128x128xf32>
    %add3A_3237 = arith.constant 10240 : i32
    %add3A_3238 = arith.addi %mul3A_49, %add3A_3237 : i32
    %jit3A_3239 = arith.constant 8 : i32
    %eq3A_3240 = arith.constant 0 : i32
    %eq3A_3241 = arith.cmpi eq, %jit3A_3239, %eq3A_3240 : i32
    %jit3A_3242 = arith.constant 1 : i32
    %select_n3A_3243 = arith.select %eq3A_3241, %jit3A_3242, %jit3A_3239 : i32
    %rem3A_3244 = vector.broadcast %select_n3A_3243 : i32 to vector<128x128xi32>
    %rem3A_3245 = arith.remsi %iota3A, %rem3A_3244 : vector<128x128xi32>
    %ne3A_3246 = arith.constant 0 : i32
    %ne3A_3247 = vector.broadcast %ne3A_3246 : i32 to vector<128x128xi32>
    %ne3A_3248 = arith.cmpi ne, %rem3A_3245, %ne3A_3247 : vector<128x128xi32>
    %lt3A_3249 = arith.constant 0 : i32
    %lt3A_3250 = vector.broadcast %lt3A_3249 : i32 to vector<128x128xi32>
    %lt3A_3251 = arith.cmpi slt, %rem3A_3245, %lt3A_3250 : vector<128x128xi32>
    %lt3A_3252 = arith.constant 0 : i32
    %lt3A_3253 = arith.cmpi slt, %select_n3A_3243, %lt3A_3252 : i32
    %ne3A_3254 = vector.broadcast %lt3A_3253 : i1 to vector<128x128xi1>
    %ne3A_3255 = vector.broadcast %ne3A_3254 : vector<128x128xi1> to vector<128x128xi1>
    %ne3A_3256 = arith.xori %lt3A_3251, %ne3A_3255 : vector<128x128xi1>
    %and3A_3257 = arith.andi %ne3A_3256, %ne3A_3248 : vector<128x128xi1>
    %add3A_3258 = vector.broadcast %select_n3A_3243 : i32 to vector<128x128xi32>
    %add3A_3259 = arith.addi %rem3A_3245, %add3A_3258 : vector<128x128xi32>
    %select_n3A_3260 = arith.select %and3A_3257, %add3A_3259, %rem3A_3245 : vector<128x128xi1>, vector<128x128xi32>
    %mul3A_3261 = arith.constant 128 : i32
    %mul3A_3262 = vector.broadcast %mul3A_3261 : i32 to vector<128x128xi32>
    %mul3A_3263 = arith.muli %select_n3A_3260, %mul3A_3262 : vector<128x128xi32>
    %add3A_3264 = vector.broadcast %add3A_3238 : i32 to vector<128x128xi32>
    %add3A_3265 = arith.addi %add3A_3264, %mul3A_3263 : vector<128x128xi32>
    %add3A_3266 = arith.addi %add3A_3265, %iota3A_0 : vector<128x128xi32>
    %lt3A_3267 = arith.constant 1000001 : i32
    %lt3A_3268 = vector.broadcast %lt3A_3267 : i32 to vector<128x128xi32>
    %lt3A_3269 = arith.cmpi slt, %add3A_3266, %lt3A_3268 : vector<128x128xi32>
    %jit3A_3270 = arith.constant 0.000000e+00 : f32
    %broadcast_in_dim3A_3271 = vector.broadcast %jit3A_3270 : f32 to vector<128x128xf32>
    %select_n3A_3272 = arith.select %lt3A_3269, %reshape3A_3236, %broadcast_in_dim3A_3271 : vector<128x128xi1>, vector<128x128xf32>
    %dot_general3A_3273 = arith.constant dense<0.000000e+00> : vector<128x128xf32>
    %dot_general3A_3274 = tpu.matmul %select_n3A_3272, %convert_element_type3A_47, %dot_general3A_3273 {dimension_numbers = #tpu.dot_dimension_numbers<[0], [0], [1], [1], [0, 1, 1, 1], [], []>, transpose_lhs_hint = false} : vector<128x128xf32>, vector<128x128xf32>, vector<128x128xf32> -> vector<128x128xf32>
    %swap3A_3275 = arith.constant 1280 : index
    %swap3A_3276 = arith.constant 0 : index
    %swap3A_3277 = vector.load %arg6[%swap3A_3275, %swap3A_3276] : memref<4096x128xf32, #tpu.memory_space<vmem>>, vector<128x128xf32>
    tpu.vector_store %arg6[%swap3A_3275, %swap3A_3276], %dot_general3A_3274 {strides = array<i32>} : memref<4096x128xf32, #tpu.memory_space<vmem>>, vector<128x128xf32>,
    %slice3A_3278 = vector.extract_strided_slice %get3A_2804 {offsets = [0, 11264], sizes = [16, 1024], strides = [1, 1]} : vector<16x32768xf32> to vector<16x1024xf32>
    %reshape3A_3279 = vector.shape_cast %slice3A_3278 : vector<16x1024xf32> to vector<128x128xf32>
    %add3A_3280 = arith.constant 11264 : i32
    %add3A_3281 = arith.addi %mul3A_49, %add3A_3280 : i32
    %jit3A_3282 = arith.constant 8 : i32
    %eq3A_3283 = arith.constant 0 : i32
    %eq3A_3284 = arith.cmpi eq, %jit3A_3282, %eq3A_3283 : i32
    %jit3A_3285 = arith.constant 1 : i32
    %select_n3A_3286 = arith.select %eq3A_3284, %jit3A_3285, %jit3A_3282 : i32
    %rem3A_3287 = vector.broadcast %select_n3A_3286 : i32 to vector<128x128xi32>
    %rem3A_3288 = arith.remsi %iota3A, %rem3A_3287 : vector<128x128xi32>
    %ne3A_3289 = arith.constant 0 : i32
    %ne3A_3290 = vector.broadcast %ne3A_3289 : i32 to vector<128x128xi32>
    %ne3A_3291 = arith.cmpi ne, %rem3A_3288, %ne3A_3290 : vector<128x128xi32>
    %lt3A_3292 = arith.constant 0 : i32
    %lt3A_3293 = vector.broadcast %lt3A_3292 : i32 to vector<128x128xi32>
    %lt3A_3294 = arith.cmpi slt, %rem3A_3288, %lt3A_3293 : vector<128x128xi32>
    %lt3A_3295 = arith.constant 0 : i32
    %lt3A_3296 = arith.cmpi slt, %select_n3A_3286, %lt3A_3295 : i32
    %ne3A_3297 = vector.broadcast %lt3A_3296 : i1 to vector<128x128xi1>
    %ne3A_3298 = vector.broadcast %ne3A_3297 : vector<128x128xi1> to vector<128x128xi1>
    %ne3A_3299 = arith.xori %lt3A_3294, %ne3A_3298 : vector<128x128xi1>
    %and3A_3300 = arith.andi %ne3A_3299, %ne3A_3291 : vector<128x128xi1>
    %add3A_3301 = vector.broadcast %select_n3A_3286 : i32 to vector<128x128xi32>
    %add3A_3302 = arith.addi %rem3A_3288, %add3A_3301 : vector<128x128xi32>
    %select_n3A_3303 = arith.select %and3A_3300, %add3A_3302, %rem3A_3288 : vector<128x128xi1>, vector<128x128xi32>
    %mul3A_3304 = arith.constant 128 : i32
    %mul3A_3305 = vector.broadcast %mul3A_3304 : i32 to vector<128x128xi32>
    %mul3A_3306 = arith.muli %select_n3A_3303, %mul3A_3305 : vector<128x128xi32>
    %add3A_3307 = vector.broadcast %add3A_3281 : i32 to vector<128x128xi32>
    %add3A_3308 = arith.addi %add3A_3307, %mul3A_3306 : vector<128x128xi32>
    %add3A_3309 = arith.addi %add3A_3308, %iota3A_0 : vector<128x128xi32>
    %lt3A_3310 = arith.constant 1000001 : i32
    %lt3A_3311 = vector.broadcast %lt3A_3310 : i32 to vector<128x128xi32>
    %lt3A_3312 = arith.cmpi slt, %add3A_3309, %lt3A_3311 : vector<128x128xi32>
    %jit3A_3313 = arith.constant 0.000000e+00 : f32
    %broadcast_in_dim3A_3314 = vector.broadcast %jit3A_3313 : f32 to vector<128x128xf32>
    %select_n3A_3315 = arith.select %lt3A_3312, %reshape3A_3279, %broadcast_in_dim3A_3314 : vector<128x128xi1>, vector<128x128xf32>
    %dot_general3A_3316 = arith.constant dense<0.000000e+00> : vector<128x128xf32>
    %dot_general3A_3317 = tpu.matmul %select_n3A_3315, %convert_element_type3A_47, %dot_general3A_3316 {dimension_numbers = #tpu.dot_dimension_numbers<[0], [0], [1], [1], [0, 1, 1, 1], [], []>, transpose_lhs_hint = false} : vector<128x128xf32>, vector<128x128xf32>, vector<128x128xf32> -> vector<128x128xf32>
    %swap3A_3318 = arith.constant 1408 : index
    %swap3A_3319 = arith.constant 0 : index
    %swap3A_3320 = vector.load %arg6[%swap3A_3318, %swap3A_3319] : memref<4096x128xf32, #tpu.memory_space<vmem>>, vector<128x128xf32>
    tpu.vector_store %arg6[%swap3A_3318, %swap3A_3319], %dot_general3A_3317 {strides = array<i32>} : memref<4096x128xf32, #tpu.memory_space<vmem>>, vector<128x128xf32>,
    %slice3A_3321 = vector.extract_strided_slice %get3A_2804 {offsets = [0, 12288], sizes = [16, 1024], strides = [1, 1]} : vector<16x32768xf32> to vector<16x1024xf32>
    %reshape3A_3322 = vector.shape_cast %slice3A_3321 : vector<16x1024xf32> to vector<128x128xf32>
    %add3A_3323 = arith.constant 12288 : i32
    %add3A_3324 = arith.addi %mul3A_49, %add3A_3323 : i32
    %jit3A_3325 = arith.constant 8 : i32
    %eq3A_3326 = arith.constant 0 : i32
    %eq3A_3327 = arith.cmpi eq, %jit3A_3325, %eq3A_3326 : i32
    %jit3A_3328 = arith.constant 1 : i32
    %select_n3A_3329 = arith.select %eq3A_3327, %jit3A_3328, %jit3A_3325 : i32
    %rem3A_3330 = vector.broadcast %select_n3A_3329 : i32 to vector<128x128xi32>
    %rem3A_3331 = arith.remsi %iota3A, %rem3A_3330 : vector<128x128xi32>
    %ne3A_3332 = arith.constant 0 : i32
    %ne3A_3333 = vector.broadcast %ne3A_3332 : i32 to vector<128x128xi32>
    %ne3A_3334 = arith.cmpi ne, %rem3A_3331, %ne3A_3333 : vector<128x128xi32>
    %lt3A_3335 = arith.constant 0 : i32
    %lt3A_3336 = vector.broadcast %lt3A_3335 : i32 to vector<128x128xi32>
    %lt3A_3337 = arith.cmpi slt, %rem3A_3331, %lt3A_3336 : vector<128x128xi32>
    %lt3A_3338 = arith.constant 0 : i32
    %lt3A_3339 = arith.cmpi slt, %select_n3A_3329, %lt3A_3338 : i32
    %ne3A_3340 = vector.broadcast %lt3A_3339 : i1 to vector<128x128xi1>
    %ne3A_3341 = vector.broadcast %ne3A_3340 : vector<128x128xi1> to vector<128x128xi1>
    %ne3A_3342 = arith.xori %lt3A_3337, %ne3A_3341 : vector<128x128xi1>
    %and3A_3343 = arith.andi %ne3A_3342, %ne3A_3334 : vector<128x128xi1>
    %add3A_3344 = vector.broadcast %select_n3A_3329 : i32 to vector<128x128xi32>
    %add3A_3345 = arith.addi %rem3A_3331, %add3A_3344 : vector<128x128xi32>
    %select_n3A_3346 = arith.select %and3A_3343, %add3A_3345, %rem3A_3331 : vector<128x128xi1>, vector<128x128xi32>
    %mul3A_3347 = arith.constant 128 : i32
    %mul3A_3348 = vector.broadcast %mul3A_3347 : i32 to vector<128x128xi32>
    %mul3A_3349 = arith.muli %select_n3A_3346, %mul3A_3348 : vector<128x128xi32>
    %add3A_3350 = vector.broadcast %add3A_3324 : i32 to vector<128x128xi32>
    %add3A_3351 = arith.addi %add3A_3350, %mul3A_3349 : vector<128x128xi32>
    %add3A_3352 = arith.addi %add3A_3351, %iota3A_0 : vector<128x128xi32>
    %lt3A_3353 = arith.constant 1000001 : i32
    %lt3A_3354 = vector.broadcast %lt3A_3353 : i32 to vector<128x128xi32>
    %lt3A_3355 = arith.cmpi slt, %add3A_3352, %lt3A_3354 : vector<128x128xi32>
    %jit3A_3356 = arith.constant 0.000000e+00 : f32
    %broadcast_in_dim3A_3357 = vector.broadcast %jit3A_3356 : f32 to vector<128x128xf32>
    %select_n3A_3358 = arith.select %lt3A_3355, %reshape3A_3322, %broadcast_in_dim3A_3357 : vector<128x128xi1>, vector<128x128xf32>
    %dot_general3A_3359 = arith.constant dense<0.000000e+00> : vector<128x128xf32>
    %dot_general3A_3360 = tpu.matmul %select_n3A_3358, %convert_element_type3A_47, %dot_general3A_3359 {dimension_numbers = #tpu.dot_dimension_numbers<[0], [0], [1], [1], [0, 1, 1, 1], [], []>, transpose_lhs_hint = false} : vector<128x128xf32>, vector<128x128xf32>, vector<128x128xf32> -> vector<128x128xf32>
    %swap3A_3361 = arith.constant 1536 : index
    %swap3A_3362 = arith.constant 0 : index
    %swap3A_3363 = vector.load %arg6[%swap3A_3361, %swap3A_3362] : memref<4096x128xf32, #tpu.memory_space<vmem>>, vector<128x128xf32>
    tpu.vector_store %arg6[%swap3A_3361, %swap3A_3362], %dot_general3A_3360 {strides = array<i32>} : memref<4096x128xf32, #tpu.memory_space<vmem>>, vector<128x128xf32>,
    %slice3A_3364 = vector.extract_strided_slice %get3A_2804 {offsets = [0, 13312], sizes = [16, 1024], strides = [1, 1]} : vector<16x32768xf32> to vector<16x1024xf32>
    %reshape3A_3365 = vector.shape_cast %slice3A_3364 : vector<16x1024xf32> to vector<128x128xf32>
    %add3A_3366 = arith.constant 13312 : i32
    %add3A_3367 = arith.addi %mul3A_49, %add3A_3366 : i32
    %jit3A_3368 = arith.constant 8 : i32
    %eq3A_3369 = arith.constant 0 : i32
    %eq3A_3370 = arith.cmpi eq, %jit3A_3368, %eq3A_3369 : i32
    %jit3A_3371 = arith.constant 1 : i32
    %select_n3A_3372 = arith.select %eq3A_3370, %jit3A_3371, %jit3A_3368 : i32
    %rem3A_3373 = vector.broadcast %select_n3A_3372 : i32 to vector<128x128xi32>
    %rem3A_3374 = arith.remsi %iota3A, %rem3A_3373 : vector<128x128xi32>
    %ne3A_3375 = arith.constant 0 : i32
    %ne3A_3376 = vector.broadcast %ne3A_3375 : i32 to vector<128x128xi32>
    %ne3A_3377 = arith.cmpi ne, %rem3A_3374, %ne3A_3376 : vector<128x128xi32>
    %lt3A_3378 = arith.constant 0 : i32
    %lt3A_3379 = vector.broadcast %lt3A_3378 : i32 to vector<128x128xi32>
    %lt3A_3380 = arith.cmpi slt, %rem3A_3374, %lt3A_3379 : vector<128x128xi32>
    %lt3A_3381 = arith.constant 0 : i32
    %lt3A_3382 = arith.cmpi slt, %select_n3A_3372, %lt3A_3381 : i32
    %ne3A_3383 = vector.broadcast %lt3A_3382 : i1 to vector<128x128xi1>
    %ne3A_3384 = vector.broadcast %ne3A_3383 : vector<128x128xi1> to vector<128x128xi1>
    %ne3A_3385 = arith.xori %lt3A_3380, %ne3A_3384 : vector<128x128xi1>
    %and3A_3386 = arith.andi %ne3A_3385, %ne3A_3377 : vector<128x128xi1>
    %add3A_3387 = vector.broadcast %select_n3A_3372 : i32 to vector<128x128xi32>
    %add3A_3388 = arith.addi %rem3A_3374, %add3A_3387 : vector<128x128xi32>
    %select_n3A_3389 = arith.select %and3A_3386, %add3A_3388, %rem3A_3374 : vector<128x128xi1>, vector<128x128xi32>
    %mul3A_3390 = arith.constant 128 : i32
    %mul3A_3391 = vector.broadcast %mul3A_3390 : i32 to vector<128x128xi32>
    %mul3A_3392 = arith.muli %select_n3A_3389, %mul3A_3391 : vector<128x128xi32>
    %add3A_3393 = vector.broadcast %add3A_3367 : i32 to vector<128x128xi32>
    %add3A_3394 = arith.addi %add3A_3393, %mul3A_3392 : vector<128x128xi32>
    %add3A_3395 = arith.addi %add3A_3394, %iota3A_0 : vector<128x128xi32>
    %lt3A_3396 = arith.constant 1000001 : i32
    %lt3A_3397 = vector.broadcast %lt3A_3396 : i32 to vector<128x128xi32>
    %lt3A_3398 = arith.cmpi slt, %add3A_3395, %lt3A_3397 : vector<128x128xi32>
    %jit3A_3399 = arith.constant 0.000000e+00 : f32
    %broadcast_in_dim3A_3400 = vector.broadcast %jit3A_3399 : f32 to vector<128x128xf32>
    %select_n3A_3401 = arith.select %lt3A_3398, %reshape3A_3365, %broadcast_in_dim3A_3400 : vector<128x128xi1>, vector<128x128xf32>
    %dot_general3A_3402 = arith.constant dense<0.000000e+00> : vector<128x128xf32>
    %dot_general3A_3403 = tpu.matmul %select_n3A_3401, %convert_element_type3A_47, %dot_general3A_3402 {dimension_numbers = #tpu.dot_dimension_numbers<[0], [0], [1], [1], [0, 1, 1, 1], [], []>, transpose_lhs_hint = false} : vector<128x128xf32>, vector<128x128xf32>, vector<128x128xf32> -> vector<128x128xf32>
    %swap3A_3404 = arith.constant 1664 : index
    %swap3A_3405 = arith.constant 0 : index
    %swap3A_3406 = vector.load %arg6[%swap3A_3404, %swap3A_3405] : memref<4096x128xf32, #tpu.memory_space<vmem>>, vector<128x128xf32>
    tpu.vector_store %arg6[%swap3A_3404, %swap3A_3405], %dot_general3A_3403 {strides = array<i32>} : memref<4096x128xf32, #tpu.memory_space<vmem>>, vector<128x128xf32>,
    %slice3A_3407 = vector.extract_strided_slice %get3A_2804 {offsets = [0, 14336], sizes = [16, 1024], strides = [1, 1]} : vector<16x32768xf32> to vector<16x1024xf32>
    %reshape3A_3408 = vector.shape_cast %slice3A_3407 : vector<16x1024xf32> to vector<128x128xf32>
    %add3A_3409 = arith.constant 14336 : i32
    %add3A_3410 = arith.addi %mul3A_49, %add3A_3409 : i32
    %jit3A_3411 = arith.constant 8 : i32
    %eq3A_3412 = arith.constant 0 : i32
    %eq3A_3413 = arith.cmpi eq, %jit3A_3411, %eq3A_3412 : i32
    %jit3A_3414 = arith.constant 1 : i32
    %select_n3A_3415 = arith.select %eq3A_3413, %jit3A_3414, %jit3A_3411 : i32
    %rem3A_3416 = vector.broadcast %select_n3A_3415 : i32 to vector<128x128xi32>
    %rem3A_3417 = arith.remsi %iota3A, %rem3A_3416 : vector<128x128xi32>
    %ne3A_3418 = arith.constant 0 : i32
    %ne3A_3419 = vector.broadcast %ne3A_3418 : i32 to vector<128x128xi32>
    %ne3A_3420 = arith.cmpi ne, %rem3A_3417, %ne3A_3419 : vector<128x128xi32>
    %lt3A_3421 = arith.constant 0 : i32
    %lt3A_3422 = vector.broadcast %lt3A_3421 : i32 to vector<128x128xi32>
    %lt3A_3423 = arith.cmpi slt, %rem3A_3417, %lt3A_3422 : vector<128x128xi32>
    %lt3A_3424 = arith.constant 0 : i32
    %lt3A_3425 = arith.cmpi slt, %select_n3A_3415, %lt3A_3424 : i32
    %ne3A_3426 = vector.broadcast %lt3A_3425 : i1 to vector<128x128xi1>
    %ne3A_3427 = vector.broadcast %ne3A_3426 : vector<128x128xi1> to vector<128x128xi1>
    %ne3A_3428 = arith.xori %lt3A_3423, %ne3A_3427 : vector<128x128xi1>
    %and3A_3429 = arith.andi %ne3A_3428, %ne3A_3420 : vector<128x128xi1>
    %add3A_3430 = vector.broadcast %select_n3A_3415 : i32 to vector<128x128xi32>
    %add3A_3431 = arith.addi %rem3A_3417, %add3A_3430 : vector<128x128xi32>
    %select_n3A_3432 = arith.select %and3A_3429, %add3A_3431, %rem3A_3417 : vector<128x128xi1>, vector<128x128xi32>
    %mul3A_3433 = arith.constant 128 : i32
    %mul3A_3434 = vector.broadcast %mul3A_3433 : i32 to vector<128x128xi32>
    %mul3A_3435 = arith.muli %select_n3A_3432, %mul3A_3434 : vector<128x128xi32>
    %add3A_3436 = vector.broadcast %add3A_3410 : i32 to vector<128x128xi32>
    %add3A_3437 = arith.addi %add3A_3436, %mul3A_3435 : vector<128x128xi32>
    %add3A_3438 = arith.addi %add3A_3437, %iota3A_0 : vector<128x128xi32>
    %lt3A_3439 = arith.constant 1000001 : i32
    %lt3A_3440 = vector.broadcast %lt3A_3439 : i32 to vector<128x128xi32>
    %lt3A_3441 = arith.cmpi slt, %add3A_3438, %lt3A_3440 : vector<128x128xi32>
    %jit3A_3442 = arith.constant 0.000000e+00 : f32
    %broadcast_in_dim3A_3443 = vector.broadcast %jit3A_3442 : f32 to vector<128x128xf32>
    %select_n3A_3444 = arith.select %lt3A_3441, %reshape3A_3408, %broadcast_in_dim3A_3443 : vector<128x128xi1>, vector<128x128xf32>
    %dot_general3A_3445 = arith.constant dense<0.000000e+00> : vector<128x128xf32>
    %dot_general3A_3446 = tpu.matmul %select_n3A_3444, %convert_element_type3A_47, %dot_general3A_3445 {dimension_numbers = #tpu.dot_dimension_numbers<[0], [0], [1], [1], [0, 1, 1, 1], [], []>, transpose_lhs_hint = false} : vector<128x128xf32>, vector<128x128xf32>, vector<128x128xf32> -> vector<128x128xf32>
    %swap3A_3447 = arith.constant 1792 : index
    %swap3A_3448 = arith.constant 0 : index
    %swap3A_3449 = vector.load %arg6[%swap3A_3447, %swap3A_3448] : memref<4096x128xf32, #tpu.memory_space<vmem>>, vector<128x128xf32>
    tpu.vector_store %arg6[%swap3A_3447, %swap3A_3448], %dot_general3A_3446 {strides = array<i32>} : memref<4096x128xf32, #tpu.memory_space<vmem>>, vector<128x128xf32>,
    %slice3A_3450 = vector.extract_strided_slice %get3A_2804 {offsets = [0, 15360], sizes = [16, 1024], strides = [1, 1]} : vector<16x32768xf32> to vector<16x1024xf32>
    %reshape3A_3451 = vector.shape_cast %slice3A_3450 : vector<16x1024xf32> to vector<128x128xf32>
    %add3A_3452 = arith.constant 15360 : i32
    %add3A_3453 = arith.addi %mul3A_49, %add3A_3452 : i32
    %jit3A_3454 = arith.constant 8 : i32
    %eq3A_3455 = arith.constant 0 : i32
    %eq3A_3456 = arith.cmpi eq, %jit3A_3454, %eq3A_3455 : i32
    %jit3A_3457 = arith.constant 1 : i32
    %select_n3A_3458 = arith.select %eq3A_3456, %jit3A_3457, %jit3A_3454 : i32
    %rem3A_3459 = vector.broadcast %select_n3A_3458 : i32 to vector<128x128xi32>
    %rem3A_3460 = arith.remsi %iota3A, %rem3A_3459 : vector<128x128xi32>
    %ne3A_3461 = arith.constant 0 : i32
    %ne3A_3462 = vector.broadcast %ne3A_3461 : i32 to vector<128x128xi32>
    %ne3A_3463 = arith.cmpi ne, %rem3A_3460, %ne3A_3462 : vector<128x128xi32>
    %lt3A_3464 = arith.constant 0 : i32
    %lt3A_3465 = vector.broadcast %lt3A_3464 : i32 to vector<128x128xi32>
    %lt3A_3466 = arith.cmpi slt, %rem3A_3460, %lt3A_3465 : vector<128x128xi32>
    %lt3A_3467 = arith.constant 0 : i32
    %lt3A_3468 = arith.cmpi slt, %select_n3A_3458, %lt3A_3467 : i32
    %ne3A_3469 = vector.broadcast %lt3A_3468 : i1 to vector<128x128xi1>
    %ne3A_3470 = vector.broadcast %ne3A_3469 : vector<128x128xi1> to vector<128x128xi1>
    %ne3A_3471 = arith.xori %lt3A_3466, %ne3A_3470 : vector<128x128xi1>
    %and3A_3472 = arith.andi %ne3A_3471, %ne3A_3463 : vector<128x128xi1>
    %add3A_3473 = vector.broadcast %select_n3A_3458 : i32 to vector<128x128xi32>
    %add3A_3474 = arith.addi %rem3A_3460, %add3A_3473 : vector<128x128xi32>
    %select_n3A_3475 = arith.select %and3A_3472, %add3A_3474, %rem3A_3460 : vector<128x128xi1>, vector<128x128xi32>
    %mul3A_3476 = arith.constant 128 : i32
    %mul3A_3477 = vector.broadcast %mul3A_3476 : i32 to vector<128x128xi32>
    %mul3A_3478 = arith.muli %select_n3A_3475, %mul3A_3477 : vector<128x128xi32>
    %add3A_3479 = vector.broadcast %add3A_3453 : i32 to vector<128x128xi32>
    %add3A_3480 = arith.addi %add3A_3479, %mul3A_3478 : vector<128x128xi32>
    %add3A_3481 = arith.addi %add3A_3480, %iota3A_0 : vector<128x128xi32>
    %lt3A_3482 = arith.constant 1000001 : i32
    %lt3A_3483 = vector.broadcast %lt3A_3482 : i32 to vector<128x128xi32>
    %lt3A_3484 = arith.cmpi slt, %add3A_3481, %lt3A_3483 : vector<128x128xi32>
    %jit3A_3485 = arith.constant 0.000000e+00 : f32
    %broadcast_in_dim3A_3486 = vector.broadcast %jit3A_3485 : f32 to vector<128x128xf32>
    %select_n3A_3487 = arith.select %lt3A_3484, %reshape3A_3451, %broadcast_in_dim3A_3486 : vector<128x128xi1>, vector<128x128xf32>
    %dot_general3A_3488 = arith.constant dense<0.000000e+00> : vector<128x128xf32>
    %dot_general3A_3489 = tpu.matmul %select_n3A_3487, %convert_element_type3A_47, %dot_general3A_3488 {dimension_numbers = #tpu.dot_dimension_numbers<[0], [0], [1], [1], [0, 1, 1, 1], [], []>, transpose_lhs_hint = false} : vector<128x128xf32>, vector<128x128xf32>, vector<128x128xf32> -> vector<128x128xf32>
    %swap3A_3490 = arith.constant 1920 : index
    %swap3A_3491 = arith.constant 0 : index
    %swap3A_3492 = vector.load %arg6[%swap3A_3490, %swap3A_3491] : memref<4096x128xf32, #tpu.memory_space<vmem>>, vector<128x128xf32>
    tpu.vector_store %arg6[%swap3A_3490, %swap3A_3491], %dot_general3A_3489 {strides = array<i32>} : memref<4096x128xf32, #tpu.memory_space<vmem>>, vector<128x128xf32>,
    %slice3A_3493 = vector.extract_strided_slice %get3A_2804 {offsets = [0, 16384], sizes = [16, 1024], strides = [1, 1]} : vector<16x32768xf32> to vector<16x1024xf32>
    %reshape3A_3494 = vector.shape_cast %slice3A_3493 : vector<16x1024xf32> to vector<128x128xf32>
    %add3A_3495 = arith.constant 16384 : i32
    %add3A_3496 = arith.addi %mul3A_49, %add3A_3495 : i32
    %jit3A_3497 = arith.constant 8 : i32
    %eq3A_3498 = arith.constant 0 : i32
    %eq3A_3499 = arith.cmpi eq, %jit3A_3497, %eq3A_3498 : i32
    %jit3A_3500 = arith.constant 1 : i32
    %select_n3A_3501 = arith.select %eq3A_3499, %jit3A_3500, %jit3A_3497 : i32
    %rem3A_3502 = vector.broadcast %select_n3A_3501 : i32 to vector<128x128xi32>
    %rem3A_3503 = arith.remsi %iota3A, %rem3A_3502 : vector<128x128xi32>
    %ne3A_3504 = arith.constant 0 : i32
    %ne3A_3505 = vector.broadcast %ne3A_3504 : i32 to vector<128x128xi32>
    %ne3A_3506 = arith.cmpi ne, %rem3A_3503, %ne3A_3505 : vector<128x128xi32>
    %lt3A_3507 = arith.constant 0 : i32
    %lt3A_3508 = vector.broadcast %lt3A_3507 : i32 to vector<128x128xi32>
    %lt3A_3509 = arith.cmpi slt, %rem3A_3503, %lt3A_3508 : vector<128x128xi32>
    %lt3A_3510 = arith.constant 0 : i32
    %lt3A_3511 = arith.cmpi slt, %select_n3A_3501, %lt3A_3510 : i32
    %ne3A_3512 = vector.broadcast %lt3A_3511 : i1 to vector<128x128xi1>
    %ne3A_3513 = vector.broadcast %ne3A_3512 : vector<128x128xi1> to vector<128x128xi1>
    %ne3A_3514 = arith.xori %lt3A_3509, %ne3A_3513 : vector<128x128xi1>
    %and3A_3515 = arith.andi %ne3A_3514, %ne3A_3506 : vector<128x128xi1>
    %add3A_3516 = vector.broadcast %select_n3A_3501 : i32 to vector<128x128xi32>
    %add3A_3517 = arith.addi %rem3A_3503, %add3A_3516 : vector<128x128xi32>
    %select_n3A_3518 = arith.select %and3A_3515, %add3A_3517, %rem3A_3503 : vector<128x128xi1>, vector<128x128xi32>
    %mul3A_3519 = arith.constant 128 : i32
    %mul3A_3520 = vector.broadcast %mul3A_3519 : i32 to vector<128x128xi32>
    %mul3A_3521 = arith.muli %select_n3A_3518, %mul3A_3520 : vector<128x128xi32>
    %add3A_3522 = vector.broadcast %add3A_3496 : i32 to vector<128x128xi32>
    %add3A_3523 = arith.addi %add3A_3522, %mul3A_3521 : vector<128x128xi32>
    %add3A_3524 = arith.addi %add3A_3523, %iota3A_0 : vector<128x128xi32>
    %lt3A_3525 = arith.constant 1000001 : i32
    %lt3A_3526 = vector.broadcast %lt3A_3525 : i32 to vector<128x128xi32>
    %lt3A_3527 = arith.cmpi slt, %add3A_3524, %lt3A_3526 : vector<128x128xi32>
    %jit3A_3528 = arith.constant 0.000000e+00 : f32
    %broadcast_in_dim3A_3529 = vector.broadcast %jit3A_3528 : f32 to vector<128x128xf32>
    %select_n3A_3530 = arith.select %lt3A_3527, %reshape3A_3494, %broadcast_in_dim3A_3529 : vector<128x128xi1>, vector<128x128xf32>
    %dot_general3A_3531 = arith.constant dense<0.000000e+00> : vector<128x128xf32>
    %dot_general3A_3532 = tpu.matmul %select_n3A_3530, %convert_element_type3A_47, %dot_general3A_3531 {dimension_numbers = #tpu.dot_dimension_numbers<[0], [0], [1], [1], [0, 1, 1, 1], [], []>, transpose_lhs_hint = false} : vector<128x128xf32>, vector<128x128xf32>, vector<128x128xf32> -> vector<128x128xf32>
    %swap3A_3533 = arith.constant 2048 : index
    %swap3A_3534 = arith.constant 0 : index
    %swap3A_3535 = vector.load %arg6[%swap3A_3533, %swap3A_3534] : memref<4096x128xf32, #tpu.memory_space<vmem>>, vector<128x128xf32>
    tpu.vector_store %arg6[%swap3A_3533, %swap3A_3534], %dot_general3A_3532 {strides = array<i32>} : memref<4096x128xf32, #tpu.memory_space<vmem>>, vector<128x128xf32>,
    %slice3A_3536 = vector.extract_strided_slice %get3A_2804 {offsets = [0, 17408], sizes = [16, 1024], strides = [1, 1]} : vector<16x32768xf32> to vector<16x1024xf32>
    %reshape3A_3537 = vector.shape_cast %slice3A_3536 : vector<16x1024xf32> to vector<128x128xf32>
    %add3A_3538 = arith.constant 17408 : i32
    %add3A_3539 = arith.addi %mul3A_49, %add3A_3538 : i32
    %jit3A_3540 = arith.constant 8 : i32
    %eq3A_3541 = arith.constant 0 : i32
    %eq3A_3542 = arith.cmpi eq, %jit3A_3540, %eq3A_3541 : i32
    %jit3A_3543 = arith.constant 1 : i32
    %select_n3A_3544 = arith.select %eq3A_3542, %jit3A_3543, %jit3A_3540 : i32
    %rem3A_3545 = vector.broadcast %select_n3A_3544 : i32 to vector<128x128xi32>
    %rem3A_3546 = arith.remsi %iota3A, %rem3A_3545 : vector<128x128xi32>
    %ne3A_3547 = arith.constant 0 : i32
    %ne3A_3548 = vector.broadcast %ne3A_3547 : i32 to vector<128x128xi32>
    %ne3A_3549 = arith.cmpi ne, %rem3A_3546, %ne3A_3548 : vector<128x128xi32>
    %lt3A_3550 = arith.constant 0 : i32
    %lt3A_3551 = vector.broadcast %lt3A_3550 : i32 to vector<128x128xi32>
    %lt3A_3552 = arith.cmpi slt, %rem3A_3546, %lt3A_3551 : vector<128x128xi32>
    %lt3A_3553 = arith.constant 0 : i32
    %lt3A_3554 = arith.cmpi slt, %select_n3A_3544, %lt3A_3553 : i32
    %ne3A_3555 = vector.broadcast %lt3A_3554 : i1 to vector<128x128xi1>
    %ne3A_3556 = vector.broadcast %ne3A_3555 : vector<128x128xi1> to vector<128x128xi1>
    %ne3A_3557 = arith.xori %lt3A_3552, %ne3A_3556 : vector<128x128xi1>
    %and3A_3558 = arith.andi %ne3A_3557, %ne3A_3549 : vector<128x128xi1>
    %add3A_3559 = vector.broadcast %select_n3A_3544 : i32 to vector<128x128xi32>
    %add3A_3560 = arith.addi %rem3A_3546, %add3A_3559 : vector<128x128xi32>
    %select_n3A_3561 = arith.select %and3A_3558, %add3A_3560, %rem3A_3546 : vector<128x128xi1>, vector<128x128xi32>
    %mul3A_3562 = arith.constant 128 : i32
    %mul3A_3563 = vector.broadcast %mul3A_3562 : i32 to vector<128x128xi32>
    %mul3A_3564 = arith.muli %select_n3A_3561, %mul3A_3563 : vector<128x128xi32>
    %add3A_3565 = vector.broadcast %add3A_3539 : i32 to vector<128x128xi32>
    %add3A_3566 = arith.addi %add3A_3565, %mul3A_3564 : vector<128x128xi32>
    %add3A_3567 = arith.addi %add3A_3566, %iota3A_0 : vector<128x128xi32>
    %lt3A_3568 = arith.constant 1000001 : i32
    %lt3A_3569 = vector.broadcast %lt3A_3568 : i32 to vector<128x128xi32>
    %lt3A_3570 = arith.cmpi slt, %add3A_3567, %lt3A_3569 : vector<128x128xi32>
    %jit3A_3571 = arith.constant 0.000000e+00 : f32
    %broadcast_in_dim3A_3572 = vector.broadcast %jit3A_3571 : f32 to vector<128x128xf32>
    %select_n3A_3573 = arith.select %lt3A_3570, %reshape3A_3537, %broadcast_in_dim3A_3572 : vector<128x128xi1>, vector<128x128xf32>
    %dot_general3A_3574 = arith.constant dense<0.000000e+00> : vector<128x128xf32>
    %dot_general3A_3575 = tpu.matmul %select_n3A_3573, %convert_element_type3A_47, %dot_general3A_3574 {dimension_numbers = #tpu.dot_dimension_numbers<[0], [0], [1], [1], [0, 1, 1, 1], [], []>, transpose_lhs_hint = false} : vector<128x128xf32>, vector<128x128xf32>, vector<128x128xf32> -> vector<128x128xf32>
    %swap3A_3576 = arith.constant 2176 : index
    %swap3A_3577 = arith.constant 0 : index
    %swap3A_3578 = vector.load %arg6[%swap3A_3576, %swap3A_3577] : memref<4096x128xf32, #tpu.memory_space<vmem>>, vector<128x128xf32>
    tpu.vector_store %arg6[%swap3A_3576, %swap3A_3577], %dot_general3A_3575 {strides = array<i32>} : memref<4096x128xf32, #tpu.memory_space<vmem>>, vector<128x128xf32>,
    %slice3A_3579 = vector.extract_strided_slice %get3A_2804 {offsets = [0, 18432], sizes = [16, 1024], strides = [1, 1]} : vector<16x32768xf32> to vector<16x1024xf32>
    %reshape3A_3580 = vector.shape_cast %slice3A_3579 : vector<16x1024xf32> to vector<128x128xf32>
    %add3A_3581 = arith.constant 18432 : i32
    %add3A_3582 = arith.addi %mul3A_49, %add3A_3581 : i32
    %jit3A_3583 = arith.constant 8 : i32
    %eq3A_3584 = arith.constant 0 : i32
    %eq3A_3585 = arith.cmpi eq, %jit3A_3583, %eq3A_3584 : i32
    %jit3A_3586 = arith.constant 1 : i32
    %select_n3A_3587 = arith.select %eq3A_3585, %jit3A_3586, %jit3A_3583 : i32
    %rem3A_3588 = vector.broadcast %select_n3A_3587 : i32 to vector<128x128xi32>
    %rem3A_3589 = arith.remsi %iota3A, %rem3A_3588 : vector<128x128xi32>
    %ne3A_3590 = arith.constant 0 : i32
    %ne3A_3591 = vector.broadcast %ne3A_3590 : i32 to vector<128x128xi32>
    %ne3A_3592 = arith.cmpi ne, %rem3A_3589, %ne3A_3591 : vector<128x128xi32>
    %lt3A_3593 = arith.constant 0 : i32
    %lt3A_3594 = vector.broadcast %lt3A_3593 : i32 to vector<128x128xi32>
    %lt3A_3595 = arith.cmpi slt, %rem3A_3589, %lt3A_3594 : vector<128x128xi32>
    %lt3A_3596 = arith.constant 0 : i32
    %lt3A_3597 = arith.cmpi slt, %select_n3A_3587, %lt3A_3596 : i32
    %ne3A_3598 = vector.broadcast %lt3A_3597 : i1 to vector<128x128xi1>
    %ne3A_3599 = vector.broadcast %ne3A_3598 : vector<128x128xi1> to vector<128x128xi1>
    %ne3A_3600 = arith.xori %lt3A_3595, %ne3A_3599 : vector<128x128xi1>
    %and3A_3601 = arith.andi %ne3A_3600, %ne3A_3592 : vector<128x128xi1>
    %add3A_3602 = vector.broadcast %select_n3A_3587 : i32 to vector<128x128xi32>
    %add3A_3603 = arith.addi %rem3A_3589, %add3A_3602 : vector<128x128xi32>
    %select_n3A_3604 = arith.select %and3A_3601, %add3A_3603, %rem3A_3589 : vector<128x128xi1>, vector<128x128xi32>
    %mul3A_3605 = arith.constant 128 : i32
    %mul3A_3606 = vector.broadcast %mul3A_3605 : i32 to vector<128x128xi32>
    %mul3A_3607 = arith.muli %select_n3A_3604, %mul3A_3606 : vector<128x128xi32>
    %add3A_3608 = vector.broadcast %add3A_3582 : i32 to vector<128x128xi32>
    %add3A_3609 = arith.addi %add3A_3608, %mul3A_3607 : vector<128x128xi32>
    %add3A_3610 = arith.addi %add3A_3609, %iota3A_0 : vector<128x128xi32>
    %lt3A_3611 = arith.constant 1000001 : i32
    %lt3A_3612 = vector.broadcast %lt3A_3611 : i32 to vector<128x128xi32>
    %lt3A_3613 = arith.cmpi slt, %add3A_3610, %lt3A_3612 : vector<128x128xi32>
    %jit3A_3614 = arith.constant 0.000000e+00 : f32
    %broadcast_in_dim3A_3615 = vector.broadcast %jit3A_3614 : f32 to vector<128x128xf32>
    %select_n3A_3616 = arith.select %lt3A_3613, %reshape3A_3580, %broadcast_in_dim3A_3615 : vector<128x128xi1>, vector<128x128xf32>
    %dot_general3A_3617 = arith.constant dense<0.000000e+00> : vector<128x128xf32>
    %dot_general3A_3618 = tpu.matmul %select_n3A_3616, %convert_element_type3A_47, %dot_general3A_3617 {dimension_numbers = #tpu.dot_dimension_numbers<[0], [0], [1], [1], [0, 1, 1, 1], [], []>, transpose_lhs_hint = false} : vector<128x128xf32>, vector<128x128xf32>, vector<128x128xf32> -> vector<128x128xf32>
    %swap3A_3619 = arith.constant 2304 : index
    %swap3A_3620 = arith.constant 0 : index
    %swap3A_3621 = vector.load %arg6[%swap3A_3619, %swap3A_3620] : memref<4096x128xf32, #tpu.memory_space<vmem>>, vector<128x128xf32>
    tpu.vector_store %arg6[%swap3A_3619, %swap3A_3620], %dot_general3A_3618 {strides = array<i32>} : memref<4096x128xf32, #tpu.memory_space<vmem>>, vector<128x128xf32>,
    %slice3A_3622 = vector.extract_strided_slice %get3A_2804 {offsets = [0, 19456], sizes = [16, 1024], strides = [1, 1]} : vector<16x32768xf32> to vector<16x1024xf32>
    %reshape3A_3623 = vector.shape_cast %slice3A_3622 : vector<16x1024xf32> to vector<128x128xf32>
    %add3A_3624 = arith.constant 19456 : i32
    %add3A_3625 = arith.addi %mul3A_49, %add3A_3624 : i32
    %jit3A_3626 = arith.constant 8 : i32
    %eq3A_3627 = arith.constant 0 : i32
    %eq3A_3628 = arith.cmpi eq, %jit3A_3626, %eq3A_3627 : i32
    %jit3A_3629 = arith.constant 1 : i32
    %select_n3A_3630 = arith.select %eq3A_3628, %jit3A_3629, %jit3A_3626 : i32
    %rem3A_3631 = vector.broadcast %select_n3A_3630 : i32 to vector<128x128xi32>
    %rem3A_3632 = arith.remsi %iota3A, %rem3A_3631 : vector<128x128xi32>
    %ne3A_3633 = arith.constant 0 : i32
    %ne3A_3634 = vector.broadcast %ne3A_3633 : i32 to vector<128x128xi32>
    %ne3A_3635 = arith.cmpi ne, %rem3A_3632, %ne3A_3634 : vector<128x128xi32>
    %lt3A_3636 = arith.constant 0 : i32
    %lt3A_3637 = vector.broadcast %lt3A_3636 : i32 to vector<128x128xi32>
    %lt3A_3638 = arith.cmpi slt, %rem3A_3632, %lt3A_3637 : vector<128x128xi32>
    %lt3A_3639 = arith.constant 0 : i32
    %lt3A_3640 = arith.cmpi slt, %select_n3A_3630, %lt3A_3639 : i32
    %ne3A_3641 = vector.broadcast %lt3A_3640 : i1 to vector<128x128xi1>
    %ne3A_3642 = vector.broadcast %ne3A_3641 : vector<128x128xi1> to vector<128x128xi1>
    %ne3A_3643 = arith.xori %lt3A_3638, %ne3A_3642 : vector<128x128xi1>
    %and3A_3644 = arith.andi %ne3A_3643, %ne3A_3635 : vector<128x128xi1>
    %add3A_3645 = vector.broadcast %select_n3A_3630 : i32 to vector<128x128xi32>
    %add3A_3646 = arith.addi %rem3A_3632, %add3A_3645 : vector<128x128xi32>
    %select_n3A_3647 = arith.select %and3A_3644, %add3A_3646, %rem3A_3632 : vector<128x128xi1>, vector<128x128xi32>
    %mul3A_3648 = arith.constant 128 : i32
    %mul3A_3649 = vector.broadcast %mul3A_3648 : i32 to vector<128x128xi32>
    %mul3A_3650 = arith.muli %select_n3A_3647, %mul3A_3649 : vector<128x128xi32>
    %add3A_3651 = vector.broadcast %add3A_3625 : i32 to vector<128x128xi32>
    %add3A_3652 = arith.addi %add3A_3651, %mul3A_3650 : vector<128x128xi32>
    %add3A_3653 = arith.addi %add3A_3652, %iota3A_0 : vector<128x128xi32>
    %lt3A_3654 = arith.constant 1000001 : i32
    %lt3A_3655 = vector.broadcast %lt3A_3654 : i32 to vector<128x128xi32>
    %lt3A_3656 = arith.cmpi slt, %add3A_3653, %lt3A_3655 : vector<128x128xi32>
    %jit3A_3657 = arith.constant 0.000000e+00 : f32
    %broadcast_in_dim3A_3658 = vector.broadcast %jit3A_3657 : f32 to vector<128x128xf32>
    %select_n3A_3659 = arith.select %lt3A_3656, %reshape3A_3623, %broadcast_in_dim3A_3658 : vector<128x128xi1>, vector<128x128xf32>
    %dot_general3A_3660 = arith.constant dense<0.000000e+00> : vector<128x128xf32>
    %dot_general3A_3661 = tpu.matmul %select_n3A_3659, %convert_element_type3A_47, %dot_general3A_3660 {dimension_numbers = #tpu.dot_dimension_numbers<[0], [0], [1], [1], [0, 1, 1, 1], [], []>, transpose_lhs_hint = false} : vector<128x128xf32>, vector<128x128xf32>, vector<128x128xf32> -> vector<128x128xf32>
    %swap3A_3662 = arith.constant 2432 : index
    %swap3A_3663 = arith.constant 0 : index
    %swap3A_3664 = vector.load %arg6[%swap3A_3662, %swap3A_3663] : memref<4096x128xf32, #tpu.memory_space<vmem>>, vector<128x128xf32>
    tpu.vector_store %arg6[%swap3A_3662, %swap3A_3663], %dot_general3A_3661 {strides = array<i32>} : memref<4096x128xf32, #tpu.memory_space<vmem>>, vector<128x128xf32>,
    %slice3A_3665 = vector.extract_strided_slice %get3A_2804 {offsets = [0, 20480], sizes = [16, 1024], strides = [1, 1]} : vector<16x32768xf32> to vector<16x1024xf32>
    %reshape3A_3666 = vector.shape_cast %slice3A_3665 : vector<16x1024xf32> to vector<128x128xf32>
    %add3A_3667 = arith.constant 20480 : i32
    %add3A_3668 = arith.addi %mul3A_49, %add3A_3667 : i32
    %jit3A_3669 = arith.constant 8 : i32
    %eq3A_3670 = arith.constant 0 : i32
    %eq3A_3671 = arith.cmpi eq, %jit3A_3669, %eq3A_3670 : i32
    %jit3A_3672 = arith.constant 1 : i32
    %select_n3A_3673 = arith.select %eq3A_3671, %jit3A_3672, %jit3A_3669 : i32
    %rem3A_3674 = vector.broadcast %select_n3A_3673 : i32 to vector<128x128xi32>
    %rem3A_3675 = arith.remsi %iota3A, %rem3A_3674 : vector<128x128xi32>
    %ne3A_3676 = arith.constant 0 : i32
    %ne3A_3677 = vector.broadcast %ne3A_3676 : i32 to vector<128x128xi32>
    %ne3A_3678 = arith.cmpi ne, %rem3A_3675, %ne3A_3677 : vector<128x128xi32>
    %lt3A_3679 = arith.constant 0 : i32
    %lt3A_3680 = vector.broadcast %lt3A_3679 : i32 to vector<128x128xi32>
    %lt3A_3681 = arith.cmpi slt, %rem3A_3675, %lt3A_3680 : vector<128x128xi32>
    %lt3A_3682 = arith.constant 0 : i32
    %lt3A_3683 = arith.cmpi slt, %select_n3A_3673, %lt3A_3682 : i32
    %ne3A_3684 = vector.broadcast %lt3A_3683 : i1 to vector<128x128xi1>
    %ne3A_3685 = vector.broadcast %ne3A_3684 : vector<128x128xi1> to vector<128x128xi1>
    %ne3A_3686 = arith.xori %lt3A_3681, %ne3A_3685 : vector<128x128xi1>
    %and3A_3687 = arith.andi %ne3A_3686, %ne3A_3678 : vector<128x128xi1>
    %add3A_3688 = vector.broadcast %select_n3A_3673 : i32 to vector<128x128xi32>
    %add3A_3689 = arith.addi %rem3A_3675, %add3A_3688 : vector<128x128xi32>
    %select_n3A_3690 = arith.select %and3A_3687, %add3A_3689, %rem3A_3675 : vector<128x128xi1>, vector<128x128xi32>
    %mul3A_3691 = arith.constant 128 : i32
    %mul3A_3692 = vector.broadcast %mul3A_3691 : i32 to vector<128x128xi32>
    %mul3A_3693 = arith.muli %select_n3A_3690, %mul3A_3692 : vector<128x128xi32>
    %add3A_3694 = vector.broadcast %add3A_3668 : i32 to vector<128x128xi32>
    %add3A_3695 = arith.addi %add3A_3694, %mul3A_3693 : vector<128x128xi32>
    %add3A_3696 = arith.addi %add3A_3695, %iota3A_0 : vector<128x128xi32>
    %lt3A_3697 = arith.constant 1000001 : i32
    %lt3A_3698 = vector.broadcast %lt3A_3697 : i32 to vector<128x128xi32>
    %lt3A_3699 = arith.cmpi slt, %add3A_3696, %lt3A_3698 : vector<128x128xi32>
    %jit3A_3700 = arith.constant 0.000000e+00 : f32
    %broadcast_in_dim3A_3701 = vector.broadcast %jit3A_3700 : f32 to vector<128x128xf32>
    %select_n3A_3702 = arith.select %lt3A_3699, %reshape3A_3666, %broadcast_in_dim3A_3701 : vector<128x128xi1>, vector<128x128xf32>
    %dot_general3A_3703 = arith.constant dense<0.000000e+00> : vector<128x128xf32>
    %dot_general3A_3704 = tpu.matmul %select_n3A_3702, %convert_element_type3A_47, %dot_general3A_3703 {dimension_numbers = #tpu.dot_dimension_numbers<[0], [0], [1], [1], [0, 1, 1, 1], [], []>, transpose_lhs_hint = false} : vector<128x128xf32>, vector<128x128xf32>, vector<128x128xf32> -> vector<128x128xf32>
    %swap3A_3705 = arith.constant 2560 : index
    %swap3A_3706 = arith.constant 0 : index
    %swap3A_3707 = vector.load %arg6[%swap3A_3705, %swap3A_3706] : memref<4096x128xf32, #tpu.memory_space<vmem>>, vector<128x128xf32>
    tpu.vector_store %arg6[%swap3A_3705, %swap3A_3706], %dot_general3A_3704 {strides = array<i32>} : memref<4096x128xf32, #tpu.memory_space<vmem>>, vector<128x128xf32>,
    %slice3A_3708 = vector.extract_strided_slice %get3A_2804 {offsets = [0, 21504], sizes = [16, 1024], strides = [1, 1]} : vector<16x32768xf32> to vector<16x1024xf32>
    %reshape3A_3709 = vector.shape_cast %slice3A_3708 : vector<16x1024xf32> to vector<128x128xf32>
    %add3A_3710 = arith.constant 21504 : i32
    %add3A_3711 = arith.addi %mul3A_49, %add3A_3710 : i32
    %jit3A_3712 = arith.constant 8 : i32
    %eq3A_3713 = arith.constant 0 : i32
    %eq3A_3714 = arith.cmpi eq, %jit3A_3712, %eq3A_3713 : i32
    %jit3A_3715 = arith.constant 1 : i32
    %select_n3A_3716 = arith.select %eq3A_3714, %jit3A_3715, %jit3A_3712 : i32
    %rem3A_3717 = vector.broadcast %select_n3A_3716 : i32 to vector<128x128xi32>
    %rem3A_3718 = arith.remsi %iota3A, %rem3A_3717 : vector<128x128xi32>
    %ne3A_3719 = arith.constant 0 : i32
    %ne3A_3720 = vector.broadcast %ne3A_3719 : i32 to vector<128x128xi32>
    %ne3A_3721 = arith.cmpi ne, %rem3A_3718, %ne3A_3720 : vector<128x128xi32>
    %lt3A_3722 = arith.constant 0 : i32
    %lt3A_3723 = vector.broadcast %lt3A_3722 : i32 to vector<128x128xi32>
    %lt3A_3724 = arith.cmpi slt, %rem3A_3718, %lt3A_3723 : vector<128x128xi32>
    %lt3A_3725 = arith.constant 0 : i32
    %lt3A_3726 = arith.cmpi slt, %select_n3A_3716, %lt3A_3725 : i32
    %ne3A_3727 = vector.broadcast %lt3A_3726 : i1 to vector<128x128xi1>
    %ne3A_3728 = vector.broadcast %ne3A_3727 : vector<128x128xi1> to vector<128x128xi1>
    %ne3A_3729 = arith.xori %lt3A_3724, %ne3A_3728 : vector<128x128xi1>
    %and3A_3730 = arith.andi %ne3A_3729, %ne3A_3721 : vector<128x128xi1>
    %add3A_3731 = vector.broadcast %select_n3A_3716 : i32 to vector<128x128xi32>
    %add3A_3732 = arith.addi %rem3A_3718, %add3A_3731 : vector<128x128xi32>
    %select_n3A_3733 = arith.select %and3A_3730, %add3A_3732, %rem3A_3718 : vector<128x128xi1>, vector<128x128xi32>
    %mul3A_3734 = arith.constant 128 : i32
    %mul3A_3735 = vector.broadcast %mul3A_3734 : i32 to vector<128x128xi32>
    %mul3A_3736 = arith.muli %select_n3A_3733, %mul3A_3735 : vector<128x128xi32>
    %add3A_3737 = vector.broadcast %add3A_3711 : i32 to vector<128x128xi32>
    %add3A_3738 = arith.addi %add3A_3737, %mul3A_3736 : vector<128x128xi32>
    %add3A_3739 = arith.addi %add3A_3738, %iota3A_0 : vector<128x128xi32>
    %lt3A_3740 = arith.constant 1000001 : i32
    %lt3A_3741 = vector.broadcast %lt3A_3740 : i32 to vector<128x128xi32>
    %lt3A_3742 = arith.cmpi slt, %add3A_3739, %lt3A_3741 : vector<128x128xi32>
    %jit3A_3743 = arith.constant 0.000000e+00 : f32
    %broadcast_in_dim3A_3744 = vector.broadcast %jit3A_3743 : f32 to vector<128x128xf32>
    %select_n3A_3745 = arith.select %lt3A_3742, %reshape3A_3709, %broadcast_in_dim3A_3744 : vector<128x128xi1>, vector<128x128xf32>
    %dot_general3A_3746 = arith.constant dense<0.000000e+00> : vector<128x128xf32>
    %dot_general3A_3747 = tpu.matmul %select_n3A_3745, %convert_element_type3A_47, %dot_general3A_3746 {dimension_numbers = #tpu.dot_dimension_numbers<[0], [0], [1], [1], [0, 1, 1, 1], [], []>, transpose_lhs_hint = false} : vector<128x128xf32>, vector<128x128xf32>, vector<128x128xf32> -> vector<128x128xf32>
    %swap3A_3748 = arith.constant 2688 : index
    %swap3A_3749 = arith.constant 0 : index
    %swap3A_3750 = vector.load %arg6[%swap3A_3748, %swap3A_3749] : memref<4096x128xf32, #tpu.memory_space<vmem>>, vector<128x128xf32>
    tpu.vector_store %arg6[%swap3A_3748, %swap3A_3749], %dot_general3A_3747 {strides = array<i32>} : memref<4096x128xf32, #tpu.memory_space<vmem>>, vector<128x128xf32>,
    %slice3A_3751 = vector.extract_strided_slice %get3A_2804 {offsets = [0, 22528], sizes = [16, 1024], strides = [1, 1]} : vector<16x32768xf32> to vector<16x1024xf32>
    %reshape3A_3752 = vector.shape_cast %slice3A_3751 : vector<16x1024xf32> to vector<128x128xf32>
    %add3A_3753 = arith.constant 22528 : i32
    %add3A_3754 = arith.addi %mul3A_49, %add3A_3753 : i32
    %jit3A_3755 = arith.constant 8 : i32
    %eq3A_3756 = arith.constant 0 : i32
    %eq3A_3757 = arith.cmpi eq, %jit3A_3755, %eq3A_3756 : i32
    %jit3A_3758 = arith.constant 1 : i32
    %select_n3A_3759 = arith.select %eq3A_3757, %jit3A_3758, %jit3A_3755 : i32
    %rem3A_3760 = vector.broadcast %select_n3A_3759 : i32 to vector<128x128xi32>
    %rem3A_3761 = arith.remsi %iota3A, %rem3A_3760 : vector<128x128xi32>
    %ne3A_3762 = arith.constant 0 : i32
    %ne3A_3763 = vector.broadcast %ne3A_3762 : i32 to vector<128x128xi32>
    %ne3A_3764 = arith.cmpi ne, %rem3A_3761, %ne3A_3763 : vector<128x128xi32>
    %lt3A_3765 = arith.constant 0 : i32
    %lt3A_3766 = vector.broadcast %lt3A_3765 : i32 to vector<128x128xi32>
    %lt3A_3767 = arith.cmpi slt, %rem3A_3761, %lt3A_3766 : vector<128x128xi32>
    %lt3A_3768 = arith.constant 0 : i32
    %lt3A_3769 = arith.cmpi slt, %select_n3A_3759, %lt3A_3768 : i32
    %ne3A_3770 = vector.broadcast %lt3A_3769 : i1 to vector<128x128xi1>
    %ne3A_3771 = vector.broadcast %ne3A_3770 : vector<128x128xi1> to vector<128x128xi1>
    %ne3A_3772 = arith.xori %lt3A_3767, %ne3A_3771 : vector<128x128xi1>
    %and3A_3773 = arith.andi %ne3A_3772, %ne3A_3764 : vector<128x128xi1>
    %add3A_3774 = vector.broadcast %select_n3A_3759 : i32 to vector<128x128xi32>
    %add3A_3775 = arith.addi %rem3A_3761, %add3A_3774 : vector<128x128xi32>
    %select_n3A_3776 = arith.select %and3A_3773, %add3A_3775, %rem3A_3761 : vector<128x128xi1>, vector<128x128xi32>
    %mul3A_3777 = arith.constant 128 : i32
    %mul3A_3778 = vector.broadcast %mul3A_3777 : i32 to vector<128x128xi32>
    %mul3A_3779 = arith.muli %select_n3A_3776, %mul3A_3778 : vector<128x128xi32>
    %add3A_3780 = vector.broadcast %add3A_3754 : i32 to vector<128x128xi32>
    %add3A_3781 = arith.addi %add3A_3780, %mul3A_3779 : vector<128x128xi32>
    %add3A_3782 = arith.addi %add3A_3781, %iota3A_0 : vector<128x128xi32>
    %lt3A_3783 = arith.constant 1000001 : i32
    %lt3A_3784 = vector.broadcast %lt3A_3783 : i32 to vector<128x128xi32>
    %lt3A_3785 = arith.cmpi slt, %add3A_3782, %lt3A_3784 : vector<128x128xi32>
    %jit3A_3786 = arith.constant 0.000000e+00 : f32
    %broadcast_in_dim3A_3787 = vector.broadcast %jit3A_3786 : f32 to vector<128x128xf32>
    %select_n3A_3788 = arith.select %lt3A_3785, %reshape3A_3752, %broadcast_in_dim3A_3787 : vector<128x128xi1>, vector<128x128xf32>
    %dot_general3A_3789 = arith.constant dense<0.000000e+00> : vector<128x128xf32>
    %dot_general3A_3790 = tpu.matmul %select_n3A_3788, %convert_element_type3A_47, %dot_general3A_3789 {dimension_numbers = #tpu.dot_dimension_numbers<[0], [0], [1], [1], [0, 1, 1, 1], [], []>, transpose_lhs_hint = false} : vector<128x128xf32>, vector<128x128xf32>, vector<128x128xf32> -> vector<128x128xf32>
    %swap3A_3791 = arith.constant 2816 : index
    %swap3A_3792 = arith.constant 0 : index
    %swap3A_3793 = vector.load %arg6[%swap3A_3791, %swap3A_3792] : memref<4096x128xf32, #tpu.memory_space<vmem>>, vector<128x128xf32>
    tpu.vector_store %arg6[%swap3A_3791, %swap3A_3792], %dot_general3A_3790 {strides = array<i32>} : memref<4096x128xf32, #tpu.memory_space<vmem>>, vector<128x128xf32>,
    %slice3A_3794 = vector.extract_strided_slice %get3A_2804 {offsets = [0, 23552], sizes = [16, 1024], strides = [1, 1]} : vector<16x32768xf32> to vector<16x1024xf32>
    %reshape3A_3795 = vector.shape_cast %slice3A_3794 : vector<16x1024xf32> to vector<128x128xf32>
    %add3A_3796 = arith.constant 23552 : i32
    %add3A_3797 = arith.addi %mul3A_49, %add3A_3796 : i32
    %jit3A_3798 = arith.constant 8 : i32
    %eq3A_3799 = arith.constant 0 : i32
    %eq3A_3800 = arith.cmpi eq, %jit3A_3798, %eq3A_3799 : i32
    %jit3A_3801 = arith.constant 1 : i32
    %select_n3A_3802 = arith.select %eq3A_3800, %jit3A_3801, %jit3A_3798 : i32
    %rem3A_3803 = vector.broadcast %select_n3A_3802 : i32 to vector<128x128xi32>
    %rem3A_3804 = arith.remsi %iota3A, %rem3A_3803 : vector<128x128xi32>
    %ne3A_3805 = arith.constant 0 : i32
    %ne3A_3806 = vector.broadcast %ne3A_3805 : i32 to vector<128x128xi32>
    %ne3A_3807 = arith.cmpi ne, %rem3A_3804, %ne3A_3806 : vector<128x128xi32>
    %lt3A_3808 = arith.constant 0 : i32
    %lt3A_3809 = vector.broadcast %lt3A_3808 : i32 to vector<128x128xi32>
    %lt3A_3810 = arith.cmpi slt, %rem3A_3804, %lt3A_3809 : vector<128x128xi32>
    %lt3A_3811 = arith.constant 0 : i32
    %lt3A_3812 = arith.cmpi slt, %select_n3A_3802, %lt3A_3811 : i32
    %ne3A_3813 = vector.broadcast %lt3A_3812 : i1 to vector<128x128xi1>
    %ne3A_3814 = vector.broadcast %ne3A_3813 : vector<128x128xi1> to vector<128x128xi1>
    %ne3A_3815 = arith.xori %lt3A_3810, %ne3A_3814 : vector<128x128xi1>
    %and3A_3816 = arith.andi %ne3A_3815, %ne3A_3807 : vector<128x128xi1>
    %add3A_3817 = vector.broadcast %select_n3A_3802 : i32 to vector<128x128xi32>
    %add3A_3818 = arith.addi %rem3A_3804, %add3A_3817 : vector<128x128xi32>
    %select_n3A_3819 = arith.select %and3A_3816, %add3A_3818, %rem3A_3804 : vector<128x128xi1>, vector<128x128xi32>
    %mul3A_3820 = arith.constant 128 : i32
    %mul3A_3821 = vector.broadcast %mul3A_3820 : i32 to vector<128x128xi32>
    %mul3A_3822 = arith.muli %select_n3A_3819, %mul3A_3821 : vector<128x128xi32>
    %add3A_3823 = vector.broadcast %add3A_3797 : i32 to vector<128x128xi32>
    %add3A_3824 = arith.addi %add3A_3823, %mul3A_3822 : vector<128x128xi32>
    %add3A_3825 = arith.addi %add3A_3824, %iota3A_0 : vector<128x128xi32>
    %lt3A_3826 = arith.constant 1000001 : i32
    %lt3A_3827 = vector.broadcast %lt3A_3826 : i32 to vector<128x128xi32>
    %lt3A_3828 = arith.cmpi slt, %add3A_3825, %lt3A_3827 : vector<128x128xi32>
    %jit3A_3829 = arith.constant 0.000000e+00 : f32
    %broadcast_in_dim3A_3830 = vector.broadcast %jit3A_3829 : f32 to vector<128x128xf32>
    %select_n3A_3831 = arith.select %lt3A_3828, %reshape3A_3795, %broadcast_in_dim3A_3830 : vector<128x128xi1>, vector<128x128xf32>
    %dot_general3A_3832 = arith.constant dense<0.000000e+00> : vector<128x128xf32>
    %dot_general3A_3833 = tpu.matmul %select_n3A_3831, %convert_element_type3A_47, %dot_general3A_3832 {dimension_numbers = #tpu.dot_dimension_numbers<[0], [0], [1], [1], [0, 1, 1, 1], [], []>, transpose_lhs_hint = false} : vector<128x128xf32>, vector<128x128xf32>, vector<128x128xf32> -> vector<128x128xf32>
    %swap3A_3834 = arith.constant 2944 : index
    %swap3A_3835 = arith.constant 0 : index
    %swap3A_3836 = vector.load %arg6[%swap3A_3834, %swap3A_3835] : memref<4096x128xf32, #tpu.memory_space<vmem>>, vector<128x128xf32>
    tpu.vector_store %arg6[%swap3A_3834, %swap3A_3835], %dot_general3A_3833 {strides = array<i32>} : memref<4096x128xf32, #tpu.memory_space<vmem>>, vector<128x128xf32>,
    %slice3A_3837 = vector.extract_strided_slice %get3A_2804 {offsets = [0, 24576], sizes = [16, 1024], strides = [1, 1]} : vector<16x32768xf32> to vector<16x1024xf32>
    %reshape3A_3838 = vector.shape_cast %slice3A_3837 : vector<16x1024xf32> to vector<128x128xf32>
    %add3A_3839 = arith.constant 24576 : i32
    %add3A_3840 = arith.addi %mul3A_49, %add3A_3839 : i32
    %jit3A_3841 = arith.constant 8 : i32
    %eq3A_3842 = arith.constant 0 : i32
    %eq3A_3843 = arith.cmpi eq, %jit3A_3841, %eq3A_3842 : i32
    %jit3A_3844 = arith.constant 1 : i32
    %select_n3A_3845 = arith.select %eq3A_3843, %jit3A_3844, %jit3A_3841 : i32
    %rem3A_3846 = vector.broadcast %select_n3A_3845 : i32 to vector<128x128xi32>
    %rem3A_3847 = arith.remsi %iota3A, %rem3A_3846 : vector<128x128xi32>
    %ne3A_3848 = arith.constant 0 : i32
    %ne3A_3849 = vector.broadcast %ne3A_3848 : i32 to vector<128x128xi32>
    %ne3A_3850 = arith.cmpi ne, %rem3A_3847, %ne3A_3849 : vector<128x128xi32>
    %lt3A_3851 = arith.constant 0 : i32
    %lt3A_3852 = vector.broadcast %lt3A_3851 : i32 to vector<128x128xi32>
    %lt3A_3853 = arith.cmpi slt, %rem3A_3847, %lt3A_3852 : vector<128x128xi32>
    %lt3A_3854 = arith.constant 0 : i32
    %lt3A_3855 = arith.cmpi slt, %select_n3A_3845, %lt3A_3854 : i32
    %ne3A_3856 = vector.broadcast %lt3A_3855 : i1 to vector<128x128xi1>
    %ne3A_3857 = vector.broadcast %ne3A_3856 : vector<128x128xi1> to vector<128x128xi1>
    %ne3A_3858 = arith.xori %lt3A_3853, %ne3A_3857 : vector<128x128xi1>
    %and3A_3859 = arith.andi %ne3A_3858, %ne3A_3850 : vector<128x128xi1>
    %add3A_3860 = vector.broadcast %select_n3A_3845 : i32 to vector<128x128xi32>
    %add3A_3861 = arith.addi %rem3A_3847, %add3A_3860 : vector<128x128xi32>
    %select_n3A_3862 = arith.select %and3A_3859, %add3A_3861, %rem3A_3847 : vector<128x128xi1>, vector<128x128xi32>
    %mul3A_3863 = arith.constant 128 : i32
    %mul3A_3864 = vector.broadcast %mul3A_3863 : i32 to vector<128x128xi32>
    %mul3A_3865 = arith.muli %select_n3A_3862, %mul3A_3864 : vector<128x128xi32>
    %add3A_3866 = vector.broadcast %add3A_3840 : i32 to vector<128x128xi32>
    %add3A_3867 = arith.addi %add3A_3866, %mul3A_3865 : vector<128x128xi32>
    %add3A_3868 = arith.addi %add3A_3867, %iota3A_0 : vector<128x128xi32>
    %lt3A_3869 = arith.constant 1000001 : i32
    %lt3A_3870 = vector.broadcast %lt3A_3869 : i32 to vector<128x128xi32>
    %lt3A_3871 = arith.cmpi slt, %add3A_3868, %lt3A_3870 : vector<128x128xi32>
    %jit3A_3872 = arith.constant 0.000000e+00 : f32
    %broadcast_in_dim3A_3873 = vector.broadcast %jit3A_3872 : f32 to vector<128x128xf32>
    %select_n3A_3874 = arith.select %lt3A_3871, %reshape3A_3838, %broadcast_in_dim3A_3873 : vector<128x128xi1>, vector<128x128xf32>
    %dot_general3A_3875 = arith.constant dense<0.000000e+00> : vector<128x128xf32>
    %dot_general3A_3876 = tpu.matmul %select_n3A_3874, %convert_element_type3A_47, %dot_general3A_3875 {dimension_numbers = #tpu.dot_dimension_numbers<[0], [0], [1], [1], [0, 1, 1, 1], [], []>, transpose_lhs_hint = false} : vector<128x128xf32>, vector<128x128xf32>, vector<128x128xf32> -> vector<128x128xf32>
    %swap3A_3877 = arith.constant 3072 : index
    %swap3A_3878 = arith.constant 0 : index
    %swap3A_3879 = vector.load %arg6[%swap3A_3877, %swap3A_3878] : memref<4096x128xf32, #tpu.memory_space<vmem>>, vector<128x128xf32>
    tpu.vector_store %arg6[%swap3A_3877, %swap3A_3878], %dot_general3A_3876 {strides = array<i32>} : memref<4096x128xf32, #tpu.memory_space<vmem>>, vector<128x128xf32>,
    %slice3A_3880 = vector.extract_strided_slice %get3A_2804 {offsets = [0, 25600], sizes = [16, 1024], strides = [1, 1]} : vector<16x32768xf32> to vector<16x1024xf32>
    %reshape3A_3881 = vector.shape_cast %slice3A_3880 : vector<16x1024xf32> to vector<128x128xf32>
    %add3A_3882 = arith.constant 25600 : i32
    %add3A_3883 = arith.addi %mul3A_49, %add3A_3882 : i32
    %jit3A_3884 = arith.constant 8 : i32
    %eq3A_3885 = arith.constant 0 : i32
    %eq3A_3886 = arith.cmpi eq, %jit3A_3884, %eq3A_3885 : i32
    %jit3A_3887 = arith.constant 1 : i32
    %select_n3A_3888 = arith.select %eq3A_3886, %jit3A_3887, %jit3A_3884 : i32
    %rem3A_3889 = vector.broadcast %select_n3A_3888 : i32 to vector<128x128xi32>
    %rem3A_3890 = arith.remsi %iota3A, %rem3A_3889 : vector<128x128xi32>
    %ne3A_3891 = arith.constant 0 : i32
    %ne3A_3892 = vector.broadcast %ne3A_3891 : i32 to vector<128x128xi32>
    %ne3A_3893 = arith.cmpi ne, %rem3A_3890, %ne3A_3892 : vector<128x128xi32>
    %lt3A_3894 = arith.constant 0 : i32
    %lt3A_3895 = vector.broadcast %lt3A_3894 : i32 to vector<128x128xi32>
    %lt3A_3896 = arith.cmpi slt, %rem3A_3890, %lt3A_3895 : vector<128x128xi32>
    %lt3A_3897 = arith.constant 0 : i32
    %lt3A_3898 = arith.cmpi slt, %select_n3A_3888, %lt3A_3897 : i32
    %ne3A_3899 = vector.broadcast %lt3A_3898 : i1 to vector<128x128xi1>
    %ne3A_3900 = vector.broadcast %ne3A_3899 : vector<128x128xi1> to vector<128x128xi1>
    %ne3A_3901 = arith.xori %lt3A_3896, %ne3A_3900 : vector<128x128xi1>
    %and3A_3902 = arith.andi %ne3A_3901, %ne3A_3893 : vector<128x128xi1>
    %add3A_3903 = vector.broadcast %select_n3A_3888 : i32 to vector<128x128xi32>
    %add3A_3904 = arith.addi %rem3A_3890, %add3A_3903 : vector<128x128xi32>
    %select_n3A_3905 = arith.select %and3A_3902, %add3A_3904, %rem3A_3890 : vector<128x128xi1>, vector<128x128xi32>
    %mul3A_3906 = arith.constant 128 : i32
    %mul3A_3907 = vector.broadcast %mul3A_3906 : i32 to vector<128x128xi32>
    %mul3A_3908 = arith.muli %select_n3A_3905, %mul3A_3907 : vector<128x128xi32>
    %add3A_3909 = vector.broadcast %add3A_3883 : i32 to vector<128x128xi32>
    %add3A_3910 = arith.addi %add3A_3909, %mul3A_3908 : vector<128x128xi32>
    %add3A_3911 = arith.addi %add3A_3910, %iota3A_0 : vector<128x128xi32>
    %lt3A_3912 = arith.constant 1000001 : i32
    %lt3A_3913 = vector.broadcast %lt3A_3912 : i32 to vector<128x128xi32>
    %lt3A_3914 = arith.cmpi slt, %add3A_3911, %lt3A_3913 : vector<128x128xi32>
    %jit3A_3915 = arith.constant 0.000000e+00 : f32
    %broadcast_in_dim3A_3916 = vector.broadcast %jit3A_3915 : f32 to vector<128x128xf32>
    %select_n3A_3917 = arith.select %lt3A_3914, %reshape3A_3881, %broadcast_in_dim3A_3916 : vector<128x128xi1>, vector<128x128xf32>
    %dot_general3A_3918 = arith.constant dense<0.000000e+00> : vector<128x128xf32>
    %dot_general3A_3919 = tpu.matmul %select_n3A_3917, %convert_element_type3A_47, %dot_general3A_3918 {dimension_numbers = #tpu.dot_dimension_numbers<[0], [0], [1], [1], [0, 1, 1, 1], [], []>, transpose_lhs_hint = false} : vector<128x128xf32>, vector<128x128xf32>, vector<128x128xf32> -> vector<128x128xf32>
    %swap3A_3920 = arith.constant 3200 : index
    %swap3A_3921 = arith.constant 0 : index
    %swap3A_3922 = vector.load %arg6[%swap3A_3920, %swap3A_3921] : memref<4096x128xf32, #tpu.memory_space<vmem>>, vector<128x128xf32>
    tpu.vector_store %arg6[%swap3A_3920, %swap3A_3921], %dot_general3A_3919 {strides = array<i32>} : memref<4096x128xf32, #tpu.memory_space<vmem>>, vector<128x128xf32>,
    %slice3A_3923 = vector.extract_strided_slice %get3A_2804 {offsets = [0, 26624], sizes = [16, 1024], strides = [1, 1]} : vector<16x32768xf32> to vector<16x1024xf32>
    %reshape3A_3924 = vector.shape_cast %slice3A_3923 : vector<16x1024xf32> to vector<128x128xf32>
    %add3A_3925 = arith.constant 26624 : i32
    %add3A_3926 = arith.addi %mul3A_49, %add3A_3925 : i32
    %jit3A_3927 = arith.constant 8 : i32
    %eq3A_3928 = arith.constant 0 : i32
    %eq3A_3929 = arith.cmpi eq, %jit3A_3927, %eq3A_3928 : i32
    %jit3A_3930 = arith.constant 1 : i32
    %select_n3A_3931 = arith.select %eq3A_3929, %jit3A_3930, %jit3A_3927 : i32
    %rem3A_3932 = vector.broadcast %select_n3A_3931 : i32 to vector<128x128xi32>
    %rem3A_3933 = arith.remsi %iota3A, %rem3A_3932 : vector<128x128xi32>
    %ne3A_3934 = arith.constant 0 : i32
    %ne3A_3935 = vector.broadcast %ne3A_3934 : i32 to vector<128x128xi32>
    %ne3A_3936 = arith.cmpi ne, %rem3A_3933, %ne3A_3935 : vector<128x128xi32>
    %lt3A_3937 = arith.constant 0 : i32
    %lt3A_3938 = vector.broadcast %lt3A_3937 : i32 to vector<128x128xi32>
    %lt3A_3939 = arith.cmpi slt, %rem3A_3933, %lt3A_3938 : vector<128x128xi32>
    %lt3A_3940 = arith.constant 0 : i32
    %lt3A_3941 = arith.cmpi slt, %select_n3A_3931, %lt3A_3940 : i32
    %ne3A_3942 = vector.broadcast %lt3A_3941 : i1 to vector<128x128xi1>
    %ne3A_3943 = vector.broadcast %ne3A_3942 : vector<128x128xi1> to vector<128x128xi1>
    %ne3A_3944 = arith.xori %lt3A_3939, %ne3A_3943 : vector<128x128xi1>
    %and3A_3945 = arith.andi %ne3A_3944, %ne3A_3936 : vector<128x128xi1>
    %add3A_3946 = vector.broadcast %select_n3A_3931 : i32 to vector<128x128xi32>
    %add3A_3947 = arith.addi %rem3A_3933, %add3A_3946 : vector<128x128xi32>
    %select_n3A_3948 = arith.select %and3A_3945, %add3A_3947, %rem3A_3933 : vector<128x128xi1>, vector<128x128xi32>
    %mul3A_3949 = arith.constant 128 : i32
    %mul3A_3950 = vector.broadcast %mul3A_3949 : i32 to vector<128x128xi32>
    %mul3A_3951 = arith.muli %select_n3A_3948, %mul3A_3950 : vector<128x128xi32>
    %add3A_3952 = vector.broadcast %add3A_3926 : i32 to vector<128x128xi32>
    %add3A_3953 = arith.addi %add3A_3952, %mul3A_3951 : vector<128x128xi32>
    %add3A_3954 = arith.addi %add3A_3953, %iota3A_0 : vector<128x128xi32>
    %lt3A_3955 = arith.constant 1000001 : i32
    %lt3A_3956 = vector.broadcast %lt3A_3955 : i32 to vector<128x128xi32>
    %lt3A_3957 = arith.cmpi slt, %add3A_3954, %lt3A_3956 : vector<128x128xi32>
    %jit3A_3958 = arith.constant 0.000000e+00 : f32
    %broadcast_in_dim3A_3959 = vector.broadcast %jit3A_3958 : f32 to vector<128x128xf32>
    %select_n3A_3960 = arith.select %lt3A_3957, %reshape3A_3924, %broadcast_in_dim3A_3959 : vector<128x128xi1>, vector<128x128xf32>
    %dot_general3A_3961 = arith.constant dense<0.000000e+00> : vector<128x128xf32>
    %dot_general3A_3962 = tpu.matmul %select_n3A_3960, %convert_element_type3A_47, %dot_general3A_3961 {dimension_numbers = #tpu.dot_dimension_numbers<[0], [0], [1], [1], [0, 1, 1, 1], [], []>, transpose_lhs_hint = false} : vector<128x128xf32>, vector<128x128xf32>, vector<128x128xf32> -> vector<128x128xf32>
    %swap3A_3963 = arith.constant 3328 : index
    %swap3A_3964 = arith.constant 0 : index
    %swap3A_3965 = vector.load %arg6[%swap3A_3963, %swap3A_3964] : memref<4096x128xf32, #tpu.memory_space<vmem>>, vector<128x128xf32>
    tpu.vector_store %arg6[%swap3A_3963, %swap3A_3964], %dot_general3A_3962 {strides = array<i32>} : memref<4096x128xf32, #tpu.memory_space<vmem>>, vector<128x128xf32>,
    %slice3A_3966 = vector.extract_strided_slice %get3A_2804 {offsets = [0, 27648], sizes = [16, 1024], strides = [1, 1]} : vector<16x32768xf32> to vector<16x1024xf32>
    %reshape3A_3967 = vector.shape_cast %slice3A_3966 : vector<16x1024xf32> to vector<128x128xf32>
    %add3A_3968 = arith.constant 27648 : i32
    %add3A_3969 = arith.addi %mul3A_49, %add3A_3968 : i32
    %jit3A_3970 = arith.constant 8 : i32
    %eq3A_3971 = arith.constant 0 : i32
    %eq3A_3972 = arith.cmpi eq, %jit3A_3970, %eq3A_3971 : i32
    %jit3A_3973 = arith.constant 1 : i32
    %select_n3A_3974 = arith.select %eq3A_3972, %jit3A_3973, %jit3A_3970 : i32
    %rem3A_3975 = vector.broadcast %select_n3A_3974 : i32 to vector<128x128xi32>
    %rem3A_3976 = arith.remsi %iota3A, %rem3A_3975 : vector<128x128xi32>
    %ne3A_3977 = arith.constant 0 : i32
    %ne3A_3978 = vector.broadcast %ne3A_3977 : i32 to vector<128x128xi32>
    %ne3A_3979 = arith.cmpi ne, %rem3A_3976, %ne3A_3978 : vector<128x128xi32>
    %lt3A_3980 = arith.constant 0 : i32
    %lt3A_3981 = vector.broadcast %lt3A_3980 : i32 to vector<128x128xi32>
    %lt3A_3982 = arith.cmpi slt, %rem3A_3976, %lt3A_3981 : vector<128x128xi32>
    %lt3A_3983 = arith.constant 0 : i32
    %lt3A_3984 = arith.cmpi slt, %select_n3A_3974, %lt3A_3983 : i32
    %ne3A_3985 = vector.broadcast %lt3A_3984 : i1 to vector<128x128xi1>
    %ne3A_3986 = vector.broadcast %ne3A_3985 : vector<128x128xi1> to vector<128x128xi1>
    %ne3A_3987 = arith.xori %lt3A_3982, %ne3A_3986 : vector<128x128xi1>
    %and3A_3988 = arith.andi %ne3A_3987, %ne3A_3979 : vector<128x128xi1>
    %add3A_3989 = vector.broadcast %select_n3A_3974 : i32 to vector<128x128xi32>
    %add3A_3990 = arith.addi %rem3A_3976, %add3A_3989 : vector<128x128xi32>
    %select_n3A_3991 = arith.select %and3A_3988, %add3A_3990, %rem3A_3976 : vector<128x128xi1>, vector<128x128xi32>
    %mul3A_3992 = arith.constant 128 : i32
    %mul3A_3993 = vector.broadcast %mul3A_3992 : i32 to vector<128x128xi32>
    %mul3A_3994 = arith.muli %select_n3A_3991, %mul3A_3993 : vector<128x128xi32>
    %add3A_3995 = vector.broadcast %add3A_3969 : i32 to vector<128x128xi32>
    %add3A_3996 = arith.addi %add3A_3995, %mul3A_3994 : vector<128x128xi32>
    %add3A_3997 = arith.addi %add3A_3996, %iota3A_0 : vector<128x128xi32>
    %lt3A_3998 = arith.constant 1000001 : i32
    %lt3A_3999 = vector.broadcast %lt3A_3998 : i32 to vector<128x128xi32>
    %lt3A_4000 = arith.cmpi slt, %add3A_3997, %lt3A_3999 : vector<128x128xi32>
    %jit3A_4001 = arith.constant 0.000000e+00 : f32
    %broadcast_in_dim3A_4002 = vector.broadcast %jit3A_4001 : f32 to vector<128x128xf32>
    %select_n3A_4003 = arith.select %lt3A_4000, %reshape3A_3967, %broadcast_in_dim3A_4002 : vector<128x128xi1>, vector<128x128xf32>
    %dot_general3A_4004 = arith.constant dense<0.000000e+00> : vector<128x128xf32>
    %dot_general3A_4005 = tpu.matmul %select_n3A_4003, %convert_element_type3A_47, %dot_general3A_4004 {dimension_numbers = #tpu.dot_dimension_numbers<[0], [0], [1], [1], [0, 1, 1, 1], [], []>, transpose_lhs_hint = false} : vector<128x128xf32>, vector<128x128xf32>, vector<128x128xf32> -> vector<128x128xf32>
    %swap3A_4006 = arith.constant 3456 : index
    %swap3A_4007 = arith.constant 0 : index
    %swap3A_4008 = vector.load %arg6[%swap3A_4006, %swap3A_4007] : memref<4096x128xf32, #tpu.memory_space<vmem>>, vector<128x128xf32>
    tpu.vector_store %arg6[%swap3A_4006, %swap3A_4007], %dot_general3A_4005 {strides = array<i32>} : memref<4096x128xf32, #tpu.memory_space<vmem>>, vector<128x128xf32>,
    %slice3A_4009 = vector.extract_strided_slice %get3A_2804 {offsets = [0, 28672], sizes = [16, 1024], strides = [1, 1]} : vector<16x32768xf32> to vector<16x1024xf32>
    %reshape3A_4010 = vector.shape_cast %slice3A_4009 : vector<16x1024xf32> to vector<128x128xf32>
    %add3A_4011 = arith.constant 28672 : i32
    %add3A_4012 = arith.addi %mul3A_49, %add3A_4011 : i32
    %jit3A_4013 = arith.constant 8 : i32
    %eq3A_4014 = arith.constant 0 : i32
    %eq3A_4015 = arith.cmpi eq, %jit3A_4013, %eq3A_4014 : i32
    %jit3A_4016 = arith.constant 1 : i32
    %select_n3A_4017 = arith.select %eq3A_4015, %jit3A_4016, %jit3A_4013 : i32
    %rem3A_4018 = vector.broadcast %select_n3A_4017 : i32 to vector<128x128xi32>
    %rem3A_4019 = arith.remsi %iota3A, %rem3A_4018 : vector<128x128xi32>
    %ne3A_4020 = arith.constant 0 : i32
    %ne3A_4021 = vector.broadcast %ne3A_4020 : i32 to vector<128x128xi32>
    %ne3A_4022 = arith.cmpi ne, %rem3A_4019, %ne3A_4021 : vector<128x128xi32>
    %lt3A_4023 = arith.constant 0 : i32
    %lt3A_4024 = vector.broadcast %lt3A_4023 : i32 to vector<128x128xi32>
    %lt3A_4025 = arith.cmpi slt, %rem3A_4019, %lt3A_4024 : vector<128x128xi32>
    %lt3A_4026 = arith.constant 0 : i32
    %lt3A_4027 = arith.cmpi slt, %select_n3A_4017, %lt3A_4026 : i32
    %ne3A_4028 = vector.broadcast %lt3A_4027 : i1 to vector<128x128xi1>
    %ne3A_4029 = vector.broadcast %ne3A_4028 : vector<128x128xi1> to vector<128x128xi1>
    %ne3A_4030 = arith.xori %lt3A_4025, %ne3A_4029 : vector<128x128xi1>
    %and3A_4031 = arith.andi %ne3A_4030, %ne3A_4022 : vector<128x128xi1>
    %add3A_4032 = vector.broadcast %select_n3A_4017 : i32 to vector<128x128xi32>
    %add3A_4033 = arith.addi %rem3A_4019, %add3A_4032 : vector<128x128xi32>
    %select_n3A_4034 = arith.select %and3A_4031, %add3A_4033, %rem3A_4019 : vector<128x128xi1>, vector<128x128xi32>
    %mul3A_4035 = arith.constant 128 : i32
    %mul3A_4036 = vector.broadcast %mul3A_4035 : i32 to vector<128x128xi32>
    %mul3A_4037 = arith.muli %select_n3A_4034, %mul3A_4036 : vector<128x128xi32>
    %add3A_4038 = vector.broadcast %add3A_4012 : i32 to vector<128x128xi32>
    %add3A_4039 = arith.addi %add3A_4038, %mul3A_4037 : vector<128x128xi32>
    %add3A_4040 = arith.addi %add3A_4039, %iota3A_0 : vector<128x128xi32>
    %lt3A_4041 = arith.constant 1000001 : i32
    %lt3A_4042 = vector.broadcast %lt3A_4041 : i32 to vector<128x128xi32>
    %lt3A_4043 = arith.cmpi slt, %add3A_4040, %lt3A_4042 : vector<128x128xi32>
    %jit3A_4044 = arith.constant 0.000000e+00 : f32
    %broadcast_in_dim3A_4045 = vector.broadcast %jit3A_4044 : f32 to vector<128x128xf32>
    %select_n3A_4046 = arith.select %lt3A_4043, %reshape3A_4010, %broadcast_in_dim3A_4045 : vector<128x128xi1>, vector<128x128xf32>
    %dot_general3A_4047 = arith.constant dense<0.000000e+00> : vector<128x128xf32>
    %dot_general3A_4048 = tpu.matmul %select_n3A_4046, %convert_element_type3A_47, %dot_general3A_4047 {dimension_numbers = #tpu.dot_dimension_numbers<[0], [0], [1], [1], [0, 1, 1, 1], [], []>, transpose_lhs_hint = false} : vector<128x128xf32>, vector<128x128xf32>, vector<128x128xf32> -> vector<128x128xf32>
    %swap3A_4049 = arith.constant 3584 : index
    %swap3A_4050 = arith.constant 0 : index
    %swap3A_4051 = vector.load %arg6[%swap3A_4049, %swap3A_4050] : memref<4096x128xf32, #tpu.memory_space<vmem>>, vector<128x128xf32>
    tpu.vector_store %arg6[%swap3A_4049, %swap3A_4050], %dot_general3A_4048 {strides = array<i32>} : memref<4096x128xf32, #tpu.memory_space<vmem>>, vector<128x128xf32>,
    %slice3A_4052 = vector.extract_strided_slice %get3A_2804 {offsets = [0, 29696], sizes = [16, 1024], strides = [1, 1]} : vector<16x32768xf32> to vector<16x1024xf32>
    %reshape3A_4053 = vector.shape_cast %slice3A_4052 : vector<16x1024xf32> to vector<128x128xf32>
    %add3A_4054 = arith.constant 29696 : i32
    %add3A_4055 = arith.addi %mul3A_49, %add3A_4054 : i32
    %jit3A_4056 = arith.constant 8 : i32
    %eq3A_4057 = arith.constant 0 : i32
    %eq3A_4058 = arith.cmpi eq, %jit3A_4056, %eq3A_4057 : i32
    %jit3A_4059 = arith.constant 1 : i32
    %select_n3A_4060 = arith.select %eq3A_4058, %jit3A_4059, %jit3A_4056 : i32
    %rem3A_4061 = vector.broadcast %select_n3A_4060 : i32 to vector<128x128xi32>
    %rem3A_4062 = arith.remsi %iota3A, %rem3A_4061 : vector<128x128xi32>
    %ne3A_4063 = arith.constant 0 : i32
    %ne3A_4064 = vector.broadcast %ne3A_4063 : i32 to vector<128x128xi32>
    %ne3A_4065 = arith.cmpi ne, %rem3A_4062, %ne3A_4064 : vector<128x128xi32>
    %lt3A_4066 = arith.constant 0 : i32
    %lt3A_4067 = vector.broadcast %lt3A_4066 : i32 to vector<128x128xi32>
    %lt3A_4068 = arith.cmpi slt, %rem3A_4062, %lt3A_4067 : vector<128x128xi32>
    %lt3A_4069 = arith.constant 0 : i32
    %lt3A_4070 = arith.cmpi slt, %select_n3A_4060, %lt3A_4069 : i32
    %ne3A_4071 = vector.broadcast %lt3A_4070 : i1 to vector<128x128xi1>
    %ne3A_4072 = vector.broadcast %ne3A_4071 : vector<128x128xi1> to vector<128x128xi1>
    %ne3A_4073 = arith.xori %lt3A_4068, %ne3A_4072 : vector<128x128xi1>
    %and3A_4074 = arith.andi %ne3A_4073, %ne3A_4065 : vector<128x128xi1>
    %add3A_4075 = vector.broadcast %select_n3A_4060 : i32 to vector<128x128xi32>
    %add3A_4076 = arith.addi %rem3A_4062, %add3A_4075 : vector<128x128xi32>
    %select_n3A_4077 = arith.select %and3A_4074, %add3A_4076, %rem3A_4062 : vector<128x128xi1>, vector<128x128xi32>
    %mul3A_4078 = arith.constant 128 : i32
    %mul3A_4079 = vector.broadcast %mul3A_4078 : i32 to vector<128x128xi32>
    %mul3A_4080 = arith.muli %select_n3A_4077, %mul3A_4079 : vector<128x128xi32>
    %add3A_4081 = vector.broadcast %add3A_4055 : i32 to vector<128x128xi32>
    %add3A_4082 = arith.addi %add3A_4081, %mul3A_4080 : vector<128x128xi32>
    %add3A_4083 = arith.addi %add3A_4082, %iota3A_0 : vector<128x128xi32>
    %lt3A_4084 = arith.constant 1000001 : i32
    %lt3A_4085 = vector.broadcast %lt3A_4084 : i32 to vector<128x128xi32>
    %lt3A_4086 = arith.cmpi slt, %add3A_4083, %lt3A_4085 : vector<128x128xi32>
    %jit3A_4087 = arith.constant 0.000000e+00 : f32
    %broadcast_in_dim3A_4088 = vector.broadcast %jit3A_4087 : f32 to vector<128x128xf32>
    %select_n3A_4089 = arith.select %lt3A_4086, %reshape3A_4053, %broadcast_in_dim3A_4088 : vector<128x128xi1>, vector<128x128xf32>
    %dot_general3A_4090 = arith.constant dense<0.000000e+00> : vector<128x128xf32>
    %dot_general3A_4091 = tpu.matmul %select_n3A_4089, %convert_element_type3A_47, %dot_general3A_4090 {dimension_numbers = #tpu.dot_dimension_numbers<[0], [0], [1], [1], [0, 1, 1, 1], [], []>, transpose_lhs_hint = false} : vector<128x128xf32>, vector<128x128xf32>, vector<128x128xf32> -> vector<128x128xf32>
    %swap3A_4092 = arith.constant 3712 : index
    %swap3A_4093 = arith.constant 0 : index
    %swap3A_4094 = vector.load %arg6[%swap3A_4092, %swap3A_4093] : memref<4096x128xf32, #tpu.memory_space<vmem>>, vector<128x128xf32>
    tpu.vector_store %arg6[%swap3A_4092, %swap3A_4093], %dot_general3A_4091 {strides = array<i32>} : memref<4096x128xf32, #tpu.memory_space<vmem>>, vector<128x128xf32>,
    %slice3A_4095 = vector.extract_strided_slice %get3A_2804 {offsets = [0, 30720], sizes = [16, 1024], strides = [1, 1]} : vector<16x32768xf32> to vector<16x1024xf32>
    %reshape3A_4096 = vector.shape_cast %slice3A_4095 : vector<16x1024xf32> to vector<128x128xf32>
    %add3A_4097 = arith.constant 30720 : i32
    %add3A_4098 = arith.addi %mul3A_49, %add3A_4097 : i32
    %jit3A_4099 = arith.constant 8 : i32
    %eq3A_4100 = arith.constant 0 : i32
    %eq3A_4101 = arith.cmpi eq, %jit3A_4099, %eq3A_4100 : i32
    %jit3A_4102 = arith.constant 1 : i32
    %select_n3A_4103 = arith.select %eq3A_4101, %jit3A_4102, %jit3A_4099 : i32
    %rem3A_4104 = vector.broadcast %select_n3A_4103 : i32 to vector<128x128xi32>
    %rem3A_4105 = arith.remsi %iota3A, %rem3A_4104 : vector<128x128xi32>
    %ne3A_4106 = arith.constant 0 : i32
    %ne3A_4107 = vector.broadcast %ne3A_4106 : i32 to vector<128x128xi32>
    %ne3A_4108 = arith.cmpi ne, %rem3A_4105, %ne3A_4107 : vector<128x128xi32>
    %lt3A_4109 = arith.constant 0 : i32
    %lt3A_4110 = vector.broadcast %lt3A_4109 : i32 to vector<128x128xi32>
    %lt3A_4111 = arith.cmpi slt, %rem3A_4105, %lt3A_4110 : vector<128x128xi32>
    %lt3A_4112 = arith.constant 0 : i32
    %lt3A_4113 = arith.cmpi slt, %select_n3A_4103, %lt3A_4112 : i32
    %ne3A_4114 = vector.broadcast %lt3A_4113 : i1 to vector<128x128xi1>
    %ne3A_4115 = vector.broadcast %ne3A_4114 : vector<128x128xi1> to vector<128x128xi1>
    %ne3A_4116 = arith.xori %lt3A_4111, %ne3A_4115 : vector<128x128xi1>
    %and3A_4117 = arith.andi %ne3A_4116, %ne3A_4108 : vector<128x128xi1>
    %add3A_4118 = vector.broadcast %select_n3A_4103 : i32 to vector<128x128xi32>
    %add3A_4119 = arith.addi %rem3A_4105, %add3A_4118 : vector<128x128xi32>
    %select_n3A_4120 = arith.select %and3A_4117, %add3A_4119, %rem3A_4105 : vector<128x128xi1>, vector<128x128xi32>
    %mul3A_4121 = arith.constant 128 : i32
    %mul3A_4122 = vector.broadcast %mul3A_4121 : i32 to vector<128x128xi32>
    %mul3A_4123 = arith.muli %select_n3A_4120, %mul3A_4122 : vector<128x128xi32>
    %add3A_4124 = vector.broadcast %add3A_4098 : i32 to vector<128x128xi32>
    %add3A_4125 = arith.addi %add3A_4124, %mul3A_4123 : vector<128x128xi32>
    %add3A_4126 = arith.addi %add3A_4125, %iota3A_0 : vector<128x128xi32>
    %lt3A_4127 = arith.constant 1000001 : i32
    %lt3A_4128 = vector.broadcast %lt3A_4127 : i32 to vector<128x128xi32>
    %lt3A_4129 = arith.cmpi slt, %add3A_4126, %lt3A_4128 : vector<128x128xi32>
    %jit3A_4130 = arith.constant 0.000000e+00 : f32
    %broadcast_in_dim3A_4131 = vector.broadcast %jit3A_4130 : f32 to vector<128x128xf32>
    %select_n3A_4132 = arith.select %lt3A_4129, %reshape3A_4096, %broadcast_in_dim3A_4131 : vector<128x128xi1>, vector<128x128xf32>
    %dot_general3A_4133 = arith.constant dense<0.000000e+00> : vector<128x128xf32>
    %dot_general3A_4134 = tpu.matmul %select_n3A_4132, %convert_element_type3A_47, %dot_general3A_4133 {dimension_numbers = #tpu.dot_dimension_numbers<[0], [0], [1], [1], [0, 1, 1, 1], [], []>, transpose_lhs_hint = false} : vector<128x128xf32>, vector<128x128xf32>, vector<128x128xf32> -> vector<128x128xf32>
    %swap3A_4135 = arith.constant 3840 : index
    %swap3A_4136 = arith.constant 0 : index
    %swap3A_4137 = vector.load %arg6[%swap3A_4135, %swap3A_4136] : memref<4096x128xf32, #tpu.memory_space<vmem>>, vector<128x128xf32>
    tpu.vector_store %arg6[%swap3A_4135, %swap3A_4136], %dot_general3A_4134 {strides = array<i32>} : memref<4096x128xf32, #tpu.memory_space<vmem>>, vector<128x128xf32>,
    %slice3A_4138 = vector.extract_strided_slice %get3A_2804 {offsets = [0, 31744], sizes = [16, 1024], strides = [1, 1]} : vector<16x32768xf32> to vector<16x1024xf32>
    %reshape3A_4139 = vector.shape_cast %slice3A_4138 : vector<16x1024xf32> to vector<128x128xf32>
    %add3A_4140 = arith.constant 31744 : i32
    %add3A_4141 = arith.addi %mul3A_49, %add3A_4140 : i32
    %jit3A_4142 = arith.constant 8 : i32
    %eq3A_4143 = arith.constant 0 : i32
    %eq3A_4144 = arith.cmpi eq, %jit3A_4142, %eq3A_4143 : i32
    %jit3A_4145 = arith.constant 1 : i32
    %select_n3A_4146 = arith.select %eq3A_4144, %jit3A_4145, %jit3A_4142 : i32
    %rem3A_4147 = vector.broadcast %select_n3A_4146 : i32 to vector<128x128xi32>
    %rem3A_4148 = arith.remsi %iota3A, %rem3A_4147 : vector<128x128xi32>
    %ne3A_4149 = arith.constant 0 : i32
    %ne3A_4150 = vector.broadcast %ne3A_4149 : i32 to vector<128x128xi32>
    %ne3A_4151 = arith.cmpi ne, %rem3A_4148, %ne3A_4150 : vector<128x128xi32>
    %lt3A_4152 = arith.constant 0 : i32
    %lt3A_4153 = vector.broadcast %lt3A_4152 : i32 to vector<128x128xi32>
    %lt3A_4154 = arith.cmpi slt, %rem3A_4148, %lt3A_4153 : vector<128x128xi32>
    %lt3A_4155 = arith.constant 0 : i32
    %lt3A_4156 = arith.cmpi slt, %select_n3A_4146, %lt3A_4155 : i32
    %ne3A_4157 = vector.broadcast %lt3A_4156 : i1 to vector<128x128xi1>
    %ne3A_4158 = vector.broadcast %ne3A_4157 : vector<128x128xi1> to vector<128x128xi1>
    %ne3A_4159 = arith.xori %lt3A_4154, %ne3A_4158 : vector<128x128xi1>
    %and3A_4160 = arith.andi %ne3A_4159, %ne3A_4151 : vector<128x128xi1>
    %add3A_4161 = vector.broadcast %select_n3A_4146 : i32 to vector<128x128xi32>
    %add3A_4162 = arith.addi %rem3A_4148, %add3A_4161 : vector<128x128xi32>
    %select_n3A_4163 = arith.select %and3A_4160, %add3A_4162, %rem3A_4148 : vector<128x128xi1>, vector<128x128xi32>
    %mul3A_4164 = arith.constant 128 : i32
    %mul3A_4165 = vector.broadcast %mul3A_4164 : i32 to vector<128x128xi32>
    %mul3A_4166 = arith.muli %select_n3A_4163, %mul3A_4165 : vector<128x128xi32>
    %add3A_4167 = vector.broadcast %add3A_4141 : i32 to vector<128x128xi32>
    %add3A_4168 = arith.addi %add3A_4167, %mul3A_4166 : vector<128x128xi32>
    %add3A_4169 = arith.addi %add3A_4168, %iota3A_0 : vector<128x128xi32>
    %lt3A_4170 = arith.constant 1000001 : i32
    %lt3A_4171 = vector.broadcast %lt3A_4170 : i32 to vector<128x128xi32>
    %lt3A_4172 = arith.cmpi slt, %add3A_4169, %lt3A_4171 : vector<128x128xi32>
    %jit3A_4173 = arith.constant 0.000000e+00 : f32
    %broadcast_in_dim3A_4174 = vector.broadcast %jit3A_4173 : f32 to vector<128x128xf32>
    %select_n3A_4175 = arith.select %lt3A_4172, %reshape3A_4139, %broadcast_in_dim3A_4174 : vector<128x128xi1>, vector<128x128xf32>
    %dot_general3A_4176 = arith.constant dense<0.000000e+00> : vector<128x128xf32>
    %dot_general3A_4177 = tpu.matmul %select_n3A_4175, %convert_element_type3A_47, %dot_general3A_4176 {dimension_numbers = #tpu.dot_dimension_numbers<[0], [0], [1], [1], [0, 1, 1, 1], [], []>, transpose_lhs_hint = false} : vector<128x128xf32>, vector<128x128xf32>, vector<128x128xf32> -> vector<128x128xf32>
    %swap3A_4178 = arith.constant 3968 : index
    %swap3A_4179 = arith.constant 0 : index
    %swap3A_4180 = vector.load %arg6[%swap3A_4178, %swap3A_4179] : memref<4096x128xf32, #tpu.memory_space<vmem>>, vector<128x128xf32>
    tpu.vector_store %arg6[%swap3A_4178, %swap3A_4179], %dot_general3A_4177 {strides = array<i32>} : memref<4096x128xf32, #tpu.memory_space<vmem>>, vector<128x128xf32>,
    return
  }
  func.func @transform_0(%arg0: i32) -> (i32, i32) {
    %c0_i32 = arith.constant 0 : i32
    %c0_i32_0 = arith.constant 0 : i32
    return %c0_i32, %arg0 : i32, i32
  }
  func.func @transform_1(%arg0: i32) -> (i32, i32) {
    %c0_i32 = arith.constant 0 : i32
    %c0_i32_0 = arith.constant 0 : i32
    return %c0_i32, %arg0 : i32, i32
  }
  func.func @transform_2(%arg0: i32) -> (i32, i32) {
    %c0_i32 = arith.constant 0 : i32
    %c0_i32_0 = arith.constant 0 : i32
    return %c0_i32, %arg0 : i32, i32
  }
  func.func @transform_3(%arg0: i32) -> (i32, i32) {
    %c0_i32 = arith.constant 0 : i32
    %c0_i32_0 = arith.constant 0 : i32
    return %arg0, %c0_i32 : i32, i32
  }
  func.func @transform_4(%arg0: i32) -> (i32, i32) {
    %c0_i32 = arith.constant 0 : i32
    %c0_i32_0 = arith.constant 0 : i32
    return %arg0, %c0_i32 : i32, i32
  }
  func.func @transform_5(%arg0: i32) -> (i32, i32) {
    %c0_i32 = arith.constant 0 : i32
    %c0_i32_0 = arith.constant 0 : i32
    return %arg0, %c0_i32 : i32, i32
  }
}

module attributes {stable_mosaic.version = 14 : i64} {
  func.func @_wide_body(%arg0: i32, %arg1: memref<4096x256xf32, #tpu.memory_space<vmem>>, %arg2: memref<256x64xf32, #tpu.memory_space<vmem>>, %arg3: memref<1x64xf32, #tpu.memory_space<vmem>>, %arg4: memref<64x16xf32, #tpu.memory_space<vmem>>, %arg5: memref<1x16xf32, #tpu.memory_space<vmem>>, %arg6: memref<4096x16xf32, #tpu.memory_space<vmem>>) attributes {dimension_semantics = [#tpu.dimension_semantics<arbitrary>], iteration_bounds = array<i64: 4>, scalar_prefetch = 0 : i64, scratch_operands = 0 : i64, tpu.core_type = #tpu.core_type<tc>, window_params = [{transform_indices = @transform_0, window_bounds = array<i64: 4096, 256>}, {pipeline_mode = #tpu.pipeline_mode<synchronous>, transform_indices = @transform_1, window_bounds = array<i64: 256, 64>}, {pipeline_mode = #tpu.pipeline_mode<synchronous>, transform_indices = @transform_2, window_bounds = array<i64: 1, 64>}, {pipeline_mode = #tpu.pipeline_mode<synchronous>, transform_indices = @transform_3, window_bounds = array<i64: 64, 16>}, {pipeline_mode = #tpu.pipeline_mode<synchronous>, transform_indices = @transform_4, window_bounds = array<i64: 1, 16>}, {transform_indices = @transform_5, window_bounds = array<i64: 4096, 16>}]} {
    %get3A = arith.constant 0 : index
    %get3A_0 = arith.constant 0 : index
    %get3A_1 = vector.load %arg1[%get3A, %get3A_0] : memref<4096x256xf32, #tpu.memory_space<vmem>>, vector<4096x256xf32>
    %get3A_2 = arith.constant 0 : index
    %get3A_3 = arith.constant 0 : index
    %get3A_4 = vector.load %arg2[%get3A_2, %get3A_3] : memref<256x64xf32, #tpu.memory_space<vmem>>, vector<256x64xf32>
    %dot_general3A = arith.constant dense<0.000000e+00> : vector<4096x64xf32>
    %dot_general3A_5 = tpu.matmul %get3A_1, %get3A_4, %dot_general3A {dimension_numbers = #tpu.dot_dimension_numbers<[1], [0], [0], [1], [0, 0, 1, 1], [], []>, transpose_lhs_hint = false} : vector<4096x256xf32>, vector<256x64xf32>, vector<4096x64xf32> -> vector<4096x64xf32>
    %get3A_6 = arith.constant 0 : index
    %get3A_7 = arith.constant 0 : index
    %get3A_8 = vector.load %arg3[%get3A_6, %get3A_7] : memref<1x64xf32, #tpu.memory_space<vmem>>, vector<1x64xf32>
    %add3A = vector.broadcast %get3A_8 : vector<1x64xf32> to vector<4096x64xf32>
    %add3A_9 = arith.addf %dot_general3A_5, %add3A : vector<4096x64xf32>
    %max3A = arith.constant 0.000000e+00 : f32
    %max3A_10 = vector.broadcast %max3A : f32 to vector<4096x64xf32>
    %max3A_11 = arith.maximumf %add3A_9, %max3A_10 : vector<4096x64xf32>
    %get3A_12 = arith.constant 0 : index
    %get3A_13 = arith.constant 0 : index
    %get3A_14 = vector.load %arg4[%get3A_12, %get3A_13] : memref<64x16xf32, #tpu.memory_space<vmem>>, vector<64x16xf32>
    %dot_general3A_15 = arith.constant dense<0.000000e+00> : vector<4096x16xf32>
    %dot_general3A_16 = tpu.matmul %max3A_11, %get3A_14, %dot_general3A_15 {dimension_numbers = #tpu.dot_dimension_numbers<[1], [0], [0], [1], [0, 0, 1, 1], [], []>, transpose_lhs_hint = false} : vector<4096x64xf32>, vector<64x16xf32>, vector<4096x16xf32> -> vector<4096x16xf32>
    %get3A_17 = arith.constant 0 : index
    %get3A_18 = arith.constant 0 : index
    %get3A_19 = vector.load %arg5[%get3A_17, %get3A_18] : memref<1x16xf32, #tpu.memory_space<vmem>>, vector<1x16xf32>
    %add3A_20 = vector.broadcast %get3A_19 : vector<1x16xf32> to vector<4096x16xf32>
    %add3A_21 = arith.addf %dot_general3A_16, %add3A_20 : vector<4096x16xf32>
    %swap3A = arith.constant 0 : index
    %swap3A_22 = arith.constant 0 : index
    %swap3A_23 = vector.load %arg6[%swap3A, %swap3A_22] : memref<4096x16xf32, #tpu.memory_space<vmem>>, vector<4096x16xf32>
    tpu.vector_store %arg6[%swap3A, %swap3A_22], %add3A_21 {strides = array<i32>} : memref<4096x16xf32, #tpu.memory_space<vmem>>, vector<4096x16xf32>,
    return
  }
  func.func @transform_0(%arg0: i32) -> (i32, i32) {
    %c0_i32 = arith.constant 0 : i32
    %c0_i32_0 = arith.constant 0 : i32
    return %arg0, %c0_i32 : i32, i32
  }
  func.func @transform_1(%arg0: i32) -> (i32, i32) {
    %c0_i32 = arith.constant 0 : i32
    %c0_i32_0 = arith.constant 0 : i32
    %c0_i32_1 = arith.constant 0 : i32
    return %c0_i32, %c0_i32_0 : i32, i32
  }
  func.func @transform_2(%arg0: i32) -> (i32, i32) {
    %c0_i32 = arith.constant 0 : i32
    %c0_i32_0 = arith.constant 0 : i32
    %c0_i32_1 = arith.constant 0 : i32
    return %c0_i32, %c0_i32_0 : i32, i32
  }
  func.func @transform_3(%arg0: i32) -> (i32, i32) {
    %c0_i32 = arith.constant 0 : i32
    %c0_i32_0 = arith.constant 0 : i32
    %c0_i32_1 = arith.constant 0 : i32
    return %c0_i32, %c0_i32_0 : i32, i32
  }
  func.func @transform_4(%arg0: i32) -> (i32, i32) {
    %c0_i32 = arith.constant 0 : i32
    %c0_i32_0 = arith.constant 0 : i32
    %c0_i32_1 = arith.constant 0 : i32
    return %c0_i32, %c0_i32_0 : i32, i32
  }
  func.func @transform_5(%arg0: i32) -> (i32, i32) {
    %c0_i32 = arith.constant 0 : i32
    %c0_i32_0 = arith.constant 0 : i32
    return %arg0, %c0_i32 : i32, i32
  }
}

module attributes {stable_mosaic.version = 14 : i64} {
  func.func @_mlp_body(%arg0: i32, %arg1: memref<2048x16xf32, #tpu.memory_space<vmem>>, %arg2: memref<2048x128xf32, #tpu.memory_space<vmem>>, %arg3: memref<2048x128xf32, #tpu.memory_space<vmem>>, %arg4: memref<2048x128xf32, #tpu.memory_space<vmem>>, %arg5: memref<2048x1xi32, #tpu.memory_space<vmem>>, %arg6: memref<2048x1xi32, #tpu.memory_space<vmem>>, %arg7: memref<32x16xf32, #tpu.memory_space<vmem>>, %arg8: memref<1x16xf32, #tpu.memory_space<vmem>>, %arg9: memref<16x1xf32, #tpu.memory_space<vmem>>, %arg10: memref<1x2xf32, #tpu.memory_space<vmem>>, %arg11: memref<2048xf32, #tpu.memory_space<vmem>>) attributes {dimension_semantics = [#tpu.dimension_semantics<arbitrary>], iteration_bounds = array<i64: 8>, scalar_prefetch = 0 : i64, scratch_operands = 0 : i64, tpu.core_type = #tpu.core_type<tc>, window_params = [{transform_indices = @transform_0, window_bounds = array<i64: 2048, 16>}, {transform_indices = @transform_1, window_bounds = array<i64: 2048, 128>}, {transform_indices = @transform_2, window_bounds = array<i64: 2048, 128>}, {transform_indices = @transform_3, window_bounds = array<i64: 2048, 128>}, {transform_indices = @transform_4, window_bounds = array<i64: 2048, 1>}, {transform_indices = @transform_5, window_bounds = array<i64: 2048, 1>}, {pipeline_mode = #tpu.pipeline_mode<synchronous>, transform_indices = @transform_6, window_bounds = array<i64: 32, 16>}, {pipeline_mode = #tpu.pipeline_mode<synchronous>, transform_indices = @transform_7, window_bounds = array<i64: 1, 16>}, {pipeline_mode = #tpu.pipeline_mode<synchronous>, transform_indices = @transform_8, window_bounds = array<i64: 16, 1>}, {pipeline_mode = #tpu.pipeline_mode<synchronous>, transform_indices = @transform_9, window_bounds = array<i64: 1, 2>}, {transform_indices = @transform_10, window_bounds = array<i64: 2048>}]} {
    %iota3A = tpu.iota {dimensions = array<i32: 0>} : vector<128x16xi32>
    %jit3A = arith.constant 16 : i32
    %eq3A = arith.constant 0 : i32
    %eq3A_0 = arith.cmpi eq, %jit3A, %eq3A : i32
    %jit3A_1 = arith.constant 1 : i32
    %select_n3A = arith.select %eq3A_0, %jit3A_1, %jit3A : i32
    %rem3A = vector.broadcast %select_n3A : i32 to vector<128x16xi32>
    %rem3A_2 = arith.remsi %iota3A, %rem3A : vector<128x16xi32>
    %ne3A = arith.constant 0 : i32
    %ne3A_3 = vector.broadcast %ne3A : i32 to vector<128x16xi32>
    %ne3A_4 = arith.cmpi ne, %rem3A_2, %ne3A_3 : vector<128x16xi32>
    %lt3A = arith.constant 0 : i32
    %lt3A_5 = vector.broadcast %lt3A : i32 to vector<128x16xi32>
    %lt3A_6 = arith.cmpi slt, %rem3A_2, %lt3A_5 : vector<128x16xi32>
    %lt3A_7 = arith.constant 0 : i32
    %lt3A_8 = arith.cmpi slt, %select_n3A, %lt3A_7 : i32
    %ne3A_9 = vector.broadcast %lt3A_8 : i1 to vector<128x16xi1>
    %ne3A_10 = vector.broadcast %ne3A_9 : vector<128x16xi1> to vector<128x16xi1>
    %ne3A_11 = arith.xori %lt3A_6, %ne3A_10 : vector<128x16xi1>
    %and3A = arith.andi %ne3A_11, %ne3A_4 : vector<128x16xi1>
    %add3A = vector.broadcast %select_n3A : i32 to vector<128x16xi32>
    %add3A_12 = arith.addi %rem3A_2, %add3A : vector<128x16xi32>
    %select_n3A_13 = arith.select %and3A, %add3A_12, %rem3A_2 : vector<128x16xi1>, vector<128x16xi32>
    %iota3A_14 = tpu.iota {dimensions = array<i32: 1>} : vector<128x16xi32>
    %eq3A_15 = arith.cmpi eq, %select_n3A_13, %iota3A_14 : vector<128x16xi32>
    %convert_element_type3A = arith.extui %eq3A_15 : vector<128x16xi1> to vector<128x16xi32>
    %convert_element_type3A_16 = arith.sitofp %convert_element_type3A : vector<128x16xi32> to vector<128x16xf32>
    %get3A = arith.constant 0 : index
    %get3A_17 = arith.constant 0 : index
    %get3A_18 = vector.load %arg2[%get3A, %get3A_17] : memref<2048x128xf32, #tpu.memory_space<vmem>>, vector<2048x128xf32>
    %get3A_19 = arith.constant 0 : index
    %get3A_20 = arith.constant 0 : index
    %get3A_21 = vector.load %arg5[%get3A_19, %get3A_20] : memref<2048x1xi32, #tpu.memory_space<vmem>>, vector<2048x1xi32>
    %iota3A_22 = tpu.iota {dimensions = array<i32: 1>} : vector<2048x128xi32>
    %jit3A_23 = arith.constant 16 : i32
    %div3A = vector.broadcast %jit3A_23 : i32 to vector<2048x128xi32>
    %div3A_24 = arith.divsi %iota3A_22, %div3A : vector<2048x128xi32>
    %sign3A = arith.constant 0 : i32
    %sign3A_25 = vector.broadcast %sign3A : i32 to vector<2048x128xi32>
    %sign3A_26 = arith.cmpi sgt, %iota3A_22, %sign3A_25 : vector<2048x128xi32>
    %sign3A_27 = arith.extui %sign3A_26 : vector<2048x128xi1> to vector<2048x128xi32>
    %sign3A_28 = arith.constant 0 : i32
    %sign3A_29 = vector.broadcast %sign3A_28 : i32 to vector<2048x128xi32>
    %sign3A_30 = arith.cmpi slt, %iota3A_22, %sign3A_29 : vector<2048x128xi32>
    %sign3A_31 = arith.extui %sign3A_30 : vector<2048x128xi1> to vector<2048x128xi32>
    %sign3A_32 = arith.subi %sign3A_27, %sign3A_31 : vector<2048x128xi32>
    %sign3A_33 = arith.constant 0 : i32
    %sign3A_34 = arith.cmpi sgt, %jit3A_23, %sign3A_33 : i32
    %sign3A_35 = arith.extui %sign3A_34 : i1 to i32
    %sign3A_36 = arith.constant 0 : i32
    %sign3A_37 = arith.cmpi slt, %jit3A_23, %sign3A_36 : i32
    %sign3A_38 = arith.extui %sign3A_37 : i1 to i32
    %sign3A_39 = arith.subi %sign3A_35, %sign3A_38 : i32
    %ne3A_40 = vector.broadcast %sign3A_39 : i32 to vector<2048x128xi32>
    %ne3A_41 = arith.cmpi ne, %sign3A_32, %ne3A_40 : vector<2048x128xi32>
    %rem3A_42 = vector.broadcast %jit3A_23 : i32 to vector<2048x128xi32>
    %rem3A_43 = arith.remsi %iota3A_22, %rem3A_42 : vector<2048x128xi32>
    %ne3A_44 = arith.constant 0 : i32
    %ne3A_45 = vector.broadcast %ne3A_44 : i32 to vector<2048x128xi32>
    %ne3A_46 = arith.cmpi ne, %rem3A_43, %ne3A_45 : vector<2048x128xi32>
    %and3A_47 = arith.andi %ne3A_41, %ne3A_46 : vector<2048x128xi1>
    %sub3A = arith.constant 1 : i32
    %sub3A_48 = vector.broadcast %sub3A : i32 to vector<2048x128xi32>
    %sub3A_49 = arith.subi %div3A_24, %sub3A_48 : vector<2048x128xi32>
    %select_n3A_50 = arith.select %and3A_47, %sub3A_49, %div3A_24 : vector<2048x128xi1>, vector<2048x128xi32>
    %eq3A_51 = vector.broadcast %get3A_21 : vector<2048x1xi32> to vector<2048x128xi32>
    %eq3A_52 = arith.cmpi eq, %select_n3A_50, %eq3A_51 : vector<2048x128xi32>
    %convert_element_type3A_53 = arith.extui %eq3A_52 : vector<2048x128xi1> to vector<2048x128xi32>
    %convert_element_type3A_54 = arith.sitofp %convert_element_type3A_53 : vector<2048x128xi32> to vector<2048x128xf32>
    %mul3A = arith.mulf %get3A_18, %convert_element_type3A_54 : vector<2048x128xf32>
    %dot_general3A = arith.constant dense<0.000000e+00> : vector<2048x16xf32>
    %dot_general3A_55 = tpu.matmul %mul3A, %convert_element_type3A_16, %dot_general3A {dimension_numbers = #tpu.dot_dimension_numbers<[1], [0], [0], [1], [0, 0, 1, 1], [], []>, transpose_lhs_hint = false} : vector<2048x128xf32>, vector<128x16xf32>, vector<2048x16xf32> -> vector<2048x16xf32>
    %get3A_56 = arith.constant 0 : index
    %get3A_57 = arith.constant 0 : index
    %get3A_58 = vector.load %arg3[%get3A_56, %get3A_57] : memref<2048x128xf32, #tpu.memory_space<vmem>>, vector<2048x128xf32>
    %get3A_59 = arith.constant 0 : index
    %get3A_60 = arith.constant 0 : index
    %get3A_61 = vector.load %arg6[%get3A_59, %get3A_60] : memref<2048x1xi32, #tpu.memory_space<vmem>>, vector<2048x1xi32>
    %iota3A_62 = tpu.iota {dimensions = array<i32: 1>} : vector<2048x128xi32>
    %jit3A_63 = arith.constant 16 : i32
    %div3A_64 = vector.broadcast %jit3A_63 : i32 to vector<2048x128xi32>
    %div3A_65 = arith.divsi %iota3A_62, %div3A_64 : vector<2048x128xi32>
    %sign3A_66 = arith.constant 0 : i32
    %sign3A_67 = vector.broadcast %sign3A_66 : i32 to vector<2048x128xi32>
    %sign3A_68 = arith.cmpi sgt, %iota3A_62, %sign3A_67 : vector<2048x128xi32>
    %sign3A_69 = arith.extui %sign3A_68 : vector<2048x128xi1> to vector<2048x128xi32>
    %sign3A_70 = arith.constant 0 : i32
    %sign3A_71 = vector.broadcast %sign3A_70 : i32 to vector<2048x128xi32>
    %sign3A_72 = arith.cmpi slt, %iota3A_62, %sign3A_71 : vector<2048x128xi32>
    %sign3A_73 = arith.extui %sign3A_72 : vector<2048x128xi1> to vector<2048x128xi32>
    %sign3A_74 = arith.subi %sign3A_69, %sign3A_73 : vector<2048x128xi32>
    %sign3A_75 = arith.constant 0 : i32
    %sign3A_76 = arith.cmpi sgt, %jit3A_63, %sign3A_75 : i32
    %sign3A_77 = arith.extui %sign3A_76 : i1 to i32
    %sign3A_78 = arith.constant 0 : i32
    %sign3A_79 = arith.cmpi slt, %jit3A_63, %sign3A_78 : i32
    %sign3A_80 = arith.extui %sign3A_79 : i1 to i32
    %sign3A_81 = arith.subi %sign3A_77, %sign3A_80 : i32
    %ne3A_82 = vector.broadcast %sign3A_81 : i32 to vector<2048x128xi32>
    %ne3A_83 = arith.cmpi ne, %sign3A_74, %ne3A_82 : vector<2048x128xi32>
    %rem3A_84 = vector.broadcast %jit3A_63 : i32 to vector<2048x128xi32>
    %rem3A_85 = arith.remsi %iota3A_62, %rem3A_84 : vector<2048x128xi32>
    %ne3A_86 = arith.constant 0 : i32
    %ne3A_87 = vector.broadcast %ne3A_86 : i32 to vector<2048x128xi32>
    %ne3A_88 = arith.cmpi ne, %rem3A_85, %ne3A_87 : vector<2048x128xi32>
    %and3A_89 = arith.andi %ne3A_83, %ne3A_88 : vector<2048x128xi1>
    %sub3A_90 = arith.constant 1 : i32
    %sub3A_91 = vector.broadcast %sub3A_90 : i32 to vector<2048x128xi32>
    %sub3A_92 = arith.subi %div3A_65, %sub3A_91 : vector<2048x128xi32>
    %select_n3A_93 = arith.select %and3A_89, %sub3A_92, %div3A_65 : vector<2048x128xi1>, vector<2048x128xi32>
    %eq3A_94 = vector.broadcast %get3A_61 : vector<2048x1xi32> to vector<2048x128xi32>
    %eq3A_95 = arith.cmpi eq, %select_n3A_93, %eq3A_94 : vector<2048x128xi32>
    %convert_element_type3A_96 = arith.extui %eq3A_95 : vector<2048x128xi1> to vector<2048x128xi32>
    %convert_element_type3A_97 = arith.sitofp %convert_element_type3A_96 : vector<2048x128xi32> to vector<2048x128xf32>
    %mul3A_98 = arith.mulf %get3A_58, %convert_element_type3A_97 : vector<2048x128xf32>
    %dot_general3A_99 = arith.constant dense<0.000000e+00> : vector<2048x16xf32>
    %dot_general3A_100 = tpu.matmul %mul3A_98, %convert_element_type3A_16, %dot_general3A_99 {dimension_numbers = #tpu.dot_dimension_numbers<[1], [0], [0], [1], [0, 0, 1, 1], [], []>, transpose_lhs_hint = false} : vector<2048x128xf32>, vector<128x16xf32>, vector<2048x16xf32> -> vector<2048x16xf32>
    %get3A_101 = arith.constant 0 : index
    %get3A_102 = arith.constant 0 : index
    %get3A_103 = vector.load %arg4[%get3A_101, %get3A_102] : memref<2048x128xf32, #tpu.memory_space<vmem>>, vector<2048x128xf32>
    %get3A_104 = arith.constant 0 : index
    %get3A_105 = arith.constant 0 : index
    %get3A_106 = vector.load %arg6[%get3A_104, %get3A_105] : memref<2048x1xi32, #tpu.memory_space<vmem>>, vector<2048x1xi32>
    %iota3A_107 = tpu.iota {dimensions = array<i32: 1>} : vector<2048x128xi32>
    %jit3A_108 = arith.constant 16 : i32
    %div3A_109 = vector.broadcast %jit3A_108 : i32 to vector<2048x128xi32>
    %div3A_110 = arith.divsi %iota3A_107, %div3A_109 : vector<2048x128xi32>
    %sign3A_111 = arith.constant 0 : i32
    %sign3A_112 = vector.broadcast %sign3A_111 : i32 to vector<2048x128xi32>
    %sign3A_113 = arith.cmpi sgt, %iota3A_107, %sign3A_112 : vector<2048x128xi32>
    %sign3A_114 = arith.extui %sign3A_113 : vector<2048x128xi1> to vector<2048x128xi32>
    %sign3A_115 = arith.constant 0 : i32
    %sign3A_116 = vector.broadcast %sign3A_115 : i32 to vector<2048x128xi32>
    %sign3A_117 = arith.cmpi slt, %iota3A_107, %sign3A_116 : vector<2048x128xi32>
    %sign3A_118 = arith.extui %sign3A_117 : vector<2048x128xi1> to vector<2048x128xi32>
    %sign3A_119 = arith.subi %sign3A_114, %sign3A_118 : vector<2048x128xi32>
    %sign3A_120 = arith.constant 0 : i32
    %sign3A_121 = arith.cmpi sgt, %jit3A_108, %sign3A_120 : i32
    %sign3A_122 = arith.extui %sign3A_121 : i1 to i32
    %sign3A_123 = arith.constant 0 : i32
    %sign3A_124 = arith.cmpi slt, %jit3A_108, %sign3A_123 : i32
    %sign3A_125 = arith.extui %sign3A_124 : i1 to i32
    %sign3A_126 = arith.subi %sign3A_122, %sign3A_125 : i32
    %ne3A_127 = vector.broadcast %sign3A_126 : i32 to vector<2048x128xi32>
    %ne3A_128 = arith.cmpi ne, %sign3A_119, %ne3A_127 : vector<2048x128xi32>
    %rem3A_129 = vector.broadcast %jit3A_108 : i32 to vector<2048x128xi32>
    %rem3A_130 = arith.remsi %iota3A_107, %rem3A_129 : vector<2048x128xi32>
    %ne3A_131 = arith.constant 0 : i32
    %ne3A_132 = vector.broadcast %ne3A_131 : i32 to vector<2048x128xi32>
    %ne3A_133 = arith.cmpi ne, %rem3A_130, %ne3A_132 : vector<2048x128xi32>
    %and3A_134 = arith.andi %ne3A_128, %ne3A_133 : vector<2048x128xi1>
    %sub3A_135 = arith.constant 1 : i32
    %sub3A_136 = vector.broadcast %sub3A_135 : i32 to vector<2048x128xi32>
    %sub3A_137 = arith.subi %div3A_110, %sub3A_136 : vector<2048x128xi32>
    %select_n3A_138 = arith.select %and3A_134, %sub3A_137, %div3A_110 : vector<2048x128xi1>, vector<2048x128xi32>
    %eq3A_139 = vector.broadcast %get3A_106 : vector<2048x1xi32> to vector<2048x128xi32>
    %eq3A_140 = arith.cmpi eq, %select_n3A_138, %eq3A_139 : vector<2048x128xi32>
    %convert_element_type3A_141 = arith.extui %eq3A_140 : vector<2048x128xi1> to vector<2048x128xi32>
    %convert_element_type3A_142 = arith.sitofp %convert_element_type3A_141 : vector<2048x128xi32> to vector<2048x128xf32>
    %mul3A_143 = arith.mulf %get3A_103, %convert_element_type3A_142 : vector<2048x128xf32>
    %dot_general3A_144 = arith.constant dense<0.000000e+00> : vector<2048x16xf32>
    %dot_general3A_145 = tpu.matmul %mul3A_143, %convert_element_type3A_16, %dot_general3A_144 {dimension_numbers = #tpu.dot_dimension_numbers<[1], [0], [0], [1], [0, 0, 1, 1], [], []>, transpose_lhs_hint = false} : vector<2048x128xf32>, vector<128x16xf32>, vector<2048x16xf32> -> vector<2048x16xf32>
    %get3A_146 = arith.constant 0 : index
    %get3A_147 = arith.constant 0 : index
    %get3A_148 = vector.load %arg1[%get3A_146, %get3A_147] : memref<2048x16xf32, #tpu.memory_space<vmem>>, vector<2048x16xf32>
    %mul3A_149 = arith.mulf %get3A_148, %dot_general3A_145 : vector<2048x16xf32>
    %reduce_sum3A = arith.constant dense<0.000000e+00> : vector<2048xf32>
    %reduce_sum3A_150 = vector.multi_reduction <add>, %mul3A_149, %reduce_sum3A [1] : vector<2048x16xf32> to vector<2048xf32>
    %broadcast_in_dim3A = vector.shape_cast %reduce_sum3A_150 : vector<2048xf32> to vector<2048x1xf32>
    %concatenate3A = tpu.concatenate %dot_general3A_55, %dot_general3A_100 in 1 : vector<2048x16xf32>, vector<2048x16xf32> -> vector<2048x32xf32>
    %get3A_151 = arith.constant 0 : index
    %get3A_152 = arith.constant 0 : index
    %get3A_153 = vector.load %arg7[%get3A_151, %get3A_152] : memref<32x16xf32, #tpu.memory_space<vmem>>, vector<32x16xf32>
    %dot_general3A_154 = arith.constant dense<0.000000e+00> : vector<2048x16xf32>
    %dot_general3A_155 = tpu.matmul %concatenate3A, %get3A_153, %dot_general3A_154 {dimension_numbers = #tpu.dot_dimension_numbers<[1], [0], [0], [1], [0, 0, 1, 1], [], []>, transpose_lhs_hint = false} : vector<2048x32xf32>, vector<32x16xf32>, vector<2048x16xf32> -> vector<2048x16xf32>
    %get3A_156 = arith.constant 0 : index
    %get3A_157 = arith.constant 0 : index
    %get3A_158 = vector.load %arg8[%get3A_156, %get3A_157] : memref<1x16xf32, #tpu.memory_space<vmem>>, vector<1x16xf32>
    %add3A_159 = vector.broadcast %get3A_158 : vector<1x16xf32> to vector<2048x16xf32>
    %add3A_160 = arith.addf %dot_general3A_155, %add3A_159 : vector<2048x16xf32>
    %logistic3A = arith.negf %add3A_160 : vector<2048x16xf32>
    %logistic3A_161 = math.exp %logistic3A : vector<2048x16xf32>
    %logistic3A_162 = arith.constant 1.000000e+00 : f32
    %logistic3A_163 = vector.broadcast %logistic3A_162 : f32 to vector<2048x16xf32>
    %logistic3A_164 = arith.addf %logistic3A_163, %logistic3A_161 : vector<2048x16xf32>
    %logistic3A_165 = arith.divf %logistic3A_163, %logistic3A_164 : vector<2048x16xf32>
    %get3A_166 = arith.constant 0 : index
    %get3A_167 = arith.constant 0 : index
    %get3A_168 = vector.load %arg9[%get3A_166, %get3A_167] : memref<16x1xf32, #tpu.memory_space<vmem>>, vector<16x1xf32>
    %dot_general3A_169 = arith.constant dense<0.000000e+00> : vector<2048x1xf32>
    %dot_general3A_170 = tpu.matmul %logistic3A_165, %get3A_168, %dot_general3A_169 {dimension_numbers = #tpu.dot_dimension_numbers<[1], [0], [0], [1], [0, 0, 1, 1], [], []>, transpose_lhs_hint = false} : vector<2048x16xf32>, vector<16x1xf32>, vector<2048x1xf32> -> vector<2048x1xf32>
    %get3A_171 = arith.constant 0 : index
    %get3A_172 = arith.constant 0 : index
    %get3A_173 = vector.load %arg10[%get3A_171, %get3A_172] : memref<1x2xf32, #tpu.memory_space<vmem>>, vector<1x1xf32>
    %get3A_174 = vector.extract %get3A_173[0, 0] : f32 from vector<1x1xf32>
    %get3A_175 = arith.constant 0 : index
    %get3A_176 = arith.constant 1 : index
    %get3A_177 = vector.load %arg10[%get3A_175, %get3A_176] : memref<1x2xf32, #tpu.memory_space<vmem>>, vector<1x1xf32>
    %get3A_178 = vector.extract %get3A_177[0, 0] : f32 from vector<1x1xf32>
    %mul3A_179 = vector.broadcast %get3A_174 : f32 to vector<2048x1xf32>
    %mul3A_180 = arith.mulf %broadcast_in_dim3A, %mul3A_179 : vector<2048x1xf32>
    %add3A_181 = vector.broadcast %get3A_178 : f32 to vector<2048x1xf32>
    %add3A_182 = arith.addf %mul3A_180, %add3A_181 : vector<2048x1xf32>
    %add3A_183 = arith.addf %add3A_182, %dot_general3A_170 : vector<2048x1xf32>
    %logistic3A_184 = arith.negf %add3A_183 : vector<2048x1xf32>
    %logistic3A_185 = math.exp %logistic3A_184 : vector<2048x1xf32>
    %logistic3A_186 = arith.constant 1.000000e+00 : f32
    %logistic3A_187 = vector.broadcast %logistic3A_186 : f32 to vector<2048x1xf32>
    %logistic3A_188 = arith.addf %logistic3A_187, %logistic3A_185 : vector<2048x1xf32>
    %logistic3A_189 = arith.divf %logistic3A_187, %logistic3A_188 : vector<2048x1xf32>
    %squeeze3A = vector.shape_cast %logistic3A_189 : vector<2048x1xf32> to vector<2048xf32>
    %swap3A = arith.constant 0 : index
    %swap3A_190 = vector.load %arg11[%swap3A] : memref<2048xf32, #tpu.memory_space<vmem>>, vector<2048xf32>
    tpu.vector_store %arg11[%swap3A], %squeeze3A {strides = array<i32>} : memref<2048xf32, #tpu.memory_space<vmem>>, vector<2048xf32>,
    return
  }
  func.func @transform_0(%arg0: i32) -> (i32, i32) {
    %c0_i32 = arith.constant 0 : i32
    %c0_i32_0 = arith.constant 0 : i32
    return %arg0, %c0_i32 : i32, i32
  }
  func.func @transform_1(%arg0: i32) -> (i32, i32) {
    %c0_i32 = arith.constant 0 : i32
    %c0_i32_0 = arith.constant 0 : i32
    return %arg0, %c0_i32 : i32, i32
  }
  func.func @transform_2(%arg0: i32) -> (i32, i32) {
    %c0_i32 = arith.constant 0 : i32
    %c0_i32_0 = arith.constant 0 : i32
    return %arg0, %c0_i32 : i32, i32
  }
  func.func @transform_3(%arg0: i32) -> (i32, i32) {
    %c0_i32 = arith.constant 0 : i32
    %c0_i32_0 = arith.constant 0 : i32
    return %arg0, %c0_i32 : i32, i32
  }
  func.func @transform_4(%arg0: i32) -> (i32, i32) {
    %c0_i32 = arith.constant 0 : i32
    %c0_i32_0 = arith.constant 0 : i32
    return %arg0, %c0_i32 : i32, i32
  }
  func.func @transform_5(%arg0: i32) -> (i32, i32) {
    %c0_i32 = arith.constant 0 : i32
    %c0_i32_0 = arith.constant 0 : i32
    return %arg0, %c0_i32 : i32, i32
  }
  func.func @transform_6(%arg0: i32) -> (i32, i32) {
    %c0_i32 = arith.constant 0 : i32
    %c0_i32_0 = arith.constant 0 : i32
    %c0_i32_1 = arith.constant 0 : i32
    return %c0_i32, %c0_i32_0 : i32, i32
  }
  func.func @transform_7(%arg0: i32) -> (i32, i32) {
    %c0_i32 = arith.constant 0 : i32
    %c0_i32_0 = arith.constant 0 : i32
    %c0_i32_1 = arith.constant 0 : i32
    return %c0_i32, %c0_i32_0 : i32, i32
  }
  func.func @transform_8(%arg0: i32) -> (i32, i32) {
    %c0_i32 = arith.constant 0 : i32
    %c0_i32_0 = arith.constant 0 : i32
    %c0_i32_1 = arith.constant 0 : i32
    return %c0_i32, %c0_i32_0 : i32, i32
  }
  func.func @transform_9(%arg0: i32) -> (i32, i32) {
    %c0_i32 = arith.constant 0 : i32
    %c0_i32_0 = arith.constant 0 : i32
    %c0_i32_1 = arith.constant 0 : i32
    return %c0_i32, %c0_i32_0 : i32, i32
  }
  func.func @transform_10(%arg0: i32) -> i32 {
    %c0_i32 = arith.constant 0 : i32
    return %arg0 : i32
  }
}

</mosaic_0001>

<sc_bundles>
// kernel: kernel.6.cloned.1.call-start
scs
__scs_entry_jumppad:
0x0: {  	(pc) =	sbr.rel $0x88, $3  }
0x1: {  	(tag) =	ssettag $0x0;
	lr =	simm.s32 $0x1  }
0x2: {  	[smem:$0x3F93] =	sst lr;
	_ =	strace $0xD0000000  }
0x3: {  	_ = 	snop  }
0x4: {  	_ = 	snop  }
0x5: {  	_ = 	snop  }
0x6: {  	_ = 	snop  }
0x7: {  	_ = 	snop  }
__scs_overlays_trampoline_lowered:
0x8: {  	[smem:$0x3FA2] =	sst s0  }
0x9: {  	[smem:$0x3FA3] =	sst s1  }
0xa: {  	[smem:$0x3FA4] =	sst s2  }
0xb: {  	[smem:$0x3FA5] =	sst s3  }
0xc: {  	[smem:$0x3FA6] =	sst s4  }
0xd: {  	[smem:$0x3FA7] =	sst s5  }
0xe: {  	[smem:$0x3FA8] =	sst s6  }
0xf: {  	[smem:$0x3FA9] =	sst s7  }
0x10: {  	[smem:$0x3FAA] =	sst s8  }
0x11: {  	[smem:$0x3FAB] =	sst s9;
	s0 =	simm.s32 @!p0 $0x0  }
0x12: {  	s1 =	sld [smem:$0x3F91];
	s0 =	simm.s32 @p0 $0x1  }
0x13: {  	[smem:$0x3FAC] =	sst s0;
	s0 =	simm.s32 @!p1 $0x0  }
0x14: {  	s2 =	sld [smem:$0x3F90];
	s0 =	simm.s32 @p1 $0x1  }
0x15: {  	[smem:$0x3FAD] =	sst s0;
	s0 =	simm.s32 @!p2 $0x0  }
0x16: {  	s3 =	sld [smem:$0x3FDB];
	s0 =	simm.s32 @p2 $0x1  }
0x17: {  	s4 =	simm.s32 $0x1BF5;
	[smem:$0x3FAF] =	sst s0  }
0x18: {  	s0 =	sld [smem:$0x3F92];
	_ =	swait.ge [sflag:s4], $0x0  }
0x19: {  	s7 =	sld [smem:$0x3F93]  }
0x1a: {  	s8 =	sadd.s32 $0xFFFFE003, lr  }
0x1b: {  	s9 =	sadd.s32 $0xFFFFFEF7, lr;
	s5 =	simm.s32 $0xFFFFFFFF;
	p2 =	slt.u32 s8, $0xFFFFF086  }
0x1c: {  	p1 =	slt.u32 s9, $0xF7A;
	s5 =	simm.s32 @!p2 $0x0  }
0x1d: {  	s5 =	simm.s32 @p1 $0x1;
	p0 =	seq.s32 s7, s2  }
0x1e: {  	s7 =	smul.u32 @!p0 $0xF7A, s2;
	p2 =	seq.s32 @!p0 s5, $0x0  }
0x1f: {  	s9 =	smul.u32 $0xF7A, s1;
	s8 =	simm.s32 @!p0 $0x1BF5;
	p2 =	por !p2, p0  }
0x20: {  	[sflag:s8] =	ssyncset.s32 @!p0 $0xFFFFF086;
	s6 =	sadd.s32 @!p0 s3, s7;
	s7 =	simm.s32 @!p0 $0x108  }
0x21: {  	s3 =	sadd.s32 s3, s9;
	s6 =	sadd.s32 @!p0 $0x88, s6;
	s7 =	simm.s32 @p2 $0x1082  }
0x22: {  	[simem:s7], [sflag:s8] =	dma.local @!p0 [hbm:s6], $0xF7A  }
0x23: {  	s9 =	sor.u32 $0xD0000000, s2;
	s6 =	simm.s32 $0x108;
	_ =	swait.ge @!p0 [sflag:s8], $0x0  }
0x24: {  	s3 =	sadd.s32 $0x88, s3;
	s6 =	simm.s32 @!p1 $0x1082;
	[sflag:s4] =	ssyncset.s32 $0xFFFFF086  }
0x25: {  	[simem:s6], [sflag:s4] =	dma.local [hbm:s3], $0xF7A  }
0x26: {  	[smem:$0x3F93] =	sst s1;
	(tag) =	ssettag s2;
	_ =	strace s9  }
0x27: {  	s1 =	sld [smem:$0x3FA3]  }
0x28: {  	s2 =	sld [smem:$0x3FA4]  }
0x29: {  	s4 =	sld [smem:$0x3FA6]  }
0x2a: {  	p0 =	seq.s32 s5, $0x0;
	s5 =	sld [smem:$0x3FA7]  }
0x2b: {  	s6 =	sld [smem:$0x3FA8]  }
0x2c: {  	s7 =	sld [smem:$0x3FA9]  }
0x2d: {  	s3 =	simm.s32 $0x108;
	s8 =	sld [smem:$0x3FAA]  }
0x2e: {  	s3 =	simm.s32 @!p0 $0x1082;
	s9 =	sld [smem:$0x3FAB]  }
0x2f: {  	lr =	sadd.s32 s0, s3;
	s0 =	sld [smem:$0x3FA2]  }
0x30: {  	s3 =	sld [smem:$0x3FA5]  }
0x31: {  	[smem:$0x3FAE] =	sst s10  }
0x32: {  	s10 =	sld [smem:$0x3FAC];
	_ =	sdelay $0x3  }
0x33: {  	p0 =	seq.s32 s10, $0x1;
	s10 =	sld [smem:$0x3FAE];
	_ =	sdelay $0x3  }
0x34: {  	[smem:$0x3FAE] =	sst s10  }
0x35: {  	s10 =	sld [smem:$0x3FAD];
	_ =	sdelay $0x3  }
0x36: {  	p1 =	seq.s32 s10, $0x1;
	s10 =	sld [smem:$0x3FAE];
	_ =	sdelay $0x3  }
0x37: {  	[smem:$0x3FAE] =	sst s10  }
0x38: {  	s10 =	sld [smem:$0x3FAF]  }
0x39: {  	_ = 	snop;
	(pc) =	sbr.ind lr, $3  }
0x3a: {  	_ = 	snop  }
0x3b: {  	_ = 	snop  }
0x3c: {  	p2 =	seq.s32 s10, $0x1;
	s10 =	sld [smem:$0x3FAE]  }
0x3d: {  	_ =	shalt  }
0x3e: {  	_ =	shalt  }
0x3f: {  	_ =	shalt  }
0x40: {  	_ =	shalt  }
0x41: {  	_ =	shalt  }
0x42: {  	_ =	shalt  }
0x43: {  	_ =	shalt  }
0x44: {  	_ =	shalt  }
0x45: {  	_ =	shalt  }
0x46: {  	_ =	shalt  }
0x47: {  	_ =	shalt  }
0x48: {  	_ =	shalt  }
0x49: {  	_ =	shalt  }
0x4a: {  	_ =	shalt  }
0x4b: {  	_ =	shalt  }
0x4c: {  	_ =	shalt  }
0x4d: {  	_ =	shalt  }
0x4e: {  	_ =	shalt  }
0x4f: {  	_ =	shalt  }
0x50: {  	_ =	shalt  }
0x51: {  	_ =	shalt  }
0x52: {  	_ =	shalt  }
0x53: {  	_ =	shalt  }
0x54: {  	_ =	shalt  }
0x55: {  	_ =	shalt  }
0x56: {  	_ =	shalt  }
0x57: {  	_ =	shalt  }
0x58: {  	_ =	shalt  }
0x59: {  	_ =	shalt  }
0x5a: {  	_ =	shalt  }
0x5b: {  	_ =	shalt  }
0x5c: {  	_ =	shalt  }
0x5d: {  	_ =	shalt  }
0x5e: {  	_ =	shalt  }
0x5f: {  	_ =	shalt  }
0x60: {  	_ =	shalt  }
0x61: {  	_ =	shalt  }
0x62: {  	_ =	shalt  }
0x63: {  	_ =	shalt  }
0x64: {  	_ =	shalt  }
0x65: {  	_ =	shalt  }
0x66: {  	_ =	shalt  }
0x67: {  	_ =	shalt  }
0x68: {  	_ =	shalt  }
0x69: {  	_ =	shalt  }
0x6a: {  	_ =	shalt  }
0x6b: {  	_ =	shalt  }
0x6c: {  	_ =	shalt  }
0x6d: {  	_ =	shalt  }
0x6e: {  	_ =	shalt  }
0x6f: {  	_ =	shalt  }
0x70: {  	_ =	shalt  }
0x71: {  	_ =	shalt  }
0x72: {  	_ =	shalt  }
0x73: {  	_ =	shalt  }
0x74: {  	_ =	shalt  }
0x75: {  	_ =	shalt  }
0x76: {  	_ =	shalt  }
0x77: {  	_ =	shalt  }
0x78: {  	_ =	shalt  }
0x79: {  	_ =	shalt  }
0x7a: {  	_ =	shalt  }
0x7b: {  	_ =	shalt  }
0x7c: {  	_ =	shalt  }
0x7d: {  	_ =	shalt  }
0x7e: {  	_ =	shalt  }
0x7f: {  	_ =	shalt  }
0x80: {  	_ =	shalt  }
0x81: {  	_ =	shalt  }
0x82: {  	_ =	shalt  }
0x83: {  	_ =	shalt  }
0x84: {  	_ =	shalt  }
0x85: {  	_ =	shalt  }
0x86: {  	_ =	shalt  }
0x87: {  	_ =	shalt  }
.Lfunc_end0:
.L_simem_size_0:
called_computation_lowered:
.L_overlay_start_0:
0x88: {  	s2 =	sld [smem:$0x3FD9]  }
0x89: {  	s3 =	sld [smem:$0x3FFE];
	_ =	sdelay $0x1  }
0x8a: {  	s1 =	srdreg.scid  }
0x8b: {  	s0 =	sand.u32 $0x1, s1  }
0x8c: {  	s17 =	sshll.u32 s0, $0xA;
	s2 =	sadd.s32 s3, s2  }
0x8d: {  	s2 =	sadd.s32 s2, s17  }
0x8e: {  	[smem:$0x3FBA] =	sst s2  }
0x8f: {  	_ = 	snop  }
0x90: {  	s2 =	sld [smem:$0x3FD0];
	(tm) =	ssettm $0x1  }
0x91: {  	s18 =	sld [smem:$0x3FFB];
	_ =	sdelay $0x3  }
0x92: {  	_ =	strace s18  }
0x93: {  	s3 =	sld [smem:$0x3FFC];
	_ =	sdelay $0x3  }
0x94: {  	_ =	strace s3  }
0x95: {  	s3 =	sld [smem:$0x3FFD];
	_ =	sdelay $0x3  }
0x96: {  	_ =	strace s3  }
0x97: {  	_ =	strace $0x8FFFFFFF  }
0x98: {  	s19 =	sld [smem:$0x3FDB];
	_ =	sdelay $0x1  }
0x99: {  	s4 =	simm.s32 $_scs_section_size  }
0x9a: {  	s5 =	simm.s32 $_size__tile_overlayer_lowered;
	s6 =	simm.s32 $_tile_overlayer_lowered  }
0x9b: {  	s22 =	simm.s32 $0x1BFF;
	s21 =	sshll.u32 s6, $0x1;
	s3 =	sadd.s32 s4, s19  }
0x9c: {  	s7 =	simm.s32 $0x0;
	s20 =	sshll.u32 s5, $0x1;
	s5 =	sadd.s32 s21, s3  }
0x9d: {  	[timem:s7], [sflag:s22] =	dma.local [hbm:s5], s20  }
0x9e: {  	_ =	swait.ge [sflag:s22], s20  }
0x9f: {  	s4 =	ssub.s32 $0x0, s20;
	[sflag:s22] =	ssyncset.done $0x0  }
0xa0: {  	[sflag:s22] =	ssyncadd.s32 s4;
	_ =	sdelay $0x1  }
0xa1: {  	s23 =	simm.s32 $0x1B8B  }
0xa2: {  	_ =	swait.ge [sflag:s23], $0x1  }
0xa3: {  	[sflag:s23] =	ssyncset.done $0x0  }
0xa4: {  	s25 =	simm.s32 $0x1B8E;
	s24 =	sld [smem:$0x3FFE];
	[sflag:s23] =	ssyncadd.s32 $0xFFFFFFFF  }
0xa5: {  	s26 =	simm.s32 $execute0_lowered;
	[smem:$0x3FD2] =	sst s25  }
0xa6: {  	s5 =	sshll.u32 s26, $0x1;
	_ =	strace $0x80000046;
	[dreg:$0x1] =	wrdreg $0xFFFFFFFF  }
0xa7: {  	s28 =	simm.s32 $_size_execute0_lowered;
	s3 =	sadd.s32 s3, s5;
	[dreg:$0x0] =	wrdreg $0x0  }
0xa8: {  	s5 =	sshll.u32 s28, $0x1;
	[dreg:$0x2] =	wrdreg s3  }
0xa9: {  	[dreg:$0x3] =	wrdreg s5  }
0xaa: {  	[dreg:$0x4] =	wrdreg $0xC0  }
0xab: {  	_ =	task [dreg:s7], $0x5FFFF  }
0xac: {  	[dreg:$0x1] =	wrdreg $0xFFFFFFFF  }
0xad: {  	[dreg:$0x0] =	wrdreg $0x60  }
0xae: {  	[dreg:$0x2] =	wrdreg s2  }
0xaf: {  	[dreg:$0x3] =	wrdreg s24  }
0xb0: {  	[dreg:$0x4] =	wrdreg $0x9  }
0xb1: {  	_ =	task.clear_ibuf [dreg:s7], $0x5FFFF;
	_ =	strace $0x90000046  }
0xb2: {  	s29 =	simm.s32 $0x9;
	_ =	strace $0x80000048  }
0xb3: {  	_ =	swait.ge [sflag:s29], $0x1  }
0xb4: {  	[sflag:s29] =	ssyncadd.s32 $0xFFFFFFFF  }
0xb5: {  	_ =	strace $0x90000048  }
0xb6: {  	_ =	sfence  }
0xb7: {  	s30 =	sld [smem:$0x0];
	_ =	sdelay $0x2  }
0xb8: {  	s31 =	sshll.u32 s1, $0xD;
	s1 =	sshrl.u32 s1, $0x2  }
0xb9: {  	s3 =	sand.u32 $0x4000, s31;
	s1 =	sadd.s32 s1, s30  }
0xba: {  	s0 =	sor.u32 s3, s0;
	s1 =	sshll.u32 s1, $0x11  }
0xbb: {  	s0 =	sor.u32 s1, s0  }
0xbc: {  	s0 =	sadd.s32 $0x8F2B, s0  }
0xbd: {  	[sflag:s0] =	ssyncadd.remote.s32 $0x1  }
0xbe: {  	_ =	sfence.sel $0xFFFF  }
0xbf: {  	[dreg:$0x0] =	wrdreg $0xFFFFFFFF;
	(pc) =	sbr.abs _section_cstart, $3  }
0xc0: {  	[dreg:$0x1] =	wrdreg $0xFFFFFFFF  }
0xc1: {  	_ =	task.clear_ibuf [dreg:s7], $0x2FFFF;
	_ =	strace $0x9FFFFFFF  }
0xc2: {  	(tm) =	ssettm $0x7FFFFFFF  }
0xc3: {  	_ =	shalt  }
tec
execute0_lowered:
.L_overlay_start_1:
0x0: {  	(tag) =	ssettag $0x1  }
0x1: {  	s0 =	srdreg.scid;
	s1 =	rddreg [dreg:$0x0]  }
0x2: {  	s2 =	stileid.u32;
	s3 =	rddreg [dreg:$0x1];
	s30 =	simm.s32 $0x200  }
0x3: {  	s19 =	simm.s32 $0x400;
	s18 =	simm.s32 $0x4400;
	s17 =	simm.s32 $0x8400  }
0x4: {  	s31 =	simm.s32 $0x280;
	p0 =	por $0x0, $0x0;
	s16 =	simm.s32 $0x1  }
0x5: {  	s29 =	simm.s32 $0x100;
	s28 =	simm.s32 $0x300;
	s0 =	sand.u32 $0x1, s0  }
0x6: {  	s4 =	sshll.u32 s2, $0xA;
	s2 =	simm.s32 $0x0;
	s7 =	sadd.s32 $0x4000, s3  }
0x7: {  	s8 =	sadd.s32 $0x1F4000, s3;
	s9 =	sadd.s32 $0x3E4000, s3;
	s10 =	sadd.s32 $0x5D4000, s3  }
0x8: {  	s11 =	sadd.s32 $0x614000, s3;
	s5 =	sshll.u32 s0, $0x9;
	[smem:$0x7FF] =	sst s2  }
0x9: {  	s0 =	ssub.s32 $0x2, s0;
	s4 =	sor.u32 s5, s4;
	_ =	strace $0x80000047  }
0xa: {  	s12 =	sshrl.u32 s0, $0x1;
	s5 =	sshrl.u32 s4, $0x3;
	s4 =	sshll.u32 s4, $0x4  }
0xb: {  	s0 =	ssub.s32 s0, s12;
	s12 =	simm.s32 $0xC400;
	s6 =	sadd.s32 s5, s3  }
0xc: {  	s3 =	sadd.s32 $0x654000, s3;
	s1 =	sadd.s32 s1, s5;
	s23 =	sadd.s32 s10, s4  }
0xd: {  	s24 =	sadd.s32 s11, s4;
	s25 =	sor.u32 $0x800, s4;
	[dreg:$0x3] =	wrdreg s1  }
0xe: {  	s26 =	sor.u32 $0x1000, s4;
	s0 =	smax.u32 s0, $0x1;
	[dreg:$0x5] =	wrdreg s23  }
0xf: {  	s22 =	sadd.s32 $0x3800, s6;
	[dreg:$0x6] =	wrdreg s24;
	s24 =	sadd.s32 s3, s4  }
0x10: {  	s21 =	sadd.s32 s11, s25;
	s20 =	sadd.s32 s3, s25;
	s15 =	sadd.s32 s10, s26  }
0x11: {  	s14 =	sadd.s32 s11, s26;
	s4 =	sor.u32 $0x1800, s4;
	p1 =	sne.s32 s0, $0x1  }
.Ltmp0:
0x12: {  	s13 =	sadd.s32 s3, s26;
	s23 =	simm.s32 $0x80;
	(pc) =	sbr.rel @!p1 .LBB2_3-.Ltmp0, $4  }
0x13: {  	s1 =	sadd.s32 $0xFFFFFFFF, s0;
	s26 =	simm.s32 $0x180;
	[dreg:$0x4] =	wrdreg s22  }
0x14: {  	s22 =	sadd.s32 s10, s25;
	s6 =	sadd.s32 s10, s4;
	s5 =	sadd.s32 s11, s4  }
0x15: {  	s4 =	sadd.s32 s3, s4;
	s3 =	simm.s32 $0x2;
	s10 =	simm.s32 $0x10400  }
0x16: {  	s11 =	simm.s32 $0x14400;
	s25 =	simm.s32 $0x380;
	s0 =	rddreg [dreg:$0x3]  }
0x17: {  	[tilespmem:s2], [sflag:$0x2] =	stream.linear.gather [hbm4b:s0+s2], $0x200, $0x38;
	[tilespmem:$0x18400] =	vst v63  }
0x18: {  	_ =	swait.ge [sflag:s3], $0x200  }
0x19: {  	[sflag:s3] =	ssyncset.done $0x0  }
0x1a: {  	s0 =	rddreg [dreg:$0x4];
	[sflag:s3] =	ssyncadd.s32 $0xFFFFFE00  }
0x1b: {  	[tilespmem:s30], [sflag:$0x2] =	stream.linear.gather [hbm4b:s0+s2], $0x200, $0x38;
	[tilespmem:$0x18400] =	vst v63  }
0x1c: {  	_ =	swait.ge [sflag:s3], $0x200  }
0x1d: {  	[sflag:s3] =	ssyncset.done $0x0  }
0x1e: {  	[sflag:s3] =	ssyncadd.s32 $0xFFFFFE00  }
0x1f: {  	[tilespmem:s19], [sflag:$0x1] =	stream.indirect.gather [hbm4b:s7+s23], $0x80, s2, s23, $0xb8;
	[tilespmem:$0x18400] =	vst v63  }
0x20: {  	_ = 	snop  }
0x21: {  	[tilespmem:s18], [sflag:$0x1] =	stream.indirect.gather [hbm4b:s8+s23], $0x80, s30, s23, $0xb8;
	[tilespmem:$0x18400] =	vst v63  }
0x22: {  	_ = 	snop  }
0x23: {  	[tilespmem:s17], [sflag:$0x1] =	stream.indirect.gather [hbm4b:s9+s23], $0x80, s30, s23, $0xb8;
	[tilespmem:$0x18400] =	vst v63  }
0x24: {  	_ = 	snop  }
0x25: {  	[tilespmem:s12], [sflag:$0x1] =	stream.indirect.gather [hbm4b:s7+s23], $0x80, s23, s23, $0xb8;
	[tilespmem:$0x18400] =	vst v63  }
0x26: {  	_ = 	snop  }
0x27: {  	[tilespmem:s10], [sflag:$0x1] =	stream.indirect.gather [hbm4b:s8+s23], $0x80, s31, s23, $0xb8;
	[tilespmem:$0x18400] =	vst v63  }
0x28: {  	_ = 	snop  }
0x29: {  	[tilespmem:s11], [sflag:$0x1] =	stream.indirect.gather [hbm4b:s9+s23], $0x80, s31, s23, $0xb8;
	[tilespmem:$0x18400] =	vst v63  }
0x2a: {  	_ =	swait.ge [sflag:s16], $0x4000  }
0x2b: {  	[sflag:s16] =	ssyncset.done $0x0  }
0x2c: {  	[sflag:s16] =	ssyncadd.s32 $0xFFFFC000  }
0x2d: {  	_ =	swait.ge [sflag:s16], $0x4000  }
0x2e: {  	[sflag:s16] =	ssyncset.done $0x0  }
0x2f: {  	[sflag:s16] =	ssyncadd.s32 $0xFFFFC000  }
0x30: {  	_ =	swait.ge [sflag:s16], $0x4000  }
0x31: {  	[sflag:s16] =	ssyncset.done $0x0  }
0x32: {  	s0 =	rddreg [dreg:$0x5];
	[sflag:s16] =	ssyncadd.s32 $0xFFFFC000  }
0x33: {  	[hbm4b:s0+s2] =	stream.linear.scatter [tilespmem:s19], [sflag:$0x2], $0x4000, $0x38;
	[tilespmem:$0x18400] =	vst v63  }
0x34: {  	_ =	swait.ge [sflag:s3], $0x4000  }
0x35: {  	[sflag:s3] =	ssyncset.done $0x0  }
0x36: {  	s0 =	rddreg [dreg:$0x6];
	[sflag:s3] =	ssyncadd.s32 $0xFFFFC000  }
0x37: {  	[hbm4b:s0+s2] =	stream.linear.scatter [tilespmem:s18], [sflag:$0x2], $0x4000, $0x38;
	[tilespmem:$0x18400] =	vst v63  }
0x38: {  	_ =	swait.ge [sflag:s3], $0x4000  }
0x39: {  	[sflag:s3] =	ssyncset.done $0x0  }
0x3a: {  	[sflag:s3] =	ssyncadd.s32 $0xFFFFC000  }
0x3b: {  	[hbm4b:s24+s2] =	stream.linear.scatter [tilespmem:s17], [sflag:$0x2], $0x4000, $0x38;
	[tilespmem:$0x18400] =	vst v63  }
0x3c: {  	_ =	swait.ge [sflag:s3], $0x4000  }
0x3d: {  	[sflag:s3] =	ssyncset.done $0x0  }
0x3e: {  	[sflag:s3] =	ssyncadd.s32 $0xFFFFC000  }
0x3f: {  	[tilespmem:s19], [sflag:$0x1] =	stream.indirect.gather [hbm4b:s7+s23], $0x80, s29, s23, $0xb8;
	[tilespmem:$0x18400] =	vst v63  }
0x40: {  	_ = 	snop  }
0x41: {  	[tilespmem:s18], [sflag:$0x1] =	stream.indirect.gather [hbm4b:s8+s23], $0x80, s28, s23, $0xb8;
	[tilespmem:$0x18400] =	vst v63  }
0x42: {  	_ = 	snop  }
0x43: {  	[tilespmem:s17], [sflag:$0x1] =	stream.indirect.gather [hbm4b:s9+s23], $0x80, s28, s23, $0xb8;
	[tilespmem:$0x18400] =	vst v63  }
0x44: {  	_ =	swait.ge [sflag:s16], $0x4000  }
0x45: {  	[sflag:s16] =	ssyncset.done $0x0  }
0x46: {  	[sflag:s16] =	ssyncadd.s32 $0xFFFFC000  }
0x47: {  	_ =	swait.ge [sflag:s16], $0x4000  }
0x48: {  	[sflag:s16] =	ssyncset.done $0x0  }
0x49: {  	[sflag:s16] =	ssyncadd.s32 $0xFFFFC000  }
0x4a: {  	_ =	swait.ge [sflag:s16], $0x4000  }
0x4b: {  	[sflag:s16] =	ssyncset.done $0x0  }
0x4c: {  	[sflag:s16] =	ssyncadd.s32 $0xFFFFC000  }
0x4d: {  	[hbm4b:s22+s2] =	stream.linear.scatter [tilespmem:s12], [sflag:$0x2], $0x4000, $0x38;
	[tilespmem:$0x18400] =	vst v63  }
0x4e: {  	_ =	swait.ge [sflag:s3], $0x4000  }
0x4f: {  	[sflag:s3] =	ssyncset.done $0x0  }
0x50: {  	[sflag:s3] =	ssyncadd.s32 $0xFFFFC000  }
0x51: {  	[hbm4b:s21+s2] =	stream.linear.scatter [tilespmem:s10], [sflag:$0x2], $0x4000, $0x38;
	[tilespmem:$0x18400] =	vst v63  }
0x52: {  	_ =	swait.ge [sflag:s3], $0x4000  }
0x53: {  	[sflag:s3] =	ssyncset.done $0x0  }
0x54: {  	[sflag:s3] =	ssyncadd.s32 $0xFFFFC000  }
0x55: {  	[hbm4b:s20+s2] =	stream.linear.scatter [tilespmem:s11], [sflag:$0x2], $0x4000, $0x38;
	[tilespmem:$0x18400] =	vst v63  }
0x56: {  	_ =	swait.ge [sflag:s3], $0x4000  }
0x57: {  	[sflag:s3] =	ssyncset.done $0x0  }
0x58: {  	[sflag:s3] =	ssyncadd.s32 $0xFFFFC000  }
0x59: {  	[tilespmem:s12], [sflag:$0x1] =	stream.indirect.gather [hbm4b:s7+s23], $0x80, s26, s23, $0xb8;
	[tilespmem:$0x18400] =	vst v63  }
0x5a: {  	_ = 	snop  }
0x5b: {  	[tilespmem:s10], [sflag:$0x1] =	stream.indirect.gather [hbm4b:s8+s23], $0x80, s25, s23, $0xb8;
	[tilespmem:$0x18400] =	vst v63  }
0x5c: {  	_ = 	snop  }
0x5d: {  	[tilespmem:s11], [sflag:$0x1] =	stream.indirect.gather [hbm4b:s9+s23], $0x80, s25, s23, $0xb8;
	[tilespmem:$0x18400] =	vst v63  }
0x5e: {  	_ =	swait.ge [sflag:s16], $0x4000  }
0x5f: {  	[sflag:s16] =	ssyncset.done $0x0  }
0x60: {  	[sflag:s16] =	ssyncadd.s32 $0xFFFFC000  }
0x61: {  	_ =	swait.ge [sflag:s16], $0x4000  }
0x62: {  	[sflag:s16] =	ssyncset.done $0x0  }
0x63: {  	[sflag:s16] =	ssyncadd.s32 $0xFFFFC000  }
0x64: {  	_ =	swait.ge [sflag:s16], $0x4000  }
0x65: {  	[sflag:s16] =	ssyncset.done $0x0  }
0x66: {  	[sflag:s16] =	ssyncadd.s32 $0xFFFFC000  }
0x67: {  	[hbm4b:s15+s2] =	stream.linear.scatter [tilespmem:s19], [sflag:$0x2], $0x4000, $0x38;
	[tilespmem:$0x18400] =	vst v63  }
0x68: {  	_ =	swait.ge [sflag:s3], $0x4000  }
0x69: {  	[sflag:s3] =	ssyncset.done $0x0  }
0x6a: {  	[sflag:s3] =	ssyncadd.s32 $0xFFFFC000  }
0x6b: {  	[hbm4b:s14+s2] =	stream.linear.scatter [tilespmem:s18], [sflag:$0x2], $0x4000, $0x38;
	[tilespmem:$0x18400] =	vst v63  }
0x6c: {  	_ =	swait.ge [sflag:s3], $0x4000  }
0x6d: {  	[sflag:s3] =	ssyncset.done $0x0  }
0x6e: {  	[sflag:s3] =	ssyncadd.s32 $0xFFFFC000  }
0x6f: {  	[hbm4b:s13+s2] =	stream.linear.scatter [tilespmem:s17], [sflag:$0x2], $0x4000, $0x38;
	[tilespmem:$0x18400] =	vst v63  }
0x70: {  	_ =	swait.ge [sflag:s3], $0x4000  }
0x71: {  	[sflag:s3] =	ssyncset.done $0x0  }
0x72: {  	[sflag:s3] =	ssyncadd.s32 $0xFFFFC000  }
0x73: {  	_ =	swait.ge [sflag:s16], $0x4000  }
0x74: {  	[sflag:s16] =	ssyncset.done $0x0  }
0x75: {  	[sflag:s16] =	ssyncadd.s32 $0xFFFFC000  }
0x76: {  	_ =	swait.ge [sflag:s16], $0x4000  }
0x77: {  	[sflag:s16] =	ssyncset.done $0x0  }
0x78: {  	[sflag:s16] =	ssyncadd.s32 $0xFFFFC000  }
0x79: {  	_ =	swait.ge [sflag:s16], $0x4000  }
0x7a: {  	[sflag:s16] =	ssyncset.done $0x0  }
0x7b: {  	[sflag:s16] =	ssyncadd.s32 $0xFFFFC000  }
0x7c: {  	[hbm4b:s6+s2] =	stream.linear.scatter [tilespmem:s12], [sflag:$0x2], $0x4000, $0x38;
	[tilespmem:$0x18400] =	vst v63  }
0x7d: {  	_ =	swait.ge [sflag:s3], $0x4000  }
0x7e: {  	[sflag:s3] =	ssyncset.done $0x0  }
0x7f: {  	[sflag:s3] =	ssyncadd.s32 $0xFFFFC000  }
0x80: {  	[hbm4b:s5+s2] =	stream.linear.scatter [tilespmem:s10], [sflag:$0x2], $0x4000, $0x38;
	[tilespmem:$0x18400] =	vst v63  }
0x81: {  	p1 =	sne.s32 s1, $0x1;
	_ =	swait.ge [sflag:s3], $0x4000  }
.Ltmp1:
0x82: {  	[sflag:s3] =	ssyncset.done $0x0;
	(pc) =	sbr.rel @!p1 .LBB2_3-.Ltmp1, $4  }
0x83: {  	[sflag:s3] =	ssyncadd.s32 $0xFFFFC000  }
0x84: {  	[hbm4b:s4+s2] =	stream.linear.scatter [tilespmem:s11], [sflag:$0x2], $0x4000, $0x38;
	[tilespmem:$0x18400] =	vst v63  }
0x85: {  	s1 =	sadd.s32 $0xFFFFFFFF, s1;
	_ =	swait.ge [sflag:s3], $0x4000  }
0x86: {  	p0 =	por $0x1, $0x1;
	s0 =	rddreg [dreg:$0x3];
	[sflag:s3] =	ssyncset.done $0x0  }
.LBB2_2:
0x87: {  	[sflag:s3] =	ssyncadd.s32 $0xFFFFC000  }
0x88: {  	[tilespmem:s2], [sflag:$0x2] =	stream.linear.gather [hbm4b:s0+s2], $0x200, $0x38;
	[tilespmem:$0x18400] =	vst v63  }
0x89: {  	_ =	swait.ge [sflag:s3], $0x200  }
0x8a: {  	[sflag:s3] =	ssyncset.done $0x0  }
0x8b: {  	s0 =	rddreg [dreg:$0x4];
	[sflag:s3] =	ssyncadd.s32 $0xFFFFFE00  }
0x8c: {  	[tilespmem:s30], [sflag:$0x2] =	stream.linear.gather [hbm4b:s0+s2], $0x200, $0x38;
	[tilespmem:$0x18400] =	vst v63  }
0x8d: {  	_ =	swait.ge [sflag:s3], $0x200  }
0x8e: {  	[sflag:s3] =	ssyncset.done $0x0  }
0x8f: {  	[sflag:s3] =	ssyncadd.s32 $0xFFFFFE00  }
0x90: {  	[tilespmem:s19], [sflag:$0x1] =	stream.indirect.gather [hbm4b:s7+s23], $0x80, s2, s23, $0xb8;
	[tilespmem:$0x18400] =	vst v63  }
0x91: {  	_ = 	snop  }
0x92: {  	[tilespmem:s18], [sflag:$0x1] =	stream.indirect.gather [hbm4b:s8+s23], $0x80, s30, s23, $0xb8;
	[tilespmem:$0x18400] =	vst v63  }
0x93: {  	_ = 	snop  }
0x94: {  	[tilespmem:s17], [sflag:$0x1] =	stream.indirect.gather [hbm4b:s9+s23], $0x80, s30, s23, $0xb8;
	[tilespmem:$0x18400] =	vst v63  }
0x95: {  	_ = 	snop  }
0x96: {  	[tilespmem:s12], [sflag:$0x1] =	stream.indirect.gather [hbm4b:s7+s23], $0x80, s23, s23, $0xb8;
	[tilespmem:$0x18400] =	vst v63  }
0x97: {  	_ = 	snop  }
0x98: {  	[tilespmem:s10], [sflag:$0x1] =	stream.indirect.gather [hbm4b:s8+s23], $0x80, s31, s23, $0xb8;
	[tilespmem:$0x18400] =	vst v63  }
0x99: {  	_ = 	snop  }
0x9a: {  	[tilespmem:s11], [sflag:$0x1] =	stream.indirect.gather [hbm4b:s9+s23], $0x80, s31, s23, $0xb8;
	[tilespmem:$0x18400] =	vst v63  }
0x9b: {  	_ =	swait.ge [sflag:s16], $0x4000  }
0x9c: {  	[sflag:s16] =	ssyncset.done $0x0  }
0x9d: {  	[sflag:s16] =	ssyncadd.s32 $0xFFFFC000  }
0x9e: {  	_ =	swait.ge [sflag:s16], $0x4000  }
0x9f: {  	[sflag:s16] =	ssyncset.done $0x0  }
0xa0: {  	[sflag:s16] =	ssyncadd.s32 $0xFFFFC000  }
0xa1: {  	_ =	swait.ge [sflag:s16], $0x4000  }
0xa2: {  	[sflag:s16] =	ssyncset.done $0x0  }
0xa3: {  	s0 =	rddreg [dreg:$0x5];
	[sflag:s16] =	ssyncadd.s32 $0xFFFFC000  }
0xa4: {  	[hbm4b:s0+s2] =	stream.linear.scatter [tilespmem:s19], [sflag:$0x2], $0x4000, $0x38;
	[tilespmem:$0x18400] =	vst v63  }
0xa5: {  	_ =	swait.ge [sflag:s3], $0x4000  }
0xa6: {  	[sflag:s3] =	ssyncset.done $0x0  }
0xa7: {  	s0 =	rddreg [dreg:$0x6];
	[sflag:s3] =	ssyncadd.s32 $0xFFFFC000  }
0xa8: {  	[hbm4b:s0+s2] =	stream.linear.scatter [tilespmem:s18], [sflag:$0x2], $0x4000, $0x38;
	[tilespmem:$0x18400] =	vst v63  }
0xa9: {  	_ =	swait.ge [sflag:s3], $0x4000  }
0xaa: {  	[sflag:s3] =	ssyncset.done $0x0  }
0xab: {  	[sflag:s3] =	ssyncadd.s32 $0xFFFFC000  }
0xac: {  	[hbm4b:s24+s2] =	stream.linear.scatter [tilespmem:s17], [sflag:$0x2], $0x4000, $0x38;
	[tilespmem:$0x18400] =	vst v63  }
0xad: {  	_ =	swait.ge [sflag:s3], $0x4000  }
0xae: {  	[sflag:s3] =	ssyncset.done $0x0  }
0xaf: {  	[sflag:s3] =	ssyncadd.s32 $0xFFFFC000  }
0xb0: {  	[tilespmem:s19], [sflag:$0x1] =	stream.indirect.gather [hbm4b:s7+s23], $0x80, s29, s23, $0xb8;
	[tilespmem:$0x18400] =	vst v63  }
0xb1: {  	_ = 	snop  }
0xb2: {  	[tilespmem:s18], [sflag:$0x1] =	stream.indirect.gather [hbm4b:s8+s23], $0x80, s28, s23, $0xb8;
	[tilespmem:$0x18400] =	vst v63  }
0xb3: {  	_ = 	snop  }
0xb4: {  	[tilespmem:s17], [sflag:$0x1] =	stream.indirect.gather [hbm4b:s9+s23], $0x80, s28, s23, $0xb8;
	[tilespmem:$0x18400] =	vst v63  }
0xb5: {  	_ =	swait.ge [sflag:s16], $0x4000  }
0xb6: {  	[sflag:s16] =	ssyncset.done $0x0  }
0xb7: {  	[sflag:s16] =	ssyncadd.s32 $0xFFFFC000  }
0xb8: {  	_ =	swait.ge [sflag:s16], $0x4000  }
0xb9: {  	[sflag:s16] =	ssyncset.done $0x0  }
0xba: {  	[sflag:s16] =	ssyncadd.s32 $0xFFFFC000  }
0xbb: {  	_ =	swait.ge [sflag:s16], $0x4000  }
0xbc: {  	[sflag:s16] =	ssyncset.done $0x0  }
0xbd: {  	[sflag:s16] =	ssyncadd.s32 $0xFFFFC000  }
0xbe: {  	[hbm4b:s22+s2] =	stream.linear.scatter [tilespmem:s12], [sflag:$0x2], $0x4000, $0x38;
	[tilespmem:$0x18400] =	vst v63  }
0xbf: {  	_ =	swait.ge [sflag:s3], $0x4000  }
0xc0: {  	[sflag:s3] =	ssyncset.done $0x0  }
0xc1: {  	[sflag:s3] =	ssyncadd.s32 $0xFFFFC000  }
0xc2: {  	[hbm4b:s21+s2] =	stream.linear.scatter [tilespmem:s10], [sflag:$0x2], $0x4000, $0x38;
	[tilespmem:$0x18400] =	vst v63  }
0xc3: {  	_ =	swait.ge [sflag:s3], $0x4000  }
0xc4: {  	[sflag:s3] =	ssyncset.done $0x0  }
0xc5: {  	[sflag:s3] =	ssyncadd.s32 $0xFFFFC000  }
0xc6: {  	[hbm4b:s20+s2] =	stream.linear.scatter [tilespmem:s11], [sflag:$0x2], $0x4000, $0x38;
	[tilespmem:$0x18400] =	vst v63  }
0xc7: {  	_ =	swait.ge [sflag:s3], $0x4000  }
0xc8: {  	[sflag:s3] =	ssyncset.done $0x0  }
0xc9: {  	[sflag:s3] =	ssyncadd.s32 $0xFFFFC000  }
0xca: {  	[tilespmem:s12], [sflag:$0x1] =	stream.indirect.gather [hbm4b:s7+s23], $0x80, s26, s23, $0xb8;
	[tilespmem:$0x18400] =	vst v63  }
0xcb: {  	_ = 	snop  }
0xcc: {  	[tilespmem:s10], [sflag:$0x1] =	stream.indirect.gather [hbm4b:s8+s23], $0x80, s25, s23, $0xb8;
	[tilespmem:$0x18400] =	vst v63  }
0xcd: {  	_ = 	snop  }
0xce: {  	[tilespmem:s11], [sflag:$0x1] =	stream.indirect.gather [hbm4b:s9+s23], $0x80, s25, s23, $0xb8;
	[tilespmem:$0x18400] =	vst v63  }
0xcf: {  	_ =	swait.ge [sflag:s16], $0x4000  }
0xd0: {  	[sflag:s16] =	ssyncset.done $0x0  }
0xd1: {  	[sflag:s16] =	ssyncadd.s32 $0xFFFFC000  }
0xd2: {  	_ =	swait.ge [sflag:s16], $0x4000  }
0xd3: {  	[sflag:s16] =	ssyncset.done $0x0  }
0xd4: {  	[sflag:s16] =	ssyncadd.s32 $0xFFFFC000  }
0xd5: {  	_ =	swait.ge [sflag:s16], $0x4000  }
0xd6: {  	[sflag:s16] =	ssyncset.done $0x0  }
0xd7: {  	[sflag:s16] =	ssyncadd.s32 $0xFFFFC000  }
0xd8: {  	[hbm4b:s15+s2] =	stream.linear.scatter [tilespmem:s19], [sflag:$0x2], $0x4000, $0x38;
	[tilespmem:$0x18400] =	vst v63  }
0xd9: {  	_ =	swait.ge [sflag:s3], $0x4000  }
0xda: {  	[sflag:s3] =	ssyncset.done $0x0  }
0xdb: {  	[sflag:s3] =	ssyncadd.s32 $0xFFFFC000  }
0xdc: {  	[hbm4b:s14+s2] =	stream.linear.scatter [tilespmem:s18], [sflag:$0x2], $0x4000, $0x38;
	[tilespmem:$0x18400] =	vst v63  }
0xdd: {  	_ =	swait.ge [sflag:s3], $0x4000  }
0xde: {  	[sflag:s3] =	ssyncset.done $0x0  }
0xdf: {  	[sflag:s3] =	ssyncadd.s32 $0xFFFFC000  }
0xe0: {  	[hbm4b:s13+s2] =	stream.linear.scatter [tilespmem:s17], [sflag:$0x2], $0x4000, $0x38;
	[tilespmem:$0x18400] =	vst v63  }
0xe1: {  	_ =	swait.ge [sflag:s3], $0x4000  }
0xe2: {  	[sflag:s3] =	ssyncset.done $0x0  }
0xe3: {  	[sflag:s3] =	ssyncadd.s32 $0xFFFFC000  }
0xe4: {  	_ =	swait.ge [sflag:s16], $0x4000  }
0xe5: {  	[sflag:s16] =	ssyncset.done $0x0  }
0xe6: {  	[sflag:s16] =	ssyncadd.s32 $0xFFFFC000  }
0xe7: {  	_ =	swait.ge [sflag:s16], $0x4000  }
0xe8: {  	[sflag:s16] =	ssyncset.done $0x0  }
0xe9: {  	[sflag:s16] =	ssyncadd.s32 $0xFFFFC000  }
0xea: {  	_ =	swait.ge [sflag:s16], $0x4000  }
0xeb: {  	[sflag:s16] =	ssyncset.done $0x0  }
0xec: {  	[sflag:s16] =	ssyncadd.s32 $0xFFFFC000  }
0xed: {  	[hbm4b:s6+s2] =	stream.linear.scatter [tilespmem:s12], [sflag:$0x2], $0x4000, $0x38;
	[tilespmem:$0x18400] =	vst v63  }
0xee: {  	_ =	swait.ge [sflag:s3], $0x4000  }
0xef: {  	[sflag:s3] =	ssyncset.done $0x0  }
0xf0: {  	[sflag:s3] =	ssyncadd.s32 $0xFFFFC000  }
0xf1: {  	[hbm4b:s5+s2] =	stream.linear.scatter [tilespmem:s10], [sflag:$0x2], $0x4000, $0x38;
	[tilespmem:$0x18400] =	vst v63  }
0xf2: {  	p1 =	sne.s32 s1, $0x1;
	_ =	swait.ge [sflag:s3], $0x4000  }
.Ltmp2:
0xf3: {  	[sflag:s3] =	ssyncset.done $0x0;
	(pc) =	sbr.rel @p1 .LBB2_2-.Ltmp2, $4  }
0xf4: {  	[sflag:s3] =	ssyncadd.s32 $0xFFFFC000  }
0xf5: {  	[hbm4b:s4+s2] =	stream.linear.scatter [tilespmem:s11], [sflag:$0x2], $0x4000, $0x38;
	[tilespmem:$0x18400] =	vst v63  }
0xf6: {  	_ =	swait.ge [sflag:s3], $0x4000  }
0xf7: {  	s1 =	sadd.s32 $0xFFFFFFFF, s1;
	s0 =	rddreg [dreg:$0x3];
	[sflag:s3] =	ssyncset.done $0x0  }
.LBB2_3:
0xf8: {  	[sflag:s3] =	ssyncadd.s32 @p0 $0xFFFFC000  }
0xf9: {  	[tilespmem:s2], [sflag:$0x2] =	stream.linear.gather [hbm4b:s0+s2], $0x200, $0x38;
	[tilespmem:$0x18400] =	vst v63  }
0xfa: {  	_ =	swait.ge [sflag:s3], $0x200  }
0xfb: {  	[sflag:s3] =	ssyncset.done $0x0  }
0xfc: {  	s1 =	rddreg [dreg:$0x4];
	[sflag:s3] =	ssyncadd.s32 $0xFFFFFE00  }
0xfd: {  	[tilespmem:s30], [sflag:$0x2] =	stream.linear.gather [hbm4b:s1+s2], $0x200, $0x38;
	[tilespmem:$0x18400] =	vst v63  }
0xfe: {  	_ =	swait.ge [sflag:s3], $0x200  }
0xff: {  	[sflag:s3] =	ssyncset.done $0x0  }
0x100: {  	[sflag:s3] =	ssyncadd.s32 $0xFFFFFE00  }
0x101: {  	[tilespmem:s19], [sflag:$0x1] =	stream.indirect.gather [hbm4b:s7+s23], $0x80, s2, s23, $0xb8;
	[tilespmem:$0x18400] =	vst v63  }
0x102: {  	_ = 	snop  }
0x103: {  	[tilespmem:s18], [sflag:$0x1] =	stream.indirect.gather [hbm4b:s8+s23], $0x80, s30, s23, $0xb8;
	[tilespmem:$0x18400] =	vst v63  }
0x104: {  	_ = 	snop  }
0x105: {  	[tilespmem:s17], [sflag:$0x1] =	stream.indirect.gather [hbm4b:s9+s23], $0x80, s30, s23, $0xb8;
	[tilespmem:$0x18400] =	vst v63  }
0x106: {  	_ = 	snop  }
0x107: {  	[tilespmem:s12], [sflag:$0x1] =	stream.indirect.gather [hbm4b:s7+s23], $0x80, s23, s23, $0xb8;
	[tilespmem:$0x18400] =	vst v63  }
0x108: {  	_ = 	snop  }
0x109: {  	[tilespmem:s10], [sflag:$0x1] =	stream.indirect.gather [hbm4b:s8+s23], $0x80, s31, s23, $0xb8;
	[tilespmem:$0x18400] =	vst v63  }
0x10a: {  	_ = 	snop  }
0x10b: {  	[tilespmem:s11], [sflag:$0x1] =	stream.indirect.gather [hbm4b:s9+s23], $0x80, s31, s23, $0xb8;
	[tilespmem:$0x18400] =	vst v63  }
0x10c: {  	_ =	swait.ge [sflag:s16], $0x4000  }
0x10d: {  	[sflag:s16] =	ssyncset.done $0x0  }
0x10e: {  	[sflag:s16] =	ssyncadd.s32 $0xFFFFC000  }
0x10f: {  	_ =	swait.ge [sflag:s16], $0x4000  }
0x110: {  	[sflag:s16] =	ssyncset.done $0x0  }
0x111: {  	[sflag:s16] =	ssyncadd.s32 $0xFFFFC000  }
0x112: {  	_ =	swait.ge [sflag:s16], $0x4000  }
0x113: {  	[sflag:s16] =	ssyncset.done $0x0  }
0x114: {  	s1 =	rddreg [dreg:$0x5];
	[sflag:s16] =	ssyncadd.s32 $0xFFFFC000  }
0x115: {  	[hbm4b:s1+s2] =	stream.linear.scatter [tilespmem:s19], [sflag:$0x2], $0x4000, $0x38;
	[tilespmem:$0x18400] =	vst v63  }
0x116: {  	_ =	swait.ge [sflag:s3], $0x4000  }
0x117: {  	[sflag:s3] =	ssyncset.done $0x0  }
0x118: {  	s30 =	rddreg [dreg:$0x6];
	[sflag:s3] =	ssyncadd.s32 $0xFFFFC000  }
0x119: {  	[hbm4b:s30+s2] =	stream.linear.scatter [tilespmem:s18], [sflag:$0x2], $0x4000, $0x38;
	[tilespmem:$0x18400] =	vst v63  }
0x11a: {  	_ =	swait.ge [sflag:s3], $0x4000  }
0x11b: {  	[sflag:s3] =	ssyncset.done $0x0  }
0x11c: {  	[sflag:s3] =	ssyncadd.s32 $0xFFFFC000  }
0x11d: {  	[hbm4b:s24+s2] =	stream.linear.scatter [tilespmem:s17], [sflag:$0x2], $0x4000, $0x38;
	[tilespmem:$0x18400] =	vst v63  }
0x11e: {  	_ =	swait.ge [sflag:s3], $0x4000  }
0x11f: {  	[sflag:s3] =	ssyncset.done $0x0  }
0x120: {  	[sflag:s3] =	ssyncadd.s32 $0xFFFFC000  }
0x121: {  	[tilespmem:s19], [sflag:$0x1] =	stream.indirect.gather [hbm4b:s7+s23], $0x80, s29, s23, $0xb8;
	[tilespmem:$0x18400] =	vst v63  }
0x122: {  	_ = 	snop  }
0x123: {  	[tilespmem:s18], [sflag:$0x1] =	stream.indirect.gather [hbm4b:s8+s23], $0x80, s28, s23, $0xb8;
	[tilespmem:$0x18400] =	vst v63  }
0x124: {  	_ = 	snop  }
0x125: {  	[tilespmem:s17], [sflag:$0x1] =	stream.indirect.gather [hbm4b:s9+s23], $0x80, s28, s23, $0xb8;
	[tilespmem:$0x18400] =	vst v63  }
0x126: {  	_ =	swait.ge [sflag:s16], $0x4000  }
0x127: {  	[sflag:s16] =	ssyncset.done $0x0  }
0x128: {  	[sflag:s16] =	ssyncadd.s32 $0xFFFFC000  }
0x129: {  	_ =	swait.ge [sflag:s16], $0x4000  }
0x12a: {  	[sflag:s16] =	ssyncset.done $0x0  }
0x12b: {  	[sflag:s16] =	ssyncadd.s32 $0xFFFFC000  }
0x12c: {  	_ =	swait.ge [sflag:s16], $0x4000  }
0x12d: {  	[sflag:s16] =	ssyncset.done $0x0  }
0x12e: {  	[sflag:s16] =	ssyncadd.s32 $0xFFFFC000  }
0x12f: {  	[hbm4b:s22+s2] =	stream.linear.scatter [tilespmem:s12], [sflag:$0x2], $0x4000, $0x38;
	[tilespmem:$0x18400] =	vst v63  }
0x130: {  	_ =	swait.ge [sflag:s3], $0x4000  }
0x131: {  	[sflag:s3] =	ssyncset.done $0x0  }
0x132: {  	[sflag:s3] =	ssyncadd.s32 $0xFFFFC000  }
0x133: {  	[hbm4b:s21+s2] =	stream.linear.scatter [tilespmem:s10], [sflag:$0x2], $0x4000, $0x38;
	[tilespmem:$0x18400] =	vst v63  }
0x134: {  	_ =	swait.ge [sflag:s3], $0x4000  }
0x135: {  	[sflag:s3] =	ssyncset.done $0x0  }
0x136: {  	[sflag:s3] =	ssyncadd.s32 $0xFFFFC000  }
0x137: {  	[hbm4b:s20+s2] =	stream.linear.scatter [tilespmem:s11], [sflag:$0x2], $0x4000, $0x38;
	[tilespmem:$0x18400] =	vst v63  }
0x138: {  	_ =	swait.ge [sflag:s3], $0x4000  }
0x139: {  	[sflag:s3] =	ssyncset.done $0x0  }
0x13a: {  	[sflag:s3] =	ssyncadd.s32 $0xFFFFC000  }
0x13b: {  	[tilespmem:s12], [sflag:$0x1] =	stream.indirect.gather [hbm4b:s7+s23], $0x80, s26, s23, $0xb8;
	[tilespmem:$0x18400] =	vst v63  }
0x13c: {  	_ = 	snop  }
0x13d: {  	[tilespmem:s10], [sflag:$0x1] =	stream.indirect.gather [hbm4b:s8+s23], $0x80, s25, s23, $0xb8;
	[tilespmem:$0x18400] =	vst v63  }
0x13e: {  	_ = 	snop  }
0x13f: {  	[tilespmem:s11], [sflag:$0x1] =	stream.indirect.gather [hbm4b:s9+s23], $0x80, s25, s23, $0xb8;
	[tilespmem:$0x18400] =	vst v63  }
0x140: {  	_ =	swait.ge [sflag:s16], $0x4000  }
0x141: {  	[sflag:s16] =	ssyncset.done $0x0  }
0x142: {  	[sflag:s16] =	ssyncadd.s32 $0xFFFFC000  }
0x143: {  	_ =	swait.ge [sflag:s16], $0x4000  }
0x144: {  	[sflag:s16] =	ssyncset.done $0x0  }
0x145: {  	[sflag:s16] =	ssyncadd.s32 $0xFFFFC000  }
0x146: {  	_ =	swait.ge [sflag:s16], $0x4000  }
0x147: {  	[sflag:s16] =	ssyncset.done $0x0  }
0x148: {  	[sflag:s16] =	ssyncadd.s32 $0xFFFFC000  }
0x149: {  	[hbm4b:s15+s2] =	stream.linear.scatter [tilespmem:s19], [sflag:$0x2], $0x4000, $0x38;
	[tilespmem:$0x18400] =	vst v63  }
0x14a: {  	_ =	swait.ge [sflag:s3], $0x4000  }
0x14b: {  	[sflag:s3] =	ssyncset.done $0x0  }
0x14c: {  	[sflag:s3] =	ssyncadd.s32 $0xFFFFC000  }
0x14d: {  	[hbm4b:s14+s2] =	stream.linear.scatter [tilespmem:s18], [sflag:$0x2], $0x4000, $0x38;
	[tilespmem:$0x18400] =	vst v63  }
0x14e: {  	_ =	swait.ge [sflag:s3], $0x4000  }
0x14f: {  	[sflag:s3] =	ssyncset.done $0x0  }
0x150: {  	[sflag:s3] =	ssyncadd.s32 $0xFFFFC000  }
0x151: {  	[hbm4b:s13+s2] =	stream.linear.scatter [tilespmem:s17], [sflag:$0x2], $0x4000, $0x38;
	[tilespmem:$0x18400] =	vst v63  }
0x152: {  	_ =	swait.ge [sflag:s3], $0x4000  }
0x153: {  	[sflag:s3] =	ssyncset.done $0x0  }
0x154: {  	[sflag:s3] =	ssyncadd.s32 $0xFFFFC000  }
0x155: {  	_ =	swait.ge [sflag:s16], $0x4000  }
0x156: {  	[sflag:s16] =	ssyncset.done $0x0  }
0x157: {  	[sflag:s16] =	ssyncadd.s32 $0xFFFFC000  }
0x158: {  	_ =	swait.ge [sflag:s16], $0x4000  }
0x159: {  	[sflag:s16] =	ssyncset.done $0x0  }
0x15a: {  	[sflag:s16] =	ssyncadd.s32 $0xFFFFC000  }
0x15b: {  	_ =	swait.ge [sflag:s16], $0x4000  }
0x15c: {  	[sflag:s16] =	ssyncset.done $0x0  }
0x15d: {  	[sflag:s16] =	ssyncadd.s32 $0xFFFFC000  }
0x15e: {  	[hbm4b:s6+s2] =	stream.linear.scatter [tilespmem:s12], [sflag:$0x2], $0x4000, $0x38;
	[tilespmem:$0x18400] =	vst v63  }
0x15f: {  	_ =	swait.ge [sflag:s3], $0x4000  }
0x160: {  	[sflag:s3] =	ssyncset.done $0x0  }
0x161: {  	[sflag:s3] =	ssyncadd.s32 $0xFFFFC000  }
0x162: {  	[hbm4b:s5+s2] =	stream.linear.scatter [tilespmem:s10], [sflag:$0x2], $0x4000, $0x38;
	[tilespmem:$0x18400] =	vst v63  }
0x163: {  	_ =	swait.ge [sflag:s3], $0x4000  }
0x164: {  	[sflag:s3] =	ssyncset.done $0x0  }
0x165: {  	[sflag:s3] =	ssyncadd.s32 $0xFFFFC000  }
0x166: {  	[hbm4b:s4+s2] =	stream.linear.scatter [tilespmem:s11], [sflag:$0x2], $0x4000, $0x38;
	[tilespmem:$0x18400] =	vst v63  }
0x167: {  	_ =	swait.ge [sflag:s3], $0x4000  }
0x168: {  	[sflag:s3] =	ssyncset.done $0x0  }
0x169: {  	[sflag:s3] =	ssyncadd.s32 $0xFFFFC000  }
0x16a: {  	_ =	sfence.sel $0x180000  }
0x16b: {  	[bflag:$0x0] =	sbarrier.arrive $0xFFFF  }
0x16c: {  	_ =	strace $0x90000047  }
0x16d: {  	s31 =	stileid.u32;
	[bflag:$0x2] =	sbarrier.arrive $0xFFFF  }
0x16e: {  	p0 =	sne.s32 s31, $0x0;
	s0 =	rddreg [dreg:$0x2]  }
0x16f: {  	s0 =	sadd.s32 @!p0 $0x100000, s0  }
0x170: {  	[sflag:s0] =	ssyncadd.tile.s32 @!p0 $0x1;
	_ =	shalt  }
.Lfunc_end2:
_tile_overlayer_lowered:
.L_overlay_start_2:
0x171: {  	(tag) =	ssettag $0x2  }
0x172: {  	s0 =	rddreg [dreg:$0x0];
	s2 =	stileid.u32  }
0x173: {  	s1 =	rddreg [dreg:$0x1];
	p0 =	sne.s32 s2, $0x0  }
0x174: {  	s3 =	rddreg [dreg:$0x2];
	[bflag:$0x3] =	sbarrier.arrive $0xFFFF;
	s2 =	simm.s32 @!p0 $0x1C02  }
0x175: {  	[timem:s3], [sflag:s2] =	dma.local @!p0 [hbm:s0], s1  }
0x176: {  	s0 =	simm.s32 @!p0 $0x2  }
0x177: {  	_ =	swait.ge @!p0 [sflag:s0], s1  }
0x178: {  	s1 =	ssub.s32 @!p0 $0x0, s1;
	[sflag:s0] =	ssyncset.done @!p0 $0x0  }
0x179: {  	[sflag:s0] =	ssyncadd.s32 @!p0 s1  }
0x17a: {  	[bflag:$0x3] =	sbarrier.arrive $0xFFFF  }
0x17b: {  	_ =	shalt  }

</sc_bundles>
